<compile_context>
chip_gen: v7x
topology: tpu7x:2x2x1
jax: 0.10.2.dev20260603
libtpu: 0.0.44.dev20260713+nightly
codegen_flags: <defaults>
</compile_context>

<pallas_src>
import functools

import jax
import jax.numpy as jnp
import numpy as np
from jax import lax
from jax.experimental import pallas as pl
from jax.experimental.pallas import tpu as pltpu
from jax.experimental.pallas import tpu_sc as plsc

A_MAX = 7.25
S_MAX = 9.25

B = 128
J = 22
F = 6600
FLAT = F * J
NW = 32
BPW = B // NW
NCH = 5
CHUNK = FLAT // NCH
APC = CHUNK // 176
FP = 6608

def _field_xy():
    x = np.linspace(0.5, 119.5, 120, dtype=np.float32)
    y = np.linspace(-0.5, 53.5, 55, dtype=np.float32)
    y[0] = -0.2
    yy, xx = np.meshgrid(y, x, indexing="ij")
    fx = np.zeros(FP, np.float32)
    fy = np.zeros(FP, np.float32)
    fx[:F] = xx.reshape(-1)
    fy[:F] = yy.reshape(-1)
    return fx, fy


def _rsqrt(x):
    i = plsc.bitcast(x, jnp.int32)
    i = jnp.int32(0x5F3759DF) - (i >> 1)
    y = plsc.bitcast(i, jnp.float32)
    xh = x * 0.5
    y = y * (1.5 - xh * y * y)
    y = y * (1.5 - xh * y * y)
    return y


def _sc_body(params_hbm, fx_hbm, fy_hbm, out_hbm,
             pv, fxv, fyv, buf0, buf1, sem0, sem1):
    wid = lax.axis_index("s") * 2 + lax.axis_index("c")
    pltpu.sync_copy(fx_hbm, fxv)
    pltpu.sync_copy(fy_hbm, fyv)
    pltpu.sync_copy(
        params_hbm.at[pl.ds(pl.multiple_of(wid * (BPW * 128), BPW * 128),
                            BPW * 128)], pv)
    bufs = (buf0, buf1)
    sems = (sem0, sem1)
    lane = lax.iota(jnp.int32, 16)
    jk, dk = [], []
    for k in range(11):
        flat = lane + (16 * k)
        jk.append(flat % 22)
        dk.append(flat // 22)

    def outer(g, carry):
        for slot in range(2):
            m = g * 2 + slot
            bi = m // NCH
            c = m % NCH
            b = wid * BPW + bi

            @pl.when(g > 0)
            def _wait():
                pltpu.make_async_copy(
                    bufs[slot], out_hbm.at[pl.ds(0, CHUNK)], sems[slot]).wait()

            boff = bi * 128
            jkb = [v + boff for v in jk]
            jkyb = [v + 32 for v in jkb]
            jkvxb = [v + 64 for v in jkb]
            jkvyb = [v + 96 for v in jkb]
            buf = bufs[slot]
            f0c = c * 1320

            def body_a(a, jkb=jkb, jkyb=jkyb, jkvxb=jkvxb, jkvyb=jkvyb,
                       f0c=f0c, buf=buf):
                base = a * 176
                f0 = f0c + a * 8
                for k in range(11):
                    fidx = dk[k] + f0
                    fxg = plsc.load_gather(fxv, [fidx])
                    fyg = plsc.load_gather(fyv, [fidx])
                    x = plsc.load_gather(pv, [jkb[k]])
                    y = plsc.load_gather(pv, [jkyb[k]])
                    vx = plsc.load_gather(pv, [jkvxb[k]])
                    vy = plsc.load_gather(pv, [jkvyb[k]])
                    dx = fxg - x
                    dy = fyg - y
                    d2 = dx * dx + dy * dy
                    r = _rsqrt(d2)
                    d = d2 * r
                    s0 = jnp.clip((dx * vx + dy * vy) * r, -S_MAX, S_MAX)
                    u = s0 * (1.0 / A_MAX)
                    t1 = (S_MAX / A_MAX) - u
                    dlt = t1 * (0.5 * s0 + 0.5 * S_MAX)
                    q = u * u + (2.0 / A_MAX) * d
                    t2 = q * _rsqrt(q) - u
                    tl = jnp.where(dlt > d, t2, t1)
                    dl = jnp.maximum(jnp.minimum(dlt, d), 0.0)
                    t = tl + (d - dl) * (1.0 / S_MAX)
                    buf[pl.ds(base + k * 16, 16)] = t

            plsc.parallel_loop(0, APC, 1, unroll=2)(body_a)
            off = pl.multiple_of(b * FLAT + c * CHUNK, 16)
            pltpu.async_copy(buf, out_hbm.at[pl.ds(off, CHUNK)], sems[slot])
        return carry

    lax.fori_loop(0, (BPW * NCH) // 2, outer, 0)
    for slot in range(2):
        pltpu.make_async_copy(
            bufs[slot], out_hbm.at[pl.ds(0, CHUNK)], sems[slot]).wait()


@jax.jit
def _run_sc(params, fx, fy):
    mesh = plsc.VectorSubcoreMesh(core_axis_name="c", subcore_axis_name="s")
    fn = pl.kernel(
        _sc_body,
        out_type=jax.ShapeDtypeStruct((B * FLAT,), jnp.float32),
        mesh=mesh,
        scratch_types=[
            pltpu.VMEM((BPW * 128,), jnp.float32),
            pltpu.VMEM((FP,), jnp.float32),
            pltpu.VMEM((FP,), jnp.float32),
            pltpu.VMEM((CHUNK,), jnp.float32),
            pltpu.VMEM((CHUNK,), jnp.float32),
            pltpu.SemaphoreType.DMA,
            pltpu.SemaphoreType.DMA,
        ],
        compiler_params=pltpu.CompilerParams(needs_layout_passes=False),
    )
    return fn(params, fx, fy)


def kernel(frame):
    p = jnp.zeros((B, 4, 32), jnp.float32)
    p = p.at[:, 0, :J].set(frame[:, :, 1])
    p = p.at[:, 1, :J].set(frame[:, :, 2])
    p = p.at[:, 2, :J].set(frame[:, :, 3])
    p = p.at[:, 3, :J].set(frame[:, :, 4])
    fx_np, fy_np = _field_xy()
    out = _run_sc(p.reshape(B * 128), jnp.asarray(fx_np), jnp.asarray(fy_np))
    return out.reshape(B, F, J)

# --- scband reference (transcript-rebuilt; emitter-appended) ---
"""Pipeline reference for scband-comp-prob-model-76948634075343 (READ-ONLY COPY).

The authoritative reference and input builder live on the scoring server;
editing this copy changes nothing except your own understanding.
"""

import jax, jax.numpy as jnp
import numpy as np

A_MAX = 7.25
S_MAX = 9.25
REAX_T = 0.0

def _field_locs():
    x = jnp.linspace(0.5, 119.5, 120, dtype=jnp.float32)
    y = jnp.linspace(-0.5, 53.5, 55, dtype=jnp.float32)
    y = y.at[0].set(-0.2)
    yy, xx = jnp.meshgrid(y, x, indexing='ij')
    return jnp.stack((xx, yy), axis=-1).reshape(-1, 2)


def setup_inputs(seed: int = 0) -> dict:
    key = jax.random.key(seed)
    frame = jax.random.normal(key, (128, 22, 11), dtype=jnp.float32)
    return {"frame": frame}


def reference(frame):
    field_locs = _field_locs()  # [6600, 2]
    v_x_r = frame[:, :, 5] * REAX_T + frame[:, :, 3]
    v_y_r = frame[:, :, 6] * REAX_T + frame[:, :, 4]
    v_r_mag = jnp.linalg.norm(jnp.stack([v_x_r, v_y_r], axis=-1), axis=-1)
    v_r_theta = jnp.arctan2(v_y_r, v_x_r)
    x_r = frame[:, :, 1] + frame[:, :, 3] * REAX_T + 0.5 * frame[:, :, 5] * REAX_T ** 2
    y_r = frame[:, :, 2] + frame[:, :, 4] * REAX_T + 0.5 * frame[:, :, 6] * REAX_T ** 2
    reaction_player_locs = jnp.stack([x_r, y_r], axis=-1)   # [B, J, 2]
    reaction_player_vels = jnp.stack([v_x_r, v_y_r], axis=-1)  # [B, J, 2]
    # [1, 6600, 1, 2] - [B, 1, J, 2] -> [B, 6600, J, 2]
    int_d_vec = field_locs[None, :, None, :] - reaction_player_locs[:, None, :, :]
    int_d_mag = jnp.linalg.norm(int_d_vec, axis=-1)  # [B, 6600, J]
    int_d_theta = jnp.arctan2(int_d_vec[..., 1], int_d_vec[..., 0])
    int_s0 = jnp.clip(
        jnp.sum(int_d_vec * reaction_player_vels[:, None, :, :], axis=-1) / int_d_mag,
        -S_MAX, S_MAX)
    t_lt_smax = (S_MAX - int_s0) / A_MAX
    d_lt_smax = t_lt_smax * ((int_s0 + S_MAX) / 2)
    t_lt_smax = jnp.where(
        d_lt_smax > int_d_mag,
        -int_s0 / A_MAX + jnp.sqrt((int_s0 / A_MAX) ** 2 + 2 * int_d_mag / A_MAX),
        t_lt_smax)
    d_lt_smax = jnp.maximum(jnp.minimum(d_lt_smax, int_d_mag), jnp.zeros_like(d_lt_smax))
    d_at_smax = int_d_mag - d_lt_smax
    t_at_smax = d_at_smax / S_MAX
    t_tot = REAX_T + t_lt_smax + t_at_smax  # [B, 6600, J]
    return t_tot

if __name__ == "__main__":
    import jax
    _d = setup_inputs()
    print(jax.jit(kernel)(*tuple(_d.values())))

</pallas_src>

<mosaic_0001>
#map = affine_map<(d0, d1) -> (0)>
module attributes {stable_mosaic.version = 14 : i64} {
  func.func @_sc_body(%arg0: i32, %arg1: i32, %arg2: memref<16384xf32, #tpu.memory_space<hbm>>, %arg3: memref<6608xf32, #tpu.memory_space<hbm>>, %arg4: memref<6608xf32, #tpu.memory_space<hbm>>, %arg5: memref<18585600xf32, #tpu.memory_space<hbm>>, %arg6: memref<512xf32, #tpu.memory_space<vmem>>, %arg7: memref<6608xf32, #tpu.memory_space<vmem>>, %arg8: memref<6608xf32, #tpu.memory_space<vmem>>, %arg9: memref<29040xf32, #tpu.memory_space<vmem>>, %arg10: memref<29040xf32, #tpu.memory_space<vmem>>, %arg11: memref<!tpu.dma_semaphore, #tpu.memory_space<semaphore_mem>>, %arg12: memref<!tpu.dma_semaphore, #tpu.memory_space<semaphore_mem>>) attributes {dimension_semantics = [#tpu.dimension_semantics<core_parallel>, #tpu.dimension_semantics<subcore_parallel>], iteration_bounds = array<i64: 2, 16>, scalar_prefetch = 0 : i64, scratch_operands = 7 : i64, tpu.core_type = #tpu.core_type<sc_vector_subcore>, window_params = [{transform_indices = #map}, {transform_indices = #map}, {transform_indices = #map}, {transform_indices = #map}]} {
    %mul3A = arith.constant 2 : i32
    %mul3A_0 = arith.muli %arg1, %mul3A : i32
    %add3A = arith.addi %mul3A_0, %arg0 : i32
    "tpu.region"() ({
      %run_scoped3A = tpu.sem_alloc : memref<!tpu.dma_semaphore, #tpu.memory_space<semaphore_mem>>
      tpu.enqueue_dma source(%arg3 : memref<6608xf32, #tpu.memory_space<hbm>>) target(%arg7 : memref<6608xf32, #tpu.memory_space<vmem>>) target_semaphore(%run_scoped3A : memref<!tpu.dma_semaphore, #tpu.memory_space<semaphore_mem>>)
      tpu.wait_dma2 semaphore(%run_scoped3A : memref<!tpu.dma_semaphore, #tpu.memory_space<semaphore_mem>>) src(%arg3 : memref<6608xf32, #tpu.memory_space<hbm>>) dst(%arg7 : memref<6608xf32, #tpu.memory_space<vmem>>)
      tpu.yield
    }) : () -> ()
    "tpu.region"() ({
      %run_scoped3A = tpu.sem_alloc : memref<!tpu.dma_semaphore, #tpu.memory_space<semaphore_mem>>
      tpu.enqueue_dma source(%arg4 : memref<6608xf32, #tpu.memory_space<hbm>>) target(%arg8 : memref<6608xf32, #tpu.memory_space<vmem>>) target_semaphore(%run_scoped3A : memref<!tpu.dma_semaphore, #tpu.memory_space<semaphore_mem>>)
      tpu.wait_dma2 semaphore(%run_scoped3A : memref<!tpu.dma_semaphore, #tpu.memory_space<semaphore_mem>>) src(%arg4 : memref<6608xf32, #tpu.memory_space<hbm>>) dst(%arg8 : memref<6608xf32, #tpu.memory_space<vmem>>)
      tpu.yield
    }) : () -> ()
    %mul3A_1 = arith.constant 512 : i32
    %mul3A_2 = arith.muli %add3A, %mul3A_1 : i32
    %multiple_of3A = tpu.assume_multiple %mul3A_2, 512 : i32
    "tpu.region"() ({
      %run_scoped3A = tpu.sem_alloc : memref<!tpu.dma_semaphore, #tpu.memory_space<semaphore_mem>>
      %dma_start3A = tpu.memref_slice %arg2[%multiple_of3A] : memref<16384xf32, #tpu.memory_space<hbm>> -> memref<512xf32, #tpu.memory_space<hbm>>
      %dma_start3A_621 = tpu.memref_slice %arg2[%multiple_of3A] : memref<16384xf32, #tpu.memory_space<hbm>> -> memref<512xf32, #tpu.memory_space<hbm>>
      tpu.enqueue_dma source(%dma_start3A_621 : memref<512xf32, #tpu.memory_space<hbm>>) target(%arg6 : memref<512xf32, #tpu.memory_space<vmem>>) target_semaphore(%run_scoped3A : memref<!tpu.dma_semaphore, #tpu.memory_space<semaphore_mem>>)
      %dma_wait3A_622 = tpu.memref_slice %arg2[%multiple_of3A] : memref<16384xf32, #tpu.memory_space<hbm>> -> memref<512xf32, #tpu.memory_space<hbm>>
      %dma_wait3A_623 = tpu.memref_slice %arg2[%multiple_of3A] : memref<16384xf32, #tpu.memory_space<hbm>> -> memref<512xf32, #tpu.memory_space<hbm>>
      tpu.wait_dma2 semaphore(%run_scoped3A : memref<!tpu.dma_semaphore, #tpu.memory_space<semaphore_mem>>) src(%dma_wait3A_623 : memref<512xf32, #tpu.memory_space<hbm>>) dst(%arg6 : memref<512xf32, #tpu.memory_space<vmem>>)
      tpu.yield
    }) : () -> ()
    %iota3A = tpu.iota {dimensions = array<i32: 0>} : vector<16xi32>
    %add3A_3 = arith.constant 0 : i32
    %add3A_4 = vector.broadcast %add3A_3 : i32 to vector<16xi32>
    %add3A_5 = arith.addi %iota3A, %add3A_4 : vector<16xi32>
    %jit3A = arith.constant 22 : i32
    %eq3A = arith.constant 0 : i32
    %eq3A_6 = arith.cmpi eq, %jit3A, %eq3A : i32
    %jit3A_7 = arith.constant 1 : i32
    %select_n3A = arith.select %eq3A_6, %jit3A_7, %jit3A : i32
    %rem3A = vector.broadcast %select_n3A : i32 to vector<16xi32>
    %rem3A_8 = arith.remsi %add3A_5, %rem3A : vector<16xi32>
    %ne3A = arith.constant 0 : i32
    %ne3A_9 = vector.broadcast %ne3A : i32 to vector<16xi32>
    %ne3A_10 = arith.cmpi ne, %rem3A_8, %ne3A_9 : vector<16xi32>
    %lt3A = arith.constant 0 : i32
    %lt3A_11 = vector.broadcast %lt3A : i32 to vector<16xi32>
    %lt3A_12 = arith.cmpi slt, %rem3A_8, %lt3A_11 : vector<16xi32>
    %lt3A_13 = arith.constant 0 : i32
    %lt3A_14 = arith.cmpi slt, %select_n3A, %lt3A_13 : i32
    %ne3A_15 = vector.broadcast %lt3A_14 : i1 to vector<16xi1>
    %ne3A_16 = vector.broadcast %ne3A_15 : vector<16xi1> to vector<16xi1>
    %ne3A_17 = arith.xori %lt3A_12, %ne3A_16 : vector<16xi1>
    %and3A = arith.andi %ne3A_17, %ne3A_10 : vector<16xi1>
    %add3A_18 = vector.broadcast %select_n3A : i32 to vector<16xi32>
    %add3A_19 = arith.addi %rem3A_8, %add3A_18 : vector<16xi32>
    %select_n3A_20 = arith.select %and3A, %add3A_19, %rem3A_8 : vector<16xi1>, vector<16xi32>
    %jit3A_21 = arith.constant 22 : i32
    %div3A = vector.broadcast %jit3A_21 : i32 to vector<16xi32>
    %div3A_22 = arith.divsi %add3A_5, %div3A : vector<16xi32>
    %sign3A = arith.constant 0 : i32
    %sign3A_23 = vector.broadcast %sign3A : i32 to vector<16xi32>
    %sign3A_24 = arith.cmpi sgt, %add3A_5, %sign3A_23 : vector<16xi32>
    %sign3A_25 = arith.extui %sign3A_24 : vector<16xi1> to vector<16xi32>
    %sign3A_26 = arith.constant 0 : i32
    %sign3A_27 = vector.broadcast %sign3A_26 : i32 to vector<16xi32>
    %sign3A_28 = arith.cmpi slt, %add3A_5, %sign3A_27 : vector<16xi32>
    %sign3A_29 = arith.extui %sign3A_28 : vector<16xi1> to vector<16xi32>
    %sign3A_30 = arith.subi %sign3A_25, %sign3A_29 : vector<16xi32>
    %sign3A_31 = arith.constant 0 : i32
    %sign3A_32 = arith.cmpi sgt, %jit3A_21, %sign3A_31 : i32
    %sign3A_33 = arith.extui %sign3A_32 : i1 to i32
    %sign3A_34 = arith.constant 0 : i32
    %sign3A_35 = arith.cmpi slt, %jit3A_21, %sign3A_34 : i32
    %sign3A_36 = arith.extui %sign3A_35 : i1 to i32
    %sign3A_37 = arith.subi %sign3A_33, %sign3A_36 : i32
    %ne3A_38 = vector.broadcast %sign3A_37 : i32 to vector<16xi32>
    %ne3A_39 = arith.cmpi ne, %sign3A_30, %ne3A_38 : vector<16xi32>
    %rem3A_40 = vector.broadcast %jit3A_21 : i32 to vector<16xi32>
    %rem3A_41 = arith.remsi %add3A_5, %rem3A_40 : vector<16xi32>
    %ne3A_42 = arith.constant 0 : i32
    %ne3A_43 = vector.broadcast %ne3A_42 : i32 to vector<16xi32>
    %ne3A_44 = arith.cmpi ne, %rem3A_41, %ne3A_43 : vector<16xi32>
    %and3A_45 = arith.andi %ne3A_39, %ne3A_44 : vector<16xi1>
    %sub3A = arith.constant 1 : i32
    %sub3A_46 = vector.broadcast %sub3A : i32 to vector<16xi32>
    %sub3A_47 = arith.subi %div3A_22, %sub3A_46 : vector<16xi32>
    %select_n3A_48 = arith.select %and3A_45, %sub3A_47, %div3A_22 : vector<16xi1>, vector<16xi32>
    %add3A_49 = arith.constant 16 : i32
    %add3A_50 = vector.broadcast %add3A_49 : i32 to vector<16xi32>
    %add3A_51 = arith.addi %iota3A, %add3A_50 : vector<16xi32>
    %jit3A_52 = arith.constant 22 : i32
    %eq3A_53 = arith.constant 0 : i32
    %eq3A_54 = arith.cmpi eq, %jit3A_52, %eq3A_53 : i32
    %jit3A_55 = arith.constant 1 : i32
    %select_n3A_56 = arith.select %eq3A_54, %jit3A_55, %jit3A_52 : i32
    %rem3A_57 = vector.broadcast %select_n3A_56 : i32 to vector<16xi32>
    %rem3A_58 = arith.remsi %add3A_51, %rem3A_57 : vector<16xi32>
    %ne3A_59 = arith.constant 0 : i32
    %ne3A_60 = vector.broadcast %ne3A_59 : i32 to vector<16xi32>
    %ne3A_61 = arith.cmpi ne, %rem3A_58, %ne3A_60 : vector<16xi32>
    %lt3A_62 = arith.constant 0 : i32
    %lt3A_63 = vector.broadcast %lt3A_62 : i32 to vector<16xi32>
    %lt3A_64 = arith.cmpi slt, %rem3A_58, %lt3A_63 : vector<16xi32>
    %lt3A_65 = arith.constant 0 : i32
    %lt3A_66 = arith.cmpi slt, %select_n3A_56, %lt3A_65 : i32
    %ne3A_67 = vector.broadcast %lt3A_66 : i1 to vector<16xi1>
    %ne3A_68 = vector.broadcast %ne3A_67 : vector<16xi1> to vector<16xi1>
    %ne3A_69 = arith.xori %lt3A_64, %ne3A_68 : vector<16xi1>
    %and3A_70 = arith.andi %ne3A_69, %ne3A_61 : vector<16xi1>
    %add3A_71 = vector.broadcast %select_n3A_56 : i32 to vector<16xi32>
    %add3A_72 = arith.addi %rem3A_58, %add3A_71 : vector<16xi32>
    %select_n3A_73 = arith.select %and3A_70, %add3A_72, %rem3A_58 : vector<16xi1>, vector<16xi32>
    %jit3A_74 = arith.constant 22 : i32
    %div3A_75 = vector.broadcast %jit3A_74 : i32 to vector<16xi32>
    %div3A_76 = arith.divsi %add3A_51, %div3A_75 : vector<16xi32>
    %sign3A_77 = arith.constant 0 : i32
    %sign3A_78 = vector.broadcast %sign3A_77 : i32 to vector<16xi32>
    %sign3A_79 = arith.cmpi sgt, %add3A_51, %sign3A_78 : vector<16xi32>
    %sign3A_80 = arith.extui %sign3A_79 : vector<16xi1> to vector<16xi32>
    %sign3A_81 = arith.constant 0 : i32
    %sign3A_82 = vector.broadcast %sign3A_81 : i32 to vector<16xi32>
    %sign3A_83 = arith.cmpi slt, %add3A_51, %sign3A_82 : vector<16xi32>
    %sign3A_84 = arith.extui %sign3A_83 : vector<16xi1> to vector<16xi32>
    %sign3A_85 = arith.subi %sign3A_80, %sign3A_84 : vector<16xi32>
    %sign3A_86 = arith.constant 0 : i32
    %sign3A_87 = arith.cmpi sgt, %jit3A_74, %sign3A_86 : i32
    %sign3A_88 = arith.extui %sign3A_87 : i1 to i32
    %sign3A_89 = arith.constant 0 : i32
    %sign3A_90 = arith.cmpi slt, %jit3A_74, %sign3A_89 : i32
    %sign3A_91 = arith.extui %sign3A_90 : i1 to i32
    %sign3A_92 = arith.subi %sign3A_88, %sign3A_91 : i32
    %ne3A_93 = vector.broadcast %sign3A_92 : i32 to vector<16xi32>
    %ne3A_94 = arith.cmpi ne, %sign3A_85, %ne3A_93 : vector<16xi32>
    %rem3A_95 = vector.broadcast %jit3A_74 : i32 to vector<16xi32>
    %rem3A_96 = arith.remsi %add3A_51, %rem3A_95 : vector<16xi32>
    %ne3A_97 = arith.constant 0 : i32
    %ne3A_98 = vector.broadcast %ne3A_97 : i32 to vector<16xi32>
    %ne3A_99 = arith.cmpi ne, %rem3A_96, %ne3A_98 : vector<16xi32>
    %and3A_100 = arith.andi %ne3A_94, %ne3A_99 : vector<16xi1>
    %sub3A_101 = arith.constant 1 : i32
    %sub3A_102 = vector.broadcast %sub3A_101 : i32 to vector<16xi32>
    %sub3A_103 = arith.subi %div3A_76, %sub3A_102 : vector<16xi32>
    %select_n3A_104 = arith.select %and3A_100, %sub3A_103, %div3A_76 : vector<16xi1>, vector<16xi32>
    %add3A_105 = arith.constant 32 : i32
    %add3A_106 = vector.broadcast %add3A_105 : i32 to vector<16xi32>
    %add3A_107 = arith.addi %iota3A, %add3A_106 : vector<16xi32>
    %jit3A_108 = arith.constant 22 : i32
    %eq3A_109 = arith.constant 0 : i32
    %eq3A_110 = arith.cmpi eq, %jit3A_108, %eq3A_109 : i32
    %jit3A_111 = arith.constant 1 : i32
    %select_n3A_112 = arith.select %eq3A_110, %jit3A_111, %jit3A_108 : i32
    %rem3A_113 = vector.broadcast %select_n3A_112 : i32 to vector<16xi32>
    %rem3A_114 = arith.remsi %add3A_107, %rem3A_113 : vector<16xi32>
    %ne3A_115 = arith.constant 0 : i32
    %ne3A_116 = vector.broadcast %ne3A_115 : i32 to vector<16xi32>
    %ne3A_117 = arith.cmpi ne, %rem3A_114, %ne3A_116 : vector<16xi32>
    %lt3A_118 = arith.constant 0 : i32
    %lt3A_119 = vector.broadcast %lt3A_118 : i32 to vector<16xi32>
    %lt3A_120 = arith.cmpi slt, %rem3A_114, %lt3A_119 : vector<16xi32>
    %lt3A_121 = arith.constant 0 : i32
    %lt3A_122 = arith.cmpi slt, %select_n3A_112, %lt3A_121 : i32
    %ne3A_123 = vector.broadcast %lt3A_122 : i1 to vector<16xi1>
    %ne3A_124 = vector.broadcast %ne3A_123 : vector<16xi1> to vector<16xi1>
    %ne3A_125 = arith.xori %lt3A_120, %ne3A_124 : vector<16xi1>
    %and3A_126 = arith.andi %ne3A_125, %ne3A_117 : vector<16xi1>
    %add3A_127 = vector.broadcast %select_n3A_112 : i32 to vector<16xi32>
    %add3A_128 = arith.addi %rem3A_114, %add3A_127 : vector<16xi32>
    %select_n3A_129 = arith.select %and3A_126, %add3A_128, %rem3A_114 : vector<16xi1>, vector<16xi32>
    %jit3A_130 = arith.constant 22 : i32
    %div3A_131 = vector.broadcast %jit3A_130 : i32 to vector<16xi32>
    %div3A_132 = arith.divsi %add3A_107, %div3A_131 : vector<16xi32>
    %sign3A_133 = arith.constant 0 : i32
    %sign3A_134 = vector.broadcast %sign3A_133 : i32 to vector<16xi32>
    %sign3A_135 = arith.cmpi sgt, %add3A_107, %sign3A_134 : vector<16xi32>
    %sign3A_136 = arith.extui %sign3A_135 : vector<16xi1> to vector<16xi32>
    %sign3A_137 = arith.constant 0 : i32
    %sign3A_138 = vector.broadcast %sign3A_137 : i32 to vector<16xi32>
    %sign3A_139 = arith.cmpi slt, %add3A_107, %sign3A_138 : vector<16xi32>
    %sign3A_140 = arith.extui %sign3A_139 : vector<16xi1> to vector<16xi32>
    %sign3A_141 = arith.subi %sign3A_136, %sign3A_140 : vector<16xi32>
    %sign3A_142 = arith.constant 0 : i32
    %sign3A_143 = arith.cmpi sgt, %jit3A_130, %sign3A_142 : i32
    %sign3A_144 = arith.extui %sign3A_143 : i1 to i32
    %sign3A_145 = arith.constant 0 : i32
    %sign3A_146 = arith.cmpi slt, %jit3A_130, %sign3A_145 : i32
    %sign3A_147 = arith.extui %sign3A_146 : i1 to i32
    %sign3A_148 = arith.subi %sign3A_144, %sign3A_147 : i32
    %ne3A_149 = vector.broadcast %sign3A_148 : i32 to vector<16xi32>
    %ne3A_150 = arith.cmpi ne, %sign3A_141, %ne3A_149 : vector<16xi32>
    %rem3A_151 = vector.broadcast %jit3A_130 : i32 to vector<16xi32>
    %rem3A_152 = arith.remsi %add3A_107, %rem3A_151 : vector<16xi32>
    %ne3A_153 = arith.constant 0 : i32
    %ne3A_154 = vector.broadcast %ne3A_153 : i32 to vector<16xi32>
    %ne3A_155 = arith.cmpi ne, %rem3A_152, %ne3A_154 : vector<16xi32>
    %and3A_156 = arith.andi %ne3A_150, %ne3A_155 : vector<16xi1>
    %sub3A_157 = arith.constant 1 : i32
    %sub3A_158 = vector.broadcast %sub3A_157 : i32 to vector<16xi32>
    %sub3A_159 = arith.subi %div3A_132, %sub3A_158 : vector<16xi32>
    %select_n3A_160 = arith.select %and3A_156, %sub3A_159, %div3A_132 : vector<16xi1>, vector<16xi32>
    %add3A_161 = arith.constant 48 : i32
    %add3A_162 = vector.broadcast %add3A_161 : i32 to vector<16xi32>
    %add3A_163 = arith.addi %iota3A, %add3A_162 : vector<16xi32>
    %jit3A_164 = arith.constant 22 : i32
    %eq3A_165 = arith.constant 0 : i32
    %eq3A_166 = arith.cmpi eq, %jit3A_164, %eq3A_165 : i32
    %jit3A_167 = arith.constant 1 : i32
    %select_n3A_168 = arith.select %eq3A_166, %jit3A_167, %jit3A_164 : i32
    %rem3A_169 = vector.broadcast %select_n3A_168 : i32 to vector<16xi32>
    %rem3A_170 = arith.remsi %add3A_163, %rem3A_169 : vector<16xi32>
    %ne3A_171 = arith.constant 0 : i32
    %ne3A_172 = vector.broadcast %ne3A_171 : i32 to vector<16xi32>
    %ne3A_173 = arith.cmpi ne, %rem3A_170, %ne3A_172 : vector<16xi32>
    %lt3A_174 = arith.constant 0 : i32
    %lt3A_175 = vector.broadcast %lt3A_174 : i32 to vector<16xi32>
    %lt3A_176 = arith.cmpi slt, %rem3A_170, %lt3A_175 : vector<16xi32>
    %lt3A_177 = arith.constant 0 : i32
    %lt3A_178 = arith.cmpi slt, %select_n3A_168, %lt3A_177 : i32
    %ne3A_179 = vector.broadcast %lt3A_178 : i1 to vector<16xi1>
    %ne3A_180 = vector.broadcast %ne3A_179 : vector<16xi1> to vector<16xi1>
    %ne3A_181 = arith.xori %lt3A_176, %ne3A_180 : vector<16xi1>
    %and3A_182 = arith.andi %ne3A_181, %ne3A_173 : vector<16xi1>
    %add3A_183 = vector.broadcast %select_n3A_168 : i32 to vector<16xi32>
    %add3A_184 = arith.addi %rem3A_170, %add3A_183 : vector<16xi32>
    %select_n3A_185 = arith.select %and3A_182, %add3A_184, %rem3A_170 : vector<16xi1>, vector<16xi32>
    %jit3A_186 = arith.constant 22 : i32
    %div3A_187 = vector.broadcast %jit3A_186 : i32 to vector<16xi32>
    %div3A_188 = arith.divsi %add3A_163, %div3A_187 : vector<16xi32>
    %sign3A_189 = arith.constant 0 : i32
    %sign3A_190 = vector.broadcast %sign3A_189 : i32 to vector<16xi32>
    %sign3A_191 = arith.cmpi sgt, %add3A_163, %sign3A_190 : vector<16xi32>
    %sign3A_192 = arith.extui %sign3A_191 : vector<16xi1> to vector<16xi32>
    %sign3A_193 = arith.constant 0 : i32
    %sign3A_194 = vector.broadcast %sign3A_193 : i32 to vector<16xi32>
    %sign3A_195 = arith.cmpi slt, %add3A_163, %sign3A_194 : vector<16xi32>
    %sign3A_196 = arith.extui %sign3A_195 : vector<16xi1> to vector<16xi32>
    %sign3A_197 = arith.subi %sign3A_192, %sign3A_196 : vector<16xi32>
    %sign3A_198 = arith.constant 0 : i32
    %sign3A_199 = arith.cmpi sgt, %jit3A_186, %sign3A_198 : i32
    %sign3A_200 = arith.extui %sign3A_199 : i1 to i32
    %sign3A_201 = arith.constant 0 : i32
    %sign3A_202 = arith.cmpi slt, %jit3A_186, %sign3A_201 : i32
    %sign3A_203 = arith.extui %sign3A_202 : i1 to i32
    %sign3A_204 = arith.subi %sign3A_200, %sign3A_203 : i32
    %ne3A_205 = vector.broadcast %sign3A_204 : i32 to vector<16xi32>
    %ne3A_206 = arith.cmpi ne, %sign3A_197, %ne3A_205 : vector<16xi32>
    %rem3A_207 = vector.broadcast %jit3A_186 : i32 to vector<16xi32>
    %rem3A_208 = arith.remsi %add3A_163, %rem3A_207 : vector<16xi32>
    %ne3A_209 = arith.constant 0 : i32
    %ne3A_210 = vector.broadcast %ne3A_209 : i32 to vector<16xi32>
    %ne3A_211 = arith.cmpi ne, %rem3A_208, %ne3A_210 : vector<16xi32>
    %and3A_212 = arith.andi %ne3A_206, %ne3A_211 : vector<16xi1>
    %sub3A_213 = arith.constant 1 : i32
    %sub3A_214 = vector.broadcast %sub3A_213 : i32 to vector<16xi32>
    %sub3A_215 = arith.subi %div3A_188, %sub3A_214 : vector<16xi32>
    %select_n3A_216 = arith.select %and3A_212, %sub3A_215, %div3A_188 : vector<16xi1>, vector<16xi32>
    %add3A_217 = arith.constant 64 : i32
    %add3A_218 = vector.broadcast %add3A_217 : i32 to vector<16xi32>
    %add3A_219 = arith.addi %iota3A, %add3A_218 : vector<16xi32>
    %jit3A_220 = arith.constant 22 : i32
    %eq3A_221 = arith.constant 0 : i32
    %eq3A_222 = arith.cmpi eq, %jit3A_220, %eq3A_221 : i32
    %jit3A_223 = arith.constant 1 : i32
    %select_n3A_224 = arith.select %eq3A_222, %jit3A_223, %jit3A_220 : i32
    %rem3A_225 = vector.broadcast %select_n3A_224 : i32 to vector<16xi32>
    %rem3A_226 = arith.remsi %add3A_219, %rem3A_225 : vector<16xi32>
    %ne3A_227 = arith.constant 0 : i32
    %ne3A_228 = vector.broadcast %ne3A_227 : i32 to vector<16xi32>
    %ne3A_229 = arith.cmpi ne, %rem3A_226, %ne3A_228 : vector<16xi32>
    %lt3A_230 = arith.constant 0 : i32
    %lt3A_231 = vector.broadcast %lt3A_230 : i32 to vector<16xi32>
    %lt3A_232 = arith.cmpi slt, %rem3A_226, %lt3A_231 : vector<16xi32>
    %lt3A_233 = arith.constant 0 : i32
    %lt3A_234 = arith.cmpi slt, %select_n3A_224, %lt3A_233 : i32
    %ne3A_235 = vector.broadcast %lt3A_234 : i1 to vector<16xi1>
    %ne3A_236 = vector.broadcast %ne3A_235 : vector<16xi1> to vector<16xi1>
    %ne3A_237 = arith.xori %lt3A_232, %ne3A_236 : vector<16xi1>
    %and3A_238 = arith.andi %ne3A_237, %ne3A_229 : vector<16xi1>
    %add3A_239 = vector.broadcast %select_n3A_224 : i32 to vector<16xi32>
    %add3A_240 = arith.addi %rem3A_226, %add3A_239 : vector<16xi32>
    %select_n3A_241 = arith.select %and3A_238, %add3A_240, %rem3A_226 : vector<16xi1>, vector<16xi32>
    %jit3A_242 = arith.constant 22 : i32
    %div3A_243 = vector.broadcast %jit3A_242 : i32 to vector<16xi32>
    %div3A_244 = arith.divsi %add3A_219, %div3A_243 : vector<16xi32>
    %sign3A_245 = arith.constant 0 : i32
    %sign3A_246 = vector.broadcast %sign3A_245 : i32 to vector<16xi32>
    %sign3A_247 = arith.cmpi sgt, %add3A_219, %sign3A_246 : vector<16xi32>
    %sign3A_248 = arith.extui %sign3A_247 : vector<16xi1> to vector<16xi32>
    %sign3A_249 = arith.constant 0 : i32
    %sign3A_250 = vector.broadcast %sign3A_249 : i32 to vector<16xi32>
    %sign3A_251 = arith.cmpi slt, %add3A_219, %sign3A_250 : vector<16xi32>
    %sign3A_252 = arith.extui %sign3A_251 : vector<16xi1> to vector<16xi32>
    %sign3A_253 = arith.subi %sign3A_248, %sign3A_252 : vector<16xi32>
    %sign3A_254 = arith.constant 0 : i32
    %sign3A_255 = arith.cmpi sgt, %jit3A_242, %sign3A_254 : i32
    %sign3A_256 = arith.extui %sign3A_255 : i1 to i32
    %sign3A_257 = arith.constant 0 : i32
    %sign3A_258 = arith.cmpi slt, %jit3A_242, %sign3A_257 : i32
    %sign3A_259 = arith.extui %sign3A_258 : i1 to i32
    %sign3A_260 = arith.subi %sign3A_256, %sign3A_259 : i32
    %ne3A_261 = vector.broadcast %sign3A_260 : i32 to vector<16xi32>
    %ne3A_262 = arith.cmpi ne, %sign3A_253, %ne3A_261 : vector<16xi32>
    %rem3A_263 = vector.broadcast %jit3A_242 : i32 to vector<16xi32>
    %rem3A_264 = arith.remsi %add3A_219, %rem3A_263 : vector<16xi32>
    %ne3A_265 = arith.constant 0 : i32
    %ne3A_266 = vector.broadcast %ne3A_265 : i32 to vector<16xi32>
    %ne3A_267 = arith.cmpi ne, %rem3A_264, %ne3A_266 : vector<16xi32>
    %and3A_268 = arith.andi %ne3A_262, %ne3A_267 : vector<16xi1>
    %sub3A_269 = arith.constant 1 : i32
    %sub3A_270 = vector.broadcast %sub3A_269 : i32 to vector<16xi32>
    %sub3A_271 = arith.subi %div3A_244, %sub3A_270 : vector<16xi32>
    %select_n3A_272 = arith.select %and3A_268, %sub3A_271, %div3A_244 : vector<16xi1>, vector<16xi32>
    %add3A_273 = arith.constant 80 : i32
    %add3A_274 = vector.broadcast %add3A_273 : i32 to vector<16xi32>
    %add3A_275 = arith.addi %iota3A, %add3A_274 : vector<16xi32>
    %jit3A_276 = arith.constant 22 : i32
    %eq3A_277 = arith.constant 0 : i32
    %eq3A_278 = arith.cmpi eq, %jit3A_276, %eq3A_277 : i32
    %jit3A_279 = arith.constant 1 : i32
    %select_n3A_280 = arith.select %eq3A_278, %jit3A_279, %jit3A_276 : i32
    %rem3A_281 = vector.broadcast %select_n3A_280 : i32 to vector<16xi32>
    %rem3A_282 = arith.remsi %add3A_275, %rem3A_281 : vector<16xi32>
    %ne3A_283 = arith.constant 0 : i32
    %ne3A_284 = vector.broadcast %ne3A_283 : i32 to vector<16xi32>
    %ne3A_285 = arith.cmpi ne, %rem3A_282, %ne3A_284 : vector<16xi32>
    %lt3A_286 = arith.constant 0 : i32
    %lt3A_287 = vector.broadcast %lt3A_286 : i32 to vector<16xi32>
    %lt3A_288 = arith.cmpi slt, %rem3A_282, %lt3A_287 : vector<16xi32>
    %lt3A_289 = arith.constant 0 : i32
    %lt3A_290 = arith.cmpi slt, %select_n3A_280, %lt3A_289 : i32
    %ne3A_291 = vector.broadcast %lt3A_290 : i1 to vector<16xi1>
    %ne3A_292 = vector.broadcast %ne3A_291 : vector<16xi1> to vector<16xi1>
    %ne3A_293 = arith.xori %lt3A_288, %ne3A_292 : vector<16xi1>
    %and3A_294 = arith.andi %ne3A_293, %ne3A_285 : vector<16xi1>
    %add3A_295 = vector.broadcast %select_n3A_280 : i32 to vector<16xi32>
    %add3A_296 = arith.addi %rem3A_282, %add3A_295 : vector<16xi32>
    %select_n3A_297 = arith.select %and3A_294, %add3A_296, %rem3A_282 : vector<16xi1>, vector<16xi32>
    %jit3A_298 = arith.constant 22 : i32
    %div3A_299 = vector.broadcast %jit3A_298 : i32 to vector<16xi32>
    %div3A_300 = arith.divsi %add3A_275, %div3A_299 : vector<16xi32>
    %sign3A_301 = arith.constant 0 : i32
    %sign3A_302 = vector.broadcast %sign3A_301 : i32 to vector<16xi32>
    %sign3A_303 = arith.cmpi sgt, %add3A_275, %sign3A_302 : vector<16xi32>
    %sign3A_304 = arith.extui %sign3A_303 : vector<16xi1> to vector<16xi32>
    %sign3A_305 = arith.constant 0 : i32
    %sign3A_306 = vector.broadcast %sign3A_305 : i32 to vector<16xi32>
    %sign3A_307 = arith.cmpi slt, %add3A_275, %sign3A_306 : vector<16xi32>
    %sign3A_308 = arith.extui %sign3A_307 : vector<16xi1> to vector<16xi32>
    %sign3A_309 = arith.subi %sign3A_304, %sign3A_308 : vector<16xi32>
    %sign3A_310 = arith.constant 0 : i32
    %sign3A_311 = arith.cmpi sgt, %jit3A_298, %sign3A_310 : i32
    %sign3A_312 = arith.extui %sign3A_311 : i1 to i32
    %sign3A_313 = arith.constant 0 : i32
    %sign3A_314 = arith.cmpi slt, %jit3A_298, %sign3A_313 : i32
    %sign3A_315 = arith.extui %sign3A_314 : i1 to i32
    %sign3A_316 = arith.subi %sign3A_312, %sign3A_315 : i32
    %ne3A_317 = vector.broadcast %sign3A_316 : i32 to vector<16xi32>
    %ne3A_318 = arith.cmpi ne, %sign3A_309, %ne3A_317 : vector<16xi32>
    %rem3A_319 = vector.broadcast %jit3A_298 : i32 to vector<16xi32>
    %rem3A_320 = arith.remsi %add3A_275, %rem3A_319 : vector<16xi32>
    %ne3A_321 = arith.constant 0 : i32
    %ne3A_322 = vector.broadcast %ne3A_321 : i32 to vector<16xi32>
    %ne3A_323 = arith.cmpi ne, %rem3A_320, %ne3A_322 : vector<16xi32>
    %and3A_324 = arith.andi %ne3A_318, %ne3A_323 : vector<16xi1>
    %sub3A_325 = arith.constant 1 : i32
    %sub3A_326 = vector.broadcast %sub3A_325 : i32 to vector<16xi32>
    %sub3A_327 = arith.subi %div3A_300, %sub3A_326 : vector<16xi32>
    %select_n3A_328 = arith.select %and3A_324, %sub3A_327, %div3A_300 : vector<16xi1>, vector<16xi32>
    %add3A_329 = arith.constant 96 : i32
    %add3A_330 = vector.broadcast %add3A_329 : i32 to vector<16xi32>
    %add3A_331 = arith.addi %iota3A, %add3A_330 : vector<16xi32>
    %jit3A_332 = arith.constant 22 : i32
    %eq3A_333 = arith.constant 0 : i32
    %eq3A_334 = arith.cmpi eq, %jit3A_332, %eq3A_333 : i32
    %jit3A_335 = arith.constant 1 : i32
    %select_n3A_336 = arith.select %eq3A_334, %jit3A_335, %jit3A_332 : i32
    %rem3A_337 = vector.broadcast %select_n3A_336 : i32 to vector<16xi32>
    %rem3A_338 = arith.remsi %add3A_331, %rem3A_337 : vector<16xi32>
    %ne3A_339 = arith.constant 0 : i32
    %ne3A_340 = vector.broadcast %ne3A_339 : i32 to vector<16xi32>
    %ne3A_341 = arith.cmpi ne, %rem3A_338, %ne3A_340 : vector<16xi32>
    %lt3A_342 = arith.constant 0 : i32
    %lt3A_343 = vector.broadcast %lt3A_342 : i32 to vector<16xi32>
    %lt3A_344 = arith.cmpi slt, %rem3A_338, %lt3A_343 : vector<16xi32>
    %lt3A_345 = arith.constant 0 : i32
    %lt3A_346 = arith.cmpi slt, %select_n3A_336, %lt3A_345 : i32
    %ne3A_347 = vector.broadcast %lt3A_346 : i1 to vector<16xi1>
    %ne3A_348 = vector.broadcast %ne3A_347 : vector<16xi1> to vector<16xi1>
    %ne3A_349 = arith.xori %lt3A_344, %ne3A_348 : vector<16xi1>
    %and3A_350 = arith.andi %ne3A_349, %ne3A_341 : vector<16xi1>
    %add3A_351 = vector.broadcast %select_n3A_336 : i32 to vector<16xi32>
    %add3A_352 = arith.addi %rem3A_338, %add3A_351 : vector<16xi32>
    %select_n3A_353 = arith.select %and3A_350, %add3A_352, %rem3A_338 : vector<16xi1>, vector<16xi32>
    %jit3A_354 = arith.constant 22 : i32
    %div3A_355 = vector.broadcast %jit3A_354 : i32 to vector<16xi32>
    %div3A_356 = arith.divsi %add3A_331, %div3A_355 : vector<16xi32>
    %sign3A_357 = arith.constant 0 : i32
    %sign3A_358 = vector.broadcast %sign3A_357 : i32 to vector<16xi32>
    %sign3A_359 = arith.cmpi sgt, %add3A_331, %sign3A_358 : vector<16xi32>
    %sign3A_360 = arith.extui %sign3A_359 : vector<16xi1> to vector<16xi32>
    %sign3A_361 = arith.constant 0 : i32
    %sign3A_362 = vector.broadcast %sign3A_361 : i32 to vector<16xi32>
    %sign3A_363 = arith.cmpi slt, %add3A_331, %sign3A_362 : vector<16xi32>
    %sign3A_364 = arith.extui %sign3A_363 : vector<16xi1> to vector<16xi32>
    %sign3A_365 = arith.subi %sign3A_360, %sign3A_364 : vector<16xi32>
    %sign3A_366 = arith.constant 0 : i32
    %sign3A_367 = arith.cmpi sgt, %jit3A_354, %sign3A_366 : i32
    %sign3A_368 = arith.extui %sign3A_367 : i1 to i32
    %sign3A_369 = arith.constant 0 : i32
    %sign3A_370 = arith.cmpi slt, %jit3A_354, %sign3A_369 : i32
    %sign3A_371 = arith.extui %sign3A_370 : i1 to i32
    %sign3A_372 = arith.subi %sign3A_368, %sign3A_371 : i32
    %ne3A_373 = vector.broadcast %sign3A_372 : i32 to vector<16xi32>
    %ne3A_374 = arith.cmpi ne, %sign3A_365, %ne3A_373 : vector<16xi32>
    %rem3A_375 = vector.broadcast %jit3A_354 : i32 to vector<16xi32>
    %rem3A_376 = arith.remsi %add3A_331, %rem3A_375 : vector<16xi32>
    %ne3A_377 = arith.constant 0 : i32
    %ne3A_378 = vector.broadcast %ne3A_377 : i32 to vector<16xi32>
    %ne3A_379 = arith.cmpi ne, %rem3A_376, %ne3A_378 : vector<16xi32>
    %and3A_380 = arith.andi %ne3A_374, %ne3A_379 : vector<16xi1>
    %sub3A_381 = arith.constant 1 : i32
    %sub3A_382 = vector.broadcast %sub3A_381 : i32 to vector<16xi32>
    %sub3A_383 = arith.subi %div3A_356, %sub3A_382 : vector<16xi32>
    %select_n3A_384 = arith.select %and3A_380, %sub3A_383, %div3A_356 : vector<16xi1>, vector<16xi32>
    %add3A_385 = arith.constant 112 : i32
    %add3A_386 = vector.broadcast %add3A_385 : i32 to vector<16xi32>
    %add3A_387 = arith.addi %iota3A, %add3A_386 : vector<16xi32>
    %jit3A_388 = arith.constant 22 : i32
    %eq3A_389 = arith.constant 0 : i32
    %eq3A_390 = arith.cmpi eq, %jit3A_388, %eq3A_389 : i32
    %jit3A_391 = arith.constant 1 : i32
    %select_n3A_392 = arith.select %eq3A_390, %jit3A_391, %jit3A_388 : i32
    %rem3A_393 = vector.broadcast %select_n3A_392 : i32 to vector<16xi32>
    %rem3A_394 = arith.remsi %add3A_387, %rem3A_393 : vector<16xi32>
    %ne3A_395 = arith.constant 0 : i32
    %ne3A_396 = vector.broadcast %ne3A_395 : i32 to vector<16xi32>
    %ne3A_397 = arith.cmpi ne, %rem3A_394, %ne3A_396 : vector<16xi32>
    %lt3A_398 = arith.constant 0 : i32
    %lt3A_399 = vector.broadcast %lt3A_398 : i32 to vector<16xi32>
    %lt3A_400 = arith.cmpi slt, %rem3A_394, %lt3A_399 : vector<16xi32>
    %lt3A_401 = arith.constant 0 : i32
    %lt3A_402 = arith.cmpi slt, %select_n3A_392, %lt3A_401 : i32
    %ne3A_403 = vector.broadcast %lt3A_402 : i1 to vector<16xi1>
    %ne3A_404 = vector.broadcast %ne3A_403 : vector<16xi1> to vector<16xi1>
    %ne3A_405 = arith.xori %lt3A_400, %ne3A_404 : vector<16xi1>
    %and3A_406 = arith.andi %ne3A_405, %ne3A_397 : vector<16xi1>
    %add3A_407 = vector.broadcast %select_n3A_392 : i32 to vector<16xi32>
    %add3A_408 = arith.addi %rem3A_394, %add3A_407 : vector<16xi32>
    %select_n3A_409 = arith.select %and3A_406, %add3A_408, %rem3A_394 : vector<16xi1>, vector<16xi32>
    %jit3A_410 = arith.constant 22 : i32
    %div3A_411 = vector.broadcast %jit3A_410 : i32 to vector<16xi32>
    %div3A_412 = arith.divsi %add3A_387, %div3A_411 : vector<16xi32>
    %sign3A_413 = arith.constant 0 : i32
    %sign3A_414 = vector.broadcast %sign3A_413 : i32 to vector<16xi32>
    %sign3A_415 = arith.cmpi sgt, %add3A_387, %sign3A_414 : vector<16xi32>
    %sign3A_416 = arith.extui %sign3A_415 : vector<16xi1> to vector<16xi32>
    %sign3A_417 = arith.constant 0 : i32
    %sign3A_418 = vector.broadcast %sign3A_417 : i32 to vector<16xi32>
    %sign3A_419 = arith.cmpi slt, %add3A_387, %sign3A_418 : vector<16xi32>
    %sign3A_420 = arith.extui %sign3A_419 : vector<16xi1> to vector<16xi32>
    %sign3A_421 = arith.subi %sign3A_416, %sign3A_420 : vector<16xi32>
    %sign3A_422 = arith.constant 0 : i32
    %sign3A_423 = arith.cmpi sgt, %jit3A_410, %sign3A_422 : i32
    %sign3A_424 = arith.extui %sign3A_423 : i1 to i32
    %sign3A_425 = arith.constant 0 : i32
    %sign3A_426 = arith.cmpi slt, %jit3A_410, %sign3A_425 : i32
    %sign3A_427 = arith.extui %sign3A_426 : i1 to i32
    %sign3A_428 = arith.subi %sign3A_424, %sign3A_427 : i32
    %ne3A_429 = vector.broadcast %sign3A_428 : i32 to vector<16xi32>
    %ne3A_430 = arith.cmpi ne, %sign3A_421, %ne3A_429 : vector<16xi32>
    %rem3A_431 = vector.broadcast %jit3A_410 : i32 to vector<16xi32>
    %rem3A_432 = arith.remsi %add3A_387, %rem3A_431 : vector<16xi32>
    %ne3A_433 = arith.constant 0 : i32
    %ne3A_434 = vector.broadcast %ne3A_433 : i32 to vector<16xi32>
    %ne3A_435 = arith.cmpi ne, %rem3A_432, %ne3A_434 : vector<16xi32>
    %and3A_436 = arith.andi %ne3A_430, %ne3A_435 : vector<16xi1>
    %sub3A_437 = arith.constant 1 : i32
    %sub3A_438 = vector.broadcast %sub3A_437 : i32 to vector<16xi32>
    %sub3A_439 = arith.subi %div3A_412, %sub3A_438 : vector<16xi32>
    %select_n3A_440 = arith.select %and3A_436, %sub3A_439, %div3A_412 : vector<16xi1>, vector<16xi32>
    %add3A_441 = arith.constant 128 : i32
    %add3A_442 = vector.broadcast %add3A_441 : i32 to vector<16xi32>
    %add3A_443 = arith.addi %iota3A, %add3A_442 : vector<16xi32>
    %jit3A_444 = arith.constant 22 : i32
    %eq3A_445 = arith.constant 0 : i32
    %eq3A_446 = arith.cmpi eq, %jit3A_444, %eq3A_445 : i32
    %jit3A_447 = arith.constant 1 : i32
    %select_n3A_448 = arith.select %eq3A_446, %jit3A_447, %jit3A_444 : i32
    %rem3A_449 = vector.broadcast %select_n3A_448 : i32 to vector<16xi32>
    %rem3A_450 = arith.remsi %add3A_443, %rem3A_449 : vector<16xi32>
    %ne3A_451 = arith.constant 0 : i32
    %ne3A_452 = vector.broadcast %ne3A_451 : i32 to vector<16xi32>
    %ne3A_453 = arith.cmpi ne, %rem3A_450, %ne3A_452 : vector<16xi32>
    %lt3A_454 = arith.constant 0 : i32
    %lt3A_455 = vector.broadcast %lt3A_454 : i32 to vector<16xi32>
    %lt3A_456 = arith.cmpi slt, %rem3A_450, %lt3A_455 : vector<16xi32>
    %lt3A_457 = arith.constant 0 : i32
    %lt3A_458 = arith.cmpi slt, %select_n3A_448, %lt3A_457 : i32
    %ne3A_459 = vector.broadcast %lt3A_458 : i1 to vector<16xi1>
    %ne3A_460 = vector.broadcast %ne3A_459 : vector<16xi1> to vector<16xi1>
    %ne3A_461 = arith.xori %lt3A_456, %ne3A_460 : vector<16xi1>
    %and3A_462 = arith.andi %ne3A_461, %ne3A_453 : vector<16xi1>
    %add3A_463 = vector.broadcast %select_n3A_448 : i32 to vector<16xi32>
    %add3A_464 = arith.addi %rem3A_450, %add3A_463 : vector<16xi32>
    %select_n3A_465 = arith.select %and3A_462, %add3A_464, %rem3A_450 : vector<16xi1>, vector<16xi32>
    %jit3A_466 = arith.constant 22 : i32
    %div3A_467 = vector.broadcast %jit3A_466 : i32 to vector<16xi32>
    %div3A_468 = arith.divsi %add3A_443, %div3A_467 : vector<16xi32>
    %sign3A_469 = arith.constant 0 : i32
    %sign3A_470 = vector.broadcast %sign3A_469 : i32 to vector<16xi32>
    %sign3A_471 = arith.cmpi sgt, %add3A_443, %sign3A_470 : vector<16xi32>
    %sign3A_472 = arith.extui %sign3A_471 : vector<16xi1> to vector<16xi32>
    %sign3A_473 = arith.constant 0 : i32
    %sign3A_474 = vector.broadcast %sign3A_473 : i32 to vector<16xi32>
    %sign3A_475 = arith.cmpi slt, %add3A_443, %sign3A_474 : vector<16xi32>
    %sign3A_476 = arith.extui %sign3A_475 : vector<16xi1> to vector<16xi32>
    %sign3A_477 = arith.subi %sign3A_472, %sign3A_476 : vector<16xi32>
    %sign3A_478 = arith.constant 0 : i32
    %sign3A_479 = arith.cmpi sgt, %jit3A_466, %sign3A_478 : i32
    %sign3A_480 = arith.extui %sign3A_479 : i1 to i32
    %sign3A_481 = arith.constant 0 : i32
    %sign3A_482 = arith.cmpi slt, %jit3A_466, %sign3A_481 : i32
    %sign3A_483 = arith.extui %sign3A_482 : i1 to i32
    %sign3A_484 = arith.subi %sign3A_480, %sign3A_483 : i32
    %ne3A_485 = vector.broadcast %sign3A_484 : i32 to vector<16xi32>
    %ne3A_486 = arith.cmpi ne, %sign3A_477, %ne3A_485 : vector<16xi32>
    %rem3A_487 = vector.broadcast %jit3A_466 : i32 to vector<16xi32>
    %rem3A_488 = arith.remsi %add3A_443, %rem3A_487 : vector<16xi32>
    %ne3A_489 = arith.constant 0 : i32
    %ne3A_490 = vector.broadcast %ne3A_489 : i32 to vector<16xi32>
    %ne3A_491 = arith.cmpi ne, %rem3A_488, %ne3A_490 : vector<16xi32>
    %and3A_492 = arith.andi %ne3A_486, %ne3A_491 : vector<16xi1>
    %sub3A_493 = arith.constant 1 : i32
    %sub3A_494 = vector.broadcast %sub3A_493 : i32 to vector<16xi32>
    %sub3A_495 = arith.subi %div3A_468, %sub3A_494 : vector<16xi32>
    %select_n3A_496 = arith.select %and3A_492, %sub3A_495, %div3A_468 : vector<16xi1>, vector<16xi32>
    %add3A_497 = arith.constant 144 : i32
    %add3A_498 = vector.broadcast %add3A_497 : i32 to vector<16xi32>
    %add3A_499 = arith.addi %iota3A, %add3A_498 : vector<16xi32>
    %jit3A_500 = arith.constant 22 : i32
    %eq3A_501 = arith.constant 0 : i32
    %eq3A_502 = arith.cmpi eq, %jit3A_500, %eq3A_501 : i32
    %jit3A_503 = arith.constant 1 : i32
    %select_n3A_504 = arith.select %eq3A_502, %jit3A_503, %jit3A_500 : i32
    %rem3A_505 = vector.broadcast %select_n3A_504 : i32 to vector<16xi32>
    %rem3A_506 = arith.remsi %add3A_499, %rem3A_505 : vector<16xi32>
    %ne3A_507 = arith.constant 0 : i32
    %ne3A_508 = vector.broadcast %ne3A_507 : i32 to vector<16xi32>
    %ne3A_509 = arith.cmpi ne, %rem3A_506, %ne3A_508 : vector<16xi32>
    %lt3A_510 = arith.constant 0 : i32
    %lt3A_511 = vector.broadcast %lt3A_510 : i32 to vector<16xi32>
    %lt3A_512 = arith.cmpi slt, %rem3A_506, %lt3A_511 : vector<16xi32>
    %lt3A_513 = arith.constant 0 : i32
    %lt3A_514 = arith.cmpi slt, %select_n3A_504, %lt3A_513 : i32
    %ne3A_515 = vector.broadcast %lt3A_514 : i1 to vector<16xi1>
    %ne3A_516 = vector.broadcast %ne3A_515 : vector<16xi1> to vector<16xi1>
    %ne3A_517 = arith.xori %lt3A_512, %ne3A_516 : vector<16xi1>
    %and3A_518 = arith.andi %ne3A_517, %ne3A_509 : vector<16xi1>
    %add3A_519 = vector.broadcast %select_n3A_504 : i32 to vector<16xi32>
    %add3A_520 = arith.addi %rem3A_506, %add3A_519 : vector<16xi32>
    %select_n3A_521 = arith.select %and3A_518, %add3A_520, %rem3A_506 : vector<16xi1>, vector<16xi32>
    %jit3A_522 = arith.constant 22 : i32
    %div3A_523 = vector.broadcast %jit3A_522 : i32 to vector<16xi32>
    %div3A_524 = arith.divsi %add3A_499, %div3A_523 : vector<16xi32>
    %sign3A_525 = arith.constant 0 : i32
    %sign3A_526 = vector.broadcast %sign3A_525 : i32 to vector<16xi32>
    %sign3A_527 = arith.cmpi sgt, %add3A_499, %sign3A_526 : vector<16xi32>
    %sign3A_528 = arith.extui %sign3A_527 : vector<16xi1> to vector<16xi32>
    %sign3A_529 = arith.constant 0 : i32
    %sign3A_530 = vector.broadcast %sign3A_529 : i32 to vector<16xi32>
    %sign3A_531 = arith.cmpi slt, %add3A_499, %sign3A_530 : vector<16xi32>
    %sign3A_532 = arith.extui %sign3A_531 : vector<16xi1> to vector<16xi32>
    %sign3A_533 = arith.subi %sign3A_528, %sign3A_532 : vector<16xi32>
    %sign3A_534 = arith.constant 0 : i32
    %sign3A_535 = arith.cmpi sgt, %jit3A_522, %sign3A_534 : i32
    %sign3A_536 = arith.extui %sign3A_535 : i1 to i32
    %sign3A_537 = arith.constant 0 : i32
    %sign3A_538 = arith.cmpi slt, %jit3A_522, %sign3A_537 : i32
    %sign3A_539 = arith.extui %sign3A_538 : i1 to i32
    %sign3A_540 = arith.subi %sign3A_536, %sign3A_539 : i32
    %ne3A_541 = vector.broadcast %sign3A_540 : i32 to vector<16xi32>
    %ne3A_542 = arith.cmpi ne, %sign3A_533, %ne3A_541 : vector<16xi32>
    %rem3A_543 = vector.broadcast %jit3A_522 : i32 to vector<16xi32>
    %rem3A_544 = arith.remsi %add3A_499, %rem3A_543 : vector<16xi32>
    %ne3A_545 = arith.constant 0 : i32
    %ne3A_546 = vector.broadcast %ne3A_545 : i32 to vector<16xi32>
    %ne3A_547 = arith.cmpi ne, %rem3A_544, %ne3A_546 : vector<16xi32>
    %and3A_548 = arith.andi %ne3A_542, %ne3A_547 : vector<16xi1>
    %sub3A_549 = arith.constant 1 : i32
    %sub3A_550 = vector.broadcast %sub3A_549 : i32 to vector<16xi32>
    %sub3A_551 = arith.subi %div3A_524, %sub3A_550 : vector<16xi32>
    %select_n3A_552 = arith.select %and3A_548, %sub3A_551, %div3A_524 : vector<16xi1>, vector<16xi32>
    %add3A_553 = arith.constant 160 : i32
    %add3A_554 = vector.broadcast %add3A_553 : i32 to vector<16xi32>
    %add3A_555 = arith.addi %iota3A, %add3A_554 : vector<16xi32>
    %jit3A_556 = arith.constant 22 : i32
    %eq3A_557 = arith.constant 0 : i32
    %eq3A_558 = arith.cmpi eq, %jit3A_556, %eq3A_557 : i32
    %jit3A_559 = arith.constant 1 : i32
    %select_n3A_560 = arith.select %eq3A_558, %jit3A_559, %jit3A_556 : i32
    %rem3A_561 = vector.broadcast %select_n3A_560 : i32 to vector<16xi32>
    %rem3A_562 = arith.remsi %add3A_555, %rem3A_561 : vector<16xi32>
    %ne3A_563 = arith.constant 0 : i32
    %ne3A_564 = vector.broadcast %ne3A_563 : i32 to vector<16xi32>
    %ne3A_565 = arith.cmpi ne, %rem3A_562, %ne3A_564 : vector<16xi32>
    %lt3A_566 = arith.constant 0 : i32
    %lt3A_567 = vector.broadcast %lt3A_566 : i32 to vector<16xi32>
    %lt3A_568 = arith.cmpi slt, %rem3A_562, %lt3A_567 : vector<16xi32>
    %lt3A_569 = arith.constant 0 : i32
    %lt3A_570 = arith.cmpi slt, %select_n3A_560, %lt3A_569 : i32
    %ne3A_571 = vector.broadcast %lt3A_570 : i1 to vector<16xi1>
    %ne3A_572 = vector.broadcast %ne3A_571 : vector<16xi1> to vector<16xi1>
    %ne3A_573 = arith.xori %lt3A_568, %ne3A_572 : vector<16xi1>
    %and3A_574 = arith.andi %ne3A_573, %ne3A_565 : vector<16xi1>
    %add3A_575 = vector.broadcast %select_n3A_560 : i32 to vector<16xi32>
    %add3A_576 = arith.addi %rem3A_562, %add3A_575 : vector<16xi32>
    %select_n3A_577 = arith.select %and3A_574, %add3A_576, %rem3A_562 : vector<16xi1>, vector<16xi32>
    %jit3A_578 = arith.constant 22 : i32
    %div3A_579 = vector.broadcast %jit3A_578 : i32 to vector<16xi32>
    %div3A_580 = arith.divsi %add3A_555, %div3A_579 : vector<16xi32>
    %sign3A_581 = arith.constant 0 : i32
    %sign3A_582 = vector.broadcast %sign3A_581 : i32 to vector<16xi32>
    %sign3A_583 = arith.cmpi sgt, %add3A_555, %sign3A_582 : vector<16xi32>
    %sign3A_584 = arith.extui %sign3A_583 : vector<16xi1> to vector<16xi32>
    %sign3A_585 = arith.constant 0 : i32
    %sign3A_586 = vector.broadcast %sign3A_585 : i32 to vector<16xi32>
    %sign3A_587 = arith.cmpi slt, %add3A_555, %sign3A_586 : vector<16xi32>
    %sign3A_588 = arith.extui %sign3A_587 : vector<16xi1> to vector<16xi32>
    %sign3A_589 = arith.subi %sign3A_584, %sign3A_588 : vector<16xi32>
    %sign3A_590 = arith.constant 0 : i32
    %sign3A_591 = arith.cmpi sgt, %jit3A_578, %sign3A_590 : i32
    %sign3A_592 = arith.extui %sign3A_591 : i1 to i32
    %sign3A_593 = arith.constant 0 : i32
    %sign3A_594 = arith.cmpi slt, %jit3A_578, %sign3A_593 : i32
    %sign3A_595 = arith.extui %sign3A_594 : i1 to i32
    %sign3A_596 = arith.subi %sign3A_592, %sign3A_595 : i32
    %ne3A_597 = vector.broadcast %sign3A_596 : i32 to vector<16xi32>
    %ne3A_598 = arith.cmpi ne, %sign3A_589, %ne3A_597 : vector<16xi32>
    %rem3A_599 = vector.broadcast %jit3A_578 : i32 to vector<16xi32>
    %rem3A_600 = arith.remsi %add3A_555, %rem3A_599 : vector<16xi32>
    %ne3A_601 = arith.constant 0 : i32
    %ne3A_602 = vector.broadcast %ne3A_601 : i32 to vector<16xi32>
    %ne3A_603 = arith.cmpi ne, %rem3A_600, %ne3A_602 : vector<16xi32>
    %and3A_604 = arith.andi %ne3A_598, %ne3A_603 : vector<16xi1>
    %sub3A_605 = arith.constant 1 : i32
    %sub3A_606 = vector.broadcast %sub3A_605 : i32 to vector<16xi32>
    %sub3A_607 = arith.subi %div3A_580, %sub3A_606 : vector<16xi32>
    %select_n3A_608 = arith.select %and3A_604, %sub3A_607, %div3A_580 : vector<16xi1>, vector<16xi32>
    %scan3A = arith.constant 0 : i32
    %scan3A_609 = arith.constant 0 : i32
    %scan3A_610 = arith.constant 10 : i32
    %scan3A_611 = arith.addi %scan3A_609, %scan3A_610 : i32
    %scan3A_612 = arith.constant 1 : i32
    scf.for %scan3A_621 = %scan3A_609 to %scan3A_611 step %scan3A_612  : i32 {
      %mul3A_622 = arith.constant 2 : i32
      %mul3A_623 = arith.muli %scan3A_621, %mul3A_622 : i32
      %add3A_624 = arith.constant 0 : i32
      %add3A_625 = arith.addi %mul3A_623, %add3A_624 : i32
      %jit3A_626 = arith.constant 5 : i32
      %div3A_627 = arith.divsi %add3A_625, %jit3A_626 : i32
      %sign3A_628 = arith.constant 0 : i32
      %sign3A_629 = arith.cmpi sgt, %add3A_625, %sign3A_628 : i32
      %sign3A_630 = arith.extui %sign3A_629 : i1 to i32
      %sign3A_631 = arith.constant 0 : i32
      %sign3A_632 = arith.cmpi slt, %add3A_625, %sign3A_631 : i32
      %sign3A_633 = arith.extui %sign3A_632 : i1 to i32
      %sign3A_634 = arith.subi %sign3A_630, %sign3A_633 : i32
      %sign3A_635 = arith.constant 0 : i32
      %sign3A_636 = arith.cmpi sgt, %jit3A_626, %sign3A_635 : i32
      %sign3A_637 = arith.extui %sign3A_636 : i1 to i32
      %sign3A_638 = arith.constant 0 : i32
      %sign3A_639 = arith.cmpi slt, %jit3A_626, %sign3A_638 : i32
      %sign3A_640 = arith.extui %sign3A_639 : i1 to i32
      %sign3A_641 = arith.subi %sign3A_637, %sign3A_640 : i32
      %ne3A_642 = arith.cmpi ne, %sign3A_634, %sign3A_641 : i32
      %rem3A_643 = arith.remsi %add3A_625, %jit3A_626 : i32
      %ne3A_644 = arith.constant 0 : i32
      %ne3A_645 = arith.cmpi ne, %rem3A_643, %ne3A_644 : i32
      %and3A_646 = arith.andi %ne3A_642, %ne3A_645 : i1
      %sub3A_647 = arith.constant 1 : i32
      %sub3A_648 = arith.subi %div3A_627, %sub3A_647 : i32
      %select_n3A_649 = arith.select %and3A_646, %sub3A_648, %div3A_627 : i32
      %jit3A_650 = arith.constant 5 : i32
      %eq3A_651 = arith.constant 0 : i32
      %eq3A_652 = arith.cmpi eq, %jit3A_650, %eq3A_651 : i32
      %jit3A_653 = arith.constant 1 : i32
      %select_n3A_654 = arith.select %eq3A_652, %jit3A_653, %jit3A_650 : i32
      %rem3A_655 = arith.remsi %add3A_625, %select_n3A_654 : i32
      %ne3A_656 = arith.constant 0 : i32
      %ne3A_657 = arith.cmpi ne, %rem3A_655, %ne3A_656 : i32
      %lt3A_658 = arith.constant 0 : i32
      %lt3A_659 = arith.cmpi slt, %rem3A_655, %lt3A_658 : i32
      %lt3A_660 = arith.constant 0 : i32
      %lt3A_661 = arith.cmpi slt, %select_n3A_654, %lt3A_660 : i32
      %ne3A_662 = arith.xori %lt3A_659, %lt3A_661 : i1
      %and3A_663 = arith.andi %ne3A_662, %ne3A_657 : i1
      %add3A_664 = arith.addi %rem3A_655, %select_n3A_654 : i32
      %select_n3A_665 = arith.select %and3A_663, %add3A_664, %rem3A_655 : i32
      %mul3A_666 = arith.constant 4 : i32
      %mul3A_667 = arith.muli %add3A, %mul3A_666 : i32
      %add3A_668 = arith.addi %mul3A_667, %select_n3A_649 : i32
      %gt3A = arith.constant 0 : i32
      %gt3A_669 = arith.cmpi sgt, %scan3A_621, %gt3A : i32
      %convert_element_type3A = arith.extui %gt3A_669 : i1 to i32
      %cond3A = arith.constant 0 : i32
      %cond3A_670 = arith.cmpi ne, %convert_element_type3A, %cond3A : i32
      scf.if %cond3A_670 {
        %dma_wait3A_993 = arith.constant 0 : i32
        %dma_wait3A_994 = tpu.memref_slice %arg5[%dma_wait3A_993] : memref<18585600xf32, #tpu.memory_space<hbm>> -> memref<29040xf32, #tpu.memory_space<hbm>>
        %dma_wait3A_995 = arith.constant 0 : i32
        %dma_wait3A_996 = tpu.memref_slice %arg5[%dma_wait3A_995] : memref<18585600xf32, #tpu.memory_space<hbm>> -> memref<29040xf32, #tpu.memory_space<hbm>>
        tpu.wait_dma2 semaphore(%arg11 : memref<!tpu.dma_semaphore, #tpu.memory_space<semaphore_mem>>) src(%arg9 : memref<29040xf32, #tpu.memory_space<vmem>>) dst(%dma_wait3A_996 : memref<29040xf32, #tpu.memory_space<hbm>>)
      } else {
      }
      %mul3A_671 = arith.constant 128 : i32
      %mul3A_672 = arith.muli %select_n3A_649, %mul3A_671 : i32
      %add3A_673 = vector.broadcast %mul3A_672 : i32 to vector<16xi32>
      %add3A_674 = arith.addi %select_n3A_20, %add3A_673 : vector<16xi32>
      %add3A_675 = vector.broadcast %mul3A_672 : i32 to vector<16xi32>
      %add3A_676 = arith.addi %select_n3A_73, %add3A_675 : vector<16xi32>
      %add3A_677 = vector.broadcast %mul3A_672 : i32 to vector<16xi32>
      %add3A_678 = arith.addi %select_n3A_129, %add3A_677 : vector<16xi32>
      %add3A_679 = vector.broadcast %mul3A_672 : i32 to vector<16xi32>
      %add3A_680 = arith.addi %select_n3A_185, %add3A_679 : vector<16xi32>
      %add3A_681 = vector.broadcast %mul3A_672 : i32 to vector<16xi32>
      %add3A_682 = arith.addi %select_n3A_241, %add3A_681 : vector<16xi32>
      %add3A_683 = vector.broadcast %mul3A_672 : i32 to vector<16xi32>
      %add3A_684 = arith.addi %select_n3A_297, %add3A_683 : vector<16xi32>
      %add3A_685 = vector.broadcast %mul3A_672 : i32 to vector<16xi32>
      %add3A_686 = arith.addi %select_n3A_353, %add3A_685 : vector<16xi32>
      %add3A_687 = vector.broadcast %mul3A_672 : i32 to vector<16xi32>
      %add3A_688 = arith.addi %select_n3A_409, %add3A_687 : vector<16xi32>
      %add3A_689 = vector.broadcast %mul3A_672 : i32 to vector<16xi32>
      %add3A_690 = arith.addi %select_n3A_465, %add3A_689 : vector<16xi32>
      %add3A_691 = vector.broadcast %mul3A_672 : i32 to vector<16xi32>
      %add3A_692 = arith.addi %select_n3A_521, %add3A_691 : vector<16xi32>
      %add3A_693 = vector.broadcast %mul3A_672 : i32 to vector<16xi32>
      %add3A_694 = arith.addi %select_n3A_577, %add3A_693 : vector<16xi32>
      %add3A_695 = arith.constant 32 : i32
      %add3A_696 = vector.broadcast %add3A_695 : i32 to vector<16xi32>
      %add3A_697 = arith.addi %add3A_674, %add3A_696 : vector<16xi32>
      %add3A_698 = arith.constant 32 : i32
      %add3A_699 = vector.broadcast %add3A_698 : i32 to vector<16xi32>
      %add3A_700 = arith.addi %add3A_676, %add3A_699 : vector<16xi32>
      %add3A_701 = arith.constant 32 : i32
      %add3A_702 = vector.broadcast %add3A_701 : i32 to vector<16xi32>
      %add3A_703 = arith.addi %add3A_678, %add3A_702 : vector<16xi32>
      %add3A_704 = arith.constant 32 : i32
      %add3A_705 = vector.broadcast %add3A_704 : i32 to vector<16xi32>
      %add3A_706 = arith.addi %add3A_680, %add3A_705 : vector<16xi32>
      %add3A_707 = arith.constant 32 : i32
      %add3A_708 = vector.broadcast %add3A_707 : i32 to vector<16xi32>
      %add3A_709 = arith.addi %add3A_682, %add3A_708 : vector<16xi32>
      %add3A_710 = arith.constant 32 : i32
      %add3A_711 = vector.broadcast %add3A_710 : i32 to vector<16xi32>
      %add3A_712 = arith.addi %add3A_684, %add3A_711 : vector<16xi32>
      %add3A_713 = arith.constant 32 : i32
      %add3A_714 = vector.broadcast %add3A_713 : i32 to vector<16xi32>
      %add3A_715 = arith.addi %add3A_686, %add3A_714 : vector<16xi32>
      %add3A_716 = arith.constant 32 : i32
      %add3A_717 = vector.broadcast %add3A_716 : i32 to vector<16xi32>
      %add3A_718 = arith.addi %add3A_688, %add3A_717 : vector<16xi32>
      %add3A_719 = arith.constant 32 : i32
      %add3A_720 = vector.broadcast %add3A_719 : i32 to vector<16xi32>
      %add3A_721 = arith.addi %add3A_690, %add3A_720 : vector<16xi32>
      %add3A_722 = arith.constant 32 : i32
      %add3A_723 = vector.broadcast %add3A_722 : i32 to vector<16xi32>
      %add3A_724 = arith.addi %add3A_692, %add3A_723 : vector<16xi32>
      %add3A_725 = arith.constant 32 : i32
      %add3A_726 = vector.broadcast %add3A_725 : i32 to vector<16xi32>
      %add3A_727 = arith.addi %add3A_694, %add3A_726 : vector<16xi32>
      %add3A_728 = arith.constant 64 : i32
      %add3A_729 = vector.broadcast %add3A_728 : i32 to vector<16xi32>
      %add3A_730 = arith.addi %add3A_674, %add3A_729 : vector<16xi32>
      %add3A_731 = arith.constant 64 : i32
      %add3A_732 = vector.broadcast %add3A_731 : i32 to vector<16xi32>
      %add3A_733 = arith.addi %add3A_676, %add3A_732 : vector<16xi32>
      %add3A_734 = arith.constant 64 : i32
      %add3A_735 = vector.broadcast %add3A_734 : i32 to vector<16xi32>
      %add3A_736 = arith.addi %add3A_678, %add3A_735 : vector<16xi32>
      %add3A_737 = arith.constant 64 : i32
      %add3A_738 = vector.broadcast %add3A_737 : i32 to vector<16xi32>
      %add3A_739 = arith.addi %add3A_680, %add3A_738 : vector<16xi32>
      %add3A_740 = arith.constant 64 : i32
      %add3A_741 = vector.broadcast %add3A_740 : i32 to vector<16xi32>
      %add3A_742 = arith.addi %add3A_682, %add3A_741 : vector<16xi32>
      %add3A_743 = arith.constant 64 : i32
      %add3A_744 = vector.broadcast %add3A_743 : i32 to vector<16xi32>
      %add3A_745 = arith.addi %add3A_684, %add3A_744 : vector<16xi32>
      %add3A_746 = arith.constant 64 : i32
      %add3A_747 = vector.broadcast %add3A_746 : i32 to vector<16xi32>
      %add3A_748 = arith.addi %add3A_686, %add3A_747 : vector<16xi32>
      %add3A_749 = arith.constant 64 : i32
      %add3A_750 = vector.broadcast %add3A_749 : i32 to vector<16xi32>
      %add3A_751 = arith.addi %add3A_688, %add3A_750 : vector<16xi32>
      %add3A_752 = arith.constant 64 : i32
      %add3A_753 = vector.broadcast %add3A_752 : i32 to vector<16xi32>
      %add3A_754 = arith.addi %add3A_690, %add3A_753 : vector<16xi32>
      %add3A_755 = arith.constant 64 : i32
      %add3A_756 = vector.broadcast %add3A_755 : i32 to vector<16xi32>
      %add3A_757 = arith.addi %add3A_692, %add3A_756 : vector<16xi32>
      %add3A_758 = arith.constant 64 : i32
      %add3A_759 = vector.broadcast %add3A_758 : i32 to vector<16xi32>
      %add3A_760 = arith.addi %add3A_694, %add3A_759 : vector<16xi32>
      %add3A_761 = arith.constant 96 : i32
      %add3A_762 = vector.broadcast %add3A_761 : i32 to vector<16xi32>
      %add3A_763 = arith.addi %add3A_674, %add3A_762 : vector<16xi32>
      %add3A_764 = arith.constant 96 : i32
      %add3A_765 = vector.broadcast %add3A_764 : i32 to vector<16xi32>
      %add3A_766 = arith.addi %add3A_676, %add3A_765 : vector<16xi32>
      %add3A_767 = arith.constant 96 : i32
      %add3A_768 = vector.broadcast %add3A_767 : i32 to vector<16xi32>
      %add3A_769 = arith.addi %add3A_678, %add3A_768 : vector<16xi32>
      %add3A_770 = arith.constant 96 : i32
      %add3A_771 = vector.broadcast %add3A_770 : i32 to vector<16xi32>
      %add3A_772 = arith.addi %add3A_680, %add3A_771 : vector<16xi32>
      %add3A_773 = arith.constant 96 : i32
      %add3A_774 = vector.broadcast %add3A_773 : i32 to vector<16xi32>
      %add3A_775 = arith.addi %add3A_682, %add3A_774 : vector<16xi32>
      %add3A_776 = arith.constant 96 : i32
      %add3A_777 = vector.broadcast %add3A_776 : i32 to vector<16xi32>
      %add3A_778 = arith.addi %add3A_684, %add3A_777 : vector<16xi32>
      %add3A_779 = arith.constant 96 : i32
      %add3A_780 = vector.broadcast %add3A_779 : i32 to vector<16xi32>
      %add3A_781 = arith.addi %add3A_686, %add3A_780 : vector<16xi32>
      %add3A_782 = arith.constant 96 : i32
      %add3A_783 = vector.broadcast %add3A_782 : i32 to vector<16xi32>
      %add3A_784 = arith.addi %add3A_688, %add3A_783 : vector<16xi32>
      %add3A_785 = arith.constant 96 : i32
      %add3A_786 = vector.broadcast %add3A_785 : i32 to vector<16xi32>
      %add3A_787 = arith.addi %add3A_690, %add3A_786 : vector<16xi32>
      %add3A_788 = arith.constant 96 : i32
      %add3A_789 = vector.broadcast %add3A_788 : i32 to vector<16xi32>
      %add3A_790 = arith.addi %add3A_692, %add3A_789 : vector<16xi32>
      %add3A_791 = arith.constant 96 : i32
      %add3A_792 = vector.broadcast %add3A_791 : i32 to vector<16xi32>
      %add3A_793 = arith.addi %add3A_694, %add3A_792 : vector<16xi32>
      %mul3A_794 = arith.constant 1320 : i32
      %mul3A_795 = arith.muli %select_n3A_665, %mul3A_794 : i32
      %parallel_loop3A = arith.constant 0 : i32
      %parallel_loop3A_796 = arith.constant 165 : i32
      %parallel_loop3A_797 = arith.constant 1 : i32
      scf.for %parallel_loop3A_993 = %parallel_loop3A to %parallel_loop3A_796 step %parallel_loop3A_797  : i32 {
        %parallel_loop3A_994 = arith.constant 176 : i32
        %parallel_loop3A_995 = arith.muli %parallel_loop3A_993, %parallel_loop3A_994 : i32
        %parallel_loop3A_996 = arith.constant 8 : i32
        %parallel_loop3A_997 = arith.muli %parallel_loop3A_993, %parallel_loop3A_996 : i32
        %parallel_loop3A_998 = arith.addi %mul3A_795, %parallel_loop3A_997 : i32
        %parallel_loop3A_999 = vector.broadcast %parallel_loop3A_998 : i32 to vector<16xi32>
        %parallel_loop3A_1000 = arith.addi %select_n3A_48, %parallel_loop3A_999 : vector<16xi32>
        %parallel_loop3A_1001 = tpu.vector_load_idx %arg7[%parallel_loop3A_1000] : memref<6608xf32, #tpu.memory_space<vmem>>[vector<16xi32>], vector<16xf32>,
        %parallel_loop3A_1002 = tpu.vector_load_idx %arg8[%parallel_loop3A_1000] : memref<6608xf32, #tpu.memory_space<vmem>>[vector<16xi32>], vector<16xf32>,
        %parallel_loop3A_1003 = tpu.vector_load_idx %arg6[%add3A_674] : memref<512xf32, #tpu.memory_space<vmem>>[vector<16xi32>], vector<16xf32>,
        %parallel_loop3A_1004 = tpu.vector_load_idx %arg6[%add3A_697] : memref<512xf32, #tpu.memory_space<vmem>>[vector<16xi32>], vector<16xf32>,
        %parallel_loop3A_1005 = tpu.vector_load_idx %arg6[%add3A_730] : memref<512xf32, #tpu.memory_space<vmem>>[vector<16xi32>], vector<16xf32>,
        %parallel_loop3A_1006 = tpu.vector_load_idx %arg6[%add3A_763] : memref<512xf32, #tpu.memory_space<vmem>>[vector<16xi32>], vector<16xf32>,
        %parallel_loop3A_1007 = arith.subf %parallel_loop3A_1001, %parallel_loop3A_1003 : vector<16xf32>
        %parallel_loop3A_1008 = arith.subf %parallel_loop3A_1002, %parallel_loop3A_1004 : vector<16xf32>
        %parallel_loop3A_1009 = arith.mulf %parallel_loop3A_1007, %parallel_loop3A_1007 : vector<16xf32>
        %parallel_loop3A_1010 = arith.mulf %parallel_loop3A_1008, %parallel_loop3A_1008 : vector<16xf32>
        %parallel_loop3A_1011 = arith.addf %parallel_loop3A_1009, %parallel_loop3A_1010 : vector<16xf32>
        %parallel_loop3A_1012 = vector.bitcast %parallel_loop3A_1011 : vector<16xf32> to vector<16xi32>
        %parallel_loop3A_1013 = arith.constant 1 : i32
        %parallel_loop3A_1014 = vector.broadcast %parallel_loop3A_1013 : i32 to vector<16xi32>
        %parallel_loop3A_1015 = arith.shrsi %parallel_loop3A_1012, %parallel_loop3A_1014 : vector<16xi32>
        %parallel_loop3A_1016 = arith.constant 1597463007 : i32
        %parallel_loop3A_1017 = vector.broadcast %parallel_loop3A_1016 : i32 to vector<16xi32>
        %parallel_loop3A_1018 = arith.subi %parallel_loop3A_1017, %parallel_loop3A_1015 : vector<16xi32>
        %parallel_loop3A_1019 = vector.bitcast %parallel_loop3A_1018 : vector<16xi32> to vector<16xf32>
        %parallel_loop3A_1020 = arith.constant 5.000000e-01 : f32
        %parallel_loop3A_1021 = vector.broadcast %parallel_loop3A_1020 : f32 to vector<16xf32>
        %parallel_loop3A_1022 = arith.mulf %parallel_loop3A_1011, %parallel_loop3A_1021 : vector<16xf32>
        %parallel_loop3A_1023 = arith.mulf %parallel_loop3A_1022, %parallel_loop3A_1019 : vector<16xf32>
        %parallel_loop3A_1024 = arith.mulf %parallel_loop3A_1023, %parallel_loop3A_1019 : vector<16xf32>
        %parallel_loop3A_1025 = arith.constant 1.500000e+00 : f32
        %parallel_loop3A_1026 = vector.broadcast %parallel_loop3A_1025 : f32 to vector<16xf32>
        %parallel_loop3A_1027 = arith.subf %parallel_loop3A_1026, %parallel_loop3A_1024 : vector<16xf32>
        %parallel_loop3A_1028 = arith.mulf %parallel_loop3A_1019, %parallel_loop3A_1027 : vector<16xf32>
        %parallel_loop3A_1029 = arith.mulf %parallel_loop3A_1022, %parallel_loop3A_1028 : vector<16xf32>
        %parallel_loop3A_1030 = arith.mulf %parallel_loop3A_1029, %parallel_loop3A_1028 : vector<16xf32>
        %parallel_loop3A_1031 = arith.constant 1.500000e+00 : f32
        %parallel_loop3A_1032 = vector.broadcast %parallel_loop3A_1031 : f32 to vector<16xf32>
        %parallel_loop3A_1033 = arith.subf %parallel_loop3A_1032, %parallel_loop3A_1030 : vector<16xf32>
        %parallel_loop3A_1034 = arith.mulf %parallel_loop3A_1028, %parallel_loop3A_1033 : vector<16xf32>
        %parallel_loop3A_1035 = arith.mulf %parallel_loop3A_1011, %parallel_loop3A_1034 : vector<16xf32>
        %parallel_loop3A_1036 = arith.mulf %parallel_loop3A_1007, %parallel_loop3A_1005 : vector<16xf32>
        %parallel_loop3A_1037 = arith.mulf %parallel_loop3A_1008, %parallel_loop3A_1006 : vector<16xf32>
        %parallel_loop3A_1038 = arith.addf %parallel_loop3A_1036, %parallel_loop3A_1037 : vector<16xf32>
        %parallel_loop3A_1039 = arith.mulf %parallel_loop3A_1038, %parallel_loop3A_1034 : vector<16xf32>
        %parallel_loop3A_1040 = arith.constant -9.250000e+00 : f32
        %parallel_loop3A_1041 = arith.constant 9.250000e+00 : f32
        %parallel_loop3A_1042 = vector.broadcast %parallel_loop3A_1040 : f32 to vector<16xf32>
        %parallel_loop3A_1043 = arith.maximumf %parallel_loop3A_1042, %parallel_loop3A_1039 : vector<16xf32>
        %parallel_loop3A_1044 = vector.broadcast %parallel_loop3A_1041 : f32 to vector<16xf32>
        %parallel_loop3A_1045 = arith.minimumf %parallel_loop3A_1044, %parallel_loop3A_1043 : vector<16xf32>
        %parallel_loop3A_1046 = arith.constant 0.137931034 : f32
        %parallel_loop3A_1047 = vector.broadcast %parallel_loop3A_1046 : f32 to vector<16xf32>
        %parallel_loop3A_1048 = arith.mulf %parallel_loop3A_1045, %parallel_loop3A_1047 : vector<16xf32>
        %parallel_loop3A_1049 = arith.constant 1.2758621 : f32
        %parallel_loop3A_1050 = vector.broadcast %parallel_loop3A_1049 : f32 to vector<16xf32>
        %parallel_loop3A_1051 = arith.subf %parallel_loop3A_1050, %parallel_loop3A_1048 : vector<16xf32>
        %parallel_loop3A_1052 = arith.constant 5.000000e-01 : f32
        %parallel_loop3A_1053 = vector.broadcast %parallel_loop3A_1052 : f32 to vector<16xf32>
        %parallel_loop3A_1054 = arith.mulf %parallel_loop3A_1053, %parallel_loop3A_1045 : vector<16xf32>
        %parallel_loop3A_1055 = arith.constant 4.625000e+00 : f32
        %parallel_loop3A_1056 = vector.broadcast %parallel_loop3A_1055 : f32 to vector<16xf32>
        %parallel_loop3A_1057 = arith.addf %parallel_loop3A_1054, %parallel_loop3A_1056 : vector<16xf32>
        %parallel_loop3A_1058 = arith.mulf %parallel_loop3A_1051, %parallel_loop3A_1057 : vector<16xf32>
        %parallel_loop3A_1059 = arith.mulf %parallel_loop3A_1048, %parallel_loop3A_1048 : vector<16xf32>
        %parallel_loop3A_1060 = arith.constant 0.275862068 : f32
        %parallel_loop3A_1061 = vector.broadcast %parallel_loop3A_1060 : f32 to vector<16xf32>
        %parallel_loop3A_1062 = arith.mulf %parallel_loop3A_1061, %parallel_loop3A_1035 : vector<16xf32>
        %parallel_loop3A_1063 = arith.addf %parallel_loop3A_1059, %parallel_loop3A_1062 : vector<16xf32>
        %parallel_loop3A_1064 = vector.bitcast %parallel_loop3A_1063 : vector<16xf32> to vector<16xi32>
        %parallel_loop3A_1065 = arith.constant 1 : i32
        %parallel_loop3A_1066 = vector.broadcast %parallel_loop3A_1065 : i32 to vector<16xi32>
        %parallel_loop3A_1067 = arith.shrsi %parallel_loop3A_1064, %parallel_loop3A_1066 : vector<16xi32>
        %parallel_loop3A_1068 = arith.constant 1597463007 : i32
        %parallel_loop3A_1069 = vector.broadcast %parallel_loop3A_1068 : i32 to vector<16xi32>
        %parallel_loop3A_1070 = arith.subi %parallel_loop3A_1069, %parallel_loop3A_1067 : vector<16xi32>
        %parallel_loop3A_1071 = vector.bitcast %parallel_loop3A_1070 : vector<16xi32> to vector<16xf32>
        %parallel_loop3A_1072 = arith.constant 5.000000e-01 : f32
        %parallel_loop3A_1073 = vector.broadcast %parallel_loop3A_1072 : f32 to vector<16xf32>
        %parallel_loop3A_1074 = arith.mulf %parallel_loop3A_1063, %parallel_loop3A_1073 : vector<16xf32>
        %parallel_loop3A_1075 = arith.mulf %parallel_loop3A_1074, %parallel_loop3A_1071 : vector<16xf32>
        %parallel_loop3A_1076 = arith.mulf %parallel_loop3A_1075, %parallel_loop3A_1071 : vector<16xf32>
        %parallel_loop3A_1077 = arith.constant 1.500000e+00 : f32
        %parallel_loop3A_1078 = vector.broadcast %parallel_loop3A_1077 : f32 to vector<16xf32>
        %parallel_loop3A_1079 = arith.subf %parallel_loop3A_1078, %parallel_loop3A_1076 : vector<16xf32>
        %parallel_loop3A_1080 = arith.mulf %parallel_loop3A_1071, %parallel_loop3A_1079 : vector<16xf32>
        %parallel_loop3A_1081 = arith.mulf %parallel_loop3A_1074, %parallel_loop3A_1080 : vector<16xf32>
        %parallel_loop3A_1082 = arith.mulf %parallel_loop3A_1081, %parallel_loop3A_1080 : vector<16xf32>
        %parallel_loop3A_1083 = arith.constant 1.500000e+00 : f32
        %parallel_loop3A_1084 = vector.broadcast %parallel_loop3A_1083 : f32 to vector<16xf32>
        %parallel_loop3A_1085 = arith.subf %parallel_loop3A_1084, %parallel_loop3A_1082 : vector<16xf32>
        %parallel_loop3A_1086 = arith.mulf %parallel_loop3A_1080, %parallel_loop3A_1085 : vector<16xf32>
        %parallel_loop3A_1087 = arith.mulf %parallel_loop3A_1063, %parallel_loop3A_1086 : vector<16xf32>
        %parallel_loop3A_1088 = arith.subf %parallel_loop3A_1087, %parallel_loop3A_1048 : vector<16xf32>
        %parallel_loop3A_1089 = arith.cmpf ogt, %parallel_loop3A_1058, %parallel_loop3A_1035 : vector<16xf32>
        %parallel_loop3A_1090 = arith.select %parallel_loop3A_1089, %parallel_loop3A_1088, %parallel_loop3A_1051 : vector<16xi1>, vector<16xf32>
        %parallel_loop3A_1091 = arith.minimumf %parallel_loop3A_1058, %parallel_loop3A_1035 : vector<16xf32>
        %parallel_loop3A_1092 = arith.constant 0.000000e+00 : f32
        %parallel_loop3A_1093 = vector.broadcast %parallel_loop3A_1092 : f32 to vector<16xf32>
        %parallel_loop3A_1094 = arith.maximumf %parallel_loop3A_1091, %parallel_loop3A_1093 : vector<16xf32>
        %parallel_loop3A_1095 = arith.subf %parallel_loop3A_1035, %parallel_loop3A_1094 : vector<16xf32>
        %parallel_loop3A_1096 = arith.constant 0.108108111 : f32
        %parallel_loop3A_1097 = vector.broadcast %parallel_loop3A_1096 : f32 to vector<16xf32>
        %parallel_loop3A_1098 = arith.mulf %parallel_loop3A_1095, %parallel_loop3A_1097 : vector<16xf32>
        %parallel_loop3A_1099 = arith.addf %parallel_loop3A_1090, %parallel_loop3A_1098 : vector<16xf32>
        %parallel_loop3A_1100 = arith.constant 0 : i32
        %parallel_loop3A_1101 = arith.addi %parallel_loop3A_995, %parallel_loop3A_1100 : i32
        %parallel_loop3A_1102 = arith.index_cast %parallel_loop3A_1101 : i32 to index
        %parallel_loop3A_1103 = tpu.vector_load %arg9[%parallel_loop3A_1102] {strides = array<i32>} : memref<29040xf32, #tpu.memory_space<vmem>>, vector<16xf32>,
        tpu.vector_store %arg9[%parallel_loop3A_1102], %parallel_loop3A_1099 {strides = array<i32>} : memref<29040xf32, #tpu.memory_space<vmem>>, vector<16xf32>,
        %parallel_loop3A_1104 = vector.broadcast %parallel_loop3A_998 : i32 to vector<16xi32>
        %parallel_loop3A_1105 = arith.addi %select_n3A_104, %parallel_loop3A_1104 : vector<16xi32>
        %parallel_loop3A_1106 = tpu.vector_load_idx %arg7[%parallel_loop3A_1105] : memref<6608xf32, #tpu.memory_space<vmem>>[vector<16xi32>], vector<16xf32>,
        %parallel_loop3A_1107 = tpu.vector_load_idx %arg8[%parallel_loop3A_1105] : memref<6608xf32, #tpu.memory_space<vmem>>[vector<16xi32>], vector<16xf32>,
        %parallel_loop3A_1108 = tpu.vector_load_idx %arg6[%add3A_676] : memref<512xf32, #tpu.memory_space<vmem>>[vector<16xi32>], vector<16xf32>,
        %parallel_loop3A_1109 = tpu.vector_load_idx %arg6[%add3A_700] : memref<512xf32, #tpu.memory_space<vmem>>[vector<16xi32>], vector<16xf32>,
        %parallel_loop3A_1110 = tpu.vector_load_idx %arg6[%add3A_733] : memref<512xf32, #tpu.memory_space<vmem>>[vector<16xi32>], vector<16xf32>,
        %parallel_loop3A_1111 = tpu.vector_load_idx %arg6[%add3A_766] : memref<512xf32, #tpu.memory_space<vmem>>[vector<16xi32>], vector<16xf32>,
        %parallel_loop3A_1112 = arith.subf %parallel_loop3A_1106, %parallel_loop3A_1108 : vector<16xf32>
        %parallel_loop3A_1113 = arith.subf %parallel_loop3A_1107, %parallel_loop3A_1109 : vector<16xf32>
        %parallel_loop3A_1114 = arith.mulf %parallel_loop3A_1112, %parallel_loop3A_1112 : vector<16xf32>
        %parallel_loop3A_1115 = arith.mulf %parallel_loop3A_1113, %parallel_loop3A_1113 : vector<16xf32>
        %parallel_loop3A_1116 = arith.addf %parallel_loop3A_1114, %parallel_loop3A_1115 : vector<16xf32>
        %parallel_loop3A_1117 = vector.bitcast %parallel_loop3A_1116 : vector<16xf32> to vector<16xi32>
        %parallel_loop3A_1118 = arith.constant 1 : i32
        %parallel_loop3A_1119 = vector.broadcast %parallel_loop3A_1118 : i32 to vector<16xi32>
        %parallel_loop3A_1120 = arith.shrsi %parallel_loop3A_1117, %parallel_loop3A_1119 : vector<16xi32>
        %parallel_loop3A_1121 = arith.constant 1597463007 : i32
        %parallel_loop3A_1122 = vector.broadcast %parallel_loop3A_1121 : i32 to vector<16xi32>
        %parallel_loop3A_1123 = arith.subi %parallel_loop3A_1122, %parallel_loop3A_1120 : vector<16xi32>
        %parallel_loop3A_1124 = vector.bitcast %parallel_loop3A_1123 : vector<16xi32> to vector<16xf32>
        %parallel_loop3A_1125 = arith.constant 5.000000e-01 : f32
        %parallel_loop3A_1126 = vector.broadcast %parallel_loop3A_1125 : f32 to vector<16xf32>
        %parallel_loop3A_1127 = arith.mulf %parallel_loop3A_1116, %parallel_loop3A_1126 : vector<16xf32>
        %parallel_loop3A_1128 = arith.mulf %parallel_loop3A_1127, %parallel_loop3A_1124 : vector<16xf32>
        %parallel_loop3A_1129 = arith.mulf %parallel_loop3A_1128, %parallel_loop3A_1124 : vector<16xf32>
        %parallel_loop3A_1130 = arith.constant 1.500000e+00 : f32
        %parallel_loop3A_1131 = vector.broadcast %parallel_loop3A_1130 : f32 to vector<16xf32>
        %parallel_loop3A_1132 = arith.subf %parallel_loop3A_1131, %parallel_loop3A_1129 : vector<16xf32>
        %parallel_loop3A_1133 = arith.mulf %parallel_loop3A_1124, %parallel_loop3A_1132 : vector<16xf32>
        %parallel_loop3A_1134 = arith.mulf %parallel_loop3A_1127, %parallel_loop3A_1133 : vector<16xf32>
        %parallel_loop3A_1135 = arith.mulf %parallel_loop3A_1134, %parallel_loop3A_1133 : vector<16xf32>
        %parallel_loop3A_1136 = arith.constant 1.500000e+00 : f32
        %parallel_loop3A_1137 = vector.broadcast %parallel_loop3A_1136 : f32 to vector<16xf32>
        %parallel_loop3A_1138 = arith.subf %parallel_loop3A_1137, %parallel_loop3A_1135 : vector<16xf32>
        %parallel_loop3A_1139 = arith.mulf %parallel_loop3A_1133, %parallel_loop3A_1138 : vector<16xf32>
        %parallel_loop3A_1140 = arith.mulf %parallel_loop3A_1116, %parallel_loop3A_1139 : vector<16xf32>
        %parallel_loop3A_1141 = arith.mulf %parallel_loop3A_1112, %parallel_loop3A_1110 : vector<16xf32>
        %parallel_loop3A_1142 = arith.mulf %parallel_loop3A_1113, %parallel_loop3A_1111 : vector<16xf32>
        %parallel_loop3A_1143 = arith.addf %parallel_loop3A_1141, %parallel_loop3A_1142 : vector<16xf32>
        %parallel_loop3A_1144 = arith.mulf %parallel_loop3A_1143, %parallel_loop3A_1139 : vector<16xf32>
        %parallel_loop3A_1145 = arith.constant -9.250000e+00 : f32
        %parallel_loop3A_1146 = arith.constant 9.250000e+00 : f32
        %parallel_loop3A_1147 = vector.broadcast %parallel_loop3A_1145 : f32 to vector<16xf32>
        %parallel_loop3A_1148 = arith.maximumf %parallel_loop3A_1147, %parallel_loop3A_1144 : vector<16xf32>
        %parallel_loop3A_1149 = vector.broadcast %parallel_loop3A_1146 : f32 to vector<16xf32>
        %parallel_loop3A_1150 = arith.minimumf %parallel_loop3A_1149, %parallel_loop3A_1148 : vector<16xf32>
        %parallel_loop3A_1151 = arith.constant 0.137931034 : f32
        %parallel_loop3A_1152 = vector.broadcast %parallel_loop3A_1151 : f32 to vector<16xf32>
        %parallel_loop3A_1153 = arith.mulf %parallel_loop3A_1150, %parallel_loop3A_1152 : vector<16xf32>
        %parallel_loop3A_1154 = arith.constant 1.2758621 : f32
        %parallel_loop3A_1155 = vector.broadcast %parallel_loop3A_1154 : f32 to vector<16xf32>
        %parallel_loop3A_1156 = arith.subf %parallel_loop3A_1155, %parallel_loop3A_1153 : vector<16xf32>
        %parallel_loop3A_1157 = arith.constant 5.000000e-01 : f32
        %parallel_loop3A_1158 = vector.broadcast %parallel_loop3A_1157 : f32 to vector<16xf32>
        %parallel_loop3A_1159 = arith.mulf %parallel_loop3A_1158, %parallel_loop3A_1150 : vector<16xf32>
        %parallel_loop3A_1160 = arith.constant 4.625000e+00 : f32
        %parallel_loop3A_1161 = vector.broadcast %parallel_loop3A_1160 : f32 to vector<16xf32>
        %parallel_loop3A_1162 = arith.addf %parallel_loop3A_1159, %parallel_loop3A_1161 : vector<16xf32>
        %parallel_loop3A_1163 = arith.mulf %parallel_loop3A_1156, %parallel_loop3A_1162 : vector<16xf32>
        %parallel_loop3A_1164 = arith.mulf %parallel_loop3A_1153, %parallel_loop3A_1153 : vector<16xf32>
        %parallel_loop3A_1165 = arith.constant 0.275862068 : f32
        %parallel_loop3A_1166 = vector.broadcast %parallel_loop3A_1165 : f32 to vector<16xf32>
        %parallel_loop3A_1167 = arith.mulf %parallel_loop3A_1166, %parallel_loop3A_1140 : vector<16xf32>
        %parallel_loop3A_1168 = arith.addf %parallel_loop3A_1164, %parallel_loop3A_1167 : vector<16xf32>
        %parallel_loop3A_1169 = vector.bitcast %parallel_loop3A_1168 : vector<16xf32> to vector<16xi32>
        %parallel_loop3A_1170 = arith.constant 1 : i32
        %parallel_loop3A_1171 = vector.broadcast %parallel_loop3A_1170 : i32 to vector<16xi32>
        %parallel_loop3A_1172 = arith.shrsi %parallel_loop3A_1169, %parallel_loop3A_1171 : vector<16xi32>
        %parallel_loop3A_1173 = arith.constant 1597463007 : i32
        %parallel_loop3A_1174 = vector.broadcast %parallel_loop3A_1173 : i32 to vector<16xi32>
        %parallel_loop3A_1175 = arith.subi %parallel_loop3A_1174, %parallel_loop3A_1172 : vector<16xi32>
        %parallel_loop3A_1176 = vector.bitcast %parallel_loop3A_1175 : vector<16xi32> to vector<16xf32>
        %parallel_loop3A_1177 = arith.constant 5.000000e-01 : f32
        %parallel_loop3A_1178 = vector.broadcast %parallel_loop3A_1177 : f32 to vector<16xf32>
        %parallel_loop3A_1179 = arith.mulf %parallel_loop3A_1168, %parallel_loop3A_1178 : vector<16xf32>
        %parallel_loop3A_1180 = arith.mulf %parallel_loop3A_1179, %parallel_loop3A_1176 : vector<16xf32>
        %parallel_loop3A_1181 = arith.mulf %parallel_loop3A_1180, %parallel_loop3A_1176 : vector<16xf32>
        %parallel_loop3A_1182 = arith.constant 1.500000e+00 : f32
        %parallel_loop3A_1183 = vector.broadcast %parallel_loop3A_1182 : f32 to vector<16xf32>
        %parallel_loop3A_1184 = arith.subf %parallel_loop3A_1183, %parallel_loop3A_1181 : vector<16xf32>
        %parallel_loop3A_1185 = arith.mulf %parallel_loop3A_1176, %parallel_loop3A_1184 : vector<16xf32>
        %parallel_loop3A_1186 = arith.mulf %parallel_loop3A_1179, %parallel_loop3A_1185 : vector<16xf32>
        %parallel_loop3A_1187 = arith.mulf %parallel_loop3A_1186, %parallel_loop3A_1185 : vector<16xf32>
        %parallel_loop3A_1188 = arith.constant 1.500000e+00 : f32
        %parallel_loop3A_1189 = vector.broadcast %parallel_loop3A_1188 : f32 to vector<16xf32>
        %parallel_loop3A_1190 = arith.subf %parallel_loop3A_1189, %parallel_loop3A_1187 : vector<16xf32>
        %parallel_loop3A_1191 = arith.mulf %parallel_loop3A_1185, %parallel_loop3A_1190 : vector<16xf32>
        %parallel_loop3A_1192 = arith.mulf %parallel_loop3A_1168, %parallel_loop3A_1191 : vector<16xf32>
        %parallel_loop3A_1193 = arith.subf %parallel_loop3A_1192, %parallel_loop3A_1153 : vector<16xf32>
        %parallel_loop3A_1194 = arith.cmpf ogt, %parallel_loop3A_1163, %parallel_loop3A_1140 : vector<16xf32>
        %parallel_loop3A_1195 = arith.select %parallel_loop3A_1194, %parallel_loop3A_1193, %parallel_loop3A_1156 : vector<16xi1>, vector<16xf32>
        %parallel_loop3A_1196 = arith.minimumf %parallel_loop3A_1163, %parallel_loop3A_1140 : vector<16xf32>
        %parallel_loop3A_1197 = arith.constant 0.000000e+00 : f32
        %parallel_loop3A_1198 = vector.broadcast %parallel_loop3A_1197 : f32 to vector<16xf32>
        %parallel_loop3A_1199 = arith.maximumf %parallel_loop3A_1196, %parallel_loop3A_1198 : vector<16xf32>
        %parallel_loop3A_1200 = arith.subf %parallel_loop3A_1140, %parallel_loop3A_1199 : vector<16xf32>
        %parallel_loop3A_1201 = arith.constant 0.108108111 : f32
        %parallel_loop3A_1202 = vector.broadcast %parallel_loop3A_1201 : f32 to vector<16xf32>
        %parallel_loop3A_1203 = arith.mulf %parallel_loop3A_1200, %parallel_loop3A_1202 : vector<16xf32>
        %parallel_loop3A_1204 = arith.addf %parallel_loop3A_1195, %parallel_loop3A_1203 : vector<16xf32>
        %parallel_loop3A_1205 = arith.constant 16 : i32
        %parallel_loop3A_1206 = arith.addi %parallel_loop3A_995, %parallel_loop3A_1205 : i32
        %parallel_loop3A_1207 = arith.index_cast %parallel_loop3A_1206 : i32 to index
        %parallel_loop3A_1208 = tpu.vector_load %arg9[%parallel_loop3A_1207] {strides = array<i32>} : memref<29040xf32, #tpu.memory_space<vmem>>, vector<16xf32>,
        tpu.vector_store %arg9[%parallel_loop3A_1207], %parallel_loop3A_1204 {strides = array<i32>} : memref<29040xf32, #tpu.memory_space<vmem>>, vector<16xf32>,
        %parallel_loop3A_1209 = vector.broadcast %parallel_loop3A_998 : i32 to vector<16xi32>
        %parallel_loop3A_1210 = arith.addi %select_n3A_160, %parallel_loop3A_1209 : vector<16xi32>
        %parallel_loop3A_1211 = tpu.vector_load_idx %arg7[%parallel_loop3A_1210] : memref<6608xf32, #tpu.memory_space<vmem>>[vector<16xi32>], vector<16xf32>,
        %parallel_loop3A_1212 = tpu.vector_load_idx %arg8[%parallel_loop3A_1210] : memref<6608xf32, #tpu.memory_space<vmem>>[vector<16xi32>], vector<16xf32>,
        %parallel_loop3A_1213 = tpu.vector_load_idx %arg6[%add3A_678] : memref<512xf32, #tpu.memory_space<vmem>>[vector<16xi32>], vector<16xf32>,
        %parallel_loop3A_1214 = tpu.vector_load_idx %arg6[%add3A_703] : memref<512xf32, #tpu.memory_space<vmem>>[vector<16xi32>], vector<16xf32>,
        %parallel_loop3A_1215 = tpu.vector_load_idx %arg6[%add3A_736] : memref<512xf32, #tpu.memory_space<vmem>>[vector<16xi32>], vector<16xf32>,
        %parallel_loop3A_1216 = tpu.vector_load_idx %arg6[%add3A_769] : memref<512xf32, #tpu.memory_space<vmem>>[vector<16xi32>], vector<16xf32>,
        %parallel_loop3A_1217 = arith.subf %parallel_loop3A_1211, %parallel_loop3A_1213 : vector<16xf32>
        %parallel_loop3A_1218 = arith.subf %parallel_loop3A_1212, %parallel_loop3A_1214 : vector<16xf32>
        %parallel_loop3A_1219 = arith.mulf %parallel_loop3A_1217, %parallel_loop3A_1217 : vector<16xf32>
        %parallel_loop3A_1220 = arith.mulf %parallel_loop3A_1218, %parallel_loop3A_1218 : vector<16xf32>
        %parallel_loop3A_1221 = arith.addf %parallel_loop3A_1219, %parallel_loop3A_1220 : vector<16xf32>
        %parallel_loop3A_1222 = vector.bitcast %parallel_loop3A_1221 : vector<16xf32> to vector<16xi32>
        %parallel_loop3A_1223 = arith.constant 1 : i32
        %parallel_loop3A_1224 = vector.broadcast %parallel_loop3A_1223 : i32 to vector<16xi32>
        %parallel_loop3A_1225 = arith.shrsi %parallel_loop3A_1222, %parallel_loop3A_1224 : vector<16xi32>
        %parallel_loop3A_1226 = arith.constant 1597463007 : i32
        %parallel_loop3A_1227 = vector.broadcast %parallel_loop3A_1226 : i32 to vector<16xi32>
        %parallel_loop3A_1228 = arith.subi %parallel_loop3A_1227, %parallel_loop3A_1225 : vector<16xi32>
        %parallel_loop3A_1229 = vector.bitcast %parallel_loop3A_1228 : vector<16xi32> to vector<16xf32>
        %parallel_loop3A_1230 = arith.constant 5.000000e-01 : f32
        %parallel_loop3A_1231 = vector.broadcast %parallel_loop3A_1230 : f32 to vector<16xf32>
        %parallel_loop3A_1232 = arith.mulf %parallel_loop3A_1221, %parallel_loop3A_1231 : vector<16xf32>
        %parallel_loop3A_1233 = arith.mulf %parallel_loop3A_1232, %parallel_loop3A_1229 : vector<16xf32>
        %parallel_loop3A_1234 = arith.mulf %parallel_loop3A_1233, %parallel_loop3A_1229 : vector<16xf32>
        %parallel_loop3A_1235 = arith.constant 1.500000e+00 : f32
        %parallel_loop3A_1236 = vector.broadcast %parallel_loop3A_1235 : f32 to vector<16xf32>
        %parallel_loop3A_1237 = arith.subf %parallel_loop3A_1236, %parallel_loop3A_1234 : vector<16xf32>
        %parallel_loop3A_1238 = arith.mulf %parallel_loop3A_1229, %parallel_loop3A_1237 : vector<16xf32>
        %parallel_loop3A_1239 = arith.mulf %parallel_loop3A_1232, %parallel_loop3A_1238 : vector<16xf32>
        %parallel_loop3A_1240 = arith.mulf %parallel_loop3A_1239, %parallel_loop3A_1238 : vector<16xf32>
        %parallel_loop3A_1241 = arith.constant 1.500000e+00 : f32
        %parallel_loop3A_1242 = vector.broadcast %parallel_loop3A_1241 : f32 to vector<16xf32>
        %parallel_loop3A_1243 = arith.subf %parallel_loop3A_1242, %parallel_loop3A_1240 : vector<16xf32>
        %parallel_loop3A_1244 = arith.mulf %parallel_loop3A_1238, %parallel_loop3A_1243 : vector<16xf32>
        %parallel_loop3A_1245 = arith.mulf %parallel_loop3A_1221, %parallel_loop3A_1244 : vector<16xf32>
        %parallel_loop3A_1246 = arith.mulf %parallel_loop3A_1217, %parallel_loop3A_1215 : vector<16xf32>
        %parallel_loop3A_1247 = arith.mulf %parallel_loop3A_1218, %parallel_loop3A_1216 : vector<16xf32>
        %parallel_loop3A_1248 = arith.addf %parallel_loop3A_1246, %parallel_loop3A_1247 : vector<16xf32>
        %parallel_loop3A_1249 = arith.mulf %parallel_loop3A_1248, %parallel_loop3A_1244 : vector<16xf32>
        %parallel_loop3A_1250 = arith.constant -9.250000e+00 : f32
        %parallel_loop3A_1251 = arith.constant 9.250000e+00 : f32
        %parallel_loop3A_1252 = vector.broadcast %parallel_loop3A_1250 : f32 to vector<16xf32>
        %parallel_loop3A_1253 = arith.maximumf %parallel_loop3A_1252, %parallel_loop3A_1249 : vector<16xf32>
        %parallel_loop3A_1254 = vector.broadcast %parallel_loop3A_1251 : f32 to vector<16xf32>
        %parallel_loop3A_1255 = arith.minimumf %parallel_loop3A_1254, %parallel_loop3A_1253 : vector<16xf32>
        %parallel_loop3A_1256 = arith.constant 0.137931034 : f32
        %parallel_loop3A_1257 = vector.broadcast %parallel_loop3A_1256 : f32 to vector<16xf32>
        %parallel_loop3A_1258 = arith.mulf %parallel_loop3A_1255, %parallel_loop3A_1257 : vector<16xf32>
        %parallel_loop3A_1259 = arith.constant 1.2758621 : f32
        %parallel_loop3A_1260 = vector.broadcast %parallel_loop3A_1259 : f32 to vector<16xf32>
        %parallel_loop3A_1261 = arith.subf %parallel_loop3A_1260, %parallel_loop3A_1258 : vector<16xf32>
        %parallel_loop3A_1262 = arith.constant 5.000000e-01 : f32
        %parallel_loop3A_1263 = vector.broadcast %parallel_loop3A_1262 : f32 to vector<16xf32>
        %parallel_loop3A_1264 = arith.mulf %parallel_loop3A_1263, %parallel_loop3A_1255 : vector<16xf32>
        %parallel_loop3A_1265 = arith.constant 4.625000e+00 : f32
        %parallel_loop3A_1266 = vector.broadcast %parallel_loop3A_1265 : f32 to vector<16xf32>
        %parallel_loop3A_1267 = arith.addf %parallel_loop3A_1264, %parallel_loop3A_1266 : vector<16xf32>
        %parallel_loop3A_1268 = arith.mulf %parallel_loop3A_1261, %parallel_loop3A_1267 : vector<16xf32>
        %parallel_loop3A_1269 = arith.mulf %parallel_loop3A_1258, %parallel_loop3A_1258 : vector<16xf32>
        %parallel_loop3A_1270 = arith.constant 0.275862068 : f32
        %parallel_loop3A_1271 = vector.broadcast %parallel_loop3A_1270 : f32 to vector<16xf32>
        %parallel_loop3A_1272 = arith.mulf %parallel_loop3A_1271, %parallel_loop3A_1245 : vector<16xf32>
        %parallel_loop3A_1273 = arith.addf %parallel_loop3A_1269, %parallel_loop3A_1272 : vector<16xf32>
        %parallel_loop3A_1274 = vector.bitcast %parallel_loop3A_1273 : vector<16xf32> to vector<16xi32>
        %parallel_loop3A_1275 = arith.constant 1 : i32
        %parallel_loop3A_1276 = vector.broadcast %parallel_loop3A_1275 : i32 to vector<16xi32>
        %parallel_loop3A_1277 = arith.shrsi %parallel_loop3A_1274, %parallel_loop3A_1276 : vector<16xi32>
        %parallel_loop3A_1278 = arith.constant 1597463007 : i32
        %parallel_loop3A_1279 = vector.broadcast %parallel_loop3A_1278 : i32 to vector<16xi32>
        %parallel_loop3A_1280 = arith.subi %parallel_loop3A_1279, %parallel_loop3A_1277 : vector<16xi32>
        %parallel_loop3A_1281 = vector.bitcast %parallel_loop3A_1280 : vector<16xi32> to vector<16xf32>
        %parallel_loop3A_1282 = arith.constant 5.000000e-01 : f32
        %parallel_loop3A_1283 = vector.broadcast %parallel_loop3A_1282 : f32 to vector<16xf32>
        %parallel_loop3A_1284 = arith.mulf %parallel_loop3A_1273, %parallel_loop3A_1283 : vector<16xf32>
        %parallel_loop3A_1285 = arith.mulf %parallel_loop3A_1284, %parallel_loop3A_1281 : vector<16xf32>
        %parallel_loop3A_1286 = arith.mulf %parallel_loop3A_1285, %parallel_loop3A_1281 : vector<16xf32>
        %parallel_loop3A_1287 = arith.constant 1.500000e+00 : f32
        %parallel_loop3A_1288 = vector.broadcast %parallel_loop3A_1287 : f32 to vector<16xf32>
        %parallel_loop3A_1289 = arith.subf %parallel_loop3A_1288, %parallel_loop3A_1286 : vector<16xf32>
        %parallel_loop3A_1290 = arith.mulf %parallel_loop3A_1281, %parallel_loop3A_1289 : vector<16xf32>
        %parallel_loop3A_1291 = arith.mulf %parallel_loop3A_1284, %parallel_loop3A_1290 : vector<16xf32>
        %parallel_loop3A_1292 = arith.mulf %parallel_loop3A_1291, %parallel_loop3A_1290 : vector<16xf32>
        %parallel_loop3A_1293 = arith.constant 1.500000e+00 : f32
        %parallel_loop3A_1294 = vector.broadcast %parallel_loop3A_1293 : f32 to vector<16xf32>
        %parallel_loop3A_1295 = arith.subf %parallel_loop3A_1294, %parallel_loop3A_1292 : vector<16xf32>
        %parallel_loop3A_1296 = arith.mulf %parallel_loop3A_1290, %parallel_loop3A_1295 : vector<16xf32>
        %parallel_loop3A_1297 = arith.mulf %parallel_loop3A_1273, %parallel_loop3A_1296 : vector<16xf32>
        %parallel_loop3A_1298 = arith.subf %parallel_loop3A_1297, %parallel_loop3A_1258 : vector<16xf32>
        %parallel_loop3A_1299 = arith.cmpf ogt, %parallel_loop3A_1268, %parallel_loop3A_1245 : vector<16xf32>
        %parallel_loop3A_1300 = arith.select %parallel_loop3A_1299, %parallel_loop3A_1298, %parallel_loop3A_1261 : vector<16xi1>, vector<16xf32>
        %parallel_loop3A_1301 = arith.minimumf %parallel_loop3A_1268, %parallel_loop3A_1245 : vector<16xf32>
        %parallel_loop3A_1302 = arith.constant 0.000000e+00 : f32
        %parallel_loop3A_1303 = vector.broadcast %parallel_loop3A_1302 : f32 to vector<16xf32>
        %parallel_loop3A_1304 = arith.maximumf %parallel_loop3A_1301, %parallel_loop3A_1303 : vector<16xf32>
        %parallel_loop3A_1305 = arith.subf %parallel_loop3A_1245, %parallel_loop3A_1304 : vector<16xf32>
        %parallel_loop3A_1306 = arith.constant 0.108108111 : f32
        %parallel_loop3A_1307 = vector.broadcast %parallel_loop3A_1306 : f32 to vector<16xf32>
        %parallel_loop3A_1308 = arith.mulf %parallel_loop3A_1305, %parallel_loop3A_1307 : vector<16xf32>
        %parallel_loop3A_1309 = arith.addf %parallel_loop3A_1300, %parallel_loop3A_1308 : vector<16xf32>
        %parallel_loop3A_1310 = arith.constant 32 : i32
        %parallel_loop3A_1311 = arith.addi %parallel_loop3A_995, %parallel_loop3A_1310 : i32
        %parallel_loop3A_1312 = arith.index_cast %parallel_loop3A_1311 : i32 to index
        %parallel_loop3A_1313 = tpu.vector_load %arg9[%parallel_loop3A_1312] {strides = array<i32>} : memref<29040xf32, #tpu.memory_space<vmem>>, vector<16xf32>,
        tpu.vector_store %arg9[%parallel_loop3A_1312], %parallel_loop3A_1309 {strides = array<i32>} : memref<29040xf32, #tpu.memory_space<vmem>>, vector<16xf32>,
        %parallel_loop3A_1314 = vector.broadcast %parallel_loop3A_998 : i32 to vector<16xi32>
        %parallel_loop3A_1315 = arith.addi %select_n3A_216, %parallel_loop3A_1314 : vector<16xi32>
        %parallel_loop3A_1316 = tpu.vector_load_idx %arg7[%parallel_loop3A_1315] : memref<6608xf32, #tpu.memory_space<vmem>>[vector<16xi32>], vector<16xf32>,
        %parallel_loop3A_1317 = tpu.vector_load_idx %arg8[%parallel_loop3A_1315] : memref<6608xf32, #tpu.memory_space<vmem>>[vector<16xi32>], vector<16xf32>,
        %parallel_loop3A_1318 = tpu.vector_load_idx %arg6[%add3A_680] : memref<512xf32, #tpu.memory_space<vmem>>[vector<16xi32>], vector<16xf32>,
        %parallel_loop3A_1319 = tpu.vector_load_idx %arg6[%add3A_706] : memref<512xf32, #tpu.memory_space<vmem>>[vector<16xi32>], vector<16xf32>,
        %parallel_loop3A_1320 = tpu.vector_load_idx %arg6[%add3A_739] : memref<512xf32, #tpu.memory_space<vmem>>[vector<16xi32>], vector<16xf32>,
        %parallel_loop3A_1321 = tpu.vector_load_idx %arg6[%add3A_772] : memref<512xf32, #tpu.memory_space<vmem>>[vector<16xi32>], vector<16xf32>,
        %parallel_loop3A_1322 = arith.subf %parallel_loop3A_1316, %parallel_loop3A_1318 : vector<16xf32>
        %parallel_loop3A_1323 = arith.subf %parallel_loop3A_1317, %parallel_loop3A_1319 : vector<16xf32>
        %parallel_loop3A_1324 = arith.mulf %parallel_loop3A_1322, %parallel_loop3A_1322 : vector<16xf32>
        %parallel_loop3A_1325 = arith.mulf %parallel_loop3A_1323, %parallel_loop3A_1323 : vector<16xf32>
        %parallel_loop3A_1326 = arith.addf %parallel_loop3A_1324, %parallel_loop3A_1325 : vector<16xf32>
        %parallel_loop3A_1327 = vector.bitcast %parallel_loop3A_1326 : vector<16xf32> to vector<16xi32>
        %parallel_loop3A_1328 = arith.constant 1 : i32
        %parallel_loop3A_1329 = vector.broadcast %parallel_loop3A_1328 : i32 to vector<16xi32>
        %parallel_loop3A_1330 = arith.shrsi %parallel_loop3A_1327, %parallel_loop3A_1329 : vector<16xi32>
        %parallel_loop3A_1331 = arith.constant 1597463007 : i32
        %parallel_loop3A_1332 = vector.broadcast %parallel_loop3A_1331 : i32 to vector<16xi32>
        %parallel_loop3A_1333 = arith.subi %parallel_loop3A_1332, %parallel_loop3A_1330 : vector<16xi32>
        %parallel_loop3A_1334 = vector.bitcast %parallel_loop3A_1333 : vector<16xi32> to vector<16xf32>
        %parallel_loop3A_1335 = arith.constant 5.000000e-01 : f32
        %parallel_loop3A_1336 = vector.broadcast %parallel_loop3A_1335 : f32 to vector<16xf32>
        %parallel_loop3A_1337 = arith.mulf %parallel_loop3A_1326, %parallel_loop3A_1336 : vector<16xf32>
        %parallel_loop3A_1338 = arith.mulf %parallel_loop3A_1337, %parallel_loop3A_1334 : vector<16xf32>
        %parallel_loop3A_1339 = arith.mulf %parallel_loop3A_1338, %parallel_loop3A_1334 : vector<16xf32>
        %parallel_loop3A_1340 = arith.constant 1.500000e+00 : f32
        %parallel_loop3A_1341 = vector.broadcast %parallel_loop3A_1340 : f32 to vector<16xf32>
        %parallel_loop3A_1342 = arith.subf %parallel_loop3A_1341, %parallel_loop3A_1339 : vector<16xf32>
        %parallel_loop3A_1343 = arith.mulf %parallel_loop3A_1334, %parallel_loop3A_1342 : vector<16xf32>
        %parallel_loop3A_1344 = arith.mulf %parallel_loop3A_1337, %parallel_loop3A_1343 : vector<16xf32>
        %parallel_loop3A_1345 = arith.mulf %parallel_loop3A_1344, %parallel_loop3A_1343 : vector<16xf32>
        %parallel_loop3A_1346 = arith.constant 1.500000e+00 : f32
        %parallel_loop3A_1347 = vector.broadcast %parallel_loop3A_1346 : f32 to vector<16xf32>
        %parallel_loop3A_1348 = arith.subf %parallel_loop3A_1347, %parallel_loop3A_1345 : vector<16xf32>
        %parallel_loop3A_1349 = arith.mulf %parallel_loop3A_1343, %parallel_loop3A_1348 : vector<16xf32>
        %parallel_loop3A_1350 = arith.mulf %parallel_loop3A_1326, %parallel_loop3A_1349 : vector<16xf32>
        %parallel_loop3A_1351 = arith.mulf %parallel_loop3A_1322, %parallel_loop3A_1320 : vector<16xf32>
        %parallel_loop3A_1352 = arith.mulf %parallel_loop3A_1323, %parallel_loop3A_1321 : vector<16xf32>
        %parallel_loop3A_1353 = arith.addf %parallel_loop3A_1351, %parallel_loop3A_1352 : vector<16xf32>
        %parallel_loop3A_1354 = arith.mulf %parallel_loop3A_1353, %parallel_loop3A_1349 : vector<16xf32>
        %parallel_loop3A_1355 = arith.constant -9.250000e+00 : f32
        %parallel_loop3A_1356 = arith.constant 9.250000e+00 : f32
        %parallel_loop3A_1357 = vector.broadcast %parallel_loop3A_1355 : f32 to vector<16xf32>
        %parallel_loop3A_1358 = arith.maximumf %parallel_loop3A_1357, %parallel_loop3A_1354 : vector<16xf32>
        %parallel_loop3A_1359 = vector.broadcast %parallel_loop3A_1356 : f32 to vector<16xf32>
        %parallel_loop3A_1360 = arith.minimumf %parallel_loop3A_1359, %parallel_loop3A_1358 : vector<16xf32>
        %parallel_loop3A_1361 = arith.constant 0.137931034 : f32
        %parallel_loop3A_1362 = vector.broadcast %parallel_loop3A_1361 : f32 to vector<16xf32>
        %parallel_loop3A_1363 = arith.mulf %parallel_loop3A_1360, %parallel_loop3A_1362 : vector<16xf32>
        %parallel_loop3A_1364 = arith.constant 1.2758621 : f32
        %parallel_loop3A_1365 = vector.broadcast %parallel_loop3A_1364 : f32 to vector<16xf32>
        %parallel_loop3A_1366 = arith.subf %parallel_loop3A_1365, %parallel_loop3A_1363 : vector<16xf32>
        %parallel_loop3A_1367 = arith.constant 5.000000e-01 : f32
        %parallel_loop3A_1368 = vector.broadcast %parallel_loop3A_1367 : f32 to vector<16xf32>
        %parallel_loop3A_1369 = arith.mulf %parallel_loop3A_1368, %parallel_loop3A_1360 : vector<16xf32>
        %parallel_loop3A_1370 = arith.constant 4.625000e+00 : f32
        %parallel_loop3A_1371 = vector.broadcast %parallel_loop3A_1370 : f32 to vector<16xf32>
        %parallel_loop3A_1372 = arith.addf %parallel_loop3A_1369, %parallel_loop3A_1371 : vector<16xf32>
        %parallel_loop3A_1373 = arith.mulf %parallel_loop3A_1366, %parallel_loop3A_1372 : vector<16xf32>
        %parallel_loop3A_1374 = arith.mulf %parallel_loop3A_1363, %parallel_loop3A_1363 : vector<16xf32>
        %parallel_loop3A_1375 = arith.constant 0.275862068 : f32
        %parallel_loop3A_1376 = vector.broadcast %parallel_loop3A_1375 : f32 to vector<16xf32>
        %parallel_loop3A_1377 = arith.mulf %parallel_loop3A_1376, %parallel_loop3A_1350 : vector<16xf32>
        %parallel_loop3A_1378 = arith.addf %parallel_loop3A_1374, %parallel_loop3A_1377 : vector<16xf32>
        %parallel_loop3A_1379 = vector.bitcast %parallel_loop3A_1378 : vector<16xf32> to vector<16xi32>
        %parallel_loop3A_1380 = arith.constant 1 : i32
        %parallel_loop3A_1381 = vector.broadcast %parallel_loop3A_1380 : i32 to vector<16xi32>
        %parallel_loop3A_1382 = arith.shrsi %parallel_loop3A_1379, %parallel_loop3A_1381 : vector<16xi32>
        %parallel_loop3A_1383 = arith.constant 1597463007 : i32
        %parallel_loop3A_1384 = vector.broadcast %parallel_loop3A_1383 : i32 to vector<16xi32>
        %parallel_loop3A_1385 = arith.subi %parallel_loop3A_1384, %parallel_loop3A_1382 : vector<16xi32>
        %parallel_loop3A_1386 = vector.bitcast %parallel_loop3A_1385 : vector<16xi32> to vector<16xf32>
        %parallel_loop3A_1387 = arith.constant 5.000000e-01 : f32
        %parallel_loop3A_1388 = vector.broadcast %parallel_loop3A_1387 : f32 to vector<16xf32>
        %parallel_loop3A_1389 = arith.mulf %parallel_loop3A_1378, %parallel_loop3A_1388 : vector<16xf32>
        %parallel_loop3A_1390 = arith.mulf %parallel_loop3A_1389, %parallel_loop3A_1386 : vector<16xf32>
        %parallel_loop3A_1391 = arith.mulf %parallel_loop3A_1390, %parallel_loop3A_1386 : vector<16xf32>
        %parallel_loop3A_1392 = arith.constant 1.500000e+00 : f32
        %parallel_loop3A_1393 = vector.broadcast %parallel_loop3A_1392 : f32 to vector<16xf32>
        %parallel_loop3A_1394 = arith.subf %parallel_loop3A_1393, %parallel_loop3A_1391 : vector<16xf32>
        %parallel_loop3A_1395 = arith.mulf %parallel_loop3A_1386, %parallel_loop3A_1394 : vector<16xf32>
        %parallel_loop3A_1396 = arith.mulf %parallel_loop3A_1389, %parallel_loop3A_1395 : vector<16xf32>
        %parallel_loop3A_1397 = arith.mulf %parallel_loop3A_1396, %parallel_loop3A_1395 : vector<16xf32>
        %parallel_loop3A_1398 = arith.constant 1.500000e+00 : f32
        %parallel_loop3A_1399 = vector.broadcast %parallel_loop3A_1398 : f32 to vector<16xf32>
        %parallel_loop3A_1400 = arith.subf %parallel_loop3A_1399, %parallel_loop3A_1397 : vector<16xf32>
        %parallel_loop3A_1401 = arith.mulf %parallel_loop3A_1395, %parallel_loop3A_1400 : vector<16xf32>
        %parallel_loop3A_1402 = arith.mulf %parallel_loop3A_1378, %parallel_loop3A_1401 : vector<16xf32>
        %parallel_loop3A_1403 = arith.subf %parallel_loop3A_1402, %parallel_loop3A_1363 : vector<16xf32>
        %parallel_loop3A_1404 = arith.cmpf ogt, %parallel_loop3A_1373, %parallel_loop3A_1350 : vector<16xf32>
        %parallel_loop3A_1405 = arith.select %parallel_loop3A_1404, %parallel_loop3A_1403, %parallel_loop3A_1366 : vector<16xi1>, vector<16xf32>
        %parallel_loop3A_1406 = arith.minimumf %parallel_loop3A_1373, %parallel_loop3A_1350 : vector<16xf32>
        %parallel_loop3A_1407 = arith.constant 0.000000e+00 : f32
        %parallel_loop3A_1408 = vector.broadcast %parallel_loop3A_1407 : f32 to vector<16xf32>
        %parallel_loop3A_1409 = arith.maximumf %parallel_loop3A_1406, %parallel_loop3A_1408 : vector<16xf32>
        %parallel_loop3A_1410 = arith.subf %parallel_loop3A_1350, %parallel_loop3A_1409 : vector<16xf32>
        %parallel_loop3A_1411 = arith.constant 0.108108111 : f32
        %parallel_loop3A_1412 = vector.broadcast %parallel_loop3A_1411 : f32 to vector<16xf32>
        %parallel_loop3A_1413 = arith.mulf %parallel_loop3A_1410, %parallel_loop3A_1412 : vector<16xf32>
        %parallel_loop3A_1414 = arith.addf %parallel_loop3A_1405, %parallel_loop3A_1413 : vector<16xf32>
        %parallel_loop3A_1415 = arith.constant 48 : i32
        %parallel_loop3A_1416 = arith.addi %parallel_loop3A_995, %parallel_loop3A_1415 : i32
        %parallel_loop3A_1417 = arith.index_cast %parallel_loop3A_1416 : i32 to index
        %parallel_loop3A_1418 = tpu.vector_load %arg9[%parallel_loop3A_1417] {strides = array<i32>} : memref<29040xf32, #tpu.memory_space<vmem>>, vector<16xf32>,
        tpu.vector_store %arg9[%parallel_loop3A_1417], %parallel_loop3A_1414 {strides = array<i32>} : memref<29040xf32, #tpu.memory_space<vmem>>, vector<16xf32>,
        %parallel_loop3A_1419 = vector.broadcast %parallel_loop3A_998 : i32 to vector<16xi32>
        %parallel_loop3A_1420 = arith.addi %select_n3A_272, %parallel_loop3A_1419 : vector<16xi32>
        %parallel_loop3A_1421 = tpu.vector_load_idx %arg7[%parallel_loop3A_1420] : memref<6608xf32, #tpu.memory_space<vmem>>[vector<16xi32>], vector<16xf32>,
        %parallel_loop3A_1422 = tpu.vector_load_idx %arg8[%parallel_loop3A_1420] : memref<6608xf32, #tpu.memory_space<vmem>>[vector<16xi32>], vector<16xf32>,
        %parallel_loop3A_1423 = tpu.vector_load_idx %arg6[%add3A_682] : memref<512xf32, #tpu.memory_space<vmem>>[vector<16xi32>], vector<16xf32>,
        %parallel_loop3A_1424 = tpu.vector_load_idx %arg6[%add3A_709] : memref<512xf32, #tpu.memory_space<vmem>>[vector<16xi32>], vector<16xf32>,
        %parallel_loop3A_1425 = tpu.vector_load_idx %arg6[%add3A_742] : memref<512xf32, #tpu.memory_space<vmem>>[vector<16xi32>], vector<16xf32>,
        %parallel_loop3A_1426 = tpu.vector_load_idx %arg6[%add3A_775] : memref<512xf32, #tpu.memory_space<vmem>>[vector<16xi32>], vector<16xf32>,
        %parallel_loop3A_1427 = arith.subf %parallel_loop3A_1421, %parallel_loop3A_1423 : vector<16xf32>
        %parallel_loop3A_1428 = arith.subf %parallel_loop3A_1422, %parallel_loop3A_1424 : vector<16xf32>
        %parallel_loop3A_1429 = arith.mulf %parallel_loop3A_1427, %parallel_loop3A_1427 : vector<16xf32>
        %parallel_loop3A_1430 = arith.mulf %parallel_loop3A_1428, %parallel_loop3A_1428 : vector<16xf32>
        %parallel_loop3A_1431 = arith.addf %parallel_loop3A_1429, %parallel_loop3A_1430 : vector<16xf32>
        %parallel_loop3A_1432 = vector.bitcast %parallel_loop3A_1431 : vector<16xf32> to vector<16xi32>
        %parallel_loop3A_1433 = arith.constant 1 : i32
        %parallel_loop3A_1434 = vector.broadcast %parallel_loop3A_1433 : i32 to vector<16xi32>
        %parallel_loop3A_1435 = arith.shrsi %parallel_loop3A_1432, %parallel_loop3A_1434 : vector<16xi32>
        %parallel_loop3A_1436 = arith.constant 1597463007 : i32
        %parallel_loop3A_1437 = vector.broadcast %parallel_loop3A_1436 : i32 to vector<16xi32>
        %parallel_loop3A_1438 = arith.subi %parallel_loop3A_1437, %parallel_loop3A_1435 : vector<16xi32>
        %parallel_loop3A_1439 = vector.bitcast %parallel_loop3A_1438 : vector<16xi32> to vector<16xf32>
        %parallel_loop3A_1440 = arith.constant 5.000000e-01 : f32
        %parallel_loop3A_1441 = vector.broadcast %parallel_loop3A_1440 : f32 to vector<16xf32>
        %parallel_loop3A_1442 = arith.mulf %parallel_loop3A_1431, %parallel_loop3A_1441 : vector<16xf32>
        %parallel_loop3A_1443 = arith.mulf %parallel_loop3A_1442, %parallel_loop3A_1439 : vector<16xf32>
        %parallel_loop3A_1444 = arith.mulf %parallel_loop3A_1443, %parallel_loop3A_1439 : vector<16xf32>
        %parallel_loop3A_1445 = arith.constant 1.500000e+00 : f32
        %parallel_loop3A_1446 = vector.broadcast %parallel_loop3A_1445 : f32 to vector<16xf32>
        %parallel_loop3A_1447 = arith.subf %parallel_loop3A_1446, %parallel_loop3A_1444 : vector<16xf32>
        %parallel_loop3A_1448 = arith.mulf %parallel_loop3A_1439, %parallel_loop3A_1447 : vector<16xf32>
        %parallel_loop3A_1449 = arith.mulf %parallel_loop3A_1442, %parallel_loop3A_1448 : vector<16xf32>
        %parallel_loop3A_1450 = arith.mulf %parallel_loop3A_1449, %parallel_loop3A_1448 : vector<16xf32>
        %parallel_loop3A_1451 = arith.constant 1.500000e+00 : f32
        %parallel_loop3A_1452 = vector.broadcast %parallel_loop3A_1451 : f32 to vector<16xf32>
        %parallel_loop3A_1453 = arith.subf %parallel_loop3A_1452, %parallel_loop3A_1450 : vector<16xf32>
        %parallel_loop3A_1454 = arith.mulf %parallel_loop3A_1448, %parallel_loop3A_1453 : vector<16xf32>
        %parallel_loop3A_1455 = arith.mulf %parallel_loop3A_1431, %parallel_loop3A_1454 : vector<16xf32>
        %parallel_loop3A_1456 = arith.mulf %parallel_loop3A_1427, %parallel_loop3A_1425 : vector<16xf32>
        %parallel_loop3A_1457 = arith.mulf %parallel_loop3A_1428, %parallel_loop3A_1426 : vector<16xf32>
        %parallel_loop3A_1458 = arith.addf %parallel_loop3A_1456, %parallel_loop3A_1457 : vector<16xf32>
        %parallel_loop3A_1459 = arith.mulf %parallel_loop3A_1458, %parallel_loop3A_1454 : vector<16xf32>
        %parallel_loop3A_1460 = arith.constant -9.250000e+00 : f32
        %parallel_loop3A_1461 = arith.constant 9.250000e+00 : f32
        %parallel_loop3A_1462 = vector.broadcast %parallel_loop3A_1460 : f32 to vector<16xf32>
        %parallel_loop3A_1463 = arith.maximumf %parallel_loop3A_1462, %parallel_loop3A_1459 : vector<16xf32>
        %parallel_loop3A_1464 = vector.broadcast %parallel_loop3A_1461 : f32 to vector<16xf32>
        %parallel_loop3A_1465 = arith.minimumf %parallel_loop3A_1464, %parallel_loop3A_1463 : vector<16xf32>
        %parallel_loop3A_1466 = arith.constant 0.137931034 : f32
        %parallel_loop3A_1467 = vector.broadcast %parallel_loop3A_1466 : f32 to vector<16xf32>
        %parallel_loop3A_1468 = arith.mulf %parallel_loop3A_1465, %parallel_loop3A_1467 : vector<16xf32>
        %parallel_loop3A_1469 = arith.constant 1.2758621 : f32
        %parallel_loop3A_1470 = vector.broadcast %parallel_loop3A_1469 : f32 to vector<16xf32>
        %parallel_loop3A_1471 = arith.subf %parallel_loop3A_1470, %parallel_loop3A_1468 : vector<16xf32>
        %parallel_loop3A_1472 = arith.constant 5.000000e-01 : f32
        %parallel_loop3A_1473 = vector.broadcast %parallel_loop3A_1472 : f32 to vector<16xf32>
        %parallel_loop3A_1474 = arith.mulf %parallel_loop3A_1473, %parallel_loop3A_1465 : vector<16xf32>
        %parallel_loop3A_1475 = arith.constant 4.625000e+00 : f32
        %parallel_loop3A_1476 = vector.broadcast %parallel_loop3A_1475 : f32 to vector<16xf32>
        %parallel_loop3A_1477 = arith.addf %parallel_loop3A_1474, %parallel_loop3A_1476 : vector<16xf32>
        %parallel_loop3A_1478 = arith.mulf %parallel_loop3A_1471, %parallel_loop3A_1477 : vector<16xf32>
        %parallel_loop3A_1479 = arith.mulf %parallel_loop3A_1468, %parallel_loop3A_1468 : vector<16xf32>
        %parallel_loop3A_1480 = arith.constant 0.275862068 : f32
        %parallel_loop3A_1481 = vector.broadcast %parallel_loop3A_1480 : f32 to vector<16xf32>
        %parallel_loop3A_1482 = arith.mulf %parallel_loop3A_1481, %parallel_loop3A_1455 : vector<16xf32>
        %parallel_loop3A_1483 = arith.addf %parallel_loop3A_1479, %parallel_loop3A_1482 : vector<16xf32>
        %parallel_loop3A_1484 = vector.bitcast %parallel_loop3A_1483 : vector<16xf32> to vector<16xi32>
        %parallel_loop3A_1485 = arith.constant 1 : i32
        %parallel_loop3A_1486 = vector.broadcast %parallel_loop3A_1485 : i32 to vector<16xi32>
        %parallel_loop3A_1487 = arith.shrsi %parallel_loop3A_1484, %parallel_loop3A_1486 : vector<16xi32>
        %parallel_loop3A_1488 = arith.constant 1597463007 : i32
        %parallel_loop3A_1489 = vector.broadcast %parallel_loop3A_1488 : i32 to vector<16xi32>
        %parallel_loop3A_1490 = arith.subi %parallel_loop3A_1489, %parallel_loop3A_1487 : vector<16xi32>
        %parallel_loop3A_1491 = vector.bitcast %parallel_loop3A_1490 : vector<16xi32> to vector<16xf32>
        %parallel_loop3A_1492 = arith.constant 5.000000e-01 : f32
        %parallel_loop3A_1493 = vector.broadcast %parallel_loop3A_1492 : f32 to vector<16xf32>
        %parallel_loop3A_1494 = arith.mulf %parallel_loop3A_1483, %parallel_loop3A_1493 : vector<16xf32>
        %parallel_loop3A_1495 = arith.mulf %parallel_loop3A_1494, %parallel_loop3A_1491 : vector<16xf32>
        %parallel_loop3A_1496 = arith.mulf %parallel_loop3A_1495, %parallel_loop3A_1491 : vector<16xf32>
        %parallel_loop3A_1497 = arith.constant 1.500000e+00 : f32
        %parallel_loop3A_1498 = vector.broadcast %parallel_loop3A_1497 : f32 to vector<16xf32>
        %parallel_loop3A_1499 = arith.subf %parallel_loop3A_1498, %parallel_loop3A_1496 : vector<16xf32>
        %parallel_loop3A_1500 = arith.mulf %parallel_loop3A_1491, %parallel_loop3A_1499 : vector<16xf32>
        %parallel_loop3A_1501 = arith.mulf %parallel_loop3A_1494, %parallel_loop3A_1500 : vector<16xf32>
        %parallel_loop3A_1502 = arith.mulf %parallel_loop3A_1501, %parallel_loop3A_1500 : vector<16xf32>
        %parallel_loop3A_1503 = arith.constant 1.500000e+00 : f32
        %parallel_loop3A_1504 = vector.broadcast %parallel_loop3A_1503 : f32 to vector<16xf32>
        %parallel_loop3A_1505 = arith.subf %parallel_loop3A_1504, %parallel_loop3A_1502 : vector<16xf32>
        %parallel_loop3A_1506 = arith.mulf %parallel_loop3A_1500, %parallel_loop3A_1505 : vector<16xf32>
        %parallel_loop3A_1507 = arith.mulf %parallel_loop3A_1483, %parallel_loop3A_1506 : vector<16xf32>
        %parallel_loop3A_1508 = arith.subf %parallel_loop3A_1507, %parallel_loop3A_1468 : vector<16xf32>
        %parallel_loop3A_1509 = arith.cmpf ogt, %parallel_loop3A_1478, %parallel_loop3A_1455 : vector<16xf32>
        %parallel_loop3A_1510 = arith.select %parallel_loop3A_1509, %parallel_loop3A_1508, %parallel_loop3A_1471 : vector<16xi1>, vector<16xf32>
        %parallel_loop3A_1511 = arith.minimumf %parallel_loop3A_1478, %parallel_loop3A_1455 : vector<16xf32>
        %parallel_loop3A_1512 = arith.constant 0.000000e+00 : f32
        %parallel_loop3A_1513 = vector.broadcast %parallel_loop3A_1512 : f32 to vector<16xf32>
        %parallel_loop3A_1514 = arith.maximumf %parallel_loop3A_1511, %parallel_loop3A_1513 : vector<16xf32>
        %parallel_loop3A_1515 = arith.subf %parallel_loop3A_1455, %parallel_loop3A_1514 : vector<16xf32>
        %parallel_loop3A_1516 = arith.constant 0.108108111 : f32
        %parallel_loop3A_1517 = vector.broadcast %parallel_loop3A_1516 : f32 to vector<16xf32>
        %parallel_loop3A_1518 = arith.mulf %parallel_loop3A_1515, %parallel_loop3A_1517 : vector<16xf32>
        %parallel_loop3A_1519 = arith.addf %parallel_loop3A_1510, %parallel_loop3A_1518 : vector<16xf32>
        %parallel_loop3A_1520 = arith.constant 64 : i32
        %parallel_loop3A_1521 = arith.addi %parallel_loop3A_995, %parallel_loop3A_1520 : i32
        %parallel_loop3A_1522 = arith.index_cast %parallel_loop3A_1521 : i32 to index
        %parallel_loop3A_1523 = tpu.vector_load %arg9[%parallel_loop3A_1522] {strides = array<i32>} : memref<29040xf32, #tpu.memory_space<vmem>>, vector<16xf32>,
        tpu.vector_store %arg9[%parallel_loop3A_1522], %parallel_loop3A_1519 {strides = array<i32>} : memref<29040xf32, #tpu.memory_space<vmem>>, vector<16xf32>,
        %parallel_loop3A_1524 = vector.broadcast %parallel_loop3A_998 : i32 to vector<16xi32>
        %parallel_loop3A_1525 = arith.addi %select_n3A_328, %parallel_loop3A_1524 : vector<16xi32>
        %parallel_loop3A_1526 = tpu.vector_load_idx %arg7[%parallel_loop3A_1525] : memref<6608xf32, #tpu.memory_space<vmem>>[vector<16xi32>], vector<16xf32>,
        %parallel_loop3A_1527 = tpu.vector_load_idx %arg8[%parallel_loop3A_1525] : memref<6608xf32, #tpu.memory_space<vmem>>[vector<16xi32>], vector<16xf32>,
        %parallel_loop3A_1528 = tpu.vector_load_idx %arg6[%add3A_684] : memref<512xf32, #tpu.memory_space<vmem>>[vector<16xi32>], vector<16xf32>,
        %parallel_loop3A_1529 = tpu.vector_load_idx %arg6[%add3A_712] : memref<512xf32, #tpu.memory_space<vmem>>[vector<16xi32>], vector<16xf32>,
        %parallel_loop3A_1530 = tpu.vector_load_idx %arg6[%add3A_745] : memref<512xf32, #tpu.memory_space<vmem>>[vector<16xi32>], vector<16xf32>,
        %parallel_loop3A_1531 = tpu.vector_load_idx %arg6[%add3A_778] : memref<512xf32, #tpu.memory_space<vmem>>[vector<16xi32>], vector<16xf32>,
        %parallel_loop3A_1532 = arith.subf %parallel_loop3A_1526, %parallel_loop3A_1528 : vector<16xf32>
        %parallel_loop3A_1533 = arith.subf %parallel_loop3A_1527, %parallel_loop3A_1529 : vector<16xf32>
        %parallel_loop3A_1534 = arith.mulf %parallel_loop3A_1532, %parallel_loop3A_1532 : vector<16xf32>
        %parallel_loop3A_1535 = arith.mulf %parallel_loop3A_1533, %parallel_loop3A_1533 : vector<16xf32>
        %parallel_loop3A_1536 = arith.addf %parallel_loop3A_1534, %parallel_loop3A_1535 : vector<16xf32>
        %parallel_loop3A_1537 = vector.bitcast %parallel_loop3A_1536 : vector<16xf32> to vector<16xi32>
        %parallel_loop3A_1538 = arith.constant 1 : i32
        %parallel_loop3A_1539 = vector.broadcast %parallel_loop3A_1538 : i32 to vector<16xi32>
        %parallel_loop3A_1540 = arith.shrsi %parallel_loop3A_1537, %parallel_loop3A_1539 : vector<16xi32>
        %parallel_loop3A_1541 = arith.constant 1597463007 : i32
        %parallel_loop3A_1542 = vector.broadcast %parallel_loop3A_1541 : i32 to vector<16xi32>
        %parallel_loop3A_1543 = arith.subi %parallel_loop3A_1542, %parallel_loop3A_1540 : vector<16xi32>
        %parallel_loop3A_1544 = vector.bitcast %parallel_loop3A_1543 : vector<16xi32> to vector<16xf32>
        %parallel_loop3A_1545 = arith.constant 5.000000e-01 : f32
        %parallel_loop3A_1546 = vector.broadcast %parallel_loop3A_1545 : f32 to vector<16xf32>
        %parallel_loop3A_1547 = arith.mulf %parallel_loop3A_1536, %parallel_loop3A_1546 : vector<16xf32>
        %parallel_loop3A_1548 = arith.mulf %parallel_loop3A_1547, %parallel_loop3A_1544 : vector<16xf32>
        %parallel_loop3A_1549 = arith.mulf %parallel_loop3A_1548, %parallel_loop3A_1544 : vector<16xf32>
        %parallel_loop3A_1550 = arith.constant 1.500000e+00 : f32
        %parallel_loop3A_1551 = vector.broadcast %parallel_loop3A_1550 : f32 to vector<16xf32>
        %parallel_loop3A_1552 = arith.subf %parallel_loop3A_1551, %parallel_loop3A_1549 : vector<16xf32>
        %parallel_loop3A_1553 = arith.mulf %parallel_loop3A_1544, %parallel_loop3A_1552 : vector<16xf32>
        %parallel_loop3A_1554 = arith.mulf %parallel_loop3A_1547, %parallel_loop3A_1553 : vector<16xf32>
        %parallel_loop3A_1555 = arith.mulf %parallel_loop3A_1554, %parallel_loop3A_1553 : vector<16xf32>
        %parallel_loop3A_1556 = arith.constant 1.500000e+00 : f32
        %parallel_loop3A_1557 = vector.broadcast %parallel_loop3A_1556 : f32 to vector<16xf32>
        %parallel_loop3A_1558 = arith.subf %parallel_loop3A_1557, %parallel_loop3A_1555 : vector<16xf32>
        %parallel_loop3A_1559 = arith.mulf %parallel_loop3A_1553, %parallel_loop3A_1558 : vector<16xf32>
        %parallel_loop3A_1560 = arith.mulf %parallel_loop3A_1536, %parallel_loop3A_1559 : vector<16xf32>
        %parallel_loop3A_1561 = arith.mulf %parallel_loop3A_1532, %parallel_loop3A_1530 : vector<16xf32>
        %parallel_loop3A_1562 = arith.mulf %parallel_loop3A_1533, %parallel_loop3A_1531 : vector<16xf32>
        %parallel_loop3A_1563 = arith.addf %parallel_loop3A_1561, %parallel_loop3A_1562 : vector<16xf32>
        %parallel_loop3A_1564 = arith.mulf %parallel_loop3A_1563, %parallel_loop3A_1559 : vector<16xf32>
        %parallel_loop3A_1565 = arith.constant -9.250000e+00 : f32
        %parallel_loop3A_1566 = arith.constant 9.250000e+00 : f32
        %parallel_loop3A_1567 = vector.broadcast %parallel_loop3A_1565 : f32 to vector<16xf32>
        %parallel_loop3A_1568 = arith.maximumf %parallel_loop3A_1567, %parallel_loop3A_1564 : vector<16xf32>
        %parallel_loop3A_1569 = vector.broadcast %parallel_loop3A_1566 : f32 to vector<16xf32>
        %parallel_loop3A_1570 = arith.minimumf %parallel_loop3A_1569, %parallel_loop3A_1568 : vector<16xf32>
        %parallel_loop3A_1571 = arith.constant 0.137931034 : f32
        %parallel_loop3A_1572 = vector.broadcast %parallel_loop3A_1571 : f32 to vector<16xf32>
        %parallel_loop3A_1573 = arith.mulf %parallel_loop3A_1570, %parallel_loop3A_1572 : vector<16xf32>
        %parallel_loop3A_1574 = arith.constant 1.2758621 : f32
        %parallel_loop3A_1575 = vector.broadcast %parallel_loop3A_1574 : f32 to vector<16xf32>
        %parallel_loop3A_1576 = arith.subf %parallel_loop3A_1575, %parallel_loop3A_1573 : vector<16xf32>
        %parallel_loop3A_1577 = arith.constant 5.000000e-01 : f32
        %parallel_loop3A_1578 = vector.broadcast %parallel_loop3A_1577 : f32 to vector<16xf32>
        %parallel_loop3A_1579 = arith.mulf %parallel_loop3A_1578, %parallel_loop3A_1570 : vector<16xf32>
        %parallel_loop3A_1580 = arith.constant 4.625000e+00 : f32
        %parallel_loop3A_1581 = vector.broadcast %parallel_loop3A_1580 : f32 to vector<16xf32>
        %parallel_loop3A_1582 = arith.addf %parallel_loop3A_1579, %parallel_loop3A_1581 : vector<16xf32>
        %parallel_loop3A_1583 = arith.mulf %parallel_loop3A_1576, %parallel_loop3A_1582 : vector<16xf32>
        %parallel_loop3A_1584 = arith.mulf %parallel_loop3A_1573, %parallel_loop3A_1573 : vector<16xf32>
        %parallel_loop3A_1585 = arith.constant 0.275862068 : f32
        %parallel_loop3A_1586 = vector.broadcast %parallel_loop3A_1585 : f32 to vector<16xf32>
        %parallel_loop3A_1587 = arith.mulf %parallel_loop3A_1586, %parallel_loop3A_1560 : vector<16xf32>
        %parallel_loop3A_1588 = arith.addf %parallel_loop3A_1584, %parallel_loop3A_1587 : vector<16xf32>
        %parallel_loop3A_1589 = vector.bitcast %parallel_loop3A_1588 : vector<16xf32> to vector<16xi32>
        %parallel_loop3A_1590 = arith.constant 1 : i32
        %parallel_loop3A_1591 = vector.broadcast %parallel_loop3A_1590 : i32 to vector<16xi32>
        %parallel_loop3A_1592 = arith.shrsi %parallel_loop3A_1589, %parallel_loop3A_1591 : vector<16xi32>
        %parallel_loop3A_1593 = arith.constant 1597463007 : i32
        %parallel_loop3A_1594 = vector.broadcast %parallel_loop3A_1593 : i32 to vector<16xi32>
        %parallel_loop3A_1595 = arith.subi %parallel_loop3A_1594, %parallel_loop3A_1592 : vector<16xi32>
        %parallel_loop3A_1596 = vector.bitcast %parallel_loop3A_1595 : vector<16xi32> to vector<16xf32>
        %parallel_loop3A_1597 = arith.constant 5.000000e-01 : f32
        %parallel_loop3A_1598 = vector.broadcast %parallel_loop3A_1597 : f32 to vector<16xf32>
        %parallel_loop3A_1599 = arith.mulf %parallel_loop3A_1588, %parallel_loop3A_1598 : vector<16xf32>
        %parallel_loop3A_1600 = arith.mulf %parallel_loop3A_1599, %parallel_loop3A_1596 : vector<16xf32>
        %parallel_loop3A_1601 = arith.mulf %parallel_loop3A_1600, %parallel_loop3A_1596 : vector<16xf32>
        %parallel_loop3A_1602 = arith.constant 1.500000e+00 : f32
        %parallel_loop3A_1603 = vector.broadcast %parallel_loop3A_1602 : f32 to vector<16xf32>
        %parallel_loop3A_1604 = arith.subf %parallel_loop3A_1603, %parallel_loop3A_1601 : vector<16xf32>
        %parallel_loop3A_1605 = arith.mulf %parallel_loop3A_1596, %parallel_loop3A_1604 : vector<16xf32>
        %parallel_loop3A_1606 = arith.mulf %parallel_loop3A_1599, %parallel_loop3A_1605 : vector<16xf32>
        %parallel_loop3A_1607 = arith.mulf %parallel_loop3A_1606, %parallel_loop3A_1605 : vector<16xf32>
        %parallel_loop3A_1608 = arith.constant 1.500000e+00 : f32
        %parallel_loop3A_1609 = vector.broadcast %parallel_loop3A_1608 : f32 to vector<16xf32>
        %parallel_loop3A_1610 = arith.subf %parallel_loop3A_1609, %parallel_loop3A_1607 : vector<16xf32>
        %parallel_loop3A_1611 = arith.mulf %parallel_loop3A_1605, %parallel_loop3A_1610 : vector<16xf32>
        %parallel_loop3A_1612 = arith.mulf %parallel_loop3A_1588, %parallel_loop3A_1611 : vector<16xf32>
        %parallel_loop3A_1613 = arith.subf %parallel_loop3A_1612, %parallel_loop3A_1573 : vector<16xf32>
        %parallel_loop3A_1614 = arith.cmpf ogt, %parallel_loop3A_1583, %parallel_loop3A_1560 : vector<16xf32>
        %parallel_loop3A_1615 = arith.select %parallel_loop3A_1614, %parallel_loop3A_1613, %parallel_loop3A_1576 : vector<16xi1>, vector<16xf32>
        %parallel_loop3A_1616 = arith.minimumf %parallel_loop3A_1583, %parallel_loop3A_1560 : vector<16xf32>
        %parallel_loop3A_1617 = arith.constant 0.000000e+00 : f32
        %parallel_loop3A_1618 = vector.broadcast %parallel_loop3A_1617 : f32 to vector<16xf32>
        %parallel_loop3A_1619 = arith.maximumf %parallel_loop3A_1616, %parallel_loop3A_1618 : vector<16xf32>
        %parallel_loop3A_1620 = arith.subf %parallel_loop3A_1560, %parallel_loop3A_1619 : vector<16xf32>
        %parallel_loop3A_1621 = arith.constant 0.108108111 : f32
        %parallel_loop3A_1622 = vector.broadcast %parallel_loop3A_1621 : f32 to vector<16xf32>
        %parallel_loop3A_1623 = arith.mulf %parallel_loop3A_1620, %parallel_loop3A_1622 : vector<16xf32>
        %parallel_loop3A_1624 = arith.addf %parallel_loop3A_1615, %parallel_loop3A_1623 : vector<16xf32>
        %parallel_loop3A_1625 = arith.constant 80 : i32
        %parallel_loop3A_1626 = arith.addi %parallel_loop3A_995, %parallel_loop3A_1625 : i32
        %parallel_loop3A_1627 = arith.index_cast %parallel_loop3A_1626 : i32 to index
        %parallel_loop3A_1628 = tpu.vector_load %arg9[%parallel_loop3A_1627] {strides = array<i32>} : memref<29040xf32, #tpu.memory_space<vmem>>, vector<16xf32>,
        tpu.vector_store %arg9[%parallel_loop3A_1627], %parallel_loop3A_1624 {strides = array<i32>} : memref<29040xf32, #tpu.memory_space<vmem>>, vector<16xf32>,
        %parallel_loop3A_1629 = vector.broadcast %parallel_loop3A_998 : i32 to vector<16xi32>
        %parallel_loop3A_1630 = arith.addi %select_n3A_384, %parallel_loop3A_1629 : vector<16xi32>
        %parallel_loop3A_1631 = tpu.vector_load_idx %arg7[%parallel_loop3A_1630] : memref<6608xf32, #tpu.memory_space<vmem>>[vector<16xi32>], vector<16xf32>,
        %parallel_loop3A_1632 = tpu.vector_load_idx %arg8[%parallel_loop3A_1630] : memref<6608xf32, #tpu.memory_space<vmem>>[vector<16xi32>], vector<16xf32>,
        %parallel_loop3A_1633 = tpu.vector_load_idx %arg6[%add3A_686] : memref<512xf32, #tpu.memory_space<vmem>>[vector<16xi32>], vector<16xf32>,
        %parallel_loop3A_1634 = tpu.vector_load_idx %arg6[%add3A_715] : memref<512xf32, #tpu.memory_space<vmem>>[vector<16xi32>], vector<16xf32>,
        %parallel_loop3A_1635 = tpu.vector_load_idx %arg6[%add3A_748] : memref<512xf32, #tpu.memory_space<vmem>>[vector<16xi32>], vector<16xf32>,
        %parallel_loop3A_1636 = tpu.vector_load_idx %arg6[%add3A_781] : memref<512xf32, #tpu.memory_space<vmem>>[vector<16xi32>], vector<16xf32>,
        %parallel_loop3A_1637 = arith.subf %parallel_loop3A_1631, %parallel_loop3A_1633 : vector<16xf32>
        %parallel_loop3A_1638 = arith.subf %parallel_loop3A_1632, %parallel_loop3A_1634 : vector<16xf32>
        %parallel_loop3A_1639 = arith.mulf %parallel_loop3A_1637, %parallel_loop3A_1637 : vector<16xf32>
        %parallel_loop3A_1640 = arith.mulf %parallel_loop3A_1638, %parallel_loop3A_1638 : vector<16xf32>
        %parallel_loop3A_1641 = arith.addf %parallel_loop3A_1639, %parallel_loop3A_1640 : vector<16xf32>
        %parallel_loop3A_1642 = vector.bitcast %parallel_loop3A_1641 : vector<16xf32> to vector<16xi32>
        %parallel_loop3A_1643 = arith.constant 1 : i32
        %parallel_loop3A_1644 = vector.broadcast %parallel_loop3A_1643 : i32 to vector<16xi32>
        %parallel_loop3A_1645 = arith.shrsi %parallel_loop3A_1642, %parallel_loop3A_1644 : vector<16xi32>
        %parallel_loop3A_1646 = arith.constant 1597463007 : i32
        %parallel_loop3A_1647 = vector.broadcast %parallel_loop3A_1646 : i32 to vector<16xi32>
        %parallel_loop3A_1648 = arith.subi %parallel_loop3A_1647, %parallel_loop3A_1645 : vector<16xi32>
        %parallel_loop3A_1649 = vector.bitcast %parallel_loop3A_1648 : vector<16xi32> to vector<16xf32>
        %parallel_loop3A_1650 = arith.constant 5.000000e-01 : f32
        %parallel_loop3A_1651 = vector.broadcast %parallel_loop3A_1650 : f32 to vector<16xf32>
        %parallel_loop3A_1652 = arith.mulf %parallel_loop3A_1641, %parallel_loop3A_1651 : vector<16xf32>
        %parallel_loop3A_1653 = arith.mulf %parallel_loop3A_1652, %parallel_loop3A_1649 : vector<16xf32>
        %parallel_loop3A_1654 = arith.mulf %parallel_loop3A_1653, %parallel_loop3A_1649 : vector<16xf32>
        %parallel_loop3A_1655 = arith.constant 1.500000e+00 : f32
        %parallel_loop3A_1656 = vector.broadcast %parallel_loop3A_1655 : f32 to vector<16xf32>
        %parallel_loop3A_1657 = arith.subf %parallel_loop3A_1656, %parallel_loop3A_1654 : vector<16xf32>
        %parallel_loop3A_1658 = arith.mulf %parallel_loop3A_1649, %parallel_loop3A_1657 : vector<16xf32>
        %parallel_loop3A_1659 = arith.mulf %parallel_loop3A_1652, %parallel_loop3A_1658 : vector<16xf32>
        %parallel_loop3A_1660 = arith.mulf %parallel_loop3A_1659, %parallel_loop3A_1658 : vector<16xf32>
        %parallel_loop3A_1661 = arith.constant 1.500000e+00 : f32
        %parallel_loop3A_1662 = vector.broadcast %parallel_loop3A_1661 : f32 to vector<16xf32>
        %parallel_loop3A_1663 = arith.subf %parallel_loop3A_1662, %parallel_loop3A_1660 : vector<16xf32>
        %parallel_loop3A_1664 = arith.mulf %parallel_loop3A_1658, %parallel_loop3A_1663 : vector<16xf32>
        %parallel_loop3A_1665 = arith.mulf %parallel_loop3A_1641, %parallel_loop3A_1664 : vector<16xf32>
        %parallel_loop3A_1666 = arith.mulf %parallel_loop3A_1637, %parallel_loop3A_1635 : vector<16xf32>
        %parallel_loop3A_1667 = arith.mulf %parallel_loop3A_1638, %parallel_loop3A_1636 : vector<16xf32>
        %parallel_loop3A_1668 = arith.addf %parallel_loop3A_1666, %parallel_loop3A_1667 : vector<16xf32>
        %parallel_loop3A_1669 = arith.mulf %parallel_loop3A_1668, %parallel_loop3A_1664 : vector<16xf32>
        %parallel_loop3A_1670 = arith.constant -9.250000e+00 : f32
        %parallel_loop3A_1671 = arith.constant 9.250000e+00 : f32
        %parallel_loop3A_1672 = vector.broadcast %parallel_loop3A_1670 : f32 to vector<16xf32>
        %parallel_loop3A_1673 = arith.maximumf %parallel_loop3A_1672, %parallel_loop3A_1669 : vector<16xf32>
        %parallel_loop3A_1674 = vector.broadcast %parallel_loop3A_1671 : f32 to vector<16xf32>
        %parallel_loop3A_1675 = arith.minimumf %parallel_loop3A_1674, %parallel_loop3A_1673 : vector<16xf32>
        %parallel_loop3A_1676 = arith.constant 0.137931034 : f32
        %parallel_loop3A_1677 = vector.broadcast %parallel_loop3A_1676 : f32 to vector<16xf32>
        %parallel_loop3A_1678 = arith.mulf %parallel_loop3A_1675, %parallel_loop3A_1677 : vector<16xf32>
        %parallel_loop3A_1679 = arith.constant 1.2758621 : f32
        %parallel_loop3A_1680 = vector.broadcast %parallel_loop3A_1679 : f32 to vector<16xf32>
        %parallel_loop3A_1681 = arith.subf %parallel_loop3A_1680, %parallel_loop3A_1678 : vector<16xf32>
        %parallel_loop3A_1682 = arith.constant 5.000000e-01 : f32
        %parallel_loop3A_1683 = vector.broadcast %parallel_loop3A_1682 : f32 to vector<16xf32>
        %parallel_loop3A_1684 = arith.mulf %parallel_loop3A_1683, %parallel_loop3A_1675 : vector<16xf32>
        %parallel_loop3A_1685 = arith.constant 4.625000e+00 : f32
        %parallel_loop3A_1686 = vector.broadcast %parallel_loop3A_1685 : f32 to vector<16xf32>
        %parallel_loop3A_1687 = arith.addf %parallel_loop3A_1684, %parallel_loop3A_1686 : vector<16xf32>
        %parallel_loop3A_1688 = arith.mulf %parallel_loop3A_1681, %parallel_loop3A_1687 : vector<16xf32>
        %parallel_loop3A_1689 = arith.mulf %parallel_loop3A_1678, %parallel_loop3A_1678 : vector<16xf32>
        %parallel_loop3A_1690 = arith.constant 0.275862068 : f32
        %parallel_loop3A_1691 = vector.broadcast %parallel_loop3A_1690 : f32 to vector<16xf32>
        %parallel_loop3A_1692 = arith.mulf %parallel_loop3A_1691, %parallel_loop3A_1665 : vector<16xf32>
        %parallel_loop3A_1693 = arith.addf %parallel_loop3A_1689, %parallel_loop3A_1692 : vector<16xf32>
        %parallel_loop3A_1694 = vector.bitcast %parallel_loop3A_1693 : vector<16xf32> to vector<16xi32>
        %parallel_loop3A_1695 = arith.constant 1 : i32
        %parallel_loop3A_1696 = vector.broadcast %parallel_loop3A_1695 : i32 to vector<16xi32>
        %parallel_loop3A_1697 = arith.shrsi %parallel_loop3A_1694, %parallel_loop3A_1696 : vector<16xi32>
        %parallel_loop3A_1698 = arith.constant 1597463007 : i32
        %parallel_loop3A_1699 = vector.broadcast %parallel_loop3A_1698 : i32 to vector<16xi32>
        %parallel_loop3A_1700 = arith.subi %parallel_loop3A_1699, %parallel_loop3A_1697 : vector<16xi32>
        %parallel_loop3A_1701 = vector.bitcast %parallel_loop3A_1700 : vector<16xi32> to vector<16xf32>
        %parallel_loop3A_1702 = arith.constant 5.000000e-01 : f32
        %parallel_loop3A_1703 = vector.broadcast %parallel_loop3A_1702 : f32 to vector<16xf32>
        %parallel_loop3A_1704 = arith.mulf %parallel_loop3A_1693, %parallel_loop3A_1703 : vector<16xf32>
        %parallel_loop3A_1705 = arith.mulf %parallel_loop3A_1704, %parallel_loop3A_1701 : vector<16xf32>
        %parallel_loop3A_1706 = arith.mulf %parallel_loop3A_1705, %parallel_loop3A_1701 : vector<16xf32>
        %parallel_loop3A_1707 = arith.constant 1.500000e+00 : f32
        %parallel_loop3A_1708 = vector.broadcast %parallel_loop3A_1707 : f32 to vector<16xf32>
        %parallel_loop3A_1709 = arith.subf %parallel_loop3A_1708, %parallel_loop3A_1706 : vector<16xf32>
        %parallel_loop3A_1710 = arith.mulf %parallel_loop3A_1701, %parallel_loop3A_1709 : vector<16xf32>
        %parallel_loop3A_1711 = arith.mulf %parallel_loop3A_1704, %parallel_loop3A_1710 : vector<16xf32>
        %parallel_loop3A_1712 = arith.mulf %parallel_loop3A_1711, %parallel_loop3A_1710 : vector<16xf32>
        %parallel_loop3A_1713 = arith.constant 1.500000e+00 : f32
        %parallel_loop3A_1714 = vector.broadcast %parallel_loop3A_1713 : f32 to vector<16xf32>
        %parallel_loop3A_1715 = arith.subf %parallel_loop3A_1714, %parallel_loop3A_1712 : vector<16xf32>
        %parallel_loop3A_1716 = arith.mulf %parallel_loop3A_1710, %parallel_loop3A_1715 : vector<16xf32>
        %parallel_loop3A_1717 = arith.mulf %parallel_loop3A_1693, %parallel_loop3A_1716 : vector<16xf32>
        %parallel_loop3A_1718 = arith.subf %parallel_loop3A_1717, %parallel_loop3A_1678 : vector<16xf32>
        %parallel_loop3A_1719 = arith.cmpf ogt, %parallel_loop3A_1688, %parallel_loop3A_1665 : vector<16xf32>
        %parallel_loop3A_1720 = arith.select %parallel_loop3A_1719, %parallel_loop3A_1718, %parallel_loop3A_1681 : vector<16xi1>, vector<16xf32>
        %parallel_loop3A_1721 = arith.minimumf %parallel_loop3A_1688, %parallel_loop3A_1665 : vector<16xf32>
        %parallel_loop3A_1722 = arith.constant 0.000000e+00 : f32
        %parallel_loop3A_1723 = vector.broadcast %parallel_loop3A_1722 : f32 to vector<16xf32>
        %parallel_loop3A_1724 = arith.maximumf %parallel_loop3A_1721, %parallel_loop3A_1723 : vector<16xf32>
        %parallel_loop3A_1725 = arith.subf %parallel_loop3A_1665, %parallel_loop3A_1724 : vector<16xf32>
        %parallel_loop3A_1726 = arith.constant 0.108108111 : f32
        %parallel_loop3A_1727 = vector.broadcast %parallel_loop3A_1726 : f32 to vector<16xf32>
        %parallel_loop3A_1728 = arith.mulf %parallel_loop3A_1725, %parallel_loop3A_1727 : vector<16xf32>
        %parallel_loop3A_1729 = arith.addf %parallel_loop3A_1720, %parallel_loop3A_1728 : vector<16xf32>
        %parallel_loop3A_1730 = arith.constant 96 : i32
        %parallel_loop3A_1731 = arith.addi %parallel_loop3A_995, %parallel_loop3A_1730 : i32
        %parallel_loop3A_1732 = arith.index_cast %parallel_loop3A_1731 : i32 to index
        %parallel_loop3A_1733 = tpu.vector_load %arg9[%parallel_loop3A_1732] {strides = array<i32>} : memref<29040xf32, #tpu.memory_space<vmem>>, vector<16xf32>,
        tpu.vector_store %arg9[%parallel_loop3A_1732], %parallel_loop3A_1729 {strides = array<i32>} : memref<29040xf32, #tpu.memory_space<vmem>>, vector<16xf32>,
        %parallel_loop3A_1734 = vector.broadcast %parallel_loop3A_998 : i32 to vector<16xi32>
        %parallel_loop3A_1735 = arith.addi %select_n3A_440, %parallel_loop3A_1734 : vector<16xi32>
        %parallel_loop3A_1736 = tpu.vector_load_idx %arg7[%parallel_loop3A_1735] : memref<6608xf32, #tpu.memory_space<vmem>>[vector<16xi32>], vector<16xf32>,
        %parallel_loop3A_1737 = tpu.vector_load_idx %arg8[%parallel_loop3A_1735] : memref<6608xf32, #tpu.memory_space<vmem>>[vector<16xi32>], vector<16xf32>,
        %parallel_loop3A_1738 = tpu.vector_load_idx %arg6[%add3A_688] : memref<512xf32, #tpu.memory_space<vmem>>[vector<16xi32>], vector<16xf32>,
        %parallel_loop3A_1739 = tpu.vector_load_idx %arg6[%add3A_718] : memref<512xf32, #tpu.memory_space<vmem>>[vector<16xi32>], vector<16xf32>,
        %parallel_loop3A_1740 = tpu.vector_load_idx %arg6[%add3A_751] : memref<512xf32, #tpu.memory_space<vmem>>[vector<16xi32>], vector<16xf32>,
        %parallel_loop3A_1741 = tpu.vector_load_idx %arg6[%add3A_784] : memref<512xf32, #tpu.memory_space<vmem>>[vector<16xi32>], vector<16xf32>,
        %parallel_loop3A_1742 = arith.subf %parallel_loop3A_1736, %parallel_loop3A_1738 : vector<16xf32>
        %parallel_loop3A_1743 = arith.subf %parallel_loop3A_1737, %parallel_loop3A_1739 : vector<16xf32>
        %parallel_loop3A_1744 = arith.mulf %parallel_loop3A_1742, %parallel_loop3A_1742 : vector<16xf32>
        %parallel_loop3A_1745 = arith.mulf %parallel_loop3A_1743, %parallel_loop3A_1743 : vector<16xf32>
        %parallel_loop3A_1746 = arith.addf %parallel_loop3A_1744, %parallel_loop3A_1745 : vector<16xf32>
        %parallel_loop3A_1747 = vector.bitcast %parallel_loop3A_1746 : vector<16xf32> to vector<16xi32>
        %parallel_loop3A_1748 = arith.constant 1 : i32
        %parallel_loop3A_1749 = vector.broadcast %parallel_loop3A_1748 : i32 to vector<16xi32>
        %parallel_loop3A_1750 = arith.shrsi %parallel_loop3A_1747, %parallel_loop3A_1749 : vector<16xi32>
        %parallel_loop3A_1751 = arith.constant 1597463007 : i32
        %parallel_loop3A_1752 = vector.broadcast %parallel_loop3A_1751 : i32 to vector<16xi32>
        %parallel_loop3A_1753 = arith.subi %parallel_loop3A_1752, %parallel_loop3A_1750 : vector<16xi32>
        %parallel_loop3A_1754 = vector.bitcast %parallel_loop3A_1753 : vector<16xi32> to vector<16xf32>
        %parallel_loop3A_1755 = arith.constant 5.000000e-01 : f32
        %parallel_loop3A_1756 = vector.broadcast %parallel_loop3A_1755 : f32 to vector<16xf32>
        %parallel_loop3A_1757 = arith.mulf %parallel_loop3A_1746, %parallel_loop3A_1756 : vector<16xf32>
        %parallel_loop3A_1758 = arith.mulf %parallel_loop3A_1757, %parallel_loop3A_1754 : vector<16xf32>
        %parallel_loop3A_1759 = arith.mulf %parallel_loop3A_1758, %parallel_loop3A_1754 : vector<16xf32>
        %parallel_loop3A_1760 = arith.constant 1.500000e+00 : f32
        %parallel_loop3A_1761 = vector.broadcast %parallel_loop3A_1760 : f32 to vector<16xf32>
        %parallel_loop3A_1762 = arith.subf %parallel_loop3A_1761, %parallel_loop3A_1759 : vector<16xf32>
        %parallel_loop3A_1763 = arith.mulf %parallel_loop3A_1754, %parallel_loop3A_1762 : vector<16xf32>
        %parallel_loop3A_1764 = arith.mulf %parallel_loop3A_1757, %parallel_loop3A_1763 : vector<16xf32>
        %parallel_loop3A_1765 = arith.mulf %parallel_loop3A_1764, %parallel_loop3A_1763 : vector<16xf32>
        %parallel_loop3A_1766 = arith.constant 1.500000e+00 : f32
        %parallel_loop3A_1767 = vector.broadcast %parallel_loop3A_1766 : f32 to vector<16xf32>
        %parallel_loop3A_1768 = arith.subf %parallel_loop3A_1767, %parallel_loop3A_1765 : vector<16xf32>
        %parallel_loop3A_1769 = arith.mulf %parallel_loop3A_1763, %parallel_loop3A_1768 : vector<16xf32>
        %parallel_loop3A_1770 = arith.mulf %parallel_loop3A_1746, %parallel_loop3A_1769 : vector<16xf32>
        %parallel_loop3A_1771 = arith.mulf %parallel_loop3A_1742, %parallel_loop3A_1740 : vector<16xf32>
        %parallel_loop3A_1772 = arith.mulf %parallel_loop3A_1743, %parallel_loop3A_1741 : vector<16xf32>
        %parallel_loop3A_1773 = arith.addf %parallel_loop3A_1771, %parallel_loop3A_1772 : vector<16xf32>
        %parallel_loop3A_1774 = arith.mulf %parallel_loop3A_1773, %parallel_loop3A_1769 : vector<16xf32>
        %parallel_loop3A_1775 = arith.constant -9.250000e+00 : f32
        %parallel_loop3A_1776 = arith.constant 9.250000e+00 : f32
        %parallel_loop3A_1777 = vector.broadcast %parallel_loop3A_1775 : f32 to vector<16xf32>
        %parallel_loop3A_1778 = arith.maximumf %parallel_loop3A_1777, %parallel_loop3A_1774 : vector<16xf32>
        %parallel_loop3A_1779 = vector.broadcast %parallel_loop3A_1776 : f32 to vector<16xf32>
        %parallel_loop3A_1780 = arith.minimumf %parallel_loop3A_1779, %parallel_loop3A_1778 : vector<16xf32>
        %parallel_loop3A_1781 = arith.constant 0.137931034 : f32
        %parallel_loop3A_1782 = vector.broadcast %parallel_loop3A_1781 : f32 to vector<16xf32>
        %parallel_loop3A_1783 = arith.mulf %parallel_loop3A_1780, %parallel_loop3A_1782 : vector<16xf32>
        %parallel_loop3A_1784 = arith.constant 1.2758621 : f32
        %parallel_loop3A_1785 = vector.broadcast %parallel_loop3A_1784 : f32 to vector<16xf32>
        %parallel_loop3A_1786 = arith.subf %parallel_loop3A_1785, %parallel_loop3A_1783 : vector<16xf32>
        %parallel_loop3A_1787 = arith.constant 5.000000e-01 : f32
        %parallel_loop3A_1788 = vector.broadcast %parallel_loop3A_1787 : f32 to vector<16xf32>
        %parallel_loop3A_1789 = arith.mulf %parallel_loop3A_1788, %parallel_loop3A_1780 : vector<16xf32>
        %parallel_loop3A_1790 = arith.constant 4.625000e+00 : f32
        %parallel_loop3A_1791 = vector.broadcast %parallel_loop3A_1790 : f32 to vector<16xf32>
        %parallel_loop3A_1792 = arith.addf %parallel_loop3A_1789, %parallel_loop3A_1791 : vector<16xf32>
        %parallel_loop3A_1793 = arith.mulf %parallel_loop3A_1786, %parallel_loop3A_1792 : vector<16xf32>
        %parallel_loop3A_1794 = arith.mulf %parallel_loop3A_1783, %parallel_loop3A_1783 : vector<16xf32>
        %parallel_loop3A_1795 = arith.constant 0.275862068 : f32
        %parallel_loop3A_1796 = vector.broadcast %parallel_loop3A_1795 : f32 to vector<16xf32>
        %parallel_loop3A_1797 = arith.mulf %parallel_loop3A_1796, %parallel_loop3A_1770 : vector<16xf32>
        %parallel_loop3A_1798 = arith.addf %parallel_loop3A_1794, %parallel_loop3A_1797 : vector<16xf32>
        %parallel_loop3A_1799 = vector.bitcast %parallel_loop3A_1798 : vector<16xf32> to vector<16xi32>
        %parallel_loop3A_1800 = arith.constant 1 : i32
        %parallel_loop3A_1801 = vector.broadcast %parallel_loop3A_1800 : i32 to vector<16xi32>
        %parallel_loop3A_1802 = arith.shrsi %parallel_loop3A_1799, %parallel_loop3A_1801 : vector<16xi32>
        %parallel_loop3A_1803 = arith.constant 1597463007 : i32
        %parallel_loop3A_1804 = vector.broadcast %parallel_loop3A_1803 : i32 to vector<16xi32>
        %parallel_loop3A_1805 = arith.subi %parallel_loop3A_1804, %parallel_loop3A_1802 : vector<16xi32>
        %parallel_loop3A_1806 = vector.bitcast %parallel_loop3A_1805 : vector<16xi32> to vector<16xf32>
        %parallel_loop3A_1807 = arith.constant 5.000000e-01 : f32
        %parallel_loop3A_1808 = vector.broadcast %parallel_loop3A_1807 : f32 to vector<16xf32>
        %parallel_loop3A_1809 = arith.mulf %parallel_loop3A_1798, %parallel_loop3A_1808 : vector<16xf32>
        %parallel_loop3A_1810 = arith.mulf %parallel_loop3A_1809, %parallel_loop3A_1806 : vector<16xf32>
        %parallel_loop3A_1811 = arith.mulf %parallel_loop3A_1810, %parallel_loop3A_1806 : vector<16xf32>
        %parallel_loop3A_1812 = arith.constant 1.500000e+00 : f32
        %parallel_loop3A_1813 = vector.broadcast %parallel_loop3A_1812 : f32 to vector<16xf32>
        %parallel_loop3A_1814 = arith.subf %parallel_loop3A_1813, %parallel_loop3A_1811 : vector<16xf32>
        %parallel_loop3A_1815 = arith.mulf %parallel_loop3A_1806, %parallel_loop3A_1814 : vector<16xf32>
        %parallel_loop3A_1816 = arith.mulf %parallel_loop3A_1809, %parallel_loop3A_1815 : vector<16xf32>
        %parallel_loop3A_1817 = arith.mulf %parallel_loop3A_1816, %parallel_loop3A_1815 : vector<16xf32>
        %parallel_loop3A_1818 = arith.constant 1.500000e+00 : f32
        %parallel_loop3A_1819 = vector.broadcast %parallel_loop3A_1818 : f32 to vector<16xf32>
        %parallel_loop3A_1820 = arith.subf %parallel_loop3A_1819, %parallel_loop3A_1817 : vector<16xf32>
        %parallel_loop3A_1821 = arith.mulf %parallel_loop3A_1815, %parallel_loop3A_1820 : vector<16xf32>
        %parallel_loop3A_1822 = arith.mulf %parallel_loop3A_1798, %parallel_loop3A_1821 : vector<16xf32>
        %parallel_loop3A_1823 = arith.subf %parallel_loop3A_1822, %parallel_loop3A_1783 : vector<16xf32>
        %parallel_loop3A_1824 = arith.cmpf ogt, %parallel_loop3A_1793, %parallel_loop3A_1770 : vector<16xf32>
        %parallel_loop3A_1825 = arith.select %parallel_loop3A_1824, %parallel_loop3A_1823, %parallel_loop3A_1786 : vector<16xi1>, vector<16xf32>
        %parallel_loop3A_1826 = arith.minimumf %parallel_loop3A_1793, %parallel_loop3A_1770 : vector<16xf32>
        %parallel_loop3A_1827 = arith.constant 0.000000e+00 : f32
        %parallel_loop3A_1828 = vector.broadcast %parallel_loop3A_1827 : f32 to vector<16xf32>
        %parallel_loop3A_1829 = arith.maximumf %parallel_loop3A_1826, %parallel_loop3A_1828 : vector<16xf32>
        %parallel_loop3A_1830 = arith.subf %parallel_loop3A_1770, %parallel_loop3A_1829 : vector<16xf32>
        %parallel_loop3A_1831 = arith.constant 0.108108111 : f32
        %parallel_loop3A_1832 = vector.broadcast %parallel_loop3A_1831 : f32 to vector<16xf32>
        %parallel_loop3A_1833 = arith.mulf %parallel_loop3A_1830, %parallel_loop3A_1832 : vector<16xf32>
        %parallel_loop3A_1834 = arith.addf %parallel_loop3A_1825, %parallel_loop3A_1833 : vector<16xf32>
        %parallel_loop3A_1835 = arith.constant 112 : i32
        %parallel_loop3A_1836 = arith.addi %parallel_loop3A_995, %parallel_loop3A_1835 : i32
        %parallel_loop3A_1837 = arith.index_cast %parallel_loop3A_1836 : i32 to index
        %parallel_loop3A_1838 = tpu.vector_load %arg9[%parallel_loop3A_1837] {strides = array<i32>} : memref<29040xf32, #tpu.memory_space<vmem>>, vector<16xf32>,
        tpu.vector_store %arg9[%parallel_loop3A_1837], %parallel_loop3A_1834 {strides = array<i32>} : memref<29040xf32, #tpu.memory_space<vmem>>, vector<16xf32>,
        %parallel_loop3A_1839 = vector.broadcast %parallel_loop3A_998 : i32 to vector<16xi32>
        %parallel_loop3A_1840 = arith.addi %select_n3A_496, %parallel_loop3A_1839 : vector<16xi32>
        %parallel_loop3A_1841 = tpu.vector_load_idx %arg7[%parallel_loop3A_1840] : memref<6608xf32, #tpu.memory_space<vmem>>[vector<16xi32>], vector<16xf32>,
        %parallel_loop3A_1842 = tpu.vector_load_idx %arg8[%parallel_loop3A_1840] : memref<6608xf32, #tpu.memory_space<vmem>>[vector<16xi32>], vector<16xf32>,
        %parallel_loop3A_1843 = tpu.vector_load_idx %arg6[%add3A_690] : memref<512xf32, #tpu.memory_space<vmem>>[vector<16xi32>], vector<16xf32>,
        %parallel_loop3A_1844 = tpu.vector_load_idx %arg6[%add3A_721] : memref<512xf32, #tpu.memory_space<vmem>>[vector<16xi32>], vector<16xf32>,
        %parallel_loop3A_1845 = tpu.vector_load_idx %arg6[%add3A_754] : memref<512xf32, #tpu.memory_space<vmem>>[vector<16xi32>], vector<16xf32>,
        %parallel_loop3A_1846 = tpu.vector_load_idx %arg6[%add3A_787] : memref<512xf32, #tpu.memory_space<vmem>>[vector<16xi32>], vector<16xf32>,
        %parallel_loop3A_1847 = arith.subf %parallel_loop3A_1841, %parallel_loop3A_1843 : vector<16xf32>
        %parallel_loop3A_1848 = arith.subf %parallel_loop3A_1842, %parallel_loop3A_1844 : vector<16xf32>
        %parallel_loop3A_1849 = arith.mulf %parallel_loop3A_1847, %parallel_loop3A_1847 : vector<16xf32>
        %parallel_loop3A_1850 = arith.mulf %parallel_loop3A_1848, %parallel_loop3A_1848 : vector<16xf32>
        %parallel_loop3A_1851 = arith.addf %parallel_loop3A_1849, %parallel_loop3A_1850 : vector<16xf32>
        %parallel_loop3A_1852 = vector.bitcast %parallel_loop3A_1851 : vector<16xf32> to vector<16xi32>
        %parallel_loop3A_1853 = arith.constant 1 : i32
        %parallel_loop3A_1854 = vector.broadcast %parallel_loop3A_1853 : i32 to vector<16xi32>
        %parallel_loop3A_1855 = arith.shrsi %parallel_loop3A_1852, %parallel_loop3A_1854 : vector<16xi32>
        %parallel_loop3A_1856 = arith.constant 1597463007 : i32
        %parallel_loop3A_1857 = vector.broadcast %parallel_loop3A_1856 : i32 to vector<16xi32>
        %parallel_loop3A_1858 = arith.subi %parallel_loop3A_1857, %parallel_loop3A_1855 : vector<16xi32>
        %parallel_loop3A_1859 = vector.bitcast %parallel_loop3A_1858 : vector<16xi32> to vector<16xf32>
        %parallel_loop3A_1860 = arith.constant 5.000000e-01 : f32
        %parallel_loop3A_1861 = vector.broadcast %parallel_loop3A_1860 : f32 to vector<16xf32>
        %parallel_loop3A_1862 = arith.mulf %parallel_loop3A_1851, %parallel_loop3A_1861 : vector<16xf32>
        %parallel_loop3A_1863 = arith.mulf %parallel_loop3A_1862, %parallel_loop3A_1859 : vector<16xf32>
        %parallel_loop3A_1864 = arith.mulf %parallel_loop3A_1863, %parallel_loop3A_1859 : vector<16xf32>
        %parallel_loop3A_1865 = arith.constant 1.500000e+00 : f32
        %parallel_loop3A_1866 = vector.broadcast %parallel_loop3A_1865 : f32 to vector<16xf32>
        %parallel_loop3A_1867 = arith.subf %parallel_loop3A_1866, %parallel_loop3A_1864 : vector<16xf32>
        %parallel_loop3A_1868 = arith.mulf %parallel_loop3A_1859, %parallel_loop3A_1867 : vector<16xf32>
        %parallel_loop3A_1869 = arith.mulf %parallel_loop3A_1862, %parallel_loop3A_1868 : vector<16xf32>
        %parallel_loop3A_1870 = arith.mulf %parallel_loop3A_1869, %parallel_loop3A_1868 : vector<16xf32>
        %parallel_loop3A_1871 = arith.constant 1.500000e+00 : f32
        %parallel_loop3A_1872 = vector.broadcast %parallel_loop3A_1871 : f32 to vector<16xf32>
        %parallel_loop3A_1873 = arith.subf %parallel_loop3A_1872, %parallel_loop3A_1870 : vector<16xf32>
        %parallel_loop3A_1874 = arith.mulf %parallel_loop3A_1868, %parallel_loop3A_1873 : vector<16xf32>
        %parallel_loop3A_1875 = arith.mulf %parallel_loop3A_1851, %parallel_loop3A_1874 : vector<16xf32>
        %parallel_loop3A_1876 = arith.mulf %parallel_loop3A_1847, %parallel_loop3A_1845 : vector<16xf32>
        %parallel_loop3A_1877 = arith.mulf %parallel_loop3A_1848, %parallel_loop3A_1846 : vector<16xf32>
        %parallel_loop3A_1878 = arith.addf %parallel_loop3A_1876, %parallel_loop3A_1877 : vector<16xf32>
        %parallel_loop3A_1879 = arith.mulf %parallel_loop3A_1878, %parallel_loop3A_1874 : vector<16xf32>
        %parallel_loop3A_1880 = arith.constant -9.250000e+00 : f32
        %parallel_loop3A_1881 = arith.constant 9.250000e+00 : f32
        %parallel_loop3A_1882 = vector.broadcast %parallel_loop3A_1880 : f32 to vector<16xf32>
        %parallel_loop3A_1883 = arith.maximumf %parallel_loop3A_1882, %parallel_loop3A_1879 : vector<16xf32>
        %parallel_loop3A_1884 = vector.broadcast %parallel_loop3A_1881 : f32 to vector<16xf32>
        %parallel_loop3A_1885 = arith.minimumf %parallel_loop3A_1884, %parallel_loop3A_1883 : vector<16xf32>
        %parallel_loop3A_1886 = arith.constant 0.137931034 : f32
        %parallel_loop3A_1887 = vector.broadcast %parallel_loop3A_1886 : f32 to vector<16xf32>
        %parallel_loop3A_1888 = arith.mulf %parallel_loop3A_1885, %parallel_loop3A_1887 : vector<16xf32>
        %parallel_loop3A_1889 = arith.constant 1.2758621 : f32
        %parallel_loop3A_1890 = vector.broadcast %parallel_loop3A_1889 : f32 to vector<16xf32>
        %parallel_loop3A_1891 = arith.subf %parallel_loop3A_1890, %parallel_loop3A_1888 : vector<16xf32>
        %parallel_loop3A_1892 = arith.constant 5.000000e-01 : f32
        %parallel_loop3A_1893 = vector.broadcast %parallel_loop3A_1892 : f32 to vector<16xf32>
        %parallel_loop3A_1894 = arith.mulf %parallel_loop3A_1893, %parallel_loop3A_1885 : vector<16xf32>
        %parallel_loop3A_1895 = arith.constant 4.625000e+00 : f32
        %parallel_loop3A_1896 = vector.broadcast %parallel_loop3A_1895 : f32 to vector<16xf32>
        %parallel_loop3A_1897 = arith.addf %parallel_loop3A_1894, %parallel_loop3A_1896 : vector<16xf32>
        %parallel_loop3A_1898 = arith.mulf %parallel_loop3A_1891, %parallel_loop3A_1897 : vector<16xf32>
        %parallel_loop3A_1899 = arith.mulf %parallel_loop3A_1888, %parallel_loop3A_1888 : vector<16xf32>
        %parallel_loop3A_1900 = arith.constant 0.275862068 : f32
        %parallel_loop3A_1901 = vector.broadcast %parallel_loop3A_1900 : f32 to vector<16xf32>
        %parallel_loop3A_1902 = arith.mulf %parallel_loop3A_1901, %parallel_loop3A_1875 : vector<16xf32>
        %parallel_loop3A_1903 = arith.addf %parallel_loop3A_1899, %parallel_loop3A_1902 : vector<16xf32>
        %parallel_loop3A_1904 = vector.bitcast %parallel_loop3A_1903 : vector<16xf32> to vector<16xi32>
        %parallel_loop3A_1905 = arith.constant 1 : i32
        %parallel_loop3A_1906 = vector.broadcast %parallel_loop3A_1905 : i32 to vector<16xi32>
        %parallel_loop3A_1907 = arith.shrsi %parallel_loop3A_1904, %parallel_loop3A_1906 : vector<16xi32>
        %parallel_loop3A_1908 = arith.constant 1597463007 : i32
        %parallel_loop3A_1909 = vector.broadcast %parallel_loop3A_1908 : i32 to vector<16xi32>
        %parallel_loop3A_1910 = arith.subi %parallel_loop3A_1909, %parallel_loop3A_1907 : vector<16xi32>
        %parallel_loop3A_1911 = vector.bitcast %parallel_loop3A_1910 : vector<16xi32> to vector<16xf32>
        %parallel_loop3A_1912 = arith.constant 5.000000e-01 : f32
        %parallel_loop3A_1913 = vector.broadcast %parallel_loop3A_1912 : f32 to vector<16xf32>
        %parallel_loop3A_1914 = arith.mulf %parallel_loop3A_1903, %parallel_loop3A_1913 : vector<16xf32>
        %parallel_loop3A_1915 = arith.mulf %parallel_loop3A_1914, %parallel_loop3A_1911 : vector<16xf32>
        %parallel_loop3A_1916 = arith.mulf %parallel_loop3A_1915, %parallel_loop3A_1911 : vector<16xf32>
        %parallel_loop3A_1917 = arith.constant 1.500000e+00 : f32
        %parallel_loop3A_1918 = vector.broadcast %parallel_loop3A_1917 : f32 to vector<16xf32>
        %parallel_loop3A_1919 = arith.subf %parallel_loop3A_1918, %parallel_loop3A_1916 : vector<16xf32>
        %parallel_loop3A_1920 = arith.mulf %parallel_loop3A_1911, %parallel_loop3A_1919 : vector<16xf32>
        %parallel_loop3A_1921 = arith.mulf %parallel_loop3A_1914, %parallel_loop3A_1920 : vector<16xf32>
        %parallel_loop3A_1922 = arith.mulf %parallel_loop3A_1921, %parallel_loop3A_1920 : vector<16xf32>
        %parallel_loop3A_1923 = arith.constant 1.500000e+00 : f32
        %parallel_loop3A_1924 = vector.broadcast %parallel_loop3A_1923 : f32 to vector<16xf32>
        %parallel_loop3A_1925 = arith.subf %parallel_loop3A_1924, %parallel_loop3A_1922 : vector<16xf32>
        %parallel_loop3A_1926 = arith.mulf %parallel_loop3A_1920, %parallel_loop3A_1925 : vector<16xf32>
        %parallel_loop3A_1927 = arith.mulf %parallel_loop3A_1903, %parallel_loop3A_1926 : vector<16xf32>
        %parallel_loop3A_1928 = arith.subf %parallel_loop3A_1927, %parallel_loop3A_1888 : vector<16xf32>
        %parallel_loop3A_1929 = arith.cmpf ogt, %parallel_loop3A_1898, %parallel_loop3A_1875 : vector<16xf32>
        %parallel_loop3A_1930 = arith.select %parallel_loop3A_1929, %parallel_loop3A_1928, %parallel_loop3A_1891 : vector<16xi1>, vector<16xf32>
        %parallel_loop3A_1931 = arith.minimumf %parallel_loop3A_1898, %parallel_loop3A_1875 : vector<16xf32>
        %parallel_loop3A_1932 = arith.constant 0.000000e+00 : f32
        %parallel_loop3A_1933 = vector.broadcast %parallel_loop3A_1932 : f32 to vector<16xf32>
        %parallel_loop3A_1934 = arith.maximumf %parallel_loop3A_1931, %parallel_loop3A_1933 : vector<16xf32>
        %parallel_loop3A_1935 = arith.subf %parallel_loop3A_1875, %parallel_loop3A_1934 : vector<16xf32>
        %parallel_loop3A_1936 = arith.constant 0.108108111 : f32
        %parallel_loop3A_1937 = vector.broadcast %parallel_loop3A_1936 : f32 to vector<16xf32>
        %parallel_loop3A_1938 = arith.mulf %parallel_loop3A_1935, %parallel_loop3A_1937 : vector<16xf32>
        %parallel_loop3A_1939 = arith.addf %parallel_loop3A_1930, %parallel_loop3A_1938 : vector<16xf32>
        %parallel_loop3A_1940 = arith.constant 128 : i32
        %parallel_loop3A_1941 = arith.addi %parallel_loop3A_995, %parallel_loop3A_1940 : i32
        %parallel_loop3A_1942 = arith.index_cast %parallel_loop3A_1941 : i32 to index
        %parallel_loop3A_1943 = tpu.vector_load %arg9[%parallel_loop3A_1942] {strides = array<i32>} : memref<29040xf32, #tpu.memory_space<vmem>>, vector<16xf32>,
        tpu.vector_store %arg9[%parallel_loop3A_1942], %parallel_loop3A_1939 {strides = array<i32>} : memref<29040xf32, #tpu.memory_space<vmem>>, vector<16xf32>,
        %parallel_loop3A_1944 = vector.broadcast %parallel_loop3A_998 : i32 to vector<16xi32>
        %parallel_loop3A_1945 = arith.addi %select_n3A_552, %parallel_loop3A_1944 : vector<16xi32>
        %parallel_loop3A_1946 = tpu.vector_load_idx %arg7[%parallel_loop3A_1945] : memref<6608xf32, #tpu.memory_space<vmem>>[vector<16xi32>], vector<16xf32>,
        %parallel_loop3A_1947 = tpu.vector_load_idx %arg8[%parallel_loop3A_1945] : memref<6608xf32, #tpu.memory_space<vmem>>[vector<16xi32>], vector<16xf32>,
        %parallel_loop3A_1948 = tpu.vector_load_idx %arg6[%add3A_692] : memref<512xf32, #tpu.memory_space<vmem>>[vector<16xi32>], vector<16xf32>,
        %parallel_loop3A_1949 = tpu.vector_load_idx %arg6[%add3A_724] : memref<512xf32, #tpu.memory_space<vmem>>[vector<16xi32>], vector<16xf32>,
        %parallel_loop3A_1950 = tpu.vector_load_idx %arg6[%add3A_757] : memref<512xf32, #tpu.memory_space<vmem>>[vector<16xi32>], vector<16xf32>,
        %parallel_loop3A_1951 = tpu.vector_load_idx %arg6[%add3A_790] : memref<512xf32, #tpu.memory_space<vmem>>[vector<16xi32>], vector<16xf32>,
        %parallel_loop3A_1952 = arith.subf %parallel_loop3A_1946, %parallel_loop3A_1948 : vector<16xf32>
        %parallel_loop3A_1953 = arith.subf %parallel_loop3A_1947, %parallel_loop3A_1949 : vector<16xf32>
        %parallel_loop3A_1954 = arith.mulf %parallel_loop3A_1952, %parallel_loop3A_1952 : vector<16xf32>
        %parallel_loop3A_1955 = arith.mulf %parallel_loop3A_1953, %parallel_loop3A_1953 : vector<16xf32>
        %parallel_loop3A_1956 = arith.addf %parallel_loop3A_1954, %parallel_loop3A_1955 : vector<16xf32>
        %parallel_loop3A_1957 = vector.bitcast %parallel_loop3A_1956 : vector<16xf32> to vector<16xi32>
        %parallel_loop3A_1958 = arith.constant 1 : i32
        %parallel_loop3A_1959 = vector.broadcast %parallel_loop3A_1958 : i32 to vector<16xi32>
        %parallel_loop3A_1960 = arith.shrsi %parallel_loop3A_1957, %parallel_loop3A_1959 : vector<16xi32>
        %parallel_loop3A_1961 = arith.constant 1597463007 : i32
        %parallel_loop3A_1962 = vector.broadcast %parallel_loop3A_1961 : i32 to vector<16xi32>
        %parallel_loop3A_1963 = arith.subi %parallel_loop3A_1962, %parallel_loop3A_1960 : vector<16xi32>
        %parallel_loop3A_1964 = vector.bitcast %parallel_loop3A_1963 : vector<16xi32> to vector<16xf32>
        %parallel_loop3A_1965 = arith.constant 5.000000e-01 : f32
        %parallel_loop3A_1966 = vector.broadcast %parallel_loop3A_1965 : f32 to vector<16xf32>
        %parallel_loop3A_1967 = arith.mulf %parallel_loop3A_1956, %parallel_loop3A_1966 : vector<16xf32>
        %parallel_loop3A_1968 = arith.mulf %parallel_loop3A_1967, %parallel_loop3A_1964 : vector<16xf32>
        %parallel_loop3A_1969 = arith.mulf %parallel_loop3A_1968, %parallel_loop3A_1964 : vector<16xf32>
        %parallel_loop3A_1970 = arith.constant 1.500000e+00 : f32
        %parallel_loop3A_1971 = vector.broadcast %parallel_loop3A_1970 : f32 to vector<16xf32>
        %parallel_loop3A_1972 = arith.subf %parallel_loop3A_1971, %parallel_loop3A_1969 : vector<16xf32>
        %parallel_loop3A_1973 = arith.mulf %parallel_loop3A_1964, %parallel_loop3A_1972 : vector<16xf32>
        %parallel_loop3A_1974 = arith.mulf %parallel_loop3A_1967, %parallel_loop3A_1973 : vector<16xf32>
        %parallel_loop3A_1975 = arith.mulf %parallel_loop3A_1974, %parallel_loop3A_1973 : vector<16xf32>
        %parallel_loop3A_1976 = arith.constant 1.500000e+00 : f32
        %parallel_loop3A_1977 = vector.broadcast %parallel_loop3A_1976 : f32 to vector<16xf32>
        %parallel_loop3A_1978 = arith.subf %parallel_loop3A_1977, %parallel_loop3A_1975 : vector<16xf32>
        %parallel_loop3A_1979 = arith.mulf %parallel_loop3A_1973, %parallel_loop3A_1978 : vector<16xf32>
        %parallel_loop3A_1980 = arith.mulf %parallel_loop3A_1956, %parallel_loop3A_1979 : vector<16xf32>
        %parallel_loop3A_1981 = arith.mulf %parallel_loop3A_1952, %parallel_loop3A_1950 : vector<16xf32>
        %parallel_loop3A_1982 = arith.mulf %parallel_loop3A_1953, %parallel_loop3A_1951 : vector<16xf32>
        %parallel_loop3A_1983 = arith.addf %parallel_loop3A_1981, %parallel_loop3A_1982 : vector<16xf32>
        %parallel_loop3A_1984 = arith.mulf %parallel_loop3A_1983, %parallel_loop3A_1979 : vector<16xf32>
        %parallel_loop3A_1985 = arith.constant -9.250000e+00 : f32
        %parallel_loop3A_1986 = arith.constant 9.250000e+00 : f32
        %parallel_loop3A_1987 = vector.broadcast %parallel_loop3A_1985 : f32 to vector<16xf32>
        %parallel_loop3A_1988 = arith.maximumf %parallel_loop3A_1987, %parallel_loop3A_1984 : vector<16xf32>
        %parallel_loop3A_1989 = vector.broadcast %parallel_loop3A_1986 : f32 to vector<16xf32>
        %parallel_loop3A_1990 = arith.minimumf %parallel_loop3A_1989, %parallel_loop3A_1988 : vector<16xf32>
        %parallel_loop3A_1991 = arith.constant 0.137931034 : f32
        %parallel_loop3A_1992 = vector.broadcast %parallel_loop3A_1991 : f32 to vector<16xf32>
        %parallel_loop3A_1993 = arith.mulf %parallel_loop3A_1990, %parallel_loop3A_1992 : vector<16xf32>
        %parallel_loop3A_1994 = arith.constant 1.2758621 : f32
        %parallel_loop3A_1995 = vector.broadcast %parallel_loop3A_1994 : f32 to vector<16xf32>
        %parallel_loop3A_1996 = arith.subf %parallel_loop3A_1995, %parallel_loop3A_1993 : vector<16xf32>
        %parallel_loop3A_1997 = arith.constant 5.000000e-01 : f32
        %parallel_loop3A_1998 = vector.broadcast %parallel_loop3A_1997 : f32 to vector<16xf32>
        %parallel_loop3A_1999 = arith.mulf %parallel_loop3A_1998, %parallel_loop3A_1990 : vector<16xf32>
        %parallel_loop3A_2000 = arith.constant 4.625000e+00 : f32
        %parallel_loop3A_2001 = vector.broadcast %parallel_loop3A_2000 : f32 to vector<16xf32>
        %parallel_loop3A_2002 = arith.addf %parallel_loop3A_1999, %parallel_loop3A_2001 : vector<16xf32>
        %parallel_loop3A_2003 = arith.mulf %parallel_loop3A_1996, %parallel_loop3A_2002 : vector<16xf32>
        %parallel_loop3A_2004 = arith.mulf %parallel_loop3A_1993, %parallel_loop3A_1993 : vector<16xf32>
        %parallel_loop3A_2005 = arith.constant 0.275862068 : f32
        %parallel_loop3A_2006 = vector.broadcast %parallel_loop3A_2005 : f32 to vector<16xf32>
        %parallel_loop3A_2007 = arith.mulf %parallel_loop3A_2006, %parallel_loop3A_1980 : vector<16xf32>
        %parallel_loop3A_2008 = arith.addf %parallel_loop3A_2004, %parallel_loop3A_2007 : vector<16xf32>
        %parallel_loop3A_2009 = vector.bitcast %parallel_loop3A_2008 : vector<16xf32> to vector<16xi32>
        %parallel_loop3A_2010 = arith.constant 1 : i32
        %parallel_loop3A_2011 = vector.broadcast %parallel_loop3A_2010 : i32 to vector<16xi32>
        %parallel_loop3A_2012 = arith.shrsi %parallel_loop3A_2009, %parallel_loop3A_2011 : vector<16xi32>
        %parallel_loop3A_2013 = arith.constant 1597463007 : i32
        %parallel_loop3A_2014 = vector.broadcast %parallel_loop3A_2013 : i32 to vector<16xi32>
        %parallel_loop3A_2015 = arith.subi %parallel_loop3A_2014, %parallel_loop3A_2012 : vector<16xi32>
        %parallel_loop3A_2016 = vector.bitcast %parallel_loop3A_2015 : vector<16xi32> to vector<16xf32>
        %parallel_loop3A_2017 = arith.constant 5.000000e-01 : f32
        %parallel_loop3A_2018 = vector.broadcast %parallel_loop3A_2017 : f32 to vector<16xf32>
        %parallel_loop3A_2019 = arith.mulf %parallel_loop3A_2008, %parallel_loop3A_2018 : vector<16xf32>
        %parallel_loop3A_2020 = arith.mulf %parallel_loop3A_2019, %parallel_loop3A_2016 : vector<16xf32>
        %parallel_loop3A_2021 = arith.mulf %parallel_loop3A_2020, %parallel_loop3A_2016 : vector<16xf32>
        %parallel_loop3A_2022 = arith.constant 1.500000e+00 : f32
        %parallel_loop3A_2023 = vector.broadcast %parallel_loop3A_2022 : f32 to vector<16xf32>
        %parallel_loop3A_2024 = arith.subf %parallel_loop3A_2023, %parallel_loop3A_2021 : vector<16xf32>
        %parallel_loop3A_2025 = arith.mulf %parallel_loop3A_2016, %parallel_loop3A_2024 : vector<16xf32>
        %parallel_loop3A_2026 = arith.mulf %parallel_loop3A_2019, %parallel_loop3A_2025 : vector<16xf32>
        %parallel_loop3A_2027 = arith.mulf %parallel_loop3A_2026, %parallel_loop3A_2025 : vector<16xf32>
        %parallel_loop3A_2028 = arith.constant 1.500000e+00 : f32
        %parallel_loop3A_2029 = vector.broadcast %parallel_loop3A_2028 : f32 to vector<16xf32>
        %parallel_loop3A_2030 = arith.subf %parallel_loop3A_2029, %parallel_loop3A_2027 : vector<16xf32>
        %parallel_loop3A_2031 = arith.mulf %parallel_loop3A_2025, %parallel_loop3A_2030 : vector<16xf32>
        %parallel_loop3A_2032 = arith.mulf %parallel_loop3A_2008, %parallel_loop3A_2031 : vector<16xf32>
        %parallel_loop3A_2033 = arith.subf %parallel_loop3A_2032, %parallel_loop3A_1993 : vector<16xf32>
        %parallel_loop3A_2034 = arith.cmpf ogt, %parallel_loop3A_2003, %parallel_loop3A_1980 : vector<16xf32>
        %parallel_loop3A_2035 = arith.select %parallel_loop3A_2034, %parallel_loop3A_2033, %parallel_loop3A_1996 : vector<16xi1>, vector<16xf32>
        %parallel_loop3A_2036 = arith.minimumf %parallel_loop3A_2003, %parallel_loop3A_1980 : vector<16xf32>
        %parallel_loop3A_2037 = arith.constant 0.000000e+00 : f32
        %parallel_loop3A_2038 = vector.broadcast %parallel_loop3A_2037 : f32 to vector<16xf32>
        %parallel_loop3A_2039 = arith.maximumf %parallel_loop3A_2036, %parallel_loop3A_2038 : vector<16xf32>
        %parallel_loop3A_2040 = arith.subf %parallel_loop3A_1980, %parallel_loop3A_2039 : vector<16xf32>
        %parallel_loop3A_2041 = arith.constant 0.108108111 : f32
        %parallel_loop3A_2042 = vector.broadcast %parallel_loop3A_2041 : f32 to vector<16xf32>
        %parallel_loop3A_2043 = arith.mulf %parallel_loop3A_2040, %parallel_loop3A_2042 : vector<16xf32>
        %parallel_loop3A_2044 = arith.addf %parallel_loop3A_2035, %parallel_loop3A_2043 : vector<16xf32>
        %parallel_loop3A_2045 = arith.constant 144 : i32
        %parallel_loop3A_2046 = arith.addi %parallel_loop3A_995, %parallel_loop3A_2045 : i32
        %parallel_loop3A_2047 = arith.index_cast %parallel_loop3A_2046 : i32 to index
        %parallel_loop3A_2048 = tpu.vector_load %arg9[%parallel_loop3A_2047] {strides = array<i32>} : memref<29040xf32, #tpu.memory_space<vmem>>, vector<16xf32>,
        tpu.vector_store %arg9[%parallel_loop3A_2047], %parallel_loop3A_2044 {strides = array<i32>} : memref<29040xf32, #tpu.memory_space<vmem>>, vector<16xf32>,
        %parallel_loop3A_2049 = vector.broadcast %parallel_loop3A_998 : i32 to vector<16xi32>
        %parallel_loop3A_2050 = arith.addi %select_n3A_608, %parallel_loop3A_2049 : vector<16xi32>
        %parallel_loop3A_2051 = tpu.vector_load_idx %arg7[%parallel_loop3A_2050] : memref<6608xf32, #tpu.memory_space<vmem>>[vector<16xi32>], vector<16xf32>,
        %parallel_loop3A_2052 = tpu.vector_load_idx %arg8[%parallel_loop3A_2050] : memref<6608xf32, #tpu.memory_space<vmem>>[vector<16xi32>], vector<16xf32>,
        %parallel_loop3A_2053 = tpu.vector_load_idx %arg6[%add3A_694] : memref<512xf32, #tpu.memory_space<vmem>>[vector<16xi32>], vector<16xf32>,
        %parallel_loop3A_2054 = tpu.vector_load_idx %arg6[%add3A_727] : memref<512xf32, #tpu.memory_space<vmem>>[vector<16xi32>], vector<16xf32>,
        %parallel_loop3A_2055 = tpu.vector_load_idx %arg6[%add3A_760] : memref<512xf32, #tpu.memory_space<vmem>>[vector<16xi32>], vector<16xf32>,
        %parallel_loop3A_2056 = tpu.vector_load_idx %arg6[%add3A_793] : memref<512xf32, #tpu.memory_space<vmem>>[vector<16xi32>], vector<16xf32>,
        %parallel_loop3A_2057 = arith.subf %parallel_loop3A_2051, %parallel_loop3A_2053 : vector<16xf32>
        %parallel_loop3A_2058 = arith.subf %parallel_loop3A_2052, %parallel_loop3A_2054 : vector<16xf32>
        %parallel_loop3A_2059 = arith.mulf %parallel_loop3A_2057, %parallel_loop3A_2057 : vector<16xf32>
        %parallel_loop3A_2060 = arith.mulf %parallel_loop3A_2058, %parallel_loop3A_2058 : vector<16xf32>
        %parallel_loop3A_2061 = arith.addf %parallel_loop3A_2059, %parallel_loop3A_2060 : vector<16xf32>
        %parallel_loop3A_2062 = vector.bitcast %parallel_loop3A_2061 : vector<16xf32> to vector<16xi32>
        %parallel_loop3A_2063 = arith.constant 1 : i32
        %parallel_loop3A_2064 = vector.broadcast %parallel_loop3A_2063 : i32 to vector<16xi32>
        %parallel_loop3A_2065 = arith.shrsi %parallel_loop3A_2062, %parallel_loop3A_2064 : vector<16xi32>
        %parallel_loop3A_2066 = arith.constant 1597463007 : i32
        %parallel_loop3A_2067 = vector.broadcast %parallel_loop3A_2066 : i32 to vector<16xi32>
        %parallel_loop3A_2068 = arith.subi %parallel_loop3A_2067, %parallel_loop3A_2065 : vector<16xi32>
        %parallel_loop3A_2069 = vector.bitcast %parallel_loop3A_2068 : vector<16xi32> to vector<16xf32>
        %parallel_loop3A_2070 = arith.constant 5.000000e-01 : f32
        %parallel_loop3A_2071 = vector.broadcast %parallel_loop3A_2070 : f32 to vector<16xf32>
        %parallel_loop3A_2072 = arith.mulf %parallel_loop3A_2061, %parallel_loop3A_2071 : vector<16xf32>
        %parallel_loop3A_2073 = arith.mulf %parallel_loop3A_2072, %parallel_loop3A_2069 : vector<16xf32>
        %parallel_loop3A_2074 = arith.mulf %parallel_loop3A_2073, %parallel_loop3A_2069 : vector<16xf32>
        %parallel_loop3A_2075 = arith.constant 1.500000e+00 : f32
        %parallel_loop3A_2076 = vector.broadcast %parallel_loop3A_2075 : f32 to vector<16xf32>
        %parallel_loop3A_2077 = arith.subf %parallel_loop3A_2076, %parallel_loop3A_2074 : vector<16xf32>
        %parallel_loop3A_2078 = arith.mulf %parallel_loop3A_2069, %parallel_loop3A_2077 : vector<16xf32>
        %parallel_loop3A_2079 = arith.mulf %parallel_loop3A_2072, %parallel_loop3A_2078 : vector<16xf32>
        %parallel_loop3A_2080 = arith.mulf %parallel_loop3A_2079, %parallel_loop3A_2078 : vector<16xf32>
        %parallel_loop3A_2081 = arith.constant 1.500000e+00 : f32
        %parallel_loop3A_2082 = vector.broadcast %parallel_loop3A_2081 : f32 to vector<16xf32>
        %parallel_loop3A_2083 = arith.subf %parallel_loop3A_2082, %parallel_loop3A_2080 : vector<16xf32>
        %parallel_loop3A_2084 = arith.mulf %parallel_loop3A_2078, %parallel_loop3A_2083 : vector<16xf32>
        %parallel_loop3A_2085 = arith.mulf %parallel_loop3A_2061, %parallel_loop3A_2084 : vector<16xf32>
        %parallel_loop3A_2086 = arith.mulf %parallel_loop3A_2057, %parallel_loop3A_2055 : vector<16xf32>
        %parallel_loop3A_2087 = arith.mulf %parallel_loop3A_2058, %parallel_loop3A_2056 : vector<16xf32>
        %parallel_loop3A_2088 = arith.addf %parallel_loop3A_2086, %parallel_loop3A_2087 : vector<16xf32>
        %parallel_loop3A_2089 = arith.mulf %parallel_loop3A_2088, %parallel_loop3A_2084 : vector<16xf32>
        %parallel_loop3A_2090 = arith.constant -9.250000e+00 : f32
        %parallel_loop3A_2091 = arith.constant 9.250000e+00 : f32
        %parallel_loop3A_2092 = vector.broadcast %parallel_loop3A_2090 : f32 to vector<16xf32>
        %parallel_loop3A_2093 = arith.maximumf %parallel_loop3A_2092, %parallel_loop3A_2089 : vector<16xf32>
        %parallel_loop3A_2094 = vector.broadcast %parallel_loop3A_2091 : f32 to vector<16xf32>
        %parallel_loop3A_2095 = arith.minimumf %parallel_loop3A_2094, %parallel_loop3A_2093 : vector<16xf32>
        %parallel_loop3A_2096 = arith.constant 0.137931034 : f32
        %parallel_loop3A_2097 = vector.broadcast %parallel_loop3A_2096 : f32 to vector<16xf32>
        %parallel_loop3A_2098 = arith.mulf %parallel_loop3A_2095, %parallel_loop3A_2097 : vector<16xf32>
        %parallel_loop3A_2099 = arith.constant 1.2758621 : f32
        %parallel_loop3A_2100 = vector.broadcast %parallel_loop3A_2099 : f32 to vector<16xf32>
        %parallel_loop3A_2101 = arith.subf %parallel_loop3A_2100, %parallel_loop3A_2098 : vector<16xf32>
        %parallel_loop3A_2102 = arith.constant 5.000000e-01 : f32
        %parallel_loop3A_2103 = vector.broadcast %parallel_loop3A_2102 : f32 to vector<16xf32>
        %parallel_loop3A_2104 = arith.mulf %parallel_loop3A_2103, %parallel_loop3A_2095 : vector<16xf32>
        %parallel_loop3A_2105 = arith.constant 4.625000e+00 : f32
        %parallel_loop3A_2106 = vector.broadcast %parallel_loop3A_2105 : f32 to vector<16xf32>
        %parallel_loop3A_2107 = arith.addf %parallel_loop3A_2104, %parallel_loop3A_2106 : vector<16xf32>
        %parallel_loop3A_2108 = arith.mulf %parallel_loop3A_2101, %parallel_loop3A_2107 : vector<16xf32>
        %parallel_loop3A_2109 = arith.mulf %parallel_loop3A_2098, %parallel_loop3A_2098 : vector<16xf32>
        %parallel_loop3A_2110 = arith.constant 0.275862068 : f32
        %parallel_loop3A_2111 = vector.broadcast %parallel_loop3A_2110 : f32 to vector<16xf32>
        %parallel_loop3A_2112 = arith.mulf %parallel_loop3A_2111, %parallel_loop3A_2085 : vector<16xf32>
        %parallel_loop3A_2113 = arith.addf %parallel_loop3A_2109, %parallel_loop3A_2112 : vector<16xf32>
        %parallel_loop3A_2114 = vector.bitcast %parallel_loop3A_2113 : vector<16xf32> to vector<16xi32>
        %parallel_loop3A_2115 = arith.constant 1 : i32
        %parallel_loop3A_2116 = vector.broadcast %parallel_loop3A_2115 : i32 to vector<16xi32>
        %parallel_loop3A_2117 = arith.shrsi %parallel_loop3A_2114, %parallel_loop3A_2116 : vector<16xi32>
        %parallel_loop3A_2118 = arith.constant 1597463007 : i32
        %parallel_loop3A_2119 = vector.broadcast %parallel_loop3A_2118 : i32 to vector<16xi32>
        %parallel_loop3A_2120 = arith.subi %parallel_loop3A_2119, %parallel_loop3A_2117 : vector<16xi32>
        %parallel_loop3A_2121 = vector.bitcast %parallel_loop3A_2120 : vector<16xi32> to vector<16xf32>
        %parallel_loop3A_2122 = arith.constant 5.000000e-01 : f32
        %parallel_loop3A_2123 = vector.broadcast %parallel_loop3A_2122 : f32 to vector<16xf32>
        %parallel_loop3A_2124 = arith.mulf %parallel_loop3A_2113, %parallel_loop3A_2123 : vector<16xf32>
        %parallel_loop3A_2125 = arith.mulf %parallel_loop3A_2124, %parallel_loop3A_2121 : vector<16xf32>
        %parallel_loop3A_2126 = arith.mulf %parallel_loop3A_2125, %parallel_loop3A_2121 : vector<16xf32>
        %parallel_loop3A_2127 = arith.constant 1.500000e+00 : f32
        %parallel_loop3A_2128 = vector.broadcast %parallel_loop3A_2127 : f32 to vector<16xf32>
        %parallel_loop3A_2129 = arith.subf %parallel_loop3A_2128, %parallel_loop3A_2126 : vector<16xf32>
        %parallel_loop3A_2130 = arith.mulf %parallel_loop3A_2121, %parallel_loop3A_2129 : vector<16xf32>
        %parallel_loop3A_2131 = arith.mulf %parallel_loop3A_2124, %parallel_loop3A_2130 : vector<16xf32>
        %parallel_loop3A_2132 = arith.mulf %parallel_loop3A_2131, %parallel_loop3A_2130 : vector<16xf32>
        %parallel_loop3A_2133 = arith.constant 1.500000e+00 : f32
        %parallel_loop3A_2134 = vector.broadcast %parallel_loop3A_2133 : f32 to vector<16xf32>
        %parallel_loop3A_2135 = arith.subf %parallel_loop3A_2134, %parallel_loop3A_2132 : vector<16xf32>
        %parallel_loop3A_2136 = arith.mulf %parallel_loop3A_2130, %parallel_loop3A_2135 : vector<16xf32>
        %parallel_loop3A_2137 = arith.mulf %parallel_loop3A_2113, %parallel_loop3A_2136 : vector<16xf32>
        %parallel_loop3A_2138 = arith.subf %parallel_loop3A_2137, %parallel_loop3A_2098 : vector<16xf32>
        %parallel_loop3A_2139 = arith.cmpf ogt, %parallel_loop3A_2108, %parallel_loop3A_2085 : vector<16xf32>
        %parallel_loop3A_2140 = arith.select %parallel_loop3A_2139, %parallel_loop3A_2138, %parallel_loop3A_2101 : vector<16xi1>, vector<16xf32>
        %parallel_loop3A_2141 = arith.minimumf %parallel_loop3A_2108, %parallel_loop3A_2085 : vector<16xf32>
        %parallel_loop3A_2142 = arith.constant 0.000000e+00 : f32
        %parallel_loop3A_2143 = vector.broadcast %parallel_loop3A_2142 : f32 to vector<16xf32>
        %parallel_loop3A_2144 = arith.maximumf %parallel_loop3A_2141, %parallel_loop3A_2143 : vector<16xf32>
        %parallel_loop3A_2145 = arith.subf %parallel_loop3A_2085, %parallel_loop3A_2144 : vector<16xf32>
        %parallel_loop3A_2146 = arith.constant 0.108108111 : f32
        %parallel_loop3A_2147 = vector.broadcast %parallel_loop3A_2146 : f32 to vector<16xf32>
        %parallel_loop3A_2148 = arith.mulf %parallel_loop3A_2145, %parallel_loop3A_2147 : vector<16xf32>
        %parallel_loop3A_2149 = arith.addf %parallel_loop3A_2140, %parallel_loop3A_2148 : vector<16xf32>
        %parallel_loop3A_2150 = arith.constant 160 : i32
        %parallel_loop3A_2151 = arith.addi %parallel_loop3A_995, %parallel_loop3A_2150 : i32
        %parallel_loop3A_2152 = arith.index_cast %parallel_loop3A_2151 : i32 to index
        %parallel_loop3A_2153 = tpu.vector_load %arg9[%parallel_loop3A_2152] {strides = array<i32>} : memref<29040xf32, #tpu.memory_space<vmem>>, vector<16xf32>,
        tpu.vector_store %arg9[%parallel_loop3A_2152], %parallel_loop3A_2149 {strides = array<i32>} : memref<29040xf32, #tpu.memory_space<vmem>>, vector<16xf32>,
      } {sc.loop_unroll_factor = 2 : i64, sc.parallel_access}
      %mul3A_798 = arith.constant 145200 : i32
      %mul3A_799 = arith.muli %add3A_668, %mul3A_798 : i32
      %mul3A_800 = arith.constant 29040 : i32
      %mul3A_801 = arith.muli %select_n3A_665, %mul3A_800 : i32
      %add3A_802 = arith.addi %mul3A_799, %mul3A_801 : i32
      %multiple_of3A_803 = tpu.assume_multiple %add3A_802, 16 : i32
      %dma_start3A = tpu.memref_slice %arg5[%multiple_of3A_803] : memref<18585600xf32, #tpu.memory_space<hbm>> -> memref<29040xf32, #tpu.memory_space<hbm>>
      %dma_start3A_804 = tpu.memref_slice %arg5[%multiple_of3A_803] : memref<18585600xf32, #tpu.memory_space<hbm>> -> memref<29040xf32, #tpu.memory_space<hbm>>
      tpu.enqueue_dma source(%arg9 : memref<29040xf32, #tpu.memory_space<vmem>>) target(%dma_start3A_804 : memref<29040xf32, #tpu.memory_space<hbm>>) target_semaphore(%arg11 : memref<!tpu.dma_semaphore, #tpu.memory_space<semaphore_mem>>)
      %mul3A_805 = arith.constant 2 : i32
      %mul3A_806 = arith.muli %scan3A_621, %mul3A_805 : i32
      %add3A_807 = arith.constant 1 : i32
      %add3A_808 = arith.addi %mul3A_806, %add3A_807 : i32
      %jit3A_809 = arith.constant 5 : i32
      %div3A_810 = arith.divsi %add3A_808, %jit3A_809 : i32
      %sign3A_811 = arith.constant 0 : i32
      %sign3A_812 = arith.cmpi sgt, %add3A_808, %sign3A_811 : i32
      %sign3A_813 = arith.extui %sign3A_812 : i1 to i32
      %sign3A_814 = arith.constant 0 : i32
      %sign3A_815 = arith.cmpi slt, %add3A_808, %sign3A_814 : i32
      %sign3A_816 = arith.extui %sign3A_815 : i1 to i32
      %sign3A_817 = arith.subi %sign3A_813, %sign3A_816 : i32
      %sign3A_818 = arith.constant 0 : i32
      %sign3A_819 = arith.cmpi sgt, %jit3A_809, %sign3A_818 : i32
      %sign3A_820 = arith.extui %sign3A_819 : i1 to i32
      %sign3A_821 = arith.constant 0 : i32
      %sign3A_822 = arith.cmpi slt, %jit3A_809, %sign3A_821 : i32
      %sign3A_823 = arith.extui %sign3A_822 : i1 to i32
      %sign3A_824 = arith.subi %sign3A_820, %sign3A_823 : i32
      %ne3A_825 = arith.cmpi ne, %sign3A_817, %sign3A_824 : i32
      %rem3A_826 = arith.remsi %add3A_808, %jit3A_809 : i32
      %ne3A_827 = arith.constant 0 : i32
      %ne3A_828 = arith.cmpi ne, %rem3A_826, %ne3A_827 : i32
      %and3A_829 = arith.andi %ne3A_825, %ne3A_828 : i1
      %sub3A_830 = arith.constant 1 : i32
      %sub3A_831 = arith.subi %div3A_810, %sub3A_830 : i32
      %select_n3A_832 = arith.select %and3A_829, %sub3A_831, %div3A_810 : i32
      %jit3A_833 = arith.constant 5 : i32
      %eq3A_834 = arith.constant 0 : i32
      %eq3A_835 = arith.cmpi eq, %jit3A_833, %eq3A_834 : i32
      %jit3A_836 = arith.constant 1 : i32
      %select_n3A_837 = arith.select %eq3A_835, %jit3A_836, %jit3A_833 : i32
      %rem3A_838 = arith.remsi %add3A_808, %select_n3A_837 : i32
      %ne3A_839 = arith.constant 0 : i32
      %ne3A_840 = arith.cmpi ne, %rem3A_838, %ne3A_839 : i32
      %lt3A_841 = arith.constant 0 : i32
      %lt3A_842 = arith.cmpi slt, %rem3A_838, %lt3A_841 : i32
      %lt3A_843 = arith.constant 0 : i32
      %lt3A_844 = arith.cmpi slt, %select_n3A_837, %lt3A_843 : i32
      %ne3A_845 = arith.xori %lt3A_842, %lt3A_844 : i1
      %and3A_846 = arith.andi %ne3A_845, %ne3A_840 : i1
      %add3A_847 = arith.addi %rem3A_838, %select_n3A_837 : i32
      %select_n3A_848 = arith.select %and3A_846, %add3A_847, %rem3A_838 : i32
      %mul3A_849 = arith.constant 4 : i32
      %mul3A_850 = arith.muli %add3A, %mul3A_849 : i32
      %add3A_851 = arith.addi %mul3A_850, %select_n3A_832 : i32
      %gt3A_852 = arith.constant 0 : i32
      %gt3A_853 = arith.cmpi sgt, %scan3A_621, %gt3A_852 : i32
      %convert_element_type3A_854 = arith.extui %gt3A_853 : i1 to i32
      %cond3A_855 = arith.constant 0 : i32
      %cond3A_856 = arith.cmpi ne, %convert_element_type3A_854, %cond3A_855 : i32
      scf.if %cond3A_856 {
        %dma_wait3A_993 = arith.constant 0 : i32
        %dma_wait3A_994 = tpu.memref_slice %arg5[%dma_wait3A_993] : memref<18585600xf32, #tpu.memory_space<hbm>> -> memref<29040xf32, #tpu.memory_space<hbm>>
        %dma_wait3A_995 = arith.constant 0 : i32
        %dma_wait3A_996 = tpu.memref_slice %arg5[%dma_wait3A_995] : memref<18585600xf32, #tpu.memory_space<hbm>> -> memref<29040xf32, #tpu.memory_space<hbm>>
        tpu.wait_dma2 semaphore(%arg12 : memref<!tpu.dma_semaphore, #tpu.memory_space<semaphore_mem>>) src(%arg10 : memref<29040xf32, #tpu.memory_space<vmem>>) dst(%dma_wait3A_996 : memref<29040xf32, #tpu.memory_space<hbm>>)
      } else {
      }
      %mul3A_857 = arith.constant 128 : i32
      %mul3A_858 = arith.muli %select_n3A_832, %mul3A_857 : i32
      %add3A_859 = vector.broadcast %mul3A_858 : i32 to vector<16xi32>
      %add3A_860 = arith.addi %select_n3A_20, %add3A_859 : vector<16xi32>
      %add3A_861 = vector.broadcast %mul3A_858 : i32 to vector<16xi32>
      %add3A_862 = arith.addi %select_n3A_73, %add3A_861 : vector<16xi32>
      %add3A_863 = vector.broadcast %mul3A_858 : i32 to vector<16xi32>
      %add3A_864 = arith.addi %select_n3A_129, %add3A_863 : vector<16xi32>
      %add3A_865 = vector.broadcast %mul3A_858 : i32 to vector<16xi32>
      %add3A_866 = arith.addi %select_n3A_185, %add3A_865 : vector<16xi32>
      %add3A_867 = vector.broadcast %mul3A_858 : i32 to vector<16xi32>
      %add3A_868 = arith.addi %select_n3A_241, %add3A_867 : vector<16xi32>
      %add3A_869 = vector.broadcast %mul3A_858 : i32 to vector<16xi32>
      %add3A_870 = arith.addi %select_n3A_297, %add3A_869 : vector<16xi32>
      %add3A_871 = vector.broadcast %mul3A_858 : i32 to vector<16xi32>
      %add3A_872 = arith.addi %select_n3A_353, %add3A_871 : vector<16xi32>
      %add3A_873 = vector.broadcast %mul3A_858 : i32 to vector<16xi32>
      %add3A_874 = arith.addi %select_n3A_409, %add3A_873 : vector<16xi32>
      %add3A_875 = vector.broadcast %mul3A_858 : i32 to vector<16xi32>
      %add3A_876 = arith.addi %select_n3A_465, %add3A_875 : vector<16xi32>
      %add3A_877 = vector.broadcast %mul3A_858 : i32 to vector<16xi32>
      %add3A_878 = arith.addi %select_n3A_521, %add3A_877 : vector<16xi32>
      %add3A_879 = vector.broadcast %mul3A_858 : i32 to vector<16xi32>
      %add3A_880 = arith.addi %select_n3A_577, %add3A_879 : vector<16xi32>
      %add3A_881 = arith.constant 32 : i32
      %add3A_882 = vector.broadcast %add3A_881 : i32 to vector<16xi32>
      %add3A_883 = arith.addi %add3A_860, %add3A_882 : vector<16xi32>
      %add3A_884 = arith.constant 32 : i32
      %add3A_885 = vector.broadcast %add3A_884 : i32 to vector<16xi32>
      %add3A_886 = arith.addi %add3A_862, %add3A_885 : vector<16xi32>
      %add3A_887 = arith.constant 32 : i32
      %add3A_888 = vector.broadcast %add3A_887 : i32 to vector<16xi32>
      %add3A_889 = arith.addi %add3A_864, %add3A_888 : vector<16xi32>
      %add3A_890 = arith.constant 32 : i32
      %add3A_891 = vector.broadcast %add3A_890 : i32 to vector<16xi32>
      %add3A_892 = arith.addi %add3A_866, %add3A_891 : vector<16xi32>
      %add3A_893 = arith.constant 32 : i32
      %add3A_894 = vector.broadcast %add3A_893 : i32 to vector<16xi32>
      %add3A_895 = arith.addi %add3A_868, %add3A_894 : vector<16xi32>
      %add3A_896 = arith.constant 32 : i32
      %add3A_897 = vector.broadcast %add3A_896 : i32 to vector<16xi32>
      %add3A_898 = arith.addi %add3A_870, %add3A_897 : vector<16xi32>
      %add3A_899 = arith.constant 32 : i32
      %add3A_900 = vector.broadcast %add3A_899 : i32 to vector<16xi32>
      %add3A_901 = arith.addi %add3A_872, %add3A_900 : vector<16xi32>
      %add3A_902 = arith.constant 32 : i32
      %add3A_903 = vector.broadcast %add3A_902 : i32 to vector<16xi32>
      %add3A_904 = arith.addi %add3A_874, %add3A_903 : vector<16xi32>
      %add3A_905 = arith.constant 32 : i32
      %add3A_906 = vector.broadcast %add3A_905 : i32 to vector<16xi32>
      %add3A_907 = arith.addi %add3A_876, %add3A_906 : vector<16xi32>
      %add3A_908 = arith.constant 32 : i32
      %add3A_909 = vector.broadcast %add3A_908 : i32 to vector<16xi32>
      %add3A_910 = arith.addi %add3A_878, %add3A_909 : vector<16xi32>
      %add3A_911 = arith.constant 32 : i32
      %add3A_912 = vector.broadcast %add3A_911 : i32 to vector<16xi32>
      %add3A_913 = arith.addi %add3A_880, %add3A_912 : vector<16xi32>
      %add3A_914 = arith.constant 64 : i32
      %add3A_915 = vector.broadcast %add3A_914 : i32 to vector<16xi32>
      %add3A_916 = arith.addi %add3A_860, %add3A_915 : vector<16xi32>
      %add3A_917 = arith.constant 64 : i32
      %add3A_918 = vector.broadcast %add3A_917 : i32 to vector<16xi32>
      %add3A_919 = arith.addi %add3A_862, %add3A_918 : vector<16xi32>
      %add3A_920 = arith.constant 64 : i32
      %add3A_921 = vector.broadcast %add3A_920 : i32 to vector<16xi32>
      %add3A_922 = arith.addi %add3A_864, %add3A_921 : vector<16xi32>
      %add3A_923 = arith.constant 64 : i32
      %add3A_924 = vector.broadcast %add3A_923 : i32 to vector<16xi32>
      %add3A_925 = arith.addi %add3A_866, %add3A_924 : vector<16xi32>
      %add3A_926 = arith.constant 64 : i32
      %add3A_927 = vector.broadcast %add3A_926 : i32 to vector<16xi32>
      %add3A_928 = arith.addi %add3A_868, %add3A_927 : vector<16xi32>
      %add3A_929 = arith.constant 64 : i32
      %add3A_930 = vector.broadcast %add3A_929 : i32 to vector<16xi32>
      %add3A_931 = arith.addi %add3A_870, %add3A_930 : vector<16xi32>
      %add3A_932 = arith.constant 64 : i32
      %add3A_933 = vector.broadcast %add3A_932 : i32 to vector<16xi32>
      %add3A_934 = arith.addi %add3A_872, %add3A_933 : vector<16xi32>
      %add3A_935 = arith.constant 64 : i32
      %add3A_936 = vector.broadcast %add3A_935 : i32 to vector<16xi32>
      %add3A_937 = arith.addi %add3A_874, %add3A_936 : vector<16xi32>
      %add3A_938 = arith.constant 64 : i32
      %add3A_939 = vector.broadcast %add3A_938 : i32 to vector<16xi32>
      %add3A_940 = arith.addi %add3A_876, %add3A_939 : vector<16xi32>
      %add3A_941 = arith.constant 64 : i32
      %add3A_942 = vector.broadcast %add3A_941 : i32 to vector<16xi32>
      %add3A_943 = arith.addi %add3A_878, %add3A_942 : vector<16xi32>
      %add3A_944 = arith.constant 64 : i32
      %add3A_945 = vector.broadcast %add3A_944 : i32 to vector<16xi32>
      %add3A_946 = arith.addi %add3A_880, %add3A_945 : vector<16xi32>
      %add3A_947 = arith.constant 96 : i32
      %add3A_948 = vector.broadcast %add3A_947 : i32 to vector<16xi32>
      %add3A_949 = arith.addi %add3A_860, %add3A_948 : vector<16xi32>
      %add3A_950 = arith.constant 96 : i32
      %add3A_951 = vector.broadcast %add3A_950 : i32 to vector<16xi32>
      %add3A_952 = arith.addi %add3A_862, %add3A_951 : vector<16xi32>
      %add3A_953 = arith.constant 96 : i32
      %add3A_954 = vector.broadcast %add3A_953 : i32 to vector<16xi32>
      %add3A_955 = arith.addi %add3A_864, %add3A_954 : vector<16xi32>
      %add3A_956 = arith.constant 96 : i32
      %add3A_957 = vector.broadcast %add3A_956 : i32 to vector<16xi32>
      %add3A_958 = arith.addi %add3A_866, %add3A_957 : vector<16xi32>
      %add3A_959 = arith.constant 96 : i32
      %add3A_960 = vector.broadcast %add3A_959 : i32 to vector<16xi32>
      %add3A_961 = arith.addi %add3A_868, %add3A_960 : vector<16xi32>
      %add3A_962 = arith.constant 96 : i32
      %add3A_963 = vector.broadcast %add3A_962 : i32 to vector<16xi32>
      %add3A_964 = arith.addi %add3A_870, %add3A_963 : vector<16xi32>
      %add3A_965 = arith.constant 96 : i32
      %add3A_966 = vector.broadcast %add3A_965 : i32 to vector<16xi32>
      %add3A_967 = arith.addi %add3A_872, %add3A_966 : vector<16xi32>
      %add3A_968 = arith.constant 96 : i32
      %add3A_969 = vector.broadcast %add3A_968 : i32 to vector<16xi32>
      %add3A_970 = arith.addi %add3A_874, %add3A_969 : vector<16xi32>
      %add3A_971 = arith.constant 96 : i32
      %add3A_972 = vector.broadcast %add3A_971 : i32 to vector<16xi32>
      %add3A_973 = arith.addi %add3A_876, %add3A_972 : vector<16xi32>
      %add3A_974 = arith.constant 96 : i32
      %add3A_975 = vector.broadcast %add3A_974 : i32 to vector<16xi32>
      %add3A_976 = arith.addi %add3A_878, %add3A_975 : vector<16xi32>
      %add3A_977 = arith.constant 96 : i32
      %add3A_978 = vector.broadcast %add3A_977 : i32 to vector<16xi32>
      %add3A_979 = arith.addi %add3A_880, %add3A_978 : vector<16xi32>
      %mul3A_980 = arith.constant 1320 : i32
      %mul3A_981 = arith.muli %select_n3A_848, %mul3A_980 : i32
      %parallel_loop3A_982 = arith.constant 0 : i32
      %parallel_loop3A_983 = arith.constant 165 : i32
      %parallel_loop3A_984 = arith.constant 1 : i32
      scf.for %parallel_loop3A_993 = %parallel_loop3A_982 to %parallel_loop3A_983 step %parallel_loop3A_984  : i32 {
        %parallel_loop3A_994 = arith.constant 176 : i32
        %parallel_loop3A_995 = arith.muli %parallel_loop3A_993, %parallel_loop3A_994 : i32
        %parallel_loop3A_996 = arith.constant 8 : i32
        %parallel_loop3A_997 = arith.muli %parallel_loop3A_993, %parallel_loop3A_996 : i32
        %parallel_loop3A_998 = arith.addi %mul3A_981, %parallel_loop3A_997 : i32
        %parallel_loop3A_999 = vector.broadcast %parallel_loop3A_998 : i32 to vector<16xi32>
        %parallel_loop3A_1000 = arith.addi %select_n3A_48, %parallel_loop3A_999 : vector<16xi32>
        %parallel_loop3A_1001 = tpu.vector_load_idx %arg7[%parallel_loop3A_1000] : memref<6608xf32, #tpu.memory_space<vmem>>[vector<16xi32>], vector<16xf32>,
        %parallel_loop3A_1002 = tpu.vector_load_idx %arg8[%parallel_loop3A_1000] : memref<6608xf32, #tpu.memory_space<vmem>>[vector<16xi32>], vector<16xf32>,
        %parallel_loop3A_1003 = tpu.vector_load_idx %arg6[%add3A_860] : memref<512xf32, #tpu.memory_space<vmem>>[vector<16xi32>], vector<16xf32>,
        %parallel_loop3A_1004 = tpu.vector_load_idx %arg6[%add3A_883] : memref<512xf32, #tpu.memory_space<vmem>>[vector<16xi32>], vector<16xf32>,
        %parallel_loop3A_1005 = tpu.vector_load_idx %arg6[%add3A_916] : memref<512xf32, #tpu.memory_space<vmem>>[vector<16xi32>], vector<16xf32>,
        %parallel_loop3A_1006 = tpu.vector_load_idx %arg6[%add3A_949] : memref<512xf32, #tpu.memory_space<vmem>>[vector<16xi32>], vector<16xf32>,
        %parallel_loop3A_1007 = arith.subf %parallel_loop3A_1001, %parallel_loop3A_1003 : vector<16xf32>
        %parallel_loop3A_1008 = arith.subf %parallel_loop3A_1002, %parallel_loop3A_1004 : vector<16xf32>
        %parallel_loop3A_1009 = arith.mulf %parallel_loop3A_1007, %parallel_loop3A_1007 : vector<16xf32>
        %parallel_loop3A_1010 = arith.mulf %parallel_loop3A_1008, %parallel_loop3A_1008 : vector<16xf32>
        %parallel_loop3A_1011 = arith.addf %parallel_loop3A_1009, %parallel_loop3A_1010 : vector<16xf32>
        %parallel_loop3A_1012 = vector.bitcast %parallel_loop3A_1011 : vector<16xf32> to vector<16xi32>
        %parallel_loop3A_1013 = arith.constant 1 : i32
        %parallel_loop3A_1014 = vector.broadcast %parallel_loop3A_1013 : i32 to vector<16xi32>
        %parallel_loop3A_1015 = arith.shrsi %parallel_loop3A_1012, %parallel_loop3A_1014 : vector<16xi32>
        %parallel_loop3A_1016 = arith.constant 1597463007 : i32
        %parallel_loop3A_1017 = vector.broadcast %parallel_loop3A_1016 : i32 to vector<16xi32>
        %parallel_loop3A_1018 = arith.subi %parallel_loop3A_1017, %parallel_loop3A_1015 : vector<16xi32>
        %parallel_loop3A_1019 = vector.bitcast %parallel_loop3A_1018 : vector<16xi32> to vector<16xf32>
        %parallel_loop3A_1020 = arith.constant 5.000000e-01 : f32
        %parallel_loop3A_1021 = vector.broadcast %parallel_loop3A_1020 : f32 to vector<16xf32>
        %parallel_loop3A_1022 = arith.mulf %parallel_loop3A_1011, %parallel_loop3A_1021 : vector<16xf32>
        %parallel_loop3A_1023 = arith.mulf %parallel_loop3A_1022, %parallel_loop3A_1019 : vector<16xf32>
        %parallel_loop3A_1024 = arith.mulf %parallel_loop3A_1023, %parallel_loop3A_1019 : vector<16xf32>
        %parallel_loop3A_1025 = arith.constant 1.500000e+00 : f32
        %parallel_loop3A_1026 = vector.broadcast %parallel_loop3A_1025 : f32 to vector<16xf32>
        %parallel_loop3A_1027 = arith.subf %parallel_loop3A_1026, %parallel_loop3A_1024 : vector<16xf32>
        %parallel_loop3A_1028 = arith.mulf %parallel_loop3A_1019, %parallel_loop3A_1027 : vector<16xf32>
        %parallel_loop3A_1029 = arith.mulf %parallel_loop3A_1022, %parallel_loop3A_1028 : vector<16xf32>
        %parallel_loop3A_1030 = arith.mulf %parallel_loop3A_1029, %parallel_loop3A_1028 : vector<16xf32>
        %parallel_loop3A_1031 = arith.constant 1.500000e+00 : f32
        %parallel_loop3A_1032 = vector.broadcast %parallel_loop3A_1031 : f32 to vector<16xf32>
        %parallel_loop3A_1033 = arith.subf %parallel_loop3A_1032, %parallel_loop3A_1030 : vector<16xf32>
        %parallel_loop3A_1034 = arith.mulf %parallel_loop3A_1028, %parallel_loop3A_1033 : vector<16xf32>
        %parallel_loop3A_1035 = arith.mulf %parallel_loop3A_1011, %parallel_loop3A_1034 : vector<16xf32>
        %parallel_loop3A_1036 = arith.mulf %parallel_loop3A_1007, %parallel_loop3A_1005 : vector<16xf32>
        %parallel_loop3A_1037 = arith.mulf %parallel_loop3A_1008, %parallel_loop3A_1006 : vector<16xf32>
        %parallel_loop3A_1038 = arith.addf %parallel_loop3A_1036, %parallel_loop3A_1037 : vector<16xf32>
        %parallel_loop3A_1039 = arith.mulf %parallel_loop3A_1038, %parallel_loop3A_1034 : vector<16xf32>
        %parallel_loop3A_1040 = arith.constant -9.250000e+00 : f32
        %parallel_loop3A_1041 = arith.constant 9.250000e+00 : f32
        %parallel_loop3A_1042 = vector.broadcast %parallel_loop3A_1040 : f32 to vector<16xf32>
        %parallel_loop3A_1043 = arith.maximumf %parallel_loop3A_1042, %parallel_loop3A_1039 : vector<16xf32>
        %parallel_loop3A_1044 = vector.broadcast %parallel_loop3A_1041 : f32 to vector<16xf32>
        %parallel_loop3A_1045 = arith.minimumf %parallel_loop3A_1044, %parallel_loop3A_1043 : vector<16xf32>
        %parallel_loop3A_1046 = arith.constant 0.137931034 : f32
        %parallel_loop3A_1047 = vector.broadcast %parallel_loop3A_1046 : f32 to vector<16xf32>
        %parallel_loop3A_1048 = arith.mulf %parallel_loop3A_1045, %parallel_loop3A_1047 : vector<16xf32>
        %parallel_loop3A_1049 = arith.constant 1.2758621 : f32
        %parallel_loop3A_1050 = vector.broadcast %parallel_loop3A_1049 : f32 to vector<16xf32>
        %parallel_loop3A_1051 = arith.subf %parallel_loop3A_1050, %parallel_loop3A_1048 : vector<16xf32>
        %parallel_loop3A_1052 = arith.constant 5.000000e-01 : f32
        %parallel_loop3A_1053 = vector.broadcast %parallel_loop3A_1052 : f32 to vector<16xf32>
        %parallel_loop3A_1054 = arith.mulf %parallel_loop3A_1053, %parallel_loop3A_1045 : vector<16xf32>
        %parallel_loop3A_1055 = arith.constant 4.625000e+00 : f32
        %parallel_loop3A_1056 = vector.broadcast %parallel_loop3A_1055 : f32 to vector<16xf32>
        %parallel_loop3A_1057 = arith.addf %parallel_loop3A_1054, %parallel_loop3A_1056 : vector<16xf32>
        %parallel_loop3A_1058 = arith.mulf %parallel_loop3A_1051, %parallel_loop3A_1057 : vector<16xf32>
        %parallel_loop3A_1059 = arith.mulf %parallel_loop3A_1048, %parallel_loop3A_1048 : vector<16xf32>
        %parallel_loop3A_1060 = arith.constant 0.275862068 : f32
        %parallel_loop3A_1061 = vector.broadcast %parallel_loop3A_1060 : f32 to vector<16xf32>
        %parallel_loop3A_1062 = arith.mulf %parallel_loop3A_1061, %parallel_loop3A_1035 : vector<16xf32>
        %parallel_loop3A_1063 = arith.addf %parallel_loop3A_1059, %parallel_loop3A_1062 : vector<16xf32>
        %parallel_loop3A_1064 = vector.bitcast %parallel_loop3A_1063 : vector<16xf32> to vector<16xi32>
        %parallel_loop3A_1065 = arith.constant 1 : i32
        %parallel_loop3A_1066 = vector.broadcast %parallel_loop3A_1065 : i32 to vector<16xi32>
        %parallel_loop3A_1067 = arith.shrsi %parallel_loop3A_1064, %parallel_loop3A_1066 : vector<16xi32>
        %parallel_loop3A_1068 = arith.constant 1597463007 : i32
        %parallel_loop3A_1069 = vector.broadcast %parallel_loop3A_1068 : i32 to vector<16xi32>
        %parallel_loop3A_1070 = arith.subi %parallel_loop3A_1069, %parallel_loop3A_1067 : vector<16xi32>
        %parallel_loop3A_1071 = vector.bitcast %parallel_loop3A_1070 : vector<16xi32> to vector<16xf32>
        %parallel_loop3A_1072 = arith.constant 5.000000e-01 : f32
        %parallel_loop3A_1073 = vector.broadcast %parallel_loop3A_1072 : f32 to vector<16xf32>
        %parallel_loop3A_1074 = arith.mulf %parallel_loop3A_1063, %parallel_loop3A_1073 : vector<16xf32>
        %parallel_loop3A_1075 = arith.mulf %parallel_loop3A_1074, %parallel_loop3A_1071 : vector<16xf32>
        %parallel_loop3A_1076 = arith.mulf %parallel_loop3A_1075, %parallel_loop3A_1071 : vector<16xf32>
        %parallel_loop3A_1077 = arith.constant 1.500000e+00 : f32
        %parallel_loop3A_1078 = vector.broadcast %parallel_loop3A_1077 : f32 to vector<16xf32>
        %parallel_loop3A_1079 = arith.subf %parallel_loop3A_1078, %parallel_loop3A_1076 : vector<16xf32>
        %parallel_loop3A_1080 = arith.mulf %parallel_loop3A_1071, %parallel_loop3A_1079 : vector<16xf32>
        %parallel_loop3A_1081 = arith.mulf %parallel_loop3A_1074, %parallel_loop3A_1080 : vector<16xf32>
        %parallel_loop3A_1082 = arith.mulf %parallel_loop3A_1081, %parallel_loop3A_1080 : vector<16xf32>
        %parallel_loop3A_1083 = arith.constant 1.500000e+00 : f32
        %parallel_loop3A_1084 = vector.broadcast %parallel_loop3A_1083 : f32 to vector<16xf32>
        %parallel_loop3A_1085 = arith.subf %parallel_loop3A_1084, %parallel_loop3A_1082 : vector<16xf32>
        %parallel_loop3A_1086 = arith.mulf %parallel_loop3A_1080, %parallel_loop3A_1085 : vector<16xf32>
        %parallel_loop3A_1087 = arith.mulf %parallel_loop3A_1063, %parallel_loop3A_1086 : vector<16xf32>
        %parallel_loop3A_1088 = arith.subf %parallel_loop3A_1087, %parallel_loop3A_1048 : vector<16xf32>
        %parallel_loop3A_1089 = arith.cmpf ogt, %parallel_loop3A_1058, %parallel_loop3A_1035 : vector<16xf32>
        %parallel_loop3A_1090 = arith.select %parallel_loop3A_1089, %parallel_loop3A_1088, %parallel_loop3A_1051 : vector<16xi1>, vector<16xf32>
        %parallel_loop3A_1091 = arith.minimumf %parallel_loop3A_1058, %parallel_loop3A_1035 : vector<16xf32>
        %parallel_loop3A_1092 = arith.constant 0.000000e+00 : f32
        %parallel_loop3A_1093 = vector.broadcast %parallel_loop3A_1092 : f32 to vector<16xf32>
        %parallel_loop3A_1094 = arith.maximumf %parallel_loop3A_1091, %parallel_loop3A_1093 : vector<16xf32>
        %parallel_loop3A_1095 = arith.subf %parallel_loop3A_1035, %parallel_loop3A_1094 : vector<16xf32>
        %parallel_loop3A_1096 = arith.constant 0.108108111 : f32
        %parallel_loop3A_1097 = vector.broadcast %parallel_loop3A_1096 : f32 to vector<16xf32>
        %parallel_loop3A_1098 = arith.mulf %parallel_loop3A_1095, %parallel_loop3A_1097 : vector<16xf32>
        %parallel_loop3A_1099 = arith.addf %parallel_loop3A_1090, %parallel_loop3A_1098 : vector<16xf32>
        %parallel_loop3A_1100 = arith.constant 0 : i32
        %parallel_loop3A_1101 = arith.addi %parallel_loop3A_995, %parallel_loop3A_1100 : i32
        %parallel_loop3A_1102 = arith.index_cast %parallel_loop3A_1101 : i32 to index
        %parallel_loop3A_1103 = tpu.vector_load %arg10[%parallel_loop3A_1102] {strides = array<i32>} : memref<29040xf32, #tpu.memory_space<vmem>>, vector<16xf32>,
        tpu.vector_store %arg10[%parallel_loop3A_1102], %parallel_loop3A_1099 {strides = array<i32>} : memref<29040xf32, #tpu.memory_space<vmem>>, vector<16xf32>,
        %parallel_loop3A_1104 = vector.broadcast %parallel_loop3A_998 : i32 to vector<16xi32>
        %parallel_loop3A_1105 = arith.addi %select_n3A_104, %parallel_loop3A_1104 : vector<16xi32>
        %parallel_loop3A_1106 = tpu.vector_load_idx %arg7[%parallel_loop3A_1105] : memref<6608xf32, #tpu.memory_space<vmem>>[vector<16xi32>], vector<16xf32>,
        %parallel_loop3A_1107 = tpu.vector_load_idx %arg8[%parallel_loop3A_1105] : memref<6608xf32, #tpu.memory_space<vmem>>[vector<16xi32>], vector<16xf32>,
        %parallel_loop3A_1108 = tpu.vector_load_idx %arg6[%add3A_862] : memref<512xf32, #tpu.memory_space<vmem>>[vector<16xi32>], vector<16xf32>,
        %parallel_loop3A_1109 = tpu.vector_load_idx %arg6[%add3A_886] : memref<512xf32, #tpu.memory_space<vmem>>[vector<16xi32>], vector<16xf32>,
        %parallel_loop3A_1110 = tpu.vector_load_idx %arg6[%add3A_919] : memref<512xf32, #tpu.memory_space<vmem>>[vector<16xi32>], vector<16xf32>,
        %parallel_loop3A_1111 = tpu.vector_load_idx %arg6[%add3A_952] : memref<512xf32, #tpu.memory_space<vmem>>[vector<16xi32>], vector<16xf32>,
        %parallel_loop3A_1112 = arith.subf %parallel_loop3A_1106, %parallel_loop3A_1108 : vector<16xf32>
        %parallel_loop3A_1113 = arith.subf %parallel_loop3A_1107, %parallel_loop3A_1109 : vector<16xf32>
        %parallel_loop3A_1114 = arith.mulf %parallel_loop3A_1112, %parallel_loop3A_1112 : vector<16xf32>
        %parallel_loop3A_1115 = arith.mulf %parallel_loop3A_1113, %parallel_loop3A_1113 : vector<16xf32>
        %parallel_loop3A_1116 = arith.addf %parallel_loop3A_1114, %parallel_loop3A_1115 : vector<16xf32>
        %parallel_loop3A_1117 = vector.bitcast %parallel_loop3A_1116 : vector<16xf32> to vector<16xi32>
        %parallel_loop3A_1118 = arith.constant 1 : i32
        %parallel_loop3A_1119 = vector.broadcast %parallel_loop3A_1118 : i32 to vector<16xi32>
        %parallel_loop3A_1120 = arith.shrsi %parallel_loop3A_1117, %parallel_loop3A_1119 : vector<16xi32>
        %parallel_loop3A_1121 = arith.constant 1597463007 : i32
        %parallel_loop3A_1122 = vector.broadcast %parallel_loop3A_1121 : i32 to vector<16xi32>
        %parallel_loop3A_1123 = arith.subi %parallel_loop3A_1122, %parallel_loop3A_1120 : vector<16xi32>
        %parallel_loop3A_1124 = vector.bitcast %parallel_loop3A_1123 : vector<16xi32> to vector<16xf32>
        %parallel_loop3A_1125 = arith.constant 5.000000e-01 : f32
        %parallel_loop3A_1126 = vector.broadcast %parallel_loop3A_1125 : f32 to vector<16xf32>
        %parallel_loop3A_1127 = arith.mulf %parallel_loop3A_1116, %parallel_loop3A_1126 : vector<16xf32>
        %parallel_loop3A_1128 = arith.mulf %parallel_loop3A_1127, %parallel_loop3A_1124 : vector<16xf32>
        %parallel_loop3A_1129 = arith.mulf %parallel_loop3A_1128, %parallel_loop3A_1124 : vector<16xf32>
        %parallel_loop3A_1130 = arith.constant 1.500000e+00 : f32
        %parallel_loop3A_1131 = vector.broadcast %parallel_loop3A_1130 : f32 to vector<16xf32>
        %parallel_loop3A_1132 = arith.subf %parallel_loop3A_1131, %parallel_loop3A_1129 : vector<16xf32>
        %parallel_loop3A_1133 = arith.mulf %parallel_loop3A_1124, %parallel_loop3A_1132 : vector<16xf32>
        %parallel_loop3A_1134 = arith.mulf %parallel_loop3A_1127, %parallel_loop3A_1133 : vector<16xf32>
        %parallel_loop3A_1135 = arith.mulf %parallel_loop3A_1134, %parallel_loop3A_1133 : vector<16xf32>
        %parallel_loop3A_1136 = arith.constant 1.500000e+00 : f32
        %parallel_loop3A_1137 = vector.broadcast %parallel_loop3A_1136 : f32 to vector<16xf32>
        %parallel_loop3A_1138 = arith.subf %parallel_loop3A_1137, %parallel_loop3A_1135 : vector<16xf32>
        %parallel_loop3A_1139 = arith.mulf %parallel_loop3A_1133, %parallel_loop3A_1138 : vector<16xf32>
        %parallel_loop3A_1140 = arith.mulf %parallel_loop3A_1116, %parallel_loop3A_1139 : vector<16xf32>
        %parallel_loop3A_1141 = arith.mulf %parallel_loop3A_1112, %parallel_loop3A_1110 : vector<16xf32>
        %parallel_loop3A_1142 = arith.mulf %parallel_loop3A_1113, %parallel_loop3A_1111 : vector<16xf32>
        %parallel_loop3A_1143 = arith.addf %parallel_loop3A_1141, %parallel_loop3A_1142 : vector<16xf32>
        %parallel_loop3A_1144 = arith.mulf %parallel_loop3A_1143, %parallel_loop3A_1139 : vector<16xf32>
        %parallel_loop3A_1145 = arith.constant -9.250000e+00 : f32
        %parallel_loop3A_1146 = arith.constant 9.250000e+00 : f32
        %parallel_loop3A_1147 = vector.broadcast %parallel_loop3A_1145 : f32 to vector<16xf32>
        %parallel_loop3A_1148 = arith.maximumf %parallel_loop3A_1147, %parallel_loop3A_1144 : vector<16xf32>
        %parallel_loop3A_1149 = vector.broadcast %parallel_loop3A_1146 : f32 to vector<16xf32>
        %parallel_loop3A_1150 = arith.minimumf %parallel_loop3A_1149, %parallel_loop3A_1148 : vector<16xf32>
        %parallel_loop3A_1151 = arith.constant 0.137931034 : f32
        %parallel_loop3A_1152 = vector.broadcast %parallel_loop3A_1151 : f32 to vector<16xf32>
        %parallel_loop3A_1153 = arith.mulf %parallel_loop3A_1150, %parallel_loop3A_1152 : vector<16xf32>
        %parallel_loop3A_1154 = arith.constant 1.2758621 : f32
        %parallel_loop3A_1155 = vector.broadcast %parallel_loop3A_1154 : f32 to vector<16xf32>
        %parallel_loop3A_1156 = arith.subf %parallel_loop3A_1155, %parallel_loop3A_1153 : vector<16xf32>
        %parallel_loop3A_1157 = arith.constant 5.000000e-01 : f32
        %parallel_loop3A_1158 = vector.broadcast %parallel_loop3A_1157 : f32 to vector<16xf32>
        %parallel_loop3A_1159 = arith.mulf %parallel_loop3A_1158, %parallel_loop3A_1150 : vector<16xf32>
        %parallel_loop3A_1160 = arith.constant 4.625000e+00 : f32
        %parallel_loop3A_1161 = vector.broadcast %parallel_loop3A_1160 : f32 to vector<16xf32>
        %parallel_loop3A_1162 = arith.addf %parallel_loop3A_1159, %parallel_loop3A_1161 : vector<16xf32>
        %parallel_loop3A_1163 = arith.mulf %parallel_loop3A_1156, %parallel_loop3A_1162 : vector<16xf32>
        %parallel_loop3A_1164 = arith.mulf %parallel_loop3A_1153, %parallel_loop3A_1153 : vector<16xf32>
        %parallel_loop3A_1165 = arith.constant 0.275862068 : f32
        %parallel_loop3A_1166 = vector.broadcast %parallel_loop3A_1165 : f32 to vector<16xf32>
        %parallel_loop3A_1167 = arith.mulf %parallel_loop3A_1166, %parallel_loop3A_1140 : vector<16xf32>
        %parallel_loop3A_1168 = arith.addf %parallel_loop3A_1164, %parallel_loop3A_1167 : vector<16xf32>
        %parallel_loop3A_1169 = vector.bitcast %parallel_loop3A_1168 : vector<16xf32> to vector<16xi32>
        %parallel_loop3A_1170 = arith.constant 1 : i32
        %parallel_loop3A_1171 = vector.broadcast %parallel_loop3A_1170 : i32 to vector<16xi32>
        %parallel_loop3A_1172 = arith.shrsi %parallel_loop3A_1169, %parallel_loop3A_1171 : vector<16xi32>
        %parallel_loop3A_1173 = arith.constant 1597463007 : i32
        %parallel_loop3A_1174 = vector.broadcast %parallel_loop3A_1173 : i32 to vector<16xi32>
        %parallel_loop3A_1175 = arith.subi %parallel_loop3A_1174, %parallel_loop3A_1172 : vector<16xi32>
        %parallel_loop3A_1176 = vector.bitcast %parallel_loop3A_1175 : vector<16xi32> to vector<16xf32>
        %parallel_loop3A_1177 = arith.constant 5.000000e-01 : f32
        %parallel_loop3A_1178 = vector.broadcast %parallel_loop3A_1177 : f32 to vector<16xf32>
        %parallel_loop3A_1179 = arith.mulf %parallel_loop3A_1168, %parallel_loop3A_1178 : vector<16xf32>
        %parallel_loop3A_1180 = arith.mulf %parallel_loop3A_1179, %parallel_loop3A_1176 : vector<16xf32>
        %parallel_loop3A_1181 = arith.mulf %parallel_loop3A_1180, %parallel_loop3A_1176 : vector<16xf32>
        %parallel_loop3A_1182 = arith.constant 1.500000e+00 : f32
        %parallel_loop3A_1183 = vector.broadcast %parallel_loop3A_1182 : f32 to vector<16xf32>
        %parallel_loop3A_1184 = arith.subf %parallel_loop3A_1183, %parallel_loop3A_1181 : vector<16xf32>
        %parallel_loop3A_1185 = arith.mulf %parallel_loop3A_1176, %parallel_loop3A_1184 : vector<16xf32>
        %parallel_loop3A_1186 = arith.mulf %parallel_loop3A_1179, %parallel_loop3A_1185 : vector<16xf32>
        %parallel_loop3A_1187 = arith.mulf %parallel_loop3A_1186, %parallel_loop3A_1185 : vector<16xf32>
        %parallel_loop3A_1188 = arith.constant 1.500000e+00 : f32
        %parallel_loop3A_1189 = vector.broadcast %parallel_loop3A_1188 : f32 to vector<16xf32>
        %parallel_loop3A_1190 = arith.subf %parallel_loop3A_1189, %parallel_loop3A_1187 : vector<16xf32>
        %parallel_loop3A_1191 = arith.mulf %parallel_loop3A_1185, %parallel_loop3A_1190 : vector<16xf32>
        %parallel_loop3A_1192 = arith.mulf %parallel_loop3A_1168, %parallel_loop3A_1191 : vector<16xf32>
        %parallel_loop3A_1193 = arith.subf %parallel_loop3A_1192, %parallel_loop3A_1153 : vector<16xf32>
        %parallel_loop3A_1194 = arith.cmpf ogt, %parallel_loop3A_1163, %parallel_loop3A_1140 : vector<16xf32>
        %parallel_loop3A_1195 = arith.select %parallel_loop3A_1194, %parallel_loop3A_1193, %parallel_loop3A_1156 : vector<16xi1>, vector<16xf32>
        %parallel_loop3A_1196 = arith.minimumf %parallel_loop3A_1163, %parallel_loop3A_1140 : vector<16xf32>
        %parallel_loop3A_1197 = arith.constant 0.000000e+00 : f32
        %parallel_loop3A_1198 = vector.broadcast %parallel_loop3A_1197 : f32 to vector<16xf32>
        %parallel_loop3A_1199 = arith.maximumf %parallel_loop3A_1196, %parallel_loop3A_1198 : vector<16xf32>
        %parallel_loop3A_1200 = arith.subf %parallel_loop3A_1140, %parallel_loop3A_1199 : vector<16xf32>
        %parallel_loop3A_1201 = arith.constant 0.108108111 : f32
        %parallel_loop3A_1202 = vector.broadcast %parallel_loop3A_1201 : f32 to vector<16xf32>
        %parallel_loop3A_1203 = arith.mulf %parallel_loop3A_1200, %parallel_loop3A_1202 : vector<16xf32>
        %parallel_loop3A_1204 = arith.addf %parallel_loop3A_1195, %parallel_loop3A_1203 : vector<16xf32>
        %parallel_loop3A_1205 = arith.constant 16 : i32
        %parallel_loop3A_1206 = arith.addi %parallel_loop3A_995, %parallel_loop3A_1205 : i32
        %parallel_loop3A_1207 = arith.index_cast %parallel_loop3A_1206 : i32 to index
        %parallel_loop3A_1208 = tpu.vector_load %arg10[%parallel_loop3A_1207] {strides = array<i32>} : memref<29040xf32, #tpu.memory_space<vmem>>, vector<16xf32>,
        tpu.vector_store %arg10[%parallel_loop3A_1207], %parallel_loop3A_1204 {strides = array<i32>} : memref<29040xf32, #tpu.memory_space<vmem>>, vector<16xf32>,
        %parallel_loop3A_1209 = vector.broadcast %parallel_loop3A_998 : i32 to vector<16xi32>
        %parallel_loop3A_1210 = arith.addi %select_n3A_160, %parallel_loop3A_1209 : vector<16xi32>
        %parallel_loop3A_1211 = tpu.vector_load_idx %arg7[%parallel_loop3A_1210] : memref<6608xf32, #tpu.memory_space<vmem>>[vector<16xi32>], vector<16xf32>,
        %parallel_loop3A_1212 = tpu.vector_load_idx %arg8[%parallel_loop3A_1210] : memref<6608xf32, #tpu.memory_space<vmem>>[vector<16xi32>], vector<16xf32>,
        %parallel_loop3A_1213 = tpu.vector_load_idx %arg6[%add3A_864] : memref<512xf32, #tpu.memory_space<vmem>>[vector<16xi32>], vector<16xf32>,
        %parallel_loop3A_1214 = tpu.vector_load_idx %arg6[%add3A_889] : memref<512xf32, #tpu.memory_space<vmem>>[vector<16xi32>], vector<16xf32>,
        %parallel_loop3A_1215 = tpu.vector_load_idx %arg6[%add3A_922] : memref<512xf32, #tpu.memory_space<vmem>>[vector<16xi32>], vector<16xf32>,
        %parallel_loop3A_1216 = tpu.vector_load_idx %arg6[%add3A_955] : memref<512xf32, #tpu.memory_space<vmem>>[vector<16xi32>], vector<16xf32>,
        %parallel_loop3A_1217 = arith.subf %parallel_loop3A_1211, %parallel_loop3A_1213 : vector<16xf32>
        %parallel_loop3A_1218 = arith.subf %parallel_loop3A_1212, %parallel_loop3A_1214 : vector<16xf32>
        %parallel_loop3A_1219 = arith.mulf %parallel_loop3A_1217, %parallel_loop3A_1217 : vector<16xf32>
        %parallel_loop3A_1220 = arith.mulf %parallel_loop3A_1218, %parallel_loop3A_1218 : vector<16xf32>
        %parallel_loop3A_1221 = arith.addf %parallel_loop3A_1219, %parallel_loop3A_1220 : vector<16xf32>
        %parallel_loop3A_1222 = vector.bitcast %parallel_loop3A_1221 : vector<16xf32> to vector<16xi32>
        %parallel_loop3A_1223 = arith.constant 1 : i32
        %parallel_loop3A_1224 = vector.broadcast %parallel_loop3A_1223 : i32 to vector<16xi32>
        %parallel_loop3A_1225 = arith.shrsi %parallel_loop3A_1222, %parallel_loop3A_1224 : vector<16xi32>
        %parallel_loop3A_1226 = arith.constant 1597463007 : i32
        %parallel_loop3A_1227 = vector.broadcast %parallel_loop3A_1226 : i32 to vector<16xi32>
        %parallel_loop3A_1228 = arith.subi %parallel_loop3A_1227, %parallel_loop3A_1225 : vector<16xi32>
        %parallel_loop3A_1229 = vector.bitcast %parallel_loop3A_1228 : vector<16xi32> to vector<16xf32>
        %parallel_loop3A_1230 = arith.constant 5.000000e-01 : f32
        %parallel_loop3A_1231 = vector.broadcast %parallel_loop3A_1230 : f32 to vector<16xf32>
        %parallel_loop3A_1232 = arith.mulf %parallel_loop3A_1221, %parallel_loop3A_1231 : vector<16xf32>
        %parallel_loop3A_1233 = arith.mulf %parallel_loop3A_1232, %parallel_loop3A_1229 : vector<16xf32>
        %parallel_loop3A_1234 = arith.mulf %parallel_loop3A_1233, %parallel_loop3A_1229 : vector<16xf32>
        %parallel_loop3A_1235 = arith.constant 1.500000e+00 : f32
        %parallel_loop3A_1236 = vector.broadcast %parallel_loop3A_1235 : f32 to vector<16xf32>
        %parallel_loop3A_1237 = arith.subf %parallel_loop3A_1236, %parallel_loop3A_1234 : vector<16xf32>
        %parallel_loop3A_1238 = arith.mulf %parallel_loop3A_1229, %parallel_loop3A_1237 : vector<16xf32>
        %parallel_loop3A_1239 = arith.mulf %parallel_loop3A_1232, %parallel_loop3A_1238 : vector<16xf32>
        %parallel_loop3A_1240 = arith.mulf %parallel_loop3A_1239, %parallel_loop3A_1238 : vector<16xf32>
        %parallel_loop3A_1241 = arith.constant 1.500000e+00 : f32
        %parallel_loop3A_1242 = vector.broadcast %parallel_loop3A_1241 : f32 to vector<16xf32>
        %parallel_loop3A_1243 = arith.subf %parallel_loop3A_1242, %parallel_loop3A_1240 : vector<16xf32>
        %parallel_loop3A_1244 = arith.mulf %parallel_loop3A_1238, %parallel_loop3A_1243 : vector<16xf32>
        %parallel_loop3A_1245 = arith.mulf %parallel_loop3A_1221, %parallel_loop3A_1244 : vector<16xf32>
        %parallel_loop3A_1246 = arith.mulf %parallel_loop3A_1217, %parallel_loop3A_1215 : vector<16xf32>
        %parallel_loop3A_1247 = arith.mulf %parallel_loop3A_1218, %parallel_loop3A_1216 : vector<16xf32>
        %parallel_loop3A_1248 = arith.addf %parallel_loop3A_1246, %parallel_loop3A_1247 : vector<16xf32>
        %parallel_loop3A_1249 = arith.mulf %parallel_loop3A_1248, %parallel_loop3A_1244 : vector<16xf32>
        %parallel_loop3A_1250 = arith.constant -9.250000e+00 : f32
        %parallel_loop3A_1251 = arith.constant 9.250000e+00 : f32
        %parallel_loop3A_1252 = vector.broadcast %parallel_loop3A_1250 : f32 to vector<16xf32>
        %parallel_loop3A_1253 = arith.maximumf %parallel_loop3A_1252, %parallel_loop3A_1249 : vector<16xf32>
        %parallel_loop3A_1254 = vector.broadcast %parallel_loop3A_1251 : f32 to vector<16xf32>
        %parallel_loop3A_1255 = arith.minimumf %parallel_loop3A_1254, %parallel_loop3A_1253 : vector<16xf32>
        %parallel_loop3A_1256 = arith.constant 0.137931034 : f32
        %parallel_loop3A_1257 = vector.broadcast %parallel_loop3A_1256 : f32 to vector<16xf32>
        %parallel_loop3A_1258 = arith.mulf %parallel_loop3A_1255, %parallel_loop3A_1257 : vector<16xf32>
        %parallel_loop3A_1259 = arith.constant 1.2758621 : f32
        %parallel_loop3A_1260 = vector.broadcast %parallel_loop3A_1259 : f32 to vector<16xf32>
        %parallel_loop3A_1261 = arith.subf %parallel_loop3A_1260, %parallel_loop3A_1258 : vector<16xf32>
        %parallel_loop3A_1262 = arith.constant 5.000000e-01 : f32
        %parallel_loop3A_1263 = vector.broadcast %parallel_loop3A_1262 : f32 to vector<16xf32>
        %parallel_loop3A_1264 = arith.mulf %parallel_loop3A_1263, %parallel_loop3A_1255 : vector<16xf32>
        %parallel_loop3A_1265 = arith.constant 4.625000e+00 : f32
        %parallel_loop3A_1266 = vector.broadcast %parallel_loop3A_1265 : f32 to vector<16xf32>
        %parallel_loop3A_1267 = arith.addf %parallel_loop3A_1264, %parallel_loop3A_1266 : vector<16xf32>
        %parallel_loop3A_1268 = arith.mulf %parallel_loop3A_1261, %parallel_loop3A_1267 : vector<16xf32>
        %parallel_loop3A_1269 = arith.mulf %parallel_loop3A_1258, %parallel_loop3A_1258 : vector<16xf32>
        %parallel_loop3A_1270 = arith.constant 0.275862068 : f32
        %parallel_loop3A_1271 = vector.broadcast %parallel_loop3A_1270 : f32 to vector<16xf32>
        %parallel_loop3A_1272 = arith.mulf %parallel_loop3A_1271, %parallel_loop3A_1245 : vector<16xf32>
        %parallel_loop3A_1273 = arith.addf %parallel_loop3A_1269, %parallel_loop3A_1272 : vector<16xf32>
        %parallel_loop3A_1274 = vector.bitcast %parallel_loop3A_1273 : vector<16xf32> to vector<16xi32>
        %parallel_loop3A_1275 = arith.constant 1 : i32
        %parallel_loop3A_1276 = vector.broadcast %parallel_loop3A_1275 : i32 to vector<16xi32>
        %parallel_loop3A_1277 = arith.shrsi %parallel_loop3A_1274, %parallel_loop3A_1276 : vector<16xi32>
        %parallel_loop3A_1278 = arith.constant 1597463007 : i32
        %parallel_loop3A_1279 = vector.broadcast %parallel_loop3A_1278 : i32 to vector<16xi32>
        %parallel_loop3A_1280 = arith.subi %parallel_loop3A_1279, %parallel_loop3A_1277 : vector<16xi32>
        %parallel_loop3A_1281 = vector.bitcast %parallel_loop3A_1280 : vector<16xi32> to vector<16xf32>
        %parallel_loop3A_1282 = arith.constant 5.000000e-01 : f32
        %parallel_loop3A_1283 = vector.broadcast %parallel_loop3A_1282 : f32 to vector<16xf32>
        %parallel_loop3A_1284 = arith.mulf %parallel_loop3A_1273, %parallel_loop3A_1283 : vector<16xf32>
        %parallel_loop3A_1285 = arith.mulf %parallel_loop3A_1284, %parallel_loop3A_1281 : vector<16xf32>
        %parallel_loop3A_1286 = arith.mulf %parallel_loop3A_1285, %parallel_loop3A_1281 : vector<16xf32>
        %parallel_loop3A_1287 = arith.constant 1.500000e+00 : f32
        %parallel_loop3A_1288 = vector.broadcast %parallel_loop3A_1287 : f32 to vector<16xf32>
        %parallel_loop3A_1289 = arith.subf %parallel_loop3A_1288, %parallel_loop3A_1286 : vector<16xf32>
        %parallel_loop3A_1290 = arith.mulf %parallel_loop3A_1281, %parallel_loop3A_1289 : vector<16xf32>
        %parallel_loop3A_1291 = arith.mulf %parallel_loop3A_1284, %parallel_loop3A_1290 : vector<16xf32>
        %parallel_loop3A_1292 = arith.mulf %parallel_loop3A_1291, %parallel_loop3A_1290 : vector<16xf32>
        %parallel_loop3A_1293 = arith.constant 1.500000e+00 : f32
        %parallel_loop3A_1294 = vector.broadcast %parallel_loop3A_1293 : f32 to vector<16xf32>
        %parallel_loop3A_1295 = arith.subf %parallel_loop3A_1294, %parallel_loop3A_1292 : vector<16xf32>
        %parallel_loop3A_1296 = arith.mulf %parallel_loop3A_1290, %parallel_loop3A_1295 : vector<16xf32>
        %parallel_loop3A_1297 = arith.mulf %parallel_loop3A_1273, %parallel_loop3A_1296 : vector<16xf32>
        %parallel_loop3A_1298 = arith.subf %parallel_loop3A_1297, %parallel_loop3A_1258 : vector<16xf32>
        %parallel_loop3A_1299 = arith.cmpf ogt, %parallel_loop3A_1268, %parallel_loop3A_1245 : vector<16xf32>
        %parallel_loop3A_1300 = arith.select %parallel_loop3A_1299, %parallel_loop3A_1298, %parallel_loop3A_1261 : vector<16xi1>, vector<16xf32>
        %parallel_loop3A_1301 = arith.minimumf %parallel_loop3A_1268, %parallel_loop3A_1245 : vector<16xf32>
        %parallel_loop3A_1302 = arith.constant 0.000000e+00 : f32
        %parallel_loop3A_1303 = vector.broadcast %parallel_loop3A_1302 : f32 to vector<16xf32>
        %parallel_loop3A_1304 = arith.maximumf %parallel_loop3A_1301, %parallel_loop3A_1303 : vector<16xf32>
        %parallel_loop3A_1305 = arith.subf %parallel_loop3A_1245, %parallel_loop3A_1304 : vector<16xf32>
        %parallel_loop3A_1306 = arith.constant 0.108108111 : f32
        %parallel_loop3A_1307 = vector.broadcast %parallel_loop3A_1306 : f32 to vector<16xf32>
        %parallel_loop3A_1308 = arith.mulf %parallel_loop3A_1305, %parallel_loop3A_1307 : vector<16xf32>
        %parallel_loop3A_1309 = arith.addf %parallel_loop3A_1300, %parallel_loop3A_1308 : vector<16xf32>
        %parallel_loop3A_1310 = arith.constant 32 : i32
        %parallel_loop3A_1311 = arith.addi %parallel_loop3A_995, %parallel_loop3A_1310 : i32
        %parallel_loop3A_1312 = arith.index_cast %parallel_loop3A_1311 : i32 to index
        %parallel_loop3A_1313 = tpu.vector_load %arg10[%parallel_loop3A_1312] {strides = array<i32>} : memref<29040xf32, #tpu.memory_space<vmem>>, vector<16xf32>,
        tpu.vector_store %arg10[%parallel_loop3A_1312], %parallel_loop3A_1309 {strides = array<i32>} : memref<29040xf32, #tpu.memory_space<vmem>>, vector<16xf32>,
        %parallel_loop3A_1314 = vector.broadcast %parallel_loop3A_998 : i32 to vector<16xi32>
        %parallel_loop3A_1315 = arith.addi %select_n3A_216, %parallel_loop3A_1314 : vector<16xi32>
        %parallel_loop3A_1316 = tpu.vector_load_idx %arg7[%parallel_loop3A_1315] : memref<6608xf32, #tpu.memory_space<vmem>>[vector<16xi32>], vector<16xf32>,
        %parallel_loop3A_1317 = tpu.vector_load_idx %arg8[%parallel_loop3A_1315] : memref<6608xf32, #tpu.memory_space<vmem>>[vector<16xi32>], vector<16xf32>,
        %parallel_loop3A_1318 = tpu.vector_load_idx %arg6[%add3A_866] : memref<512xf32, #tpu.memory_space<vmem>>[vector<16xi32>], vector<16xf32>,
        %parallel_loop3A_1319 = tpu.vector_load_idx %arg6[%add3A_892] : memref<512xf32, #tpu.memory_space<vmem>>[vector<16xi32>], vector<16xf32>,
        %parallel_loop3A_1320 = tpu.vector_load_idx %arg6[%add3A_925] : memref<512xf32, #tpu.memory_space<vmem>>[vector<16xi32>], vector<16xf32>,
        %parallel_loop3A_1321 = tpu.vector_load_idx %arg6[%add3A_958] : memref<512xf32, #tpu.memory_space<vmem>>[vector<16xi32>], vector<16xf32>,
        %parallel_loop3A_1322 = arith.subf %parallel_loop3A_1316, %parallel_loop3A_1318 : vector<16xf32>
        %parallel_loop3A_1323 = arith.subf %parallel_loop3A_1317, %parallel_loop3A_1319 : vector<16xf32>
        %parallel_loop3A_1324 = arith.mulf %parallel_loop3A_1322, %parallel_loop3A_1322 : vector<16xf32>
        %parallel_loop3A_1325 = arith.mulf %parallel_loop3A_1323, %parallel_loop3A_1323 : vector<16xf32>
        %parallel_loop3A_1326 = arith.addf %parallel_loop3A_1324, %parallel_loop3A_1325 : vector<16xf32>
        %parallel_loop3A_1327 = vector.bitcast %parallel_loop3A_1326 : vector<16xf32> to vector<16xi32>
        %parallel_loop3A_1328 = arith.constant 1 : i32
        %parallel_loop3A_1329 = vector.broadcast %parallel_loop3A_1328 : i32 to vector<16xi32>
        %parallel_loop3A_1330 = arith.shrsi %parallel_loop3A_1327, %parallel_loop3A_1329 : vector<16xi32>
        %parallel_loop3A_1331 = arith.constant 1597463007 : i32
        %parallel_loop3A_1332 = vector.broadcast %parallel_loop3A_1331 : i32 to vector<16xi32>
        %parallel_loop3A_1333 = arith.subi %parallel_loop3A_1332, %parallel_loop3A_1330 : vector<16xi32>
        %parallel_loop3A_1334 = vector.bitcast %parallel_loop3A_1333 : vector<16xi32> to vector<16xf32>
        %parallel_loop3A_1335 = arith.constant 5.000000e-01 : f32
        %parallel_loop3A_1336 = vector.broadcast %parallel_loop3A_1335 : f32 to vector<16xf32>
        %parallel_loop3A_1337 = arith.mulf %parallel_loop3A_1326, %parallel_loop3A_1336 : vector<16xf32>
        %parallel_loop3A_1338 = arith.mulf %parallel_loop3A_1337, %parallel_loop3A_1334 : vector<16xf32>
        %parallel_loop3A_1339 = arith.mulf %parallel_loop3A_1338, %parallel_loop3A_1334 : vector<16xf32>
        %parallel_loop3A_1340 = arith.constant 1.500000e+00 : f32
        %parallel_loop3A_1341 = vector.broadcast %parallel_loop3A_1340 : f32 to vector<16xf32>
        %parallel_loop3A_1342 = arith.subf %parallel_loop3A_1341, %parallel_loop3A_1339 : vector<16xf32>
        %parallel_loop3A_1343 = arith.mulf %parallel_loop3A_1334, %parallel_loop3A_1342 : vector<16xf32>
        %parallel_loop3A_1344 = arith.mulf %parallel_loop3A_1337, %parallel_loop3A_1343 : vector<16xf32>
        %parallel_loop3A_1345 = arith.mulf %parallel_loop3A_1344, %parallel_loop3A_1343 : vector<16xf32>
        %parallel_loop3A_1346 = arith.constant 1.500000e+00 : f32
        %parallel_loop3A_1347 = vector.broadcast %parallel_loop3A_1346 : f32 to vector<16xf32>
        %parallel_loop3A_1348 = arith.subf %parallel_loop3A_1347, %parallel_loop3A_1345 : vector<16xf32>
        %parallel_loop3A_1349 = arith.mulf %parallel_loop3A_1343, %parallel_loop3A_1348 : vector<16xf32>
        %parallel_loop3A_1350 = arith.mulf %parallel_loop3A_1326, %parallel_loop3A_1349 : vector<16xf32>
        %parallel_loop3A_1351 = arith.mulf %parallel_loop3A_1322, %parallel_loop3A_1320 : vector<16xf32>
        %parallel_loop3A_1352 = arith.mulf %parallel_loop3A_1323, %parallel_loop3A_1321 : vector<16xf32>
        %parallel_loop3A_1353 = arith.addf %parallel_loop3A_1351, %parallel_loop3A_1352 : vector<16xf32>
        %parallel_loop3A_1354 = arith.mulf %parallel_loop3A_1353, %parallel_loop3A_1349 : vector<16xf32>
        %parallel_loop3A_1355 = arith.constant -9.250000e+00 : f32
        %parallel_loop3A_1356 = arith.constant 9.250000e+00 : f32
        %parallel_loop3A_1357 = vector.broadcast %parallel_loop3A_1355 : f32 to vector<16xf32>
        %parallel_loop3A_1358 = arith.maximumf %parallel_loop3A_1357, %parallel_loop3A_1354 : vector<16xf32>
        %parallel_loop3A_1359 = vector.broadcast %parallel_loop3A_1356 : f32 to vector<16xf32>
        %parallel_loop3A_1360 = arith.minimumf %parallel_loop3A_1359, %parallel_loop3A_1358 : vector<16xf32>
        %parallel_loop3A_1361 = arith.constant 0.137931034 : f32
        %parallel_loop3A_1362 = vector.broadcast %parallel_loop3A_1361 : f32 to vector<16xf32>
        %parallel_loop3A_1363 = arith.mulf %parallel_loop3A_1360, %parallel_loop3A_1362 : vector<16xf32>
        %parallel_loop3A_1364 = arith.constant 1.2758621 : f32
        %parallel_loop3A_1365 = vector.broadcast %parallel_loop3A_1364 : f32 to vector<16xf32>
        %parallel_loop3A_1366 = arith.subf %parallel_loop3A_1365, %parallel_loop3A_1363 : vector<16xf32>
        %parallel_loop3A_1367 = arith.constant 5.000000e-01 : f32
        %parallel_loop3A_1368 = vector.broadcast %parallel_loop3A_1367 : f32 to vector<16xf32>
        %parallel_loop3A_1369 = arith.mulf %parallel_loop3A_1368, %parallel_loop3A_1360 : vector<16xf32>
        %parallel_loop3A_1370 = arith.constant 4.625000e+00 : f32
        %parallel_loop3A_1371 = vector.broadcast %parallel_loop3A_1370 : f32 to vector<16xf32>
        %parallel_loop3A_1372 = arith.addf %parallel_loop3A_1369, %parallel_loop3A_1371 : vector<16xf32>
        %parallel_loop3A_1373 = arith.mulf %parallel_loop3A_1366, %parallel_loop3A_1372 : vector<16xf32>
        %parallel_loop3A_1374 = arith.mulf %parallel_loop3A_1363, %parallel_loop3A_1363 : vector<16xf32>
        %parallel_loop3A_1375 = arith.constant 0.275862068 : f32
        %parallel_loop3A_1376 = vector.broadcast %parallel_loop3A_1375 : f32 to vector<16xf32>
        %parallel_loop3A_1377 = arith.mulf %parallel_loop3A_1376, %parallel_loop3A_1350 : vector<16xf32>
        %parallel_loop3A_1378 = arith.addf %parallel_loop3A_1374, %parallel_loop3A_1377 : vector<16xf32>
        %parallel_loop3A_1379 = vector.bitcast %parallel_loop3A_1378 : vector<16xf32> to vector<16xi32>
        %parallel_loop3A_1380 = arith.constant 1 : i32
        %parallel_loop3A_1381 = vector.broadcast %parallel_loop3A_1380 : i32 to vector<16xi32>
        %parallel_loop3A_1382 = arith.shrsi %parallel_loop3A_1379, %parallel_loop3A_1381 : vector<16xi32>
        %parallel_loop3A_1383 = arith.constant 1597463007 : i32
        %parallel_loop3A_1384 = vector.broadcast %parallel_loop3A_1383 : i32 to vector<16xi32>
        %parallel_loop3A_1385 = arith.subi %parallel_loop3A_1384, %parallel_loop3A_1382 : vector<16xi32>
        %parallel_loop3A_1386 = vector.bitcast %parallel_loop3A_1385 : vector<16xi32> to vector<16xf32>
        %parallel_loop3A_1387 = arith.constant 5.000000e-01 : f32
        %parallel_loop3A_1388 = vector.broadcast %parallel_loop3A_1387 : f32 to vector<16xf32>
        %parallel_loop3A_1389 = arith.mulf %parallel_loop3A_1378, %parallel_loop3A_1388 : vector<16xf32>
        %parallel_loop3A_1390 = arith.mulf %parallel_loop3A_1389, %parallel_loop3A_1386 : vector<16xf32>
        %parallel_loop3A_1391 = arith.mulf %parallel_loop3A_1390, %parallel_loop3A_1386 : vector<16xf32>
        %parallel_loop3A_1392 = arith.constant 1.500000e+00 : f32
        %parallel_loop3A_1393 = vector.broadcast %parallel_loop3A_1392 : f32 to vector<16xf32>
        %parallel_loop3A_1394 = arith.subf %parallel_loop3A_1393, %parallel_loop3A_1391 : vector<16xf32>
        %parallel_loop3A_1395 = arith.mulf %parallel_loop3A_1386, %parallel_loop3A_1394 : vector<16xf32>
        %parallel_loop3A_1396 = arith.mulf %parallel_loop3A_1389, %parallel_loop3A_1395 : vector<16xf32>
        %parallel_loop3A_1397 = arith.mulf %parallel_loop3A_1396, %parallel_loop3A_1395 : vector<16xf32>
        %parallel_loop3A_1398 = arith.constant 1.500000e+00 : f32
        %parallel_loop3A_1399 = vector.broadcast %parallel_loop3A_1398 : f32 to vector<16xf32>
        %parallel_loop3A_1400 = arith.subf %parallel_loop3A_1399, %parallel_loop3A_1397 : vector<16xf32>
        %parallel_loop3A_1401 = arith.mulf %parallel_loop3A_1395, %parallel_loop3A_1400 : vector<16xf32>
        %parallel_loop3A_1402 = arith.mulf %parallel_loop3A_1378, %parallel_loop3A_1401 : vector<16xf32>
        %parallel_loop3A_1403 = arith.subf %parallel_loop3A_1402, %parallel_loop3A_1363 : vector<16xf32>
        %parallel_loop3A_1404 = arith.cmpf ogt, %parallel_loop3A_1373, %parallel_loop3A_1350 : vector<16xf32>
        %parallel_loop3A_1405 = arith.select %parallel_loop3A_1404, %parallel_loop3A_1403, %parallel_loop3A_1366 : vector<16xi1>, vector<16xf32>
        %parallel_loop3A_1406 = arith.minimumf %parallel_loop3A_1373, %parallel_loop3A_1350 : vector<16xf32>
        %parallel_loop3A_1407 = arith.constant 0.000000e+00 : f32
        %parallel_loop3A_1408 = vector.broadcast %parallel_loop3A_1407 : f32 to vector<16xf32>
        %parallel_loop3A_1409 = arith.maximumf %parallel_loop3A_1406, %parallel_loop3A_1408 : vector<16xf32>
        %parallel_loop3A_1410 = arith.subf %parallel_loop3A_1350, %parallel_loop3A_1409 : vector<16xf32>
        %parallel_loop3A_1411 = arith.constant 0.108108111 : f32
        %parallel_loop3A_1412 = vector.broadcast %parallel_loop3A_1411 : f32 to vector<16xf32>
        %parallel_loop3A_1413 = arith.mulf %parallel_loop3A_1410, %parallel_loop3A_1412 : vector<16xf32>
        %parallel_loop3A_1414 = arith.addf %parallel_loop3A_1405, %parallel_loop3A_1413 : vector<16xf32>
        %parallel_loop3A_1415 = arith.constant 48 : i32
        %parallel_loop3A_1416 = arith.addi %parallel_loop3A_995, %parallel_loop3A_1415 : i32
        %parallel_loop3A_1417 = arith.index_cast %parallel_loop3A_1416 : i32 to index
        %parallel_loop3A_1418 = tpu.vector_load %arg10[%parallel_loop3A_1417] {strides = array<i32>} : memref<29040xf32, #tpu.memory_space<vmem>>, vector<16xf32>,
        tpu.vector_store %arg10[%parallel_loop3A_1417], %parallel_loop3A_1414 {strides = array<i32>} : memref<29040xf32, #tpu.memory_space<vmem>>, vector<16xf32>,
        %parallel_loop3A_1419 = vector.broadcast %parallel_loop3A_998 : i32 to vector<16xi32>
        %parallel_loop3A_1420 = arith.addi %select_n3A_272, %parallel_loop3A_1419 : vector<16xi32>
        %parallel_loop3A_1421 = tpu.vector_load_idx %arg7[%parallel_loop3A_1420] : memref<6608xf32, #tpu.memory_space<vmem>>[vector<16xi32>], vector<16xf32>,
        %parallel_loop3A_1422 = tpu.vector_load_idx %arg8[%parallel_loop3A_1420] : memref<6608xf32, #tpu.memory_space<vmem>>[vector<16xi32>], vector<16xf32>,
        %parallel_loop3A_1423 = tpu.vector_load_idx %arg6[%add3A_868] : memref<512xf32, #tpu.memory_space<vmem>>[vector<16xi32>], vector<16xf32>,
        %parallel_loop3A_1424 = tpu.vector_load_idx %arg6[%add3A_895] : memref<512xf32, #tpu.memory_space<vmem>>[vector<16xi32>], vector<16xf32>,
        %parallel_loop3A_1425 = tpu.vector_load_idx %arg6[%add3A_928] : memref<512xf32, #tpu.memory_space<vmem>>[vector<16xi32>], vector<16xf32>,
        %parallel_loop3A_1426 = tpu.vector_load_idx %arg6[%add3A_961] : memref<512xf32, #tpu.memory_space<vmem>>[vector<16xi32>], vector<16xf32>,
        %parallel_loop3A_1427 = arith.subf %parallel_loop3A_1421, %parallel_loop3A_1423 : vector<16xf32>
        %parallel_loop3A_1428 = arith.subf %parallel_loop3A_1422, %parallel_loop3A_1424 : vector<16xf32>
        %parallel_loop3A_1429 = arith.mulf %parallel_loop3A_1427, %parallel_loop3A_1427 : vector<16xf32>
        %parallel_loop3A_1430 = arith.mulf %parallel_loop3A_1428, %parallel_loop3A_1428 : vector<16xf32>
        %parallel_loop3A_1431 = arith.addf %parallel_loop3A_1429, %parallel_loop3A_1430 : vector<16xf32>
        %parallel_loop3A_1432 = vector.bitcast %parallel_loop3A_1431 : vector<16xf32> to vector<16xi32>
        %parallel_loop3A_1433 = arith.constant 1 : i32
        %parallel_loop3A_1434 = vector.broadcast %parallel_loop3A_1433 : i32 to vector<16xi32>
        %parallel_loop3A_1435 = arith.shrsi %parallel_loop3A_1432, %parallel_loop3A_1434 : vector<16xi32>
        %parallel_loop3A_1436 = arith.constant 1597463007 : i32
        %parallel_loop3A_1437 = vector.broadcast %parallel_loop3A_1436 : i32 to vector<16xi32>
        %parallel_loop3A_1438 = arith.subi %parallel_loop3A_1437, %parallel_loop3A_1435 : vector<16xi32>
        %parallel_loop3A_1439 = vector.bitcast %parallel_loop3A_1438 : vector<16xi32> to vector<16xf32>
        %parallel_loop3A_1440 = arith.constant 5.000000e-01 : f32
        %parallel_loop3A_1441 = vector.broadcast %parallel_loop3A_1440 : f32 to vector<16xf32>
        %parallel_loop3A_1442 = arith.mulf %parallel_loop3A_1431, %parallel_loop3A_1441 : vector<16xf32>
        %parallel_loop3A_1443 = arith.mulf %parallel_loop3A_1442, %parallel_loop3A_1439 : vector<16xf32>
        %parallel_loop3A_1444 = arith.mulf %parallel_loop3A_1443, %parallel_loop3A_1439 : vector<16xf32>
        %parallel_loop3A_1445 = arith.constant 1.500000e+00 : f32
        %parallel_loop3A_1446 = vector.broadcast %parallel_loop3A_1445 : f32 to vector<16xf32>
        %parallel_loop3A_1447 = arith.subf %parallel_loop3A_1446, %parallel_loop3A_1444 : vector<16xf32>
        %parallel_loop3A_1448 = arith.mulf %parallel_loop3A_1439, %parallel_loop3A_1447 : vector<16xf32>
        %parallel_loop3A_1449 = arith.mulf %parallel_loop3A_1442, %parallel_loop3A_1448 : vector<16xf32>
        %parallel_loop3A_1450 = arith.mulf %parallel_loop3A_1449, %parallel_loop3A_1448 : vector<16xf32>
        %parallel_loop3A_1451 = arith.constant 1.500000e+00 : f32
        %parallel_loop3A_1452 = vector.broadcast %parallel_loop3A_1451 : f32 to vector<16xf32>
        %parallel_loop3A_1453 = arith.subf %parallel_loop3A_1452, %parallel_loop3A_1450 : vector<16xf32>
        %parallel_loop3A_1454 = arith.mulf %parallel_loop3A_1448, %parallel_loop3A_1453 : vector<16xf32>
        %parallel_loop3A_1455 = arith.mulf %parallel_loop3A_1431, %parallel_loop3A_1454 : vector<16xf32>
        %parallel_loop3A_1456 = arith.mulf %parallel_loop3A_1427, %parallel_loop3A_1425 : vector<16xf32>
        %parallel_loop3A_1457 = arith.mulf %parallel_loop3A_1428, %parallel_loop3A_1426 : vector<16xf32>
        %parallel_loop3A_1458 = arith.addf %parallel_loop3A_1456, %parallel_loop3A_1457 : vector<16xf32>
        %parallel_loop3A_1459 = arith.mulf %parallel_loop3A_1458, %parallel_loop3A_1454 : vector<16xf32>
        %parallel_loop3A_1460 = arith.constant -9.250000e+00 : f32
        %parallel_loop3A_1461 = arith.constant 9.250000e+00 : f32
        %parallel_loop3A_1462 = vector.broadcast %parallel_loop3A_1460 : f32 to vector<16xf32>
        %parallel_loop3A_1463 = arith.maximumf %parallel_loop3A_1462, %parallel_loop3A_1459 : vector<16xf32>
        %parallel_loop3A_1464 = vector.broadcast %parallel_loop3A_1461 : f32 to vector<16xf32>
        %parallel_loop3A_1465 = arith.minimumf %parallel_loop3A_1464, %parallel_loop3A_1463 : vector<16xf32>
        %parallel_loop3A_1466 = arith.constant 0.137931034 : f32
        %parallel_loop3A_1467 = vector.broadcast %parallel_loop3A_1466 : f32 to vector<16xf32>
        %parallel_loop3A_1468 = arith.mulf %parallel_loop3A_1465, %parallel_loop3A_1467 : vector<16xf32>
        %parallel_loop3A_1469 = arith.constant 1.2758621 : f32
        %parallel_loop3A_1470 = vector.broadcast %parallel_loop3A_1469 : f32 to vector<16xf32>
        %parallel_loop3A_1471 = arith.subf %parallel_loop3A_1470, %parallel_loop3A_1468 : vector<16xf32>
        %parallel_loop3A_1472 = arith.constant 5.000000e-01 : f32
        %parallel_loop3A_1473 = vector.broadcast %parallel_loop3A_1472 : f32 to vector<16xf32>
        %parallel_loop3A_1474 = arith.mulf %parallel_loop3A_1473, %parallel_loop3A_1465 : vector<16xf32>
        %parallel_loop3A_1475 = arith.constant 4.625000e+00 : f32
        %parallel_loop3A_1476 = vector.broadcast %parallel_loop3A_1475 : f32 to vector<16xf32>
        %parallel_loop3A_1477 = arith.addf %parallel_loop3A_1474, %parallel_loop3A_1476 : vector<16xf32>
        %parallel_loop3A_1478 = arith.mulf %parallel_loop3A_1471, %parallel_loop3A_1477 : vector<16xf32>
        %parallel_loop3A_1479 = arith.mulf %parallel_loop3A_1468, %parallel_loop3A_1468 : vector<16xf32>
        %parallel_loop3A_1480 = arith.constant 0.275862068 : f32
        %parallel_loop3A_1481 = vector.broadcast %parallel_loop3A_1480 : f32 to vector<16xf32>
        %parallel_loop3A_1482 = arith.mulf %parallel_loop3A_1481, %parallel_loop3A_1455 : vector<16xf32>
        %parallel_loop3A_1483 = arith.addf %parallel_loop3A_1479, %parallel_loop3A_1482 : vector<16xf32>
        %parallel_loop3A_1484 = vector.bitcast %parallel_loop3A_1483 : vector<16xf32> to vector<16xi32>
        %parallel_loop3A_1485 = arith.constant 1 : i32
        %parallel_loop3A_1486 = vector.broadcast %parallel_loop3A_1485 : i32 to vector<16xi32>
        %parallel_loop3A_1487 = arith.shrsi %parallel_loop3A_1484, %parallel_loop3A_1486 : vector<16xi32>
        %parallel_loop3A_1488 = arith.constant 1597463007 : i32
        %parallel_loop3A_1489 = vector.broadcast %parallel_loop3A_1488 : i32 to vector<16xi32>
        %parallel_loop3A_1490 = arith.subi %parallel_loop3A_1489, %parallel_loop3A_1487 : vector<16xi32>
        %parallel_loop3A_1491 = vector.bitcast %parallel_loop3A_1490 : vector<16xi32> to vector<16xf32>
        %parallel_loop3A_1492 = arith.constant 5.000000e-01 : f32
        %parallel_loop3A_1493 = vector.broadcast %parallel_loop3A_1492 : f32 to vector<16xf32>
        %parallel_loop3A_1494 = arith.mulf %parallel_loop3A_1483, %parallel_loop3A_1493 : vector<16xf32>
        %parallel_loop3A_1495 = arith.mulf %parallel_loop3A_1494, %parallel_loop3A_1491 : vector<16xf32>
        %parallel_loop3A_1496 = arith.mulf %parallel_loop3A_1495, %parallel_loop3A_1491 : vector<16xf32>
        %parallel_loop3A_1497 = arith.constant 1.500000e+00 : f32
        %parallel_loop3A_1498 = vector.broadcast %parallel_loop3A_1497 : f32 to vector<16xf32>
        %parallel_loop3A_1499 = arith.subf %parallel_loop3A_1498, %parallel_loop3A_1496 : vector<16xf32>
        %parallel_loop3A_1500 = arith.mulf %parallel_loop3A_1491, %parallel_loop3A_1499 : vector<16xf32>
        %parallel_loop3A_1501 = arith.mulf %parallel_loop3A_1494, %parallel_loop3A_1500 : vector<16xf32>
        %parallel_loop3A_1502 = arith.mulf %parallel_loop3A_1501, %parallel_loop3A_1500 : vector<16xf32>
        %parallel_loop3A_1503 = arith.constant 1.500000e+00 : f32
        %parallel_loop3A_1504 = vector.broadcast %parallel_loop3A_1503 : f32 to vector<16xf32>
        %parallel_loop3A_1505 = arith.subf %parallel_loop3A_1504, %parallel_loop3A_1502 : vector<16xf32>
        %parallel_loop3A_1506 = arith.mulf %parallel_loop3A_1500, %parallel_loop3A_1505 : vector<16xf32>
        %parallel_loop3A_1507 = arith.mulf %parallel_loop3A_1483, %parallel_loop3A_1506 : vector<16xf32>
        %parallel_loop3A_1508 = arith.subf %parallel_loop3A_1507, %parallel_loop3A_1468 : vector<16xf32>
        %parallel_loop3A_1509 = arith.cmpf ogt, %parallel_loop3A_1478, %parallel_loop3A_1455 : vector<16xf32>
        %parallel_loop3A_1510 = arith.select %parallel_loop3A_1509, %parallel_loop3A_1508, %parallel_loop3A_1471 : vector<16xi1>, vector<16xf32>
        %parallel_loop3A_1511 = arith.minimumf %parallel_loop3A_1478, %parallel_loop3A_1455 : vector<16xf32>
        %parallel_loop3A_1512 = arith.constant 0.000000e+00 : f32
        %parallel_loop3A_1513 = vector.broadcast %parallel_loop3A_1512 : f32 to vector<16xf32>
        %parallel_loop3A_1514 = arith.maximumf %parallel_loop3A_1511, %parallel_loop3A_1513 : vector<16xf32>
        %parallel_loop3A_1515 = arith.subf %parallel_loop3A_1455, %parallel_loop3A_1514 : vector<16xf32>
        %parallel_loop3A_1516 = arith.constant 0.108108111 : f32
        %parallel_loop3A_1517 = vector.broadcast %parallel_loop3A_1516 : f32 to vector<16xf32>
        %parallel_loop3A_1518 = arith.mulf %parallel_loop3A_1515, %parallel_loop3A_1517 : vector<16xf32>
        %parallel_loop3A_1519 = arith.addf %parallel_loop3A_1510, %parallel_loop3A_1518 : vector<16xf32>
        %parallel_loop3A_1520 = arith.constant 64 : i32
        %parallel_loop3A_1521 = arith.addi %parallel_loop3A_995, %parallel_loop3A_1520 : i32
        %parallel_loop3A_1522 = arith.index_cast %parallel_loop3A_1521 : i32 to index
        %parallel_loop3A_1523 = tpu.vector_load %arg10[%parallel_loop3A_1522] {strides = array<i32>} : memref<29040xf32, #tpu.memory_space<vmem>>, vector<16xf32>,
        tpu.vector_store %arg10[%parallel_loop3A_1522], %parallel_loop3A_1519 {strides = array<i32>} : memref<29040xf32, #tpu.memory_space<vmem>>, vector<16xf32>,
        %parallel_loop3A_1524 = vector.broadcast %parallel_loop3A_998 : i32 to vector<16xi32>
        %parallel_loop3A_1525 = arith.addi %select_n3A_328, %parallel_loop3A_1524 : vector<16xi32>
        %parallel_loop3A_1526 = tpu.vector_load_idx %arg7[%parallel_loop3A_1525] : memref<6608xf32, #tpu.memory_space<vmem>>[vector<16xi32>], vector<16xf32>,
        %parallel_loop3A_1527 = tpu.vector_load_idx %arg8[%parallel_loop3A_1525] : memref<6608xf32, #tpu.memory_space<vmem>>[vector<16xi32>], vector<16xf32>,
        %parallel_loop3A_1528 = tpu.vector_load_idx %arg6[%add3A_870] : memref<512xf32, #tpu.memory_space<vmem>>[vector<16xi32>], vector<16xf32>,
        %parallel_loop3A_1529 = tpu.vector_load_idx %arg6[%add3A_898] : memref<512xf32, #tpu.memory_space<vmem>>[vector<16xi32>], vector<16xf32>,
        %parallel_loop3A_1530 = tpu.vector_load_idx %arg6[%add3A_931] : memref<512xf32, #tpu.memory_space<vmem>>[vector<16xi32>], vector<16xf32>,
        %parallel_loop3A_1531 = tpu.vector_load_idx %arg6[%add3A_964] : memref<512xf32, #tpu.memory_space<vmem>>[vector<16xi32>], vector<16xf32>,
        %parallel_loop3A_1532 = arith.subf %parallel_loop3A_1526, %parallel_loop3A_1528 : vector<16xf32>
        %parallel_loop3A_1533 = arith.subf %parallel_loop3A_1527, %parallel_loop3A_1529 : vector<16xf32>
        %parallel_loop3A_1534 = arith.mulf %parallel_loop3A_1532, %parallel_loop3A_1532 : vector<16xf32>
        %parallel_loop3A_1535 = arith.mulf %parallel_loop3A_1533, %parallel_loop3A_1533 : vector<16xf32>
        %parallel_loop3A_1536 = arith.addf %parallel_loop3A_1534, %parallel_loop3A_1535 : vector<16xf32>
        %parallel_loop3A_1537 = vector.bitcast %parallel_loop3A_1536 : vector<16xf32> to vector<16xi32>
        %parallel_loop3A_1538 = arith.constant 1 : i32
        %parallel_loop3A_1539 = vector.broadcast %parallel_loop3A_1538 : i32 to vector<16xi32>
        %parallel_loop3A_1540 = arith.shrsi %parallel_loop3A_1537, %parallel_loop3A_1539 : vector<16xi32>
        %parallel_loop3A_1541 = arith.constant 1597463007 : i32
        %parallel_loop3A_1542 = vector.broadcast %parallel_loop3A_1541 : i32 to vector<16xi32>
        %parallel_loop3A_1543 = arith.subi %parallel_loop3A_1542, %parallel_loop3A_1540 : vector<16xi32>
        %parallel_loop3A_1544 = vector.bitcast %parallel_loop3A_1543 : vector<16xi32> to vector<16xf32>
        %parallel_loop3A_1545 = arith.constant 5.000000e-01 : f32
        %parallel_loop3A_1546 = vector.broadcast %parallel_loop3A_1545 : f32 to vector<16xf32>
        %parallel_loop3A_1547 = arith.mulf %parallel_loop3A_1536, %parallel_loop3A_1546 : vector<16xf32>
        %parallel_loop3A_1548 = arith.mulf %parallel_loop3A_1547, %parallel_loop3A_1544 : vector<16xf32>
        %parallel_loop3A_1549 = arith.mulf %parallel_loop3A_1548, %parallel_loop3A_1544 : vector<16xf32>
        %parallel_loop3A_1550 = arith.constant 1.500000e+00 : f32
        %parallel_loop3A_1551 = vector.broadcast %parallel_loop3A_1550 : f32 to vector<16xf32>
        %parallel_loop3A_1552 = arith.subf %parallel_loop3A_1551, %parallel_loop3A_1549 : vector<16xf32>
        %parallel_loop3A_1553 = arith.mulf %parallel_loop3A_1544, %parallel_loop3A_1552 : vector<16xf32>
        %parallel_loop3A_1554 = arith.mulf %parallel_loop3A_1547, %parallel_loop3A_1553 : vector<16xf32>
        %parallel_loop3A_1555 = arith.mulf %parallel_loop3A_1554, %parallel_loop3A_1553 : vector<16xf32>
        %parallel_loop3A_1556 = arith.constant 1.500000e+00 : f32
        %parallel_loop3A_1557 = vector.broadcast %parallel_loop3A_1556 : f32 to vector<16xf32>
        %parallel_loop3A_1558 = arith.subf %parallel_loop3A_1557, %parallel_loop3A_1555 : vector<16xf32>
        %parallel_loop3A_1559 = arith.mulf %parallel_loop3A_1553, %parallel_loop3A_1558 : vector<16xf32>
        %parallel_loop3A_1560 = arith.mulf %parallel_loop3A_1536, %parallel_loop3A_1559 : vector<16xf32>
        %parallel_loop3A_1561 = arith.mulf %parallel_loop3A_1532, %parallel_loop3A_1530 : vector<16xf32>
        %parallel_loop3A_1562 = arith.mulf %parallel_loop3A_1533, %parallel_loop3A_1531 : vector<16xf32>
        %parallel_loop3A_1563 = arith.addf %parallel_loop3A_1561, %parallel_loop3A_1562 : vector<16xf32>
        %parallel_loop3A_1564 = arith.mulf %parallel_loop3A_1563, %parallel_loop3A_1559 : vector<16xf32>
        %parallel_loop3A_1565 = arith.constant -9.250000e+00 : f32
        %parallel_loop3A_1566 = arith.constant 9.250000e+00 : f32
        %parallel_loop3A_1567 = vector.broadcast %parallel_loop3A_1565 : f32 to vector<16xf32>
        %parallel_loop3A_1568 = arith.maximumf %parallel_loop3A_1567, %parallel_loop3A_1564 : vector<16xf32>
        %parallel_loop3A_1569 = vector.broadcast %parallel_loop3A_1566 : f32 to vector<16xf32>
        %parallel_loop3A_1570 = arith.minimumf %parallel_loop3A_1569, %parallel_loop3A_1568 : vector<16xf32>
        %parallel_loop3A_1571 = arith.constant 0.137931034 : f32
        %parallel_loop3A_1572 = vector.broadcast %parallel_loop3A_1571 : f32 to vector<16xf32>
        %parallel_loop3A_1573 = arith.mulf %parallel_loop3A_1570, %parallel_loop3A_1572 : vector<16xf32>
        %parallel_loop3A_1574 = arith.constant 1.2758621 : f32
        %parallel_loop3A_1575 = vector.broadcast %parallel_loop3A_1574 : f32 to vector<16xf32>
        %parallel_loop3A_1576 = arith.subf %parallel_loop3A_1575, %parallel_loop3A_1573 : vector<16xf32>
        %parallel_loop3A_1577 = arith.constant 5.000000e-01 : f32
        %parallel_loop3A_1578 = vector.broadcast %parallel_loop3A_1577 : f32 to vector<16xf32>
        %parallel_loop3A_1579 = arith.mulf %parallel_loop3A_1578, %parallel_loop3A_1570 : vector<16xf32>
        %parallel_loop3A_1580 = arith.constant 4.625000e+00 : f32
        %parallel_loop3A_1581 = vector.broadcast %parallel_loop3A_1580 : f32 to vector<16xf32>
        %parallel_loop3A_1582 = arith.addf %parallel_loop3A_1579, %parallel_loop3A_1581 : vector<16xf32>
        %parallel_loop3A_1583 = arith.mulf %parallel_loop3A_1576, %parallel_loop3A_1582 : vector<16xf32>
        %parallel_loop3A_1584 = arith.mulf %parallel_loop3A_1573, %parallel_loop3A_1573 : vector<16xf32>
        %parallel_loop3A_1585 = arith.constant 0.275862068 : f32
        %parallel_loop3A_1586 = vector.broadcast %parallel_loop3A_1585 : f32 to vector<16xf32>
        %parallel_loop3A_1587 = arith.mulf %parallel_loop3A_1586, %parallel_loop3A_1560 : vector<16xf32>
        %parallel_loop3A_1588 = arith.addf %parallel_loop3A_1584, %parallel_loop3A_1587 : vector<16xf32>
        %parallel_loop3A_1589 = vector.bitcast %parallel_loop3A_1588 : vector<16xf32> to vector<16xi32>
        %parallel_loop3A_1590 = arith.constant 1 : i32
        %parallel_loop3A_1591 = vector.broadcast %parallel_loop3A_1590 : i32 to vector<16xi32>
        %parallel_loop3A_1592 = arith.shrsi %parallel_loop3A_1589, %parallel_loop3A_1591 : vector<16xi32>
        %parallel_loop3A_1593 = arith.constant 1597463007 : i32
        %parallel_loop3A_1594 = vector.broadcast %parallel_loop3A_1593 : i32 to vector<16xi32>
        %parallel_loop3A_1595 = arith.subi %parallel_loop3A_1594, %parallel_loop3A_1592 : vector<16xi32>
        %parallel_loop3A_1596 = vector.bitcast %parallel_loop3A_1595 : vector<16xi32> to vector<16xf32>
        %parallel_loop3A_1597 = arith.constant 5.000000e-01 : f32
        %parallel_loop3A_1598 = vector.broadcast %parallel_loop3A_1597 : f32 to vector<16xf32>
        %parallel_loop3A_1599 = arith.mulf %parallel_loop3A_1588, %parallel_loop3A_1598 : vector<16xf32>
        %parallel_loop3A_1600 = arith.mulf %parallel_loop3A_1599, %parallel_loop3A_1596 : vector<16xf32>
        %parallel_loop3A_1601 = arith.mulf %parallel_loop3A_1600, %parallel_loop3A_1596 : vector<16xf32>
        %parallel_loop3A_1602 = arith.constant 1.500000e+00 : f32
        %parallel_loop3A_1603 = vector.broadcast %parallel_loop3A_1602 : f32 to vector<16xf32>
        %parallel_loop3A_1604 = arith.subf %parallel_loop3A_1603, %parallel_loop3A_1601 : vector<16xf32>
        %parallel_loop3A_1605 = arith.mulf %parallel_loop3A_1596, %parallel_loop3A_1604 : vector<16xf32>
        %parallel_loop3A_1606 = arith.mulf %parallel_loop3A_1599, %parallel_loop3A_1605 : vector<16xf32>
        %parallel_loop3A_1607 = arith.mulf %parallel_loop3A_1606, %parallel_loop3A_1605 : vector<16xf32>
        %parallel_loop3A_1608 = arith.constant 1.500000e+00 : f32
        %parallel_loop3A_1609 = vector.broadcast %parallel_loop3A_1608 : f32 to vector<16xf32>
        %parallel_loop3A_1610 = arith.subf %parallel_loop3A_1609, %parallel_loop3A_1607 : vector<16xf32>
        %parallel_loop3A_1611 = arith.mulf %parallel_loop3A_1605, %parallel_loop3A_1610 : vector<16xf32>
        %parallel_loop3A_1612 = arith.mulf %parallel_loop3A_1588, %parallel_loop3A_1611 : vector<16xf32>
        %parallel_loop3A_1613 = arith.subf %parallel_loop3A_1612, %parallel_loop3A_1573 : vector<16xf32>
        %parallel_loop3A_1614 = arith.cmpf ogt, %parallel_loop3A_1583, %parallel_loop3A_1560 : vector<16xf32>
        %parallel_loop3A_1615 = arith.select %parallel_loop3A_1614, %parallel_loop3A_1613, %parallel_loop3A_1576 : vector<16xi1>, vector<16xf32>
        %parallel_loop3A_1616 = arith.minimumf %parallel_loop3A_1583, %parallel_loop3A_1560 : vector<16xf32>
        %parallel_loop3A_1617 = arith.constant 0.000000e+00 : f32
        %parallel_loop3A_1618 = vector.broadcast %parallel_loop3A_1617 : f32 to vector<16xf32>
        %parallel_loop3A_1619 = arith.maximumf %parallel_loop3A_1616, %parallel_loop3A_1618 : vector<16xf32>
        %parallel_loop3A_1620 = arith.subf %parallel_loop3A_1560, %parallel_loop3A_1619 : vector<16xf32>
        %parallel_loop3A_1621 = arith.constant 0.108108111 : f32
        %parallel_loop3A_1622 = vector.broadcast %parallel_loop3A_1621 : f32 to vector<16xf32>
        %parallel_loop3A_1623 = arith.mulf %parallel_loop3A_1620, %parallel_loop3A_1622 : vector<16xf32>
        %parallel_loop3A_1624 = arith.addf %parallel_loop3A_1615, %parallel_loop3A_1623 : vector<16xf32>
        %parallel_loop3A_1625 = arith.constant 80 : i32
        %parallel_loop3A_1626 = arith.addi %parallel_loop3A_995, %parallel_loop3A_1625 : i32
        %parallel_loop3A_1627 = arith.index_cast %parallel_loop3A_1626 : i32 to index
        %parallel_loop3A_1628 = tpu.vector_load %arg10[%parallel_loop3A_1627] {strides = array<i32>} : memref<29040xf32, #tpu.memory_space<vmem>>, vector<16xf32>,
        tpu.vector_store %arg10[%parallel_loop3A_1627], %parallel_loop3A_1624 {strides = array<i32>} : memref<29040xf32, #tpu.memory_space<vmem>>, vector<16xf32>,
        %parallel_loop3A_1629 = vector.broadcast %parallel_loop3A_998 : i32 to vector<16xi32>
        %parallel_loop3A_1630 = arith.addi %select_n3A_384, %parallel_loop3A_1629 : vector<16xi32>
        %parallel_loop3A_1631 = tpu.vector_load_idx %arg7[%parallel_loop3A_1630] : memref<6608xf32, #tpu.memory_space<vmem>>[vector<16xi32>], vector<16xf32>,
        %parallel_loop3A_1632 = tpu.vector_load_idx %arg8[%parallel_loop3A_1630] : memref<6608xf32, #tpu.memory_space<vmem>>[vector<16xi32>], vector<16xf32>,
        %parallel_loop3A_1633 = tpu.vector_load_idx %arg6[%add3A_872] : memref<512xf32, #tpu.memory_space<vmem>>[vector<16xi32>], vector<16xf32>,
        %parallel_loop3A_1634 = tpu.vector_load_idx %arg6[%add3A_901] : memref<512xf32, #tpu.memory_space<vmem>>[vector<16xi32>], vector<16xf32>,
        %parallel_loop3A_1635 = tpu.vector_load_idx %arg6[%add3A_934] : memref<512xf32, #tpu.memory_space<vmem>>[vector<16xi32>], vector<16xf32>,
        %parallel_loop3A_1636 = tpu.vector_load_idx %arg6[%add3A_967] : memref<512xf32, #tpu.memory_space<vmem>>[vector<16xi32>], vector<16xf32>,
        %parallel_loop3A_1637 = arith.subf %parallel_loop3A_1631, %parallel_loop3A_1633 : vector<16xf32>
        %parallel_loop3A_1638 = arith.subf %parallel_loop3A_1632, %parallel_loop3A_1634 : vector<16xf32>
        %parallel_loop3A_1639 = arith.mulf %parallel_loop3A_1637, %parallel_loop3A_1637 : vector<16xf32>
        %parallel_loop3A_1640 = arith.mulf %parallel_loop3A_1638, %parallel_loop3A_1638 : vector<16xf32>
        %parallel_loop3A_1641 = arith.addf %parallel_loop3A_1639, %parallel_loop3A_1640 : vector<16xf32>
        %parallel_loop3A_1642 = vector.bitcast %parallel_loop3A_1641 : vector<16xf32> to vector<16xi32>
        %parallel_loop3A_1643 = arith.constant 1 : i32
        %parallel_loop3A_1644 = vector.broadcast %parallel_loop3A_1643 : i32 to vector<16xi32>
        %parallel_loop3A_1645 = arith.shrsi %parallel_loop3A_1642, %parallel_loop3A_1644 : vector<16xi32>
        %parallel_loop3A_1646 = arith.constant 1597463007 : i32
        %parallel_loop3A_1647 = vector.broadcast %parallel_loop3A_1646 : i32 to vector<16xi32>
        %parallel_loop3A_1648 = arith.subi %parallel_loop3A_1647, %parallel_loop3A_1645 : vector<16xi32>
        %parallel_loop3A_1649 = vector.bitcast %parallel_loop3A_1648 : vector<16xi32> to vector<16xf32>
        %parallel_loop3A_1650 = arith.constant 5.000000e-01 : f32
        %parallel_loop3A_1651 = vector.broadcast %parallel_loop3A_1650 : f32 to vector<16xf32>
        %parallel_loop3A_1652 = arith.mulf %parallel_loop3A_1641, %parallel_loop3A_1651 : vector<16xf32>
        %parallel_loop3A_1653 = arith.mulf %parallel_loop3A_1652, %parallel_loop3A_1649 : vector<16xf32>
        %parallel_loop3A_1654 = arith.mulf %parallel_loop3A_1653, %parallel_loop3A_1649 : vector<16xf32>
        %parallel_loop3A_1655 = arith.constant 1.500000e+00 : f32
        %parallel_loop3A_1656 = vector.broadcast %parallel_loop3A_1655 : f32 to vector<16xf32>
        %parallel_loop3A_1657 = arith.subf %parallel_loop3A_1656, %parallel_loop3A_1654 : vector<16xf32>
        %parallel_loop3A_1658 = arith.mulf %parallel_loop3A_1649, %parallel_loop3A_1657 : vector<16xf32>
        %parallel_loop3A_1659 = arith.mulf %parallel_loop3A_1652, %parallel_loop3A_1658 : vector<16xf32>
        %parallel_loop3A_1660 = arith.mulf %parallel_loop3A_1659, %parallel_loop3A_1658 : vector<16xf32>
        %parallel_loop3A_1661 = arith.constant 1.500000e+00 : f32
        %parallel_loop3A_1662 = vector.broadcast %parallel_loop3A_1661 : f32 to vector<16xf32>
        %parallel_loop3A_1663 = arith.subf %parallel_loop3A_1662, %parallel_loop3A_1660 : vector<16xf32>
        %parallel_loop3A_1664 = arith.mulf %parallel_loop3A_1658, %parallel_loop3A_1663 : vector<16xf32>
        %parallel_loop3A_1665 = arith.mulf %parallel_loop3A_1641, %parallel_loop3A_1664 : vector<16xf32>
        %parallel_loop3A_1666 = arith.mulf %parallel_loop3A_1637, %parallel_loop3A_1635 : vector<16xf32>
        %parallel_loop3A_1667 = arith.mulf %parallel_loop3A_1638, %parallel_loop3A_1636 : vector<16xf32>
        %parallel_loop3A_1668 = arith.addf %parallel_loop3A_1666, %parallel_loop3A_1667 : vector<16xf32>
        %parallel_loop3A_1669 = arith.mulf %parallel_loop3A_1668, %parallel_loop3A_1664 : vector<16xf32>
        %parallel_loop3A_1670 = arith.constant -9.250000e+00 : f32
        %parallel_loop3A_1671 = arith.constant 9.250000e+00 : f32
        %parallel_loop3A_1672 = vector.broadcast %parallel_loop3A_1670 : f32 to vector<16xf32>
        %parallel_loop3A_1673 = arith.maximumf %parallel_loop3A_1672, %parallel_loop3A_1669 : vector<16xf32>
        %parallel_loop3A_1674 = vector.broadcast %parallel_loop3A_1671 : f32 to vector<16xf32>
        %parallel_loop3A_1675 = arith.minimumf %parallel_loop3A_1674, %parallel_loop3A_1673 : vector<16xf32>
        %parallel_loop3A_1676 = arith.constant 0.137931034 : f32
        %parallel_loop3A_1677 = vector.broadcast %parallel_loop3A_1676 : f32 to vector<16xf32>
        %parallel_loop3A_1678 = arith.mulf %parallel_loop3A_1675, %parallel_loop3A_1677 : vector<16xf32>
        %parallel_loop3A_1679 = arith.constant 1.2758621 : f32
        %parallel_loop3A_1680 = vector.broadcast %parallel_loop3A_1679 : f32 to vector<16xf32>
        %parallel_loop3A_1681 = arith.subf %parallel_loop3A_1680, %parallel_loop3A_1678 : vector<16xf32>
        %parallel_loop3A_1682 = arith.constant 5.000000e-01 : f32
        %parallel_loop3A_1683 = vector.broadcast %parallel_loop3A_1682 : f32 to vector<16xf32>
        %parallel_loop3A_1684 = arith.mulf %parallel_loop3A_1683, %parallel_loop3A_1675 : vector<16xf32>
        %parallel_loop3A_1685 = arith.constant 4.625000e+00 : f32
        %parallel_loop3A_1686 = vector.broadcast %parallel_loop3A_1685 : f32 to vector<16xf32>
        %parallel_loop3A_1687 = arith.addf %parallel_loop3A_1684, %parallel_loop3A_1686 : vector<16xf32>
        %parallel_loop3A_1688 = arith.mulf %parallel_loop3A_1681, %parallel_loop3A_1687 : vector<16xf32>
        %parallel_loop3A_1689 = arith.mulf %parallel_loop3A_1678, %parallel_loop3A_1678 : vector<16xf32>
        %parallel_loop3A_1690 = arith.constant 0.275862068 : f32
        %parallel_loop3A_1691 = vector.broadcast %parallel_loop3A_1690 : f32 to vector<16xf32>
        %parallel_loop3A_1692 = arith.mulf %parallel_loop3A_1691, %parallel_loop3A_1665 : vector<16xf32>
        %parallel_loop3A_1693 = arith.addf %parallel_loop3A_1689, %parallel_loop3A_1692 : vector<16xf32>
        %parallel_loop3A_1694 = vector.bitcast %parallel_loop3A_1693 : vector<16xf32> to vector<16xi32>
        %parallel_loop3A_1695 = arith.constant 1 : i32
        %parallel_loop3A_1696 = vector.broadcast %parallel_loop3A_1695 : i32 to vector<16xi32>
        %parallel_loop3A_1697 = arith.shrsi %parallel_loop3A_1694, %parallel_loop3A_1696 : vector<16xi32>
        %parallel_loop3A_1698 = arith.constant 1597463007 : i32
        %parallel_loop3A_1699 = vector.broadcast %parallel_loop3A_1698 : i32 to vector<16xi32>
        %parallel_loop3A_1700 = arith.subi %parallel_loop3A_1699, %parallel_loop3A_1697 : vector<16xi32>
        %parallel_loop3A_1701 = vector.bitcast %parallel_loop3A_1700 : vector<16xi32> to vector<16xf32>
        %parallel_loop3A_1702 = arith.constant 5.000000e-01 : f32
        %parallel_loop3A_1703 = vector.broadcast %parallel_loop3A_1702 : f32 to vector<16xf32>
        %parallel_loop3A_1704 = arith.mulf %parallel_loop3A_1693, %parallel_loop3A_1703 : vector<16xf32>
        %parallel_loop3A_1705 = arith.mulf %parallel_loop3A_1704, %parallel_loop3A_1701 : vector<16xf32>
        %parallel_loop3A_1706 = arith.mulf %parallel_loop3A_1705, %parallel_loop3A_1701 : vector<16xf32>
        %parallel_loop3A_1707 = arith.constant 1.500000e+00 : f32
        %parallel_loop3A_1708 = vector.broadcast %parallel_loop3A_1707 : f32 to vector<16xf32>
        %parallel_loop3A_1709 = arith.subf %parallel_loop3A_1708, %parallel_loop3A_1706 : vector<16xf32>
        %parallel_loop3A_1710 = arith.mulf %parallel_loop3A_1701, %parallel_loop3A_1709 : vector<16xf32>
        %parallel_loop3A_1711 = arith.mulf %parallel_loop3A_1704, %parallel_loop3A_1710 : vector<16xf32>
        %parallel_loop3A_1712 = arith.mulf %parallel_loop3A_1711, %parallel_loop3A_1710 : vector<16xf32>
        %parallel_loop3A_1713 = arith.constant 1.500000e+00 : f32
        %parallel_loop3A_1714 = vector.broadcast %parallel_loop3A_1713 : f32 to vector<16xf32>
        %parallel_loop3A_1715 = arith.subf %parallel_loop3A_1714, %parallel_loop3A_1712 : vector<16xf32>
        %parallel_loop3A_1716 = arith.mulf %parallel_loop3A_1710, %parallel_loop3A_1715 : vector<16xf32>
        %parallel_loop3A_1717 = arith.mulf %parallel_loop3A_1693, %parallel_loop3A_1716 : vector<16xf32>
        %parallel_loop3A_1718 = arith.subf %parallel_loop3A_1717, %parallel_loop3A_1678 : vector<16xf32>
        %parallel_loop3A_1719 = arith.cmpf ogt, %parallel_loop3A_1688, %parallel_loop3A_1665 : vector<16xf32>
        %parallel_loop3A_1720 = arith.select %parallel_loop3A_1719, %parallel_loop3A_1718, %parallel_loop3A_1681 : vector<16xi1>, vector<16xf32>
        %parallel_loop3A_1721 = arith.minimumf %parallel_loop3A_1688, %parallel_loop3A_1665 : vector<16xf32>
        %parallel_loop3A_1722 = arith.constant 0.000000e+00 : f32
        %parallel_loop3A_1723 = vector.broadcast %parallel_loop3A_1722 : f32 to vector<16xf32>
        %parallel_loop3A_1724 = arith.maximumf %parallel_loop3A_1721, %parallel_loop3A_1723 : vector<16xf32>
        %parallel_loop3A_1725 = arith.subf %parallel_loop3A_1665, %parallel_loop3A_1724 : vector<16xf32>
        %parallel_loop3A_1726 = arith.constant 0.108108111 : f32
        %parallel_loop3A_1727 = vector.broadcast %parallel_loop3A_1726 : f32 to vector<16xf32>
        %parallel_loop3A_1728 = arith.mulf %parallel_loop3A_1725, %parallel_loop3A_1727 : vector<16xf32>
        %parallel_loop3A_1729 = arith.addf %parallel_loop3A_1720, %parallel_loop3A_1728 : vector<16xf32>
        %parallel_loop3A_1730 = arith.constant 96 : i32
        %parallel_loop3A_1731 = arith.addi %parallel_loop3A_995, %parallel_loop3A_1730 : i32
        %parallel_loop3A_1732 = arith.index_cast %parallel_loop3A_1731 : i32 to index
        %parallel_loop3A_1733 = tpu.vector_load %arg10[%parallel_loop3A_1732] {strides = array<i32>} : memref<29040xf32, #tpu.memory_space<vmem>>, vector<16xf32>,
        tpu.vector_store %arg10[%parallel_loop3A_1732], %parallel_loop3A_1729 {strides = array<i32>} : memref<29040xf32, #tpu.memory_space<vmem>>, vector<16xf32>,
        %parallel_loop3A_1734 = vector.broadcast %parallel_loop3A_998 : i32 to vector<16xi32>
        %parallel_loop3A_1735 = arith.addi %select_n3A_440, %parallel_loop3A_1734 : vector<16xi32>
        %parallel_loop3A_1736 = tpu.vector_load_idx %arg7[%parallel_loop3A_1735] : memref<6608xf32, #tpu.memory_space<vmem>>[vector<16xi32>], vector<16xf32>,
        %parallel_loop3A_1737 = tpu.vector_load_idx %arg8[%parallel_loop3A_1735] : memref<6608xf32, #tpu.memory_space<vmem>>[vector<16xi32>], vector<16xf32>,
        %parallel_loop3A_1738 = tpu.vector_load_idx %arg6[%add3A_874] : memref<512xf32, #tpu.memory_space<vmem>>[vector<16xi32>], vector<16xf32>,
        %parallel_loop3A_1739 = tpu.vector_load_idx %arg6[%add3A_904] : memref<512xf32, #tpu.memory_space<vmem>>[vector<16xi32>], vector<16xf32>,
        %parallel_loop3A_1740 = tpu.vector_load_idx %arg6[%add3A_937] : memref<512xf32, #tpu.memory_space<vmem>>[vector<16xi32>], vector<16xf32>,
        %parallel_loop3A_1741 = tpu.vector_load_idx %arg6[%add3A_970] : memref<512xf32, #tpu.memory_space<vmem>>[vector<16xi32>], vector<16xf32>,
        %parallel_loop3A_1742 = arith.subf %parallel_loop3A_1736, %parallel_loop3A_1738 : vector<16xf32>
        %parallel_loop3A_1743 = arith.subf %parallel_loop3A_1737, %parallel_loop3A_1739 : vector<16xf32>
        %parallel_loop3A_1744 = arith.mulf %parallel_loop3A_1742, %parallel_loop3A_1742 : vector<16xf32>
        %parallel_loop3A_1745 = arith.mulf %parallel_loop3A_1743, %parallel_loop3A_1743 : vector<16xf32>
        %parallel_loop3A_1746 = arith.addf %parallel_loop3A_1744, %parallel_loop3A_1745 : vector<16xf32>
        %parallel_loop3A_1747 = vector.bitcast %parallel_loop3A_1746 : vector<16xf32> to vector<16xi32>
        %parallel_loop3A_1748 = arith.constant 1 : i32
        %parallel_loop3A_1749 = vector.broadcast %parallel_loop3A_1748 : i32 to vector<16xi32>
        %parallel_loop3A_1750 = arith.shrsi %parallel_loop3A_1747, %parallel_loop3A_1749 : vector<16xi32>
        %parallel_loop3A_1751 = arith.constant 1597463007 : i32
        %parallel_loop3A_1752 = vector.broadcast %parallel_loop3A_1751 : i32 to vector<16xi32>
        %parallel_loop3A_1753 = arith.subi %parallel_loop3A_1752, %parallel_loop3A_1750 : vector<16xi32>
        %parallel_loop3A_1754 = vector.bitcast %parallel_loop3A_1753 : vector<16xi32> to vector<16xf32>
        %parallel_loop3A_1755 = arith.constant 5.000000e-01 : f32
        %parallel_loop3A_1756 = vector.broadcast %parallel_loop3A_1755 : f32 to vector<16xf32>
        %parallel_loop3A_1757 = arith.mulf %parallel_loop3A_1746, %parallel_loop3A_1756 : vector<16xf32>
        %parallel_loop3A_1758 = arith.mulf %parallel_loop3A_1757, %parallel_loop3A_1754 : vector<16xf32>
        %parallel_loop3A_1759 = arith.mulf %parallel_loop3A_1758, %parallel_loop3A_1754 : vector<16xf32>
        %parallel_loop3A_1760 = arith.constant 1.500000e+00 : f32
        %parallel_loop3A_1761 = vector.broadcast %parallel_loop3A_1760 : f32 to vector<16xf32>
        %parallel_loop3A_1762 = arith.subf %parallel_loop3A_1761, %parallel_loop3A_1759 : vector<16xf32>
        %parallel_loop3A_1763 = arith.mulf %parallel_loop3A_1754, %parallel_loop3A_1762 : vector<16xf32>
        %parallel_loop3A_1764 = arith.mulf %parallel_loop3A_1757, %parallel_loop3A_1763 : vector<16xf32>
        %parallel_loop3A_1765 = arith.mulf %parallel_loop3A_1764, %parallel_loop3A_1763 : vector<16xf32>
        %parallel_loop3A_1766 = arith.constant 1.500000e+00 : f32
        %parallel_loop3A_1767 = vector.broadcast %parallel_loop3A_1766 : f32 to vector<16xf32>
        %parallel_loop3A_1768 = arith.subf %parallel_loop3A_1767, %parallel_loop3A_1765 : vector<16xf32>
        %parallel_loop3A_1769 = arith.mulf %parallel_loop3A_1763, %parallel_loop3A_1768 : vector<16xf32>
        %parallel_loop3A_1770 = arith.mulf %parallel_loop3A_1746, %parallel_loop3A_1769 : vector<16xf32>
        %parallel_loop3A_1771 = arith.mulf %parallel_loop3A_1742, %parallel_loop3A_1740 : vector<16xf32>
        %parallel_loop3A_1772 = arith.mulf %parallel_loop3A_1743, %parallel_loop3A_1741 : vector<16xf32>
        %parallel_loop3A_1773 = arith.addf %parallel_loop3A_1771, %parallel_loop3A_1772 : vector<16xf32>
        %parallel_loop3A_1774 = arith.mulf %parallel_loop3A_1773, %parallel_loop3A_1769 : vector<16xf32>
        %parallel_loop3A_1775 = arith.constant -9.250000e+00 : f32
        %parallel_loop3A_1776 = arith.constant 9.250000e+00 : f32
        %parallel_loop3A_1777 = vector.broadcast %parallel_loop3A_1775 : f32 to vector<16xf32>
        %parallel_loop3A_1778 = arith.maximumf %parallel_loop3A_1777, %parallel_loop3A_1774 : vector<16xf32>
        %parallel_loop3A_1779 = vector.broadcast %parallel_loop3A_1776 : f32 to vector<16xf32>
        %parallel_loop3A_1780 = arith.minimumf %parallel_loop3A_1779, %parallel_loop3A_1778 : vector<16xf32>
        %parallel_loop3A_1781 = arith.constant 0.137931034 : f32
        %parallel_loop3A_1782 = vector.broadcast %parallel_loop3A_1781 : f32 to vector<16xf32>
        %parallel_loop3A_1783 = arith.mulf %parallel_loop3A_1780, %parallel_loop3A_1782 : vector<16xf32>
        %parallel_loop3A_1784 = arith.constant 1.2758621 : f32
        %parallel_loop3A_1785 = vector.broadcast %parallel_loop3A_1784 : f32 to vector<16xf32>
        %parallel_loop3A_1786 = arith.subf %parallel_loop3A_1785, %parallel_loop3A_1783 : vector<16xf32>
        %parallel_loop3A_1787 = arith.constant 5.000000e-01 : f32
        %parallel_loop3A_1788 = vector.broadcast %parallel_loop3A_1787 : f32 to vector<16xf32>
        %parallel_loop3A_1789 = arith.mulf %parallel_loop3A_1788, %parallel_loop3A_1780 : vector<16xf32>
        %parallel_loop3A_1790 = arith.constant 4.625000e+00 : f32
        %parallel_loop3A_1791 = vector.broadcast %parallel_loop3A_1790 : f32 to vector<16xf32>
        %parallel_loop3A_1792 = arith.addf %parallel_loop3A_1789, %parallel_loop3A_1791 : vector<16xf32>
        %parallel_loop3A_1793 = arith.mulf %parallel_loop3A_1786, %parallel_loop3A_1792 : vector<16xf32>
        %parallel_loop3A_1794 = arith.mulf %parallel_loop3A_1783, %parallel_loop3A_1783 : vector<16xf32>
        %parallel_loop3A_1795 = arith.constant 0.275862068 : f32
        %parallel_loop3A_1796 = vector.broadcast %parallel_loop3A_1795 : f32 to vector<16xf32>
        %parallel_loop3A_1797 = arith.mulf %parallel_loop3A_1796, %parallel_loop3A_1770 : vector<16xf32>
        %parallel_loop3A_1798 = arith.addf %parallel_loop3A_1794, %parallel_loop3A_1797 : vector<16xf32>
        %parallel_loop3A_1799 = vector.bitcast %parallel_loop3A_1798 : vector<16xf32> to vector<16xi32>
        %parallel_loop3A_1800 = arith.constant 1 : i32
        %parallel_loop3A_1801 = vector.broadcast %parallel_loop3A_1800 : i32 to vector<16xi32>
        %parallel_loop3A_1802 = arith.shrsi %parallel_loop3A_1799, %parallel_loop3A_1801 : vector<16xi32>
        %parallel_loop3A_1803 = arith.constant 1597463007 : i32
        %parallel_loop3A_1804 = vector.broadcast %parallel_loop3A_1803 : i32 to vector<16xi32>
        %parallel_loop3A_1805 = arith.subi %parallel_loop3A_1804, %parallel_loop3A_1802 : vector<16xi32>
        %parallel_loop3A_1806 = vector.bitcast %parallel_loop3A_1805 : vector<16xi32> to vector<16xf32>
        %parallel_loop3A_1807 = arith.constant 5.000000e-01 : f32
        %parallel_loop3A_1808 = vector.broadcast %parallel_loop3A_1807 : f32 to vector<16xf32>
        %parallel_loop3A_1809 = arith.mulf %parallel_loop3A_1798, %parallel_loop3A_1808 : vector<16xf32>
        %parallel_loop3A_1810 = arith.mulf %parallel_loop3A_1809, %parallel_loop3A_1806 : vector<16xf32>
        %parallel_loop3A_1811 = arith.mulf %parallel_loop3A_1810, %parallel_loop3A_1806 : vector<16xf32>
        %parallel_loop3A_1812 = arith.constant 1.500000e+00 : f32
        %parallel_loop3A_1813 = vector.broadcast %parallel_loop3A_1812 : f32 to vector<16xf32>
        %parallel_loop3A_1814 = arith.subf %parallel_loop3A_1813, %parallel_loop3A_1811 : vector<16xf32>
        %parallel_loop3A_1815 = arith.mulf %parallel_loop3A_1806, %parallel_loop3A_1814 : vector<16xf32>
        %parallel_loop3A_1816 = arith.mulf %parallel_loop3A_1809, %parallel_loop3A_1815 : vector<16xf32>
        %parallel_loop3A_1817 = arith.mulf %parallel_loop3A_1816, %parallel_loop3A_1815 : vector<16xf32>
        %parallel_loop3A_1818 = arith.constant 1.500000e+00 : f32
        %parallel_loop3A_1819 = vector.broadcast %parallel_loop3A_1818 : f32 to vector<16xf32>
        %parallel_loop3A_1820 = arith.subf %parallel_loop3A_1819, %parallel_loop3A_1817 : vector<16xf32>
        %parallel_loop3A_1821 = arith.mulf %parallel_loop3A_1815, %parallel_loop3A_1820 : vector<16xf32>
        %parallel_loop3A_1822 = arith.mulf %parallel_loop3A_1798, %parallel_loop3A_1821 : vector<16xf32>
        %parallel_loop3A_1823 = arith.subf %parallel_loop3A_1822, %parallel_loop3A_1783 : vector<16xf32>
        %parallel_loop3A_1824 = arith.cmpf ogt, %parallel_loop3A_1793, %parallel_loop3A_1770 : vector<16xf32>
        %parallel_loop3A_1825 = arith.select %parallel_loop3A_1824, %parallel_loop3A_1823, %parallel_loop3A_1786 : vector<16xi1>, vector<16xf32>
        %parallel_loop3A_1826 = arith.minimumf %parallel_loop3A_1793, %parallel_loop3A_1770 : vector<16xf32>
        %parallel_loop3A_1827 = arith.constant 0.000000e+00 : f32
        %parallel_loop3A_1828 = vector.broadcast %parallel_loop3A_1827 : f32 to vector<16xf32>
        %parallel_loop3A_1829 = arith.maximumf %parallel_loop3A_1826, %parallel_loop3A_1828 : vector<16xf32>
        %parallel_loop3A_1830 = arith.subf %parallel_loop3A_1770, %parallel_loop3A_1829 : vector<16xf32>
        %parallel_loop3A_1831 = arith.constant 0.108108111 : f32
        %parallel_loop3A_1832 = vector.broadcast %parallel_loop3A_1831 : f32 to vector<16xf32>
        %parallel_loop3A_1833 = arith.mulf %parallel_loop3A_1830, %parallel_loop3A_1832 : vector<16xf32>
        %parallel_loop3A_1834 = arith.addf %parallel_loop3A_1825, %parallel_loop3A_1833 : vector<16xf32>
        %parallel_loop3A_1835 = arith.constant 112 : i32
        %parallel_loop3A_1836 = arith.addi %parallel_loop3A_995, %parallel_loop3A_1835 : i32
        %parallel_loop3A_1837 = arith.index_cast %parallel_loop3A_1836 : i32 to index
        %parallel_loop3A_1838 = tpu.vector_load %arg10[%parallel_loop3A_1837] {strides = array<i32>} : memref<29040xf32, #tpu.memory_space<vmem>>, vector<16xf32>,
        tpu.vector_store %arg10[%parallel_loop3A_1837], %parallel_loop3A_1834 {strides = array<i32>} : memref<29040xf32, #tpu.memory_space<vmem>>, vector<16xf32>,
        %parallel_loop3A_1839 = vector.broadcast %parallel_loop3A_998 : i32 to vector<16xi32>
        %parallel_loop3A_1840 = arith.addi %select_n3A_496, %parallel_loop3A_1839 : vector<16xi32>
        %parallel_loop3A_1841 = tpu.vector_load_idx %arg7[%parallel_loop3A_1840] : memref<6608xf32, #tpu.memory_space<vmem>>[vector<16xi32>], vector<16xf32>,
        %parallel_loop3A_1842 = tpu.vector_load_idx %arg8[%parallel_loop3A_1840] : memref<6608xf32, #tpu.memory_space<vmem>>[vector<16xi32>], vector<16xf32>,
        %parallel_loop3A_1843 = tpu.vector_load_idx %arg6[%add3A_876] : memref<512xf32, #tpu.memory_space<vmem>>[vector<16xi32>], vector<16xf32>,
        %parallel_loop3A_1844 = tpu.vector_load_idx %arg6[%add3A_907] : memref<512xf32, #tpu.memory_space<vmem>>[vector<16xi32>], vector<16xf32>,
        %parallel_loop3A_1845 = tpu.vector_load_idx %arg6[%add3A_940] : memref<512xf32, #tpu.memory_space<vmem>>[vector<16xi32>], vector<16xf32>,
        %parallel_loop3A_1846 = tpu.vector_load_idx %arg6[%add3A_973] : memref<512xf32, #tpu.memory_space<vmem>>[vector<16xi32>], vector<16xf32>,
        %parallel_loop3A_1847 = arith.subf %parallel_loop3A_1841, %parallel_loop3A_1843 : vector<16xf32>
        %parallel_loop3A_1848 = arith.subf %parallel_loop3A_1842, %parallel_loop3A_1844 : vector<16xf32>
        %parallel_loop3A_1849 = arith.mulf %parallel_loop3A_1847, %parallel_loop3A_1847 : vector<16xf32>
        %parallel_loop3A_1850 = arith.mulf %parallel_loop3A_1848, %parallel_loop3A_1848 : vector<16xf32>
        %parallel_loop3A_1851 = arith.addf %parallel_loop3A_1849, %parallel_loop3A_1850 : vector<16xf32>
        %parallel_loop3A_1852 = vector.bitcast %parallel_loop3A_1851 : vector<16xf32> to vector<16xi32>
        %parallel_loop3A_1853 = arith.constant 1 : i32
        %parallel_loop3A_1854 = vector.broadcast %parallel_loop3A_1853 : i32 to vector<16xi32>
        %parallel_loop3A_1855 = arith.shrsi %parallel_loop3A_1852, %parallel_loop3A_1854 : vector<16xi32>
        %parallel_loop3A_1856 = arith.constant 1597463007 : i32
        %parallel_loop3A_1857 = vector.broadcast %parallel_loop3A_1856 : i32 to vector<16xi32>
        %parallel_loop3A_1858 = arith.subi %parallel_loop3A_1857, %parallel_loop3A_1855 : vector<16xi32>
        %parallel_loop3A_1859 = vector.bitcast %parallel_loop3A_1858 : vector<16xi32> to vector<16xf32>
        %parallel_loop3A_1860 = arith.constant 5.000000e-01 : f32
        %parallel_loop3A_1861 = vector.broadcast %parallel_loop3A_1860 : f32 to vector<16xf32>
        %parallel_loop3A_1862 = arith.mulf %parallel_loop3A_1851, %parallel_loop3A_1861 : vector<16xf32>
        %parallel_loop3A_1863 = arith.mulf %parallel_loop3A_1862, %parallel_loop3A_1859 : vector<16xf32>
        %parallel_loop3A_1864 = arith.mulf %parallel_loop3A_1863, %parallel_loop3A_1859 : vector<16xf32>
        %parallel_loop3A_1865 = arith.constant 1.500000e+00 : f32
        %parallel_loop3A_1866 = vector.broadcast %parallel_loop3A_1865 : f32 to vector<16xf32>
        %parallel_loop3A_1867 = arith.subf %parallel_loop3A_1866, %parallel_loop3A_1864 : vector<16xf32>
        %parallel_loop3A_1868 = arith.mulf %parallel_loop3A_1859, %parallel_loop3A_1867 : vector<16xf32>
        %parallel_loop3A_1869 = arith.mulf %parallel_loop3A_1862, %parallel_loop3A_1868 : vector<16xf32>
        %parallel_loop3A_1870 = arith.mulf %parallel_loop3A_1869, %parallel_loop3A_1868 : vector<16xf32>
        %parallel_loop3A_1871 = arith.constant 1.500000e+00 : f32
        %parallel_loop3A_1872 = vector.broadcast %parallel_loop3A_1871 : f32 to vector<16xf32>
        %parallel_loop3A_1873 = arith.subf %parallel_loop3A_1872, %parallel_loop3A_1870 : vector<16xf32>
        %parallel_loop3A_1874 = arith.mulf %parallel_loop3A_1868, %parallel_loop3A_1873 : vector<16xf32>
        %parallel_loop3A_1875 = arith.mulf %parallel_loop3A_1851, %parallel_loop3A_1874 : vector<16xf32>
        %parallel_loop3A_1876 = arith.mulf %parallel_loop3A_1847, %parallel_loop3A_1845 : vector<16xf32>
        %parallel_loop3A_1877 = arith.mulf %parallel_loop3A_1848, %parallel_loop3A_1846 : vector<16xf32>
        %parallel_loop3A_1878 = arith.addf %parallel_loop3A_1876, %parallel_loop3A_1877 : vector<16xf32>
        %parallel_loop3A_1879 = arith.mulf %parallel_loop3A_1878, %parallel_loop3A_1874 : vector<16xf32>
        %parallel_loop3A_1880 = arith.constant -9.250000e+00 : f32
        %parallel_loop3A_1881 = arith.constant 9.250000e+00 : f32
        %parallel_loop3A_1882 = vector.broadcast %parallel_loop3A_1880 : f32 to vector<16xf32>
        %parallel_loop3A_1883 = arith.maximumf %parallel_loop3A_1882, %parallel_loop3A_1879 : vector<16xf32>
        %parallel_loop3A_1884 = vector.broadcast %parallel_loop3A_1881 : f32 to vector<16xf32>
        %parallel_loop3A_1885 = arith.minimumf %parallel_loop3A_1884, %parallel_loop3A_1883 : vector<16xf32>
        %parallel_loop3A_1886 = arith.constant 0.137931034 : f32
        %parallel_loop3A_1887 = vector.broadcast %parallel_loop3A_1886 : f32 to vector<16xf32>
        %parallel_loop3A_1888 = arith.mulf %parallel_loop3A_1885, %parallel_loop3A_1887 : vector<16xf32>
        %parallel_loop3A_1889 = arith.constant 1.2758621 : f32
        %parallel_loop3A_1890 = vector.broadcast %parallel_loop3A_1889 : f32 to vector<16xf32>
        %parallel_loop3A_1891 = arith.subf %parallel_loop3A_1890, %parallel_loop3A_1888 : vector<16xf32>
        %parallel_loop3A_1892 = arith.constant 5.000000e-01 : f32
        %parallel_loop3A_1893 = vector.broadcast %parallel_loop3A_1892 : f32 to vector<16xf32>
        %parallel_loop3A_1894 = arith.mulf %parallel_loop3A_1893, %parallel_loop3A_1885 : vector<16xf32>
        %parallel_loop3A_1895 = arith.constant 4.625000e+00 : f32
        %parallel_loop3A_1896 = vector.broadcast %parallel_loop3A_1895 : f32 to vector<16xf32>
        %parallel_loop3A_1897 = arith.addf %parallel_loop3A_1894, %parallel_loop3A_1896 : vector<16xf32>
        %parallel_loop3A_1898 = arith.mulf %parallel_loop3A_1891, %parallel_loop3A_1897 : vector<16xf32>
        %parallel_loop3A_1899 = arith.mulf %parallel_loop3A_1888, %parallel_loop3A_1888 : vector<16xf32>
        %parallel_loop3A_1900 = arith.constant 0.275862068 : f32
        %parallel_loop3A_1901 = vector.broadcast %parallel_loop3A_1900 : f32 to vector<16xf32>
        %parallel_loop3A_1902 = arith.mulf %parallel_loop3A_1901, %parallel_loop3A_1875 : vector<16xf32>
        %parallel_loop3A_1903 = arith.addf %parallel_loop3A_1899, %parallel_loop3A_1902 : vector<16xf32>
        %parallel_loop3A_1904 = vector.bitcast %parallel_loop3A_1903 : vector<16xf32> to vector<16xi32>
        %parallel_loop3A_1905 = arith.constant 1 : i32
        %parallel_loop3A_1906 = vector.broadcast %parallel_loop3A_1905 : i32 to vector<16xi32>
        %parallel_loop3A_1907 = arith.shrsi %parallel_loop3A_1904, %parallel_loop3A_1906 : vector<16xi32>
        %parallel_loop3A_1908 = arith.constant 1597463007 : i32
        %parallel_loop3A_1909 = vector.broadcast %parallel_loop3A_1908 : i32 to vector<16xi32>
        %parallel_loop3A_1910 = arith.subi %parallel_loop3A_1909, %parallel_loop3A_1907 : vector<16xi32>
        %parallel_loop3A_1911 = vector.bitcast %parallel_loop3A_1910 : vector<16xi32> to vector<16xf32>
        %parallel_loop3A_1912 = arith.constant 5.000000e-01 : f32
        %parallel_loop3A_1913 = vector.broadcast %parallel_loop3A_1912 : f32 to vector<16xf32>
        %parallel_loop3A_1914 = arith.mulf %parallel_loop3A_1903, %parallel_loop3A_1913 : vector<16xf32>
        %parallel_loop3A_1915 = arith.mulf %parallel_loop3A_1914, %parallel_loop3A_1911 : vector<16xf32>
        %parallel_loop3A_1916 = arith.mulf %parallel_loop3A_1915, %parallel_loop3A_1911 : vector<16xf32>
        %parallel_loop3A_1917 = arith.constant 1.500000e+00 : f32
        %parallel_loop3A_1918 = vector.broadcast %parallel_loop3A_1917 : f32 to vector<16xf32>
        %parallel_loop3A_1919 = arith.subf %parallel_loop3A_1918, %parallel_loop3A_1916 : vector<16xf32>
        %parallel_loop3A_1920 = arith.mulf %parallel_loop3A_1911, %parallel_loop3A_1919 : vector<16xf32>
        %parallel_loop3A_1921 = arith.mulf %parallel_loop3A_1914, %parallel_loop3A_1920 : vector<16xf32>
        %parallel_loop3A_1922 = arith.mulf %parallel_loop3A_1921, %parallel_loop3A_1920 : vector<16xf32>
        %parallel_loop3A_1923 = arith.constant 1.500000e+00 : f32
        %parallel_loop3A_1924 = vector.broadcast %parallel_loop3A_1923 : f32 to vector<16xf32>
        %parallel_loop3A_1925 = arith.subf %parallel_loop3A_1924, %parallel_loop3A_1922 : vector<16xf32>
        %parallel_loop3A_1926 = arith.mulf %parallel_loop3A_1920, %parallel_loop3A_1925 : vector<16xf32>
        %parallel_loop3A_1927 = arith.mulf %parallel_loop3A_1903, %parallel_loop3A_1926 : vector<16xf32>
        %parallel_loop3A_1928 = arith.subf %parallel_loop3A_1927, %parallel_loop3A_1888 : vector<16xf32>
        %parallel_loop3A_1929 = arith.cmpf ogt, %parallel_loop3A_1898, %parallel_loop3A_1875 : vector<16xf32>
        %parallel_loop3A_1930 = arith.select %parallel_loop3A_1929, %parallel_loop3A_1928, %parallel_loop3A_1891 : vector<16xi1>, vector<16xf32>
        %parallel_loop3A_1931 = arith.minimumf %parallel_loop3A_1898, %parallel_loop3A_1875 : vector<16xf32>
        %parallel_loop3A_1932 = arith.constant 0.000000e+00 : f32
        %parallel_loop3A_1933 = vector.broadcast %parallel_loop3A_1932 : f32 to vector<16xf32>
        %parallel_loop3A_1934 = arith.maximumf %parallel_loop3A_1931, %parallel_loop3A_1933 : vector<16xf32>
        %parallel_loop3A_1935 = arith.subf %parallel_loop3A_1875, %parallel_loop3A_1934 : vector<16xf32>
        %parallel_loop3A_1936 = arith.constant 0.108108111 : f32
        %parallel_loop3A_1937 = vector.broadcast %parallel_loop3A_1936 : f32 to vector<16xf32>
        %parallel_loop3A_1938 = arith.mulf %parallel_loop3A_1935, %parallel_loop3A_1937 : vector<16xf32>
        %parallel_loop3A_1939 = arith.addf %parallel_loop3A_1930, %parallel_loop3A_1938 : vector<16xf32>
        %parallel_loop3A_1940 = arith.constant 128 : i32
        %parallel_loop3A_1941 = arith.addi %parallel_loop3A_995, %parallel_loop3A_1940 : i32
        %parallel_loop3A_1942 = arith.index_cast %parallel_loop3A_1941 : i32 to index
        %parallel_loop3A_1943 = tpu.vector_load %arg10[%parallel_loop3A_1942] {strides = array<i32>} : memref<29040xf32, #tpu.memory_space<vmem>>, vector<16xf32>,
        tpu.vector_store %arg10[%parallel_loop3A_1942], %parallel_loop3A_1939 {strides = array<i32>} : memref<29040xf32, #tpu.memory_space<vmem>>, vector<16xf32>,
        %parallel_loop3A_1944 = vector.broadcast %parallel_loop3A_998 : i32 to vector<16xi32>
        %parallel_loop3A_1945 = arith.addi %select_n3A_552, %parallel_loop3A_1944 : vector<16xi32>
        %parallel_loop3A_1946 = tpu.vector_load_idx %arg7[%parallel_loop3A_1945] : memref<6608xf32, #tpu.memory_space<vmem>>[vector<16xi32>], vector<16xf32>,
        %parallel_loop3A_1947 = tpu.vector_load_idx %arg8[%parallel_loop3A_1945] : memref<6608xf32, #tpu.memory_space<vmem>>[vector<16xi32>], vector<16xf32>,
        %parallel_loop3A_1948 = tpu.vector_load_idx %arg6[%add3A_878] : memref<512xf32, #tpu.memory_space<vmem>>[vector<16xi32>], vector<16xf32>,
        %parallel_loop3A_1949 = tpu.vector_load_idx %arg6[%add3A_910] : memref<512xf32, #tpu.memory_space<vmem>>[vector<16xi32>], vector<16xf32>,
        %parallel_loop3A_1950 = tpu.vector_load_idx %arg6[%add3A_943] : memref<512xf32, #tpu.memory_space<vmem>>[vector<16xi32>], vector<16xf32>,
        %parallel_loop3A_1951 = tpu.vector_load_idx %arg6[%add3A_976] : memref<512xf32, #tpu.memory_space<vmem>>[vector<16xi32>], vector<16xf32>,
        %parallel_loop3A_1952 = arith.subf %parallel_loop3A_1946, %parallel_loop3A_1948 : vector<16xf32>
        %parallel_loop3A_1953 = arith.subf %parallel_loop3A_1947, %parallel_loop3A_1949 : vector<16xf32>
        %parallel_loop3A_1954 = arith.mulf %parallel_loop3A_1952, %parallel_loop3A_1952 : vector<16xf32>
        %parallel_loop3A_1955 = arith.mulf %parallel_loop3A_1953, %parallel_loop3A_1953 : vector<16xf32>
        %parallel_loop3A_1956 = arith.addf %parallel_loop3A_1954, %parallel_loop3A_1955 : vector<16xf32>
        %parallel_loop3A_1957 = vector.bitcast %parallel_loop3A_1956 : vector<16xf32> to vector<16xi32>
        %parallel_loop3A_1958 = arith.constant 1 : i32
        %parallel_loop3A_1959 = vector.broadcast %parallel_loop3A_1958 : i32 to vector<16xi32>
        %parallel_loop3A_1960 = arith.shrsi %parallel_loop3A_1957, %parallel_loop3A_1959 : vector<16xi32>
        %parallel_loop3A_1961 = arith.constant 1597463007 : i32
        %parallel_loop3A_1962 = vector.broadcast %parallel_loop3A_1961 : i32 to vector<16xi32>
        %parallel_loop3A_1963 = arith.subi %parallel_loop3A_1962, %parallel_loop3A_1960 : vector<16xi32>
        %parallel_loop3A_1964 = vector.bitcast %parallel_loop3A_1963 : vector<16xi32> to vector<16xf32>
        %parallel_loop3A_1965 = arith.constant 5.000000e-01 : f32
        %parallel_loop3A_1966 = vector.broadcast %parallel_loop3A_1965 : f32 to vector<16xf32>
        %parallel_loop3A_1967 = arith.mulf %parallel_loop3A_1956, %parallel_loop3A_1966 : vector<16xf32>
        %parallel_loop3A_1968 = arith.mulf %parallel_loop3A_1967, %parallel_loop3A_1964 : vector<16xf32>
        %parallel_loop3A_1969 = arith.mulf %parallel_loop3A_1968, %parallel_loop3A_1964 : vector<16xf32>
        %parallel_loop3A_1970 = arith.constant 1.500000e+00 : f32
        %parallel_loop3A_1971 = vector.broadcast %parallel_loop3A_1970 : f32 to vector<16xf32>
        %parallel_loop3A_1972 = arith.subf %parallel_loop3A_1971, %parallel_loop3A_1969 : vector<16xf32>
        %parallel_loop3A_1973 = arith.mulf %parallel_loop3A_1964, %parallel_loop3A_1972 : vector<16xf32>
        %parallel_loop3A_1974 = arith.mulf %parallel_loop3A_1967, %parallel_loop3A_1973 : vector<16xf32>
        %parallel_loop3A_1975 = arith.mulf %parallel_loop3A_1974, %parallel_loop3A_1973 : vector<16xf32>
        %parallel_loop3A_1976 = arith.constant 1.500000e+00 : f32
        %parallel_loop3A_1977 = vector.broadcast %parallel_loop3A_1976 : f32 to vector<16xf32>
        %parallel_loop3A_1978 = arith.subf %parallel_loop3A_1977, %parallel_loop3A_1975 : vector<16xf32>
        %parallel_loop3A_1979 = arith.mulf %parallel_loop3A_1973, %parallel_loop3A_1978 : vector<16xf32>
        %parallel_loop3A_1980 = arith.mulf %parallel_loop3A_1956, %parallel_loop3A_1979 : vector<16xf32>
        %parallel_loop3A_1981 = arith.mulf %parallel_loop3A_1952, %parallel_loop3A_1950 : vector<16xf32>
        %parallel_loop3A_1982 = arith.mulf %parallel_loop3A_1953, %parallel_loop3A_1951 : vector<16xf32>
        %parallel_loop3A_1983 = arith.addf %parallel_loop3A_1981, %parallel_loop3A_1982 : vector<16xf32>
        %parallel_loop3A_1984 = arith.mulf %parallel_loop3A_1983, %parallel_loop3A_1979 : vector<16xf32>
        %parallel_loop3A_1985 = arith.constant -9.250000e+00 : f32
        %parallel_loop3A_1986 = arith.constant 9.250000e+00 : f32
        %parallel_loop3A_1987 = vector.broadcast %parallel_loop3A_1985 : f32 to vector<16xf32>
        %parallel_loop3A_1988 = arith.maximumf %parallel_loop3A_1987, %parallel_loop3A_1984 : vector<16xf32>
        %parallel_loop3A_1989 = vector.broadcast %parallel_loop3A_1986 : f32 to vector<16xf32>
        %parallel_loop3A_1990 = arith.minimumf %parallel_loop3A_1989, %parallel_loop3A_1988 : vector<16xf32>
        %parallel_loop3A_1991 = arith.constant 0.137931034 : f32
        %parallel_loop3A_1992 = vector.broadcast %parallel_loop3A_1991 : f32 to vector<16xf32>
        %parallel_loop3A_1993 = arith.mulf %parallel_loop3A_1990, %parallel_loop3A_1992 : vector<16xf32>
        %parallel_loop3A_1994 = arith.constant 1.2758621 : f32
        %parallel_loop3A_1995 = vector.broadcast %parallel_loop3A_1994 : f32 to vector<16xf32>
        %parallel_loop3A_1996 = arith.subf %parallel_loop3A_1995, %parallel_loop3A_1993 : vector<16xf32>
        %parallel_loop3A_1997 = arith.constant 5.000000e-01 : f32
        %parallel_loop3A_1998 = vector.broadcast %parallel_loop3A_1997 : f32 to vector<16xf32>
        %parallel_loop3A_1999 = arith.mulf %parallel_loop3A_1998, %parallel_loop3A_1990 : vector<16xf32>
        %parallel_loop3A_2000 = arith.constant 4.625000e+00 : f32
        %parallel_loop3A_2001 = vector.broadcast %parallel_loop3A_2000 : f32 to vector<16xf32>
        %parallel_loop3A_2002 = arith.addf %parallel_loop3A_1999, %parallel_loop3A_2001 : vector<16xf32>
        %parallel_loop3A_2003 = arith.mulf %parallel_loop3A_1996, %parallel_loop3A_2002 : vector<16xf32>
        %parallel_loop3A_2004 = arith.mulf %parallel_loop3A_1993, %parallel_loop3A_1993 : vector<16xf32>
        %parallel_loop3A_2005 = arith.constant 0.275862068 : f32
        %parallel_loop3A_2006 = vector.broadcast %parallel_loop3A_2005 : f32 to vector<16xf32>
        %parallel_loop3A_2007 = arith.mulf %parallel_loop3A_2006, %parallel_loop3A_1980 : vector<16xf32>
        %parallel_loop3A_2008 = arith.addf %parallel_loop3A_2004, %parallel_loop3A_2007 : vector<16xf32>
        %parallel_loop3A_2009 = vector.bitcast %parallel_loop3A_2008 : vector<16xf32> to vector<16xi32>
        %parallel_loop3A_2010 = arith.constant 1 : i32
        %parallel_loop3A_2011 = vector.broadcast %parallel_loop3A_2010 : i32 to vector<16xi32>
        %parallel_loop3A_2012 = arith.shrsi %parallel_loop3A_2009, %parallel_loop3A_2011 : vector<16xi32>
        %parallel_loop3A_2013 = arith.constant 1597463007 : i32
        %parallel_loop3A_2014 = vector.broadcast %parallel_loop3A_2013 : i32 to vector<16xi32>
        %parallel_loop3A_2015 = arith.subi %parallel_loop3A_2014, %parallel_loop3A_2012 : vector<16xi32>
        %parallel_loop3A_2016 = vector.bitcast %parallel_loop3A_2015 : vector<16xi32> to vector<16xf32>
        %parallel_loop3A_2017 = arith.constant 5.000000e-01 : f32
        %parallel_loop3A_2018 = vector.broadcast %parallel_loop3A_2017 : f32 to vector<16xf32>
        %parallel_loop3A_2019 = arith.mulf %parallel_loop3A_2008, %parallel_loop3A_2018 : vector<16xf32>
        %parallel_loop3A_2020 = arith.mulf %parallel_loop3A_2019, %parallel_loop3A_2016 : vector<16xf32>
        %parallel_loop3A_2021 = arith.mulf %parallel_loop3A_2020, %parallel_loop3A_2016 : vector<16xf32>
        %parallel_loop3A_2022 = arith.constant 1.500000e+00 : f32
        %parallel_loop3A_2023 = vector.broadcast %parallel_loop3A_2022 : f32 to vector<16xf32>
        %parallel_loop3A_2024 = arith.subf %parallel_loop3A_2023, %parallel_loop3A_2021 : vector<16xf32>
        %parallel_loop3A_2025 = arith.mulf %parallel_loop3A_2016, %parallel_loop3A_2024 : vector<16xf32>
        %parallel_loop3A_2026 = arith.mulf %parallel_loop3A_2019, %parallel_loop3A_2025 : vector<16xf32>
        %parallel_loop3A_2027 = arith.mulf %parallel_loop3A_2026, %parallel_loop3A_2025 : vector<16xf32>
        %parallel_loop3A_2028 = arith.constant 1.500000e+00 : f32
        %parallel_loop3A_2029 = vector.broadcast %parallel_loop3A_2028 : f32 to vector<16xf32>
        %parallel_loop3A_2030 = arith.subf %parallel_loop3A_2029, %parallel_loop3A_2027 : vector<16xf32>
        %parallel_loop3A_2031 = arith.mulf %parallel_loop3A_2025, %parallel_loop3A_2030 : vector<16xf32>
        %parallel_loop3A_2032 = arith.mulf %parallel_loop3A_2008, %parallel_loop3A_2031 : vector<16xf32>
        %parallel_loop3A_2033 = arith.subf %parallel_loop3A_2032, %parallel_loop3A_1993 : vector<16xf32>
        %parallel_loop3A_2034 = arith.cmpf ogt, %parallel_loop3A_2003, %parallel_loop3A_1980 : vector<16xf32>
        %parallel_loop3A_2035 = arith.select %parallel_loop3A_2034, %parallel_loop3A_2033, %parallel_loop3A_1996 : vector<16xi1>, vector<16xf32>
        %parallel_loop3A_2036 = arith.minimumf %parallel_loop3A_2003, %parallel_loop3A_1980 : vector<16xf32>
        %parallel_loop3A_2037 = arith.constant 0.000000e+00 : f32
        %parallel_loop3A_2038 = vector.broadcast %parallel_loop3A_2037 : f32 to vector<16xf32>
        %parallel_loop3A_2039 = arith.maximumf %parallel_loop3A_2036, %parallel_loop3A_2038 : vector<16xf32>
        %parallel_loop3A_2040 = arith.subf %parallel_loop3A_1980, %parallel_loop3A_2039 : vector<16xf32>
        %parallel_loop3A_2041 = arith.constant 0.108108111 : f32
        %parallel_loop3A_2042 = vector.broadcast %parallel_loop3A_2041 : f32 to vector<16xf32>
        %parallel_loop3A_2043 = arith.mulf %parallel_loop3A_2040, %parallel_loop3A_2042 : vector<16xf32>
        %parallel_loop3A_2044 = arith.addf %parallel_loop3A_2035, %parallel_loop3A_2043 : vector<16xf32>
        %parallel_loop3A_2045 = arith.constant 144 : i32
        %parallel_loop3A_2046 = arith.addi %parallel_loop3A_995, %parallel_loop3A_2045 : i32
        %parallel_loop3A_2047 = arith.index_cast %parallel_loop3A_2046 : i32 to index
        %parallel_loop3A_2048 = tpu.vector_load %arg10[%parallel_loop3A_2047] {strides = array<i32>} : memref<29040xf32, #tpu.memory_space<vmem>>, vector<16xf32>,
        tpu.vector_store %arg10[%parallel_loop3A_2047], %parallel_loop3A_2044 {strides = array<i32>} : memref<29040xf32, #tpu.memory_space<vmem>>, vector<16xf32>,
        %parallel_loop3A_2049 = vector.broadcast %parallel_loop3A_998 : i32 to vector<16xi32>
        %parallel_loop3A_2050 = arith.addi %select_n3A_608, %parallel_loop3A_2049 : vector<16xi32>
        %parallel_loop3A_2051 = tpu.vector_load_idx %arg7[%parallel_loop3A_2050] : memref<6608xf32, #tpu.memory_space<vmem>>[vector<16xi32>], vector<16xf32>,
        %parallel_loop3A_2052 = tpu.vector_load_idx %arg8[%parallel_loop3A_2050] : memref<6608xf32, #tpu.memory_space<vmem>>[vector<16xi32>], vector<16xf32>,
        %parallel_loop3A_2053 = tpu.vector_load_idx %arg6[%add3A_880] : memref<512xf32, #tpu.memory_space<vmem>>[vector<16xi32>], vector<16xf32>,
        %parallel_loop3A_2054 = tpu.vector_load_idx %arg6[%add3A_913] : memref<512xf32, #tpu.memory_space<vmem>>[vector<16xi32>], vector<16xf32>,
        %parallel_loop3A_2055 = tpu.vector_load_idx %arg6[%add3A_946] : memref<512xf32, #tpu.memory_space<vmem>>[vector<16xi32>], vector<16xf32>,
        %parallel_loop3A_2056 = tpu.vector_load_idx %arg6[%add3A_979] : memref<512xf32, #tpu.memory_space<vmem>>[vector<16xi32>], vector<16xf32>,
        %parallel_loop3A_2057 = arith.subf %parallel_loop3A_2051, %parallel_loop3A_2053 : vector<16xf32>
        %parallel_loop3A_2058 = arith.subf %parallel_loop3A_2052, %parallel_loop3A_2054 : vector<16xf32>
        %parallel_loop3A_2059 = arith.mulf %parallel_loop3A_2057, %parallel_loop3A_2057 : vector<16xf32>
        %parallel_loop3A_2060 = arith.mulf %parallel_loop3A_2058, %parallel_loop3A_2058 : vector<16xf32>
        %parallel_loop3A_2061 = arith.addf %parallel_loop3A_2059, %parallel_loop3A_2060 : vector<16xf32>
        %parallel_loop3A_2062 = vector.bitcast %parallel_loop3A_2061 : vector<16xf32> to vector<16xi32>
        %parallel_loop3A_2063 = arith.constant 1 : i32
        %parallel_loop3A_2064 = vector.broadcast %parallel_loop3A_2063 : i32 to vector<16xi32>
        %parallel_loop3A_2065 = arith.shrsi %parallel_loop3A_2062, %parallel_loop3A_2064 : vector<16xi32>
        %parallel_loop3A_2066 = arith.constant 1597463007 : i32
        %parallel_loop3A_2067 = vector.broadcast %parallel_loop3A_2066 : i32 to vector<16xi32>
        %parallel_loop3A_2068 = arith.subi %parallel_loop3A_2067, %parallel_loop3A_2065 : vector<16xi32>
        %parallel_loop3A_2069 = vector.bitcast %parallel_loop3A_2068 : vector<16xi32> to vector<16xf32>
        %parallel_loop3A_2070 = arith.constant 5.000000e-01 : f32
        %parallel_loop3A_2071 = vector.broadcast %parallel_loop3A_2070 : f32 to vector<16xf32>
        %parallel_loop3A_2072 = arith.mulf %parallel_loop3A_2061, %parallel_loop3A_2071 : vector<16xf32>
        %parallel_loop3A_2073 = arith.mulf %parallel_loop3A_2072, %parallel_loop3A_2069 : vector<16xf32>
        %parallel_loop3A_2074 = arith.mulf %parallel_loop3A_2073, %parallel_loop3A_2069 : vector<16xf32>
        %parallel_loop3A_2075 = arith.constant 1.500000e+00 : f32
        %parallel_loop3A_2076 = vector.broadcast %parallel_loop3A_2075 : f32 to vector<16xf32>
        %parallel_loop3A_2077 = arith.subf %parallel_loop3A_2076, %parallel_loop3A_2074 : vector<16xf32>
        %parallel_loop3A_2078 = arith.mulf %parallel_loop3A_2069, %parallel_loop3A_2077 : vector<16xf32>
        %parallel_loop3A_2079 = arith.mulf %parallel_loop3A_2072, %parallel_loop3A_2078 : vector<16xf32>
        %parallel_loop3A_2080 = arith.mulf %parallel_loop3A_2079, %parallel_loop3A_2078 : vector<16xf32>
        %parallel_loop3A_2081 = arith.constant 1.500000e+00 : f32
        %parallel_loop3A_2082 = vector.broadcast %parallel_loop3A_2081 : f32 to vector<16xf32>
        %parallel_loop3A_2083 = arith.subf %parallel_loop3A_2082, %parallel_loop3A_2080 : vector<16xf32>
        %parallel_loop3A_2084 = arith.mulf %parallel_loop3A_2078, %parallel_loop3A_2083 : vector<16xf32>
        %parallel_loop3A_2085 = arith.mulf %parallel_loop3A_2061, %parallel_loop3A_2084 : vector<16xf32>
        %parallel_loop3A_2086 = arith.mulf %parallel_loop3A_2057, %parallel_loop3A_2055 : vector<16xf32>
        %parallel_loop3A_2087 = arith.mulf %parallel_loop3A_2058, %parallel_loop3A_2056 : vector<16xf32>
        %parallel_loop3A_2088 = arith.addf %parallel_loop3A_2086, %parallel_loop3A_2087 : vector<16xf32>
        %parallel_loop3A_2089 = arith.mulf %parallel_loop3A_2088, %parallel_loop3A_2084 : vector<16xf32>
        %parallel_loop3A_2090 = arith.constant -9.250000e+00 : f32
        %parallel_loop3A_2091 = arith.constant 9.250000e+00 : f32
        %parallel_loop3A_2092 = vector.broadcast %parallel_loop3A_2090 : f32 to vector<16xf32>
        %parallel_loop3A_2093 = arith.maximumf %parallel_loop3A_2092, %parallel_loop3A_2089 : vector<16xf32>
        %parallel_loop3A_2094 = vector.broadcast %parallel_loop3A_2091 : f32 to vector<16xf32>
        %parallel_loop3A_2095 = arith.minimumf %parallel_loop3A_2094, %parallel_loop3A_2093 : vector<16xf32>
        %parallel_loop3A_2096 = arith.constant 0.137931034 : f32
        %parallel_loop3A_2097 = vector.broadcast %parallel_loop3A_2096 : f32 to vector<16xf32>
        %parallel_loop3A_2098 = arith.mulf %parallel_loop3A_2095, %parallel_loop3A_2097 : vector<16xf32>
        %parallel_loop3A_2099 = arith.constant 1.2758621 : f32
        %parallel_loop3A_2100 = vector.broadcast %parallel_loop3A_2099 : f32 to vector<16xf32>
        %parallel_loop3A_2101 = arith.subf %parallel_loop3A_2100, %parallel_loop3A_2098 : vector<16xf32>
        %parallel_loop3A_2102 = arith.constant 5.000000e-01 : f32
        %parallel_loop3A_2103 = vector.broadcast %parallel_loop3A_2102 : f32 to vector<16xf32>
        %parallel_loop3A_2104 = arith.mulf %parallel_loop3A_2103, %parallel_loop3A_2095 : vector<16xf32>
        %parallel_loop3A_2105 = arith.constant 4.625000e+00 : f32
        %parallel_loop3A_2106 = vector.broadcast %parallel_loop3A_2105 : f32 to vector<16xf32>
        %parallel_loop3A_2107 = arith.addf %parallel_loop3A_2104, %parallel_loop3A_2106 : vector<16xf32>
        %parallel_loop3A_2108 = arith.mulf %parallel_loop3A_2101, %parallel_loop3A_2107 : vector<16xf32>
        %parallel_loop3A_2109 = arith.mulf %parallel_loop3A_2098, %parallel_loop3A_2098 : vector<16xf32>
        %parallel_loop3A_2110 = arith.constant 0.275862068 : f32
        %parallel_loop3A_2111 = vector.broadcast %parallel_loop3A_2110 : f32 to vector<16xf32>
        %parallel_loop3A_2112 = arith.mulf %parallel_loop3A_2111, %parallel_loop3A_2085 : vector<16xf32>
        %parallel_loop3A_2113 = arith.addf %parallel_loop3A_2109, %parallel_loop3A_2112 : vector<16xf32>
        %parallel_loop3A_2114 = vector.bitcast %parallel_loop3A_2113 : vector<16xf32> to vector<16xi32>
        %parallel_loop3A_2115 = arith.constant 1 : i32
        %parallel_loop3A_2116 = vector.broadcast %parallel_loop3A_2115 : i32 to vector<16xi32>
        %parallel_loop3A_2117 = arith.shrsi %parallel_loop3A_2114, %parallel_loop3A_2116 : vector<16xi32>
        %parallel_loop3A_2118 = arith.constant 1597463007 : i32
        %parallel_loop3A_2119 = vector.broadcast %parallel_loop3A_2118 : i32 to vector<16xi32>
        %parallel_loop3A_2120 = arith.subi %parallel_loop3A_2119, %parallel_loop3A_2117 : vector<16xi32>
        %parallel_loop3A_2121 = vector.bitcast %parallel_loop3A_2120 : vector<16xi32> to vector<16xf32>
        %parallel_loop3A_2122 = arith.constant 5.000000e-01 : f32
        %parallel_loop3A_2123 = vector.broadcast %parallel_loop3A_2122 : f32 to vector<16xf32>
        %parallel_loop3A_2124 = arith.mulf %parallel_loop3A_2113, %parallel_loop3A_2123 : vector<16xf32>
        %parallel_loop3A_2125 = arith.mulf %parallel_loop3A_2124, %parallel_loop3A_2121 : vector<16xf32>
        %parallel_loop3A_2126 = arith.mulf %parallel_loop3A_2125, %parallel_loop3A_2121 : vector<16xf32>
        %parallel_loop3A_2127 = arith.constant 1.500000e+00 : f32
        %parallel_loop3A_2128 = vector.broadcast %parallel_loop3A_2127 : f32 to vector<16xf32>
        %parallel_loop3A_2129 = arith.subf %parallel_loop3A_2128, %parallel_loop3A_2126 : vector<16xf32>
        %parallel_loop3A_2130 = arith.mulf %parallel_loop3A_2121, %parallel_loop3A_2129 : vector<16xf32>
        %parallel_loop3A_2131 = arith.mulf %parallel_loop3A_2124, %parallel_loop3A_2130 : vector<16xf32>
        %parallel_loop3A_2132 = arith.mulf %parallel_loop3A_2131, %parallel_loop3A_2130 : vector<16xf32>
        %parallel_loop3A_2133 = arith.constant 1.500000e+00 : f32
        %parallel_loop3A_2134 = vector.broadcast %parallel_loop3A_2133 : f32 to vector<16xf32>
        %parallel_loop3A_2135 = arith.subf %parallel_loop3A_2134, %parallel_loop3A_2132 : vector<16xf32>
        %parallel_loop3A_2136 = arith.mulf %parallel_loop3A_2130, %parallel_loop3A_2135 : vector<16xf32>
        %parallel_loop3A_2137 = arith.mulf %parallel_loop3A_2113, %parallel_loop3A_2136 : vector<16xf32>
        %parallel_loop3A_2138 = arith.subf %parallel_loop3A_2137, %parallel_loop3A_2098 : vector<16xf32>
        %parallel_loop3A_2139 = arith.cmpf ogt, %parallel_loop3A_2108, %parallel_loop3A_2085 : vector<16xf32>
        %parallel_loop3A_2140 = arith.select %parallel_loop3A_2139, %parallel_loop3A_2138, %parallel_loop3A_2101 : vector<16xi1>, vector<16xf32>
        %parallel_loop3A_2141 = arith.minimumf %parallel_loop3A_2108, %parallel_loop3A_2085 : vector<16xf32>
        %parallel_loop3A_2142 = arith.constant 0.000000e+00 : f32
        %parallel_loop3A_2143 = vector.broadcast %parallel_loop3A_2142 : f32 to vector<16xf32>
        %parallel_loop3A_2144 = arith.maximumf %parallel_loop3A_2141, %parallel_loop3A_2143 : vector<16xf32>
        %parallel_loop3A_2145 = arith.subf %parallel_loop3A_2085, %parallel_loop3A_2144 : vector<16xf32>
        %parallel_loop3A_2146 = arith.constant 0.108108111 : f32
        %parallel_loop3A_2147 = vector.broadcast %parallel_loop3A_2146 : f32 to vector<16xf32>
        %parallel_loop3A_2148 = arith.mulf %parallel_loop3A_2145, %parallel_loop3A_2147 : vector<16xf32>
        %parallel_loop3A_2149 = arith.addf %parallel_loop3A_2140, %parallel_loop3A_2148 : vector<16xf32>
        %parallel_loop3A_2150 = arith.constant 160 : i32
        %parallel_loop3A_2151 = arith.addi %parallel_loop3A_995, %parallel_loop3A_2150 : i32
        %parallel_loop3A_2152 = arith.index_cast %parallel_loop3A_2151 : i32 to index
        %parallel_loop3A_2153 = tpu.vector_load %arg10[%parallel_loop3A_2152] {strides = array<i32>} : memref<29040xf32, #tpu.memory_space<vmem>>, vector<16xf32>,
        tpu.vector_store %arg10[%parallel_loop3A_2152], %parallel_loop3A_2149 {strides = array<i32>} : memref<29040xf32, #tpu.memory_space<vmem>>, vector<16xf32>,
      } {sc.loop_unroll_factor = 2 : i64, sc.parallel_access}
      %mul3A_985 = arith.constant 145200 : i32
      %mul3A_986 = arith.muli %add3A_851, %mul3A_985 : i32
      %mul3A_987 = arith.constant 29040 : i32
      %mul3A_988 = arith.muli %select_n3A_848, %mul3A_987 : i32
      %add3A_989 = arith.addi %mul3A_986, %mul3A_988 : i32
      %multiple_of3A_990 = tpu.assume_multiple %add3A_989, 16 : i32
      %dma_start3A_991 = tpu.memref_slice %arg5[%multiple_of3A_990] : memref<18585600xf32, #tpu.memory_space<hbm>> -> memref<29040xf32, #tpu.memory_space<hbm>>
      %dma_start3A_992 = tpu.memref_slice %arg5[%multiple_of3A_990] : memref<18585600xf32, #tpu.memory_space<hbm>> -> memref<29040xf32, #tpu.memory_space<hbm>>
      tpu.enqueue_dma source(%arg10 : memref<29040xf32, #tpu.memory_space<vmem>>) target(%dma_start3A_992 : memref<29040xf32, #tpu.memory_space<hbm>>) target_semaphore(%arg12 : memref<!tpu.dma_semaphore, #tpu.memory_space<semaphore_mem>>)
    }
    %scan3A_613 = arith.constant 10 : i32
    %dma_wait3A = arith.constant 0 : i32
    %dma_wait3A_614 = tpu.memref_slice %arg5[%dma_wait3A] : memref<18585600xf32, #tpu.memory_space<hbm>> -> memref<29040xf32, #tpu.memory_space<hbm>>
    %dma_wait3A_615 = arith.constant 0 : i32
    %dma_wait3A_616 = tpu.memref_slice %arg5[%dma_wait3A_615] : memref<18585600xf32, #tpu.memory_space<hbm>> -> memref<29040xf32, #tpu.memory_space<hbm>>
    tpu.wait_dma2 semaphore(%arg11 : memref<!tpu.dma_semaphore, #tpu.memory_space<semaphore_mem>>) src(%arg9 : memref<29040xf32, #tpu.memory_space<vmem>>) dst(%dma_wait3A_616 : memref<29040xf32, #tpu.memory_space<hbm>>)
    %dma_wait3A_617 = arith.constant 0 : i32
    %dma_wait3A_618 = tpu.memref_slice %arg5[%dma_wait3A_617] : memref<18585600xf32, #tpu.memory_space<hbm>> -> memref<29040xf32, #tpu.memory_space<hbm>>
    %dma_wait3A_619 = arith.constant 0 : i32
    %dma_wait3A_620 = tpu.memref_slice %arg5[%dma_wait3A_619] : memref<18585600xf32, #tpu.memory_space<hbm>> -> memref<29040xf32, #tpu.memory_space<hbm>>
    tpu.wait_dma2 semaphore(%arg12 : memref<!tpu.dma_semaphore, #tpu.memory_space<semaphore_mem>>) src(%arg10 : memref<29040xf32, #tpu.memory_space<vmem>>) dst(%dma_wait3A_620 : memref<29040xf32, #tpu.memory_space<hbm>>)
    return
  }
}

</mosaic_0001>

<sc_bundles>
// kernel: _run_sc.3.cloned.1.call-start
scs
__scs_entry_jumppad:
0x0: {  	(pc) =	sbr.rel $0x88, $3  }
0x1: {  	(tag) =	ssettag $0x0;
	lr =	simm.s32 $0x1  }
0x2: {  	[smem:$0x3F9E] =	sst lr;
	_ =	strace $0xD0000000  }
0x3: {  	_ = 	snop  }
0x4: {  	_ = 	snop  }
0x5: {  	_ = 	snop  }
0x6: {  	_ = 	snop  }
0x7: {  	_ = 	snop  }
__scs_overlays_trampoline_lowered:
0x8: {  	[smem:$0x3FAD] =	sst s0  }
0x9: {  	[smem:$0x3FAE] =	sst s1  }
0xa: {  	[smem:$0x3FAF] =	sst s2  }
0xb: {  	[smem:$0x3FB0] =	sst s3  }
0xc: {  	[smem:$0x3FB1] =	sst s4  }
0xd: {  	[smem:$0x3FB2] =	sst s5  }
0xe: {  	[smem:$0x3FB3] =	sst s6  }
0xf: {  	[smem:$0x3FB4] =	sst s7  }
0x10: {  	[smem:$0x3FB5] =	sst s8  }
0x11: {  	[smem:$0x3FB6] =	sst s9;
	s0 =	simm.s32 @!p0 $0x0  }
0x12: {  	s1 =	sld [smem:$0x3F9C];
	s0 =	simm.s32 @p0 $0x1  }
0x13: {  	[smem:$0x3FB7] =	sst s0;
	s0 =	simm.s32 @!p1 $0x0  }
0x14: {  	s2 =	sld [smem:$0x3F9B];
	s0 =	simm.s32 @p1 $0x1  }
0x15: {  	[smem:$0x3FB8] =	sst s0;
	s0 =	simm.s32 @!p2 $0x0  }
0x16: {  	s3 =	sld [smem:$0x3FDB];
	s0 =	simm.s32 @p2 $0x1  }
0x17: {  	s4 =	simm.s32 $0x1BF5;
	[smem:$0x3FBA] =	sst s0  }
0x18: {  	s0 =	sld [smem:$0x3F9D];
	_ =	swait.ge [sflag:s4], $0x0  }
0x19: {  	s7 =	sld [smem:$0x3F9E]  }
0x1a: {  	s8 =	sadd.s32 $0xFFFFE003, lr  }
0x1b: {  	s9 =	sadd.s32 $0xFFFFFEF7, lr;
	s5 =	simm.s32 $0xFFFFFFFF;
	p2 =	slt.u32 s8, $0xFFFFF086  }
0x1c: {  	p1 =	slt.u32 s9, $0xF7A;
	s5 =	simm.s32 @!p2 $0x0  }
0x1d: {  	s5 =	simm.s32 @p1 $0x1;
	p0 =	seq.s32 s7, s2  }
0x1e: {  	s7 =	smul.u32 @!p0 $0xF7A, s2;
	p2 =	seq.s32 @!p0 s5, $0x0  }
0x1f: {  	s9 =	smul.u32 $0xF7A, s1;
	s8 =	simm.s32 @!p0 $0x1BF5;
	p2 =	por !p2, p0  }
0x20: {  	[sflag:s8] =	ssyncset.s32 @!p0 $0xFFFFF086;
	s6 =	sadd.s32 @!p0 s3, s7;
	s7 =	simm.s32 @!p0 $0x108  }
0x21: {  	s3 =	sadd.s32 s3, s9;
	s6 =	sadd.s32 @!p0 $0x88, s6;
	s7 =	simm.s32 @p2 $0x1082  }
0x22: {  	[simem:s7], [sflag:s8] =	dma.local @!p0 [hbm:s6], $0xF7A  }
0x23: {  	s9 =	sor.u32 $0xD0000000, s2;
	s6 =	simm.s32 $0x108;
	_ =	swait.ge @!p0 [sflag:s8], $0x0  }
0x24: {  	s3 =	sadd.s32 $0x88, s3;
	s6 =	simm.s32 @!p1 $0x1082;
	[sflag:s4] =	ssyncset.s32 $0xFFFFF086  }
0x25: {  	[simem:s6], [sflag:s4] =	dma.local [hbm:s3], $0xF7A  }
0x26: {  	[smem:$0x3F9E] =	sst s1;
	(tag) =	ssettag s2;
	_ =	strace s9  }
0x27: {  	s1 =	sld [smem:$0x3FAE]  }
0x28: {  	s2 =	sld [smem:$0x3FAF]  }
0x29: {  	s4 =	sld [smem:$0x3FB1]  }
0x2a: {  	p0 =	seq.s32 s5, $0x0;
	s5 =	sld [smem:$0x3FB2]  }
0x2b: {  	s6 =	sld [smem:$0x3FB3]  }
0x2c: {  	s7 =	sld [smem:$0x3FB4]  }
0x2d: {  	s3 =	simm.s32 $0x108;
	s8 =	sld [smem:$0x3FB5]  }
0x2e: {  	s3 =	simm.s32 @!p0 $0x1082;
	s9 =	sld [smem:$0x3FB6]  }
0x2f: {  	lr =	sadd.s32 s0, s3;
	s0 =	sld [smem:$0x3FAD]  }
0x30: {  	s3 =	sld [smem:$0x3FB0]  }
0x31: {  	[smem:$0x3FB9] =	sst s10  }
0x32: {  	s10 =	sld [smem:$0x3FB7];
	_ =	sdelay $0x3  }
0x33: {  	p0 =	seq.s32 s10, $0x1;
	s10 =	sld [smem:$0x3FB9];
	_ =	sdelay $0x3  }
0x34: {  	[smem:$0x3FB9] =	sst s10  }
0x35: {  	s10 =	sld [smem:$0x3FB8];
	_ =	sdelay $0x3  }
0x36: {  	p1 =	seq.s32 s10, $0x1;
	s10 =	sld [smem:$0x3FB9];
	_ =	sdelay $0x3  }
0x37: {  	[smem:$0x3FB9] =	sst s10  }
0x38: {  	s10 =	sld [smem:$0x3FBA]  }
0x39: {  	_ = 	snop;
	(pc) =	sbr.ind lr, $3  }
0x3a: {  	_ = 	snop  }
0x3b: {  	_ = 	snop  }
0x3c: {  	p2 =	seq.s32 s10, $0x1;
	s10 =	sld [smem:$0x3FB9]  }
0x3d: {  	_ =	shalt  }
0x3e: {  	_ =	shalt  }
0x3f: {  	_ =	shalt  }
0x40: {  	_ =	shalt  }
0x41: {  	_ =	shalt  }
0x42: {  	_ =	shalt  }
0x43: {  	_ =	shalt  }
0x44: {  	_ =	shalt  }
0x45: {  	_ =	shalt  }
0x46: {  	_ =	shalt  }
0x47: {  	_ =	shalt  }
0x48: {  	_ =	shalt  }
0x49: {  	_ =	shalt  }
0x4a: {  	_ =	shalt  }
0x4b: {  	_ =	shalt  }
0x4c: {  	_ =	shalt  }
0x4d: {  	_ =	shalt  }
0x4e: {  	_ =	shalt  }
0x4f: {  	_ =	shalt  }
0x50: {  	_ =	shalt  }
0x51: {  	_ =	shalt  }
0x52: {  	_ =	shalt  }
0x53: {  	_ =	shalt  }
0x54: {  	_ =	shalt  }
0x55: {  	_ =	shalt  }
0x56: {  	_ =	shalt  }
0x57: {  	_ =	shalt  }
0x58: {  	_ =	shalt  }
0x59: {  	_ =	shalt  }
0x5a: {  	_ =	shalt  }
0x5b: {  	_ =	shalt  }
0x5c: {  	_ =	shalt  }
0x5d: {  	_ =	shalt  }
0x5e: {  	_ =	shalt  }
0x5f: {  	_ =	shalt  }
0x60: {  	_ =	shalt  }
0x61: {  	_ =	shalt  }
0x62: {  	_ =	shalt  }
0x63: {  	_ =	shalt  }
0x64: {  	_ =	shalt  }
0x65: {  	_ =	shalt  }
0x66: {  	_ =	shalt  }
0x67: {  	_ =	shalt  }
0x68: {  	_ =	shalt  }
0x69: {  	_ =	shalt  }
0x6a: {  	_ =	shalt  }
0x6b: {  	_ =	shalt  }
0x6c: {  	_ =	shalt  }
0x6d: {  	_ =	shalt  }
0x6e: {  	_ =	shalt  }
0x6f: {  	_ =	shalt  }
0x70: {  	_ =	shalt  }
0x71: {  	_ =	shalt  }
0x72: {  	_ =	shalt  }
0x73: {  	_ =	shalt  }
0x74: {  	_ =	shalt  }
0x75: {  	_ =	shalt  }
0x76: {  	_ =	shalt  }
0x77: {  	_ =	shalt  }
0x78: {  	_ =	shalt  }
0x79: {  	_ =	shalt  }
0x7a: {  	_ =	shalt  }
0x7b: {  	_ =	shalt  }
0x7c: {  	_ =	shalt  }
0x7d: {  	_ =	shalt  }
0x7e: {  	_ =	shalt  }
0x7f: {  	_ =	shalt  }
0x80: {  	_ =	shalt  }
0x81: {  	_ =	shalt  }
0x82: {  	_ =	shalt  }
0x83: {  	_ =	shalt  }
0x84: {  	_ =	shalt  }
0x85: {  	_ =	shalt  }
0x86: {  	_ =	shalt  }
0x87: {  	_ =	shalt  }
.Lfunc_end0:
.L_simem_size_0:
called_computation_lowered:
.L_overlay_start_0:
0x88: {  	s2 =	sld [smem:$0x3FD9]  }
0x89: {  	s3 =	sld [smem:$0x3FFE];
	_ =	sdelay $0x1  }
0x8a: {  	s1 =	srdreg.scid  }
0x8b: {  	s0 =	sand.u32 $0x1, s1  }
0x8c: {  	s18 =	sshll.u32 s0, $0xA;
	s2 =	sadd.s32 s3, s2  }
0x8d: {  	s2 =	sadd.s32 s2, s18  }
0x8e: {  	[smem:$0x3FC5] =	sst s2  }
0x8f: {  	_ = 	snop  }
0x90: {  	s2 =	sld [smem:$0x3FC9]  }
0x91: {  	s19 =	sld [smem:$0x3FC8]  }
0x92: {  	s4 =	sld [smem:$0x3FC7]  }
0x93: {  	s5 =	sld [smem:$0x3FD0];
	(tm) =	ssettm $0x1  }
0x94: {  	s6 =	sld [smem:$0x3FFB];
	_ =	sdelay $0x3  }
0x95: {  	_ =	strace s6  }
0x96: {  	s6 =	sld [smem:$0x3FFC];
	_ =	sdelay $0x3  }
0x97: {  	_ =	strace s6  }
0x98: {  	s6 =	sld [smem:$0x3FFD];
	_ =	sdelay $0x3  }
0x99: {  	_ =	strace s6  }
0x9a: {  	_ =	strace $0x8FFFFFFF  }
0x9b: {  	s20 =	sld [smem:$0x3FDB];
	_ =	sdelay $0x1  }
0x9c: {  	s7 =	simm.s32 $_scs_section_size  }
0x9d: {  	s8 =	simm.s32 $_size__tile_overlayer_lowered;
	s9 =	simm.s32 $_tile_overlayer_lowered  }
0x9e: {  	s23 =	simm.s32 $0x1BFF;
	s22 =	sshll.u32 s9, $0x1;
	s6 =	sadd.s32 s7, s20  }
0x9f: {  	s10 =	simm.s32 $0x0;
	s21 =	sshll.u32 s8, $0x1;
	s8 =	sadd.s32 s22, s6  }
0xa0: {  	[timem:s10], [sflag:s23] =	dma.local [hbm:s8], s21  }
0xa1: {  	_ =	swait.ge [sflag:s23], s21  }
0xa2: {  	s7 =	ssub.s32 $0x0, s21;
	[sflag:s23] =	ssyncset.done $0x0  }
0xa3: {  	[sflag:s23] =	ssyncadd.s32 s7;
	_ =	sdelay $0x1  }
0xa4: {  	s24 =	simm.s32 $0x1B8B  }
0xa5: {  	_ =	swait.ge [sflag:s24], $0x1  }
0xa6: {  	[sflag:s24] =	ssyncset.done $0x0  }
0xa7: {  	s25 =	simm.s32 $0x1B8E;
	[sflag:s24] =	ssyncadd.s32 $0xFFFFFFFF  }
0xa8: {  	s26 =	simm.s32 $execute0_lowered;
	[smem:$0x3FD2] =	sst s25  }
0xa9: {  	s7 =	sshll.u32 s26, $0x1;
	_ =	strace $0x80000046;
	[dreg:$0x1] =	wrdreg $0xFFFFFFFF  }
0xaa: {  	s28 =	simm.s32 $_size_execute0_lowered;
	s6 =	sadd.s32 s6, s7;
	[dreg:$0x0] =	wrdreg $0x0  }
0xab: {  	s7 =	sshll.u32 s28, $0x1;
	[dreg:$0x2] =	wrdreg s6  }
0xac: {  	[dreg:$0x3] =	wrdreg s7  }
0xad: {  	[dreg:$0x4] =	wrdreg $0xC0  }
0xae: {  	_ =	task [dreg:s10], $0x5FFFF  }
0xaf: {  	[dreg:$0x1] =	wrdreg $0xFFFFFFFF  }
0xb0: {  	[dreg:$0x0] =	wrdreg $0x60  }
0xb1: {  	[dreg:$0x2] =	wrdreg s2  }
0xb2: {  	[dreg:$0x3] =	wrdreg s19  }
0xb3: {  	[dreg:$0x4] =	wrdreg s4  }
0xb4: {  	[dreg:$0x5] =	wrdreg s5  }
0xb5: {  	[dreg:$0x6] =	wrdreg $0x9  }
0xb6: {  	_ =	task.clear_ibuf [dreg:s10], $0x7FFFF;
	_ =	strace $0x90000046  }
0xb7: {  	s29 =	simm.s32 $0x9;
	_ =	strace $0x80000048  }
0xb8: {  	_ =	swait.ge [sflag:s29], $0x1  }
0xb9: {  	[sflag:s29] =	ssyncadd.s32 $0xFFFFFFFF  }
0xba: {  	_ =	strace $0x90000048  }
0xbb: {  	_ =	sfence  }
0xbc: {  	s30 =	sld [smem:$0x0];
	_ =	sdelay $0x2  }
0xbd: {  	s31 =	sshll.u32 s1, $0xD;
	s1 =	sshrl.u32 s1, $0x2  }
0xbe: {  	s3 =	sand.u32 $0x4000, s31;
	s1 =	sadd.s32 s1, s30  }
0xbf: {  	s0 =	sor.u32 s3, s0;
	s1 =	sshll.u32 s1, $0x11  }
0xc0: {  	s0 =	sor.u32 s1, s0  }
0xc1: {  	s0 =	sadd.s32 $0x8F2B, s0  }
0xc2: {  	[sflag:s0] =	ssyncadd.remote.s32 $0x1  }
0xc3: {  	_ =	sfence.sel $0xFFFF  }
0xc4: {  	[dreg:$0x0] =	wrdreg $0xFFFFFFFF;
	(pc) =	sbr.abs _section_cstart, $3  }
0xc5: {  	[dreg:$0x1] =	wrdreg $0xFFFFFFFF  }
0xc6: {  	_ =	task.clear_ibuf [dreg:s10], $0x2FFFF;
	_ =	strace $0x9FFFFFFF  }
0xc7: {  	(tm) =	ssettm $0x7FFFFFFF  }
tec
execute0_lowered:
.L_overlay_start_1:
0x0: {  	(tag) =	ssettag $0x1  }
0x1: {  	v0 =	vimm.s32 $0x98765432  }
0x2: {  	v61 =	vlaneseq.u32;
	v2 =	vimm.s32 $0x13121110;
	v3 =	vimm.s32 $0x1001514  }
0x3: {  	vm0 =	vcmask $0x1F10;
	v5 =	vimm.s32 $0x29282726;
	v6 =	vimm.s32 $0x25242322  }
0x4: {  	v7 =	vimm.s32 $0x33323130;
	v8 =	vimm.s32 $0x21203534;
	v24 =	vimm.s32 $0x49484746  }
0x5: {  	v9 =	vimm.s32 $0x45444342;
	v10 =	vimm.s32 $0x53525150;
	v25 =	vimm.s32 $0x41405554  }
0x6: {  	v11 =	vimm.s32 $0x69686766;
	v12 =	vimm.s32 $0x65646362;
	v13 =	vimm.s32 $0xFEDCBA  }
0x7: {  	v28 =	vimm.s32 $0x73727170;
	v29 =	vimm.s32 $0x61607574;
	v32 =	vimm.s32 $0x11101312  }
0x8: {  	vm1 =	vcmask $0x1700;
	vm2 =	vcmask $0x2718;
	v33 =	vimm.s32 $0x15140100  }
0x9: {  	v16 =	vimm.s32 $0x2D2C2B2A;
	v17 =	vimm.s32 $0x31302F2E;
	v18 =	vimm.s32 $0x35343332  }
0xa: {  	v19 =	vimm.s32 $0x23222120;
	v38 =	vimm.s32 $0x4D4C4B4A;
	v39 =	vimm.s32 $0x51504F4E  }
0xb: {  	v20 =	vimm.s32 $0x55545352;
	v40 =	vimm.s32 $0x75747372;
	vm3 =	vcmask $0x2F10  }
0xc: {  	v53 =	vimm.s32 $0xD0C0B0A;
	v58 =	vimm.s32 $0x11100F0E;
	v1 =	vunpack.c.l.s4.s8 v0  }
0xd: {  	v60 =	vor.u32 $0x20, v61;
	v5 =	vunpack.c.0.s8.s32 v5;
	v6 =	vunpack.c.0.s8.s32 v6  }
0xe: {  	v62 =	vunpack.c.0.s8.s32 v7;
	v63 =	vunpack.c.0.s8.s32 v8;
	v21 =	vor.u32 $0x40, v61  }
0xf: {  	v22 =	vor.u32 $0x60, v61;
	v8 =	vunpack.c.0.s8.s32 v24;
	v9 =	vunpack.c.0.s8.s32 v9  }
0x10: {  	v15 =	vunpack.c.0.s8.s32 v10;
	v10 =	vunpack.c.0.s8.s32 v25;
	v11 =	vunpack.c.0.s8.s32 v11  }
0x11: {  	v12 =	vunpack.c.0.s8.s32 v12;
	v13 =	vunpack.c.l.s4.s8 v13;
	v30 =	vunpack.c.0.s8.s32 v28;
	[tilespmem:$0x1FCF0] =	vst v60  }
0x12: {  	v31 =	vunpack.c.0.s8.s32 v29;
	v16 =	vunpack.c.0.s8.s32 v16;
	v17 =	vunpack.c.0.s8.s32 v17;
	[tilespmem:$0x1FD00] =	vst v21  }
0x13: {  	v18 =	vunpack.c.0.s8.s32 v18;
	v19 =	vunpack.c.0.s8.s32 v19;
	v48 =	vadd.s32 $0x4, v61;
	[tilespmem:$0x1FD10] =	vst v22  }
0x14: {  	v20 =	vunpack.c.0.s8.s32 v20;
	v24 =	vimm.s32 $0x63626160;
	v49 =	vadd.s32 $0x24, v61;
	[tilespmem:$0x1FE50] =	vst v48  }
0x15: {  	v25 =	vimm.s32 $0x54329876;
	v51 =	vadd.s32 $0x44, v61;
	v52 =	vadd.s32 $0x64, v61;
	[tilespmem:$0x1FE60] =	vst v49  }
0x16: {  	v55 =	vunpack.c.0.s8.s32 v53;
	v7 =	vunpack.c.0.s8.s32 v58;
	v58 =	vimm.s32 $0x5;
	[tilespmem:$0x1FE70] =	vst v51  }
0x17: {  	v21 =	vimm.s32 $0x43424140;
	v22 =	vimm.s32 $0x6D6C6B6A;
	v41 =	vunpack.c.0.s8.s32 v24;
	[tilespmem:$0x1FE80] =	vst v52  }
0x18: {  	v42 =	vunpack.c.l.s4.s8 v25;
	v60 =	vimm.s32 $0x15141312;
	v4 =	vunpack.c.0.s8.s32 v1;
	[tilespmem:$0x1FD30] =	vst v62  }
0x19: {  	v1 =	vunpack.c.0.s8.s32 v2;
	v2 =	vunpack.c.0.s8.s32 v3;
	v23 =	vsel vm0, v5, v6;
	[tilespmem:$0x1FD40] =	vst v15  }
0x1a: {  	v0 =	vsel vm0, v63, v62;
	v14 =	vsel vm0, v8, v9;
	v15 =	vsel vm0, v10, v15;
	[tilespmem:$0x1FD90] =	vst v30  }
0x1b: {  	v27 =	vsel vm0, v11, v12;
	v13 =	vunpack.c.0.s8.s32 v13;
	v36 =	vsel vm0, v17, v16;
	[tilespmem:$0x1FD50] =	vst v0  }
0x1c: {  	v37 =	vsel vm0, v19, v18;
	v21 =	vunpack.c.0.s8.s32 v21;
	v22 =	vunpack.c.0.s8.s32 v22;
	[tilespmem:$0x1FD70] =	vst v15  }
0x1d: {  	v5 =	vsel vm0, v16, v5;
	v54 =	vsel vm0, v6, v63;
	v57 =	vsel vm0, v9, v10;
	[tilespmem:$0x1FDD0] =	vst v37  }
0x1e: {  	v12 =	vsel vm0, v12, v31;
	v62 =	vimm.s32 $0x76543210;
	v63 =	vimm.s32 $0x27262524;
	[tilespmem:$0x1FE90] =	vst v54  }
0x1f: {  	v9 =	vunpack.c.0.s8.s32 v60;
	v17 =	vsel vm0, v18, v17;
	v0 =	vcombine.low v0, v23;
	[tilespmem:$0x1FEC0] =	vst v57  }
0x20: {  	v18 =	vimm.s32 $0x47464544;
	v26 =	vcombine.low v15, v14;
	v15 =	vunpack.c.0.s8.s32 v32;
	[tilespmem:$0x1FEE0] =	vst v12  }
0x21: {  	v23 =	vimm.s32 $0x71706F6E;
	v24 =	vunpack.c.0.s8.s32 v42;
	v4 =	vand.u32 $0xF, v4;
	[tilespmem:$0x1FD60] =	vst v0  }
0x22: {  	v3 =	vsel vm0, v2, v1;
	v13 =	vand.u32 $0xF, v13;
	v44 =	vsel vm0, v21, v20;
	[tilespmem:$0x1FD80] =	vst v26  }
0x23: {  	v59 =	vsel vm0, v22, v11;
	v11 =	vunpack.c.0.s8.s32 v63;
	v0 =	vsel vm0, v31, v30;
	[tilespmem:$0x1FE10] =	vst v44  }
0x24: {  	v10 =	vunpack.c.l.s4.s8 v62;
	v4 =	vcombine.low v3, v4;
	v13 =	vnsel vm1, $0x3, v13;
	[tilespmem:$0x1FDA0] =	vst v0  }
0x25: {  	v26 =	vunpack.c.0.s8.s32 v23;
	v50 =	vand.u32 $0xF, v24;
	v12 =	vcombine.low v12, v59;
	[tilespmem:$0x1FF00] =	vst v11  }
0x26: {  	v14 =	vunpack.c.0.s8.s32 v10;
	v24 =	vimm.s32 $0x67666564;
	v31 =	vimm.s32 $0x32107654;
	[tilespmem:$0x1FD20] =	vst v4  }
0x27: {  	v59 =	vimm.s32 $0x6;
	v13 =	vsel vm2, v15, v13;
	v0 =	vcombine.low v0, v27;
	[tilespmem:$0x1FDF0] =	vst v26  }
0x28: {  	v15 =	vunpack.c.0.s8.s32 v33;
	vm2 =	vcmask $0x3728;
	v27 =	vunpack.c.0.s8.s32 v40;
	[tilespmem:$0x1FEF0] =	vst v12  }
0x29: {  	v16 =	vsel vm0, v11, v19;
	v19 =	vimm.s32 $0xFEDCBA98;
	v33 =	vimm.s32 $0x2B2A2928;
	[tilespmem:$0x1FDB0] =	vst v0  }
0x2a: {  	v45 =	vsel vm0, v26, v22;
	v25 =	vcombine.low v17, v16;
	[tilespmem:$0x1FE00] =	vst v27;
	v46 =	vsel vm0, v41, v27  }
0x2b: {  	v4 =	vsel vm3, v50, v2;
	v22 =	vunpack.c.0.s8.s32 v18;
	v10 =	vunpack.c.l.s4.s8 v19;
	[tilespmem:$0x1FE30] =	vst v46  }
0x2c: {  	v26 =	vunpack.c.0.s8.s32 v24;
	v34 =	vsel vm2, v15, v13;
	vm2 =	vcmask $0x3B38;
	[tilespmem:$0x1FF20] =	vst v25  }
0x2d: {  	v13 =	vunpack.c.0.s8.s32 v38;
	v15 =	vunpack.c.0.s8.s32 v39;
	v0 =	vcombine.low v36, v37;
	[tilespmem:$0x1FF30] =	vst v22  }
0x2e: {  	v36 =	vimm.s32 $0x2F2E2D2C;
	v37 =	vimm.s32 $0x4B4A4948;
	v35 =	vsel vm2, $0x2, v34;
	[tilespmem:$0x1FF50] =	vst v26  }
0x2f: {  	v38 =	vimm.s32 $0x4F4E4D4C;
	v47 =	vcombine.low v45, v46;
	vm2 =	vcmask $0x3F30;
	[tilespmem:$0x1FDC0] =	vst v35  }
0x30: {  	v27 =	vsel vm0, v22, v21;
	v29 =	vunpack.c.0.s8.s32 v10;
	v30 =	vsel vm0, v26, v41;
	[tilespmem:$0x1FDE0] =	vst v0  }
0x31: {  	v39 =	vunpack.c.0.s8.s32 v36;
	v40 =	vunpack.c.0.s8.s32 v37;
	v41 =	vunpack.c.0.s8.s32 v38;
	[tilespmem:$0x1FF60] =	vst v30  }
0x32: {  	v45 =	vimm.s32 $0xB0A0908;
	v46 =	vimm.s32 $0x6B6A6968;
	v4 =	vsel vm2, v55, v4;
	[tilespmem:$0x1FE40] =	vst v47  }
0x33: {  	v43 =	vsel vm0, v15, v13;
	v56 =	vsel vm0, v13, v8;
	v13 =	vsel vm0, v9, v7;
	[tilespmem:$0x1FEB0] =	vst v4  }
0x34: {  	v28 =	vsel vm0, v20, v15;
	v35 =	vunpack.c.0.s8.s32 v33;
	v4 =	vcombine.low v13, v14;
	[tilespmem:$0x1FF90] =	vst v39  }
0x35: {  	v6 =	vunpack.c.0.s8.s32 v45;
	v55 =	vimm.s32 $0x1;
	v0 =	vcombine.low v43, v44;
	[tilespmem:$0x1FFA0] =	vst v40  }
0x36: {  	s6 =	rddreg [dreg:$0x0];
	v62 =	vunpack.c.0.s8.s32 v46;
	v32 =	vand.u32 $0xF, v29;
	[tilespmem:$0x1FF10] =	vst v4;
	v4 =	vunpack.c.l.s4.s8 v31  }
0x37: {  	s0 =	rddreg [dreg:$0x1];
	v43 =	vimm.s32 $0x5040302;
	v44 =	vimm.s32 $0xF0E0D0C;
	[tilespmem:$0x1FE20] =	vst v0;
	v0 =	vcombine.low v54, v5  }
0x38: {  	s1 =	rddreg [dreg:$0x2];
	[tilespmem:$0x1FFB0] =	vst v41;
	v48 =	vsel vm1, $0x0, v55;
	v5 =	vunpack.c.0.s8.s32 v44;
	v4 =	vunpack.c.0.s8.s32 v4  }
0x39: {  	s3 =	rddreg [dreg:$0x3];
	vm1 =	vcmask $0x2F00;
	v34 =	vcombine.low v32, v3;
	[tilespmem:$0x1FEA0] =	vst v0;
	v0 =	vcombine.low v57, v56  }
0x3a: {  	s7 =	srdreg.scid;
	s4 =	stileid.u32;
	[tilespmem:$0x1FF80] =	vst v35;
	v1 =	vsel vm0, v1, v5;
	v42 =	vand.u32 $0xF, v4;
	v4 =	vunpack.c.0.s8.s32 v43  }
0x3b: {  	s5 =	simm.s32 $0x0;
	s11 =	simm.s32 $0x1C00;
	s12 =	simm.s32 $0x3600;
	v56 =	vimm.s32 $0x2;
	v57 =	vimm.s32 $0x3;
	[tilespmem:$0x1FED0] =	vst v0;
	v0 =	vcombine.low v28, v27  }
0x3c: {  	s13 =	simm.s32 $0xA780;
	s14 =	simm.s32 $0x1;
	s15 =	simm.s32 $0x2;
	[tilespmem:$0x1FF70] =	vst v34;
	v49 =	vsel vm1, $0x1, v56;
	v3 =	vsel vm3, v42, v9;
	v2 =	vsel vm0, v4, v2  }
0x3d: {  	s16 =	simm.s32 $0x0;
	s7 =	sand.u32 $0x1, s7;
	s8 =	sshll.u32 s4, $0x1;
	vm1 =	vcmask $0x700;
	[tilespmem:$0x1FF40] =	vst v0;
	v53 =	vsel vm2, v6, v3;
	v54 =	vcombine.low v1, v2  }
0x3e: {  	[smem:$0x7FF] =	sst s5;
	s9 =	ssub.s32 $0x2, s7;
	s7 =	sor.u32 s7, s8;
	v47 =	vimm.s32 $0x6F6E6D6C;
	v50 =	vsel vm1, $0x2, v57;
	vm1 =	vcmask $0x3700;
	[tilespmem:$0x1FFC0] =	vst v53  }
0x3f: {  	s31 =	sshrl.u32 s9, $0x1;
	s10 =	sshll.u32 s7, $0x6;
	s7 =	sshll.u32 s7, $0x2;
	v63 =	vunpack.c.0.s8.s32 v47;
	v51 =	vsel vm1, $0x4, v58;
	vm1 =	vcmask $0xF00;
	[tilespmem:$0x1FFD0] =	vst v54  }
0x40: {  	v60 =	vimm.s32 $0x7;
	s8 =	ssub.s32 s9, s31;
	s6 =	sadd.s32 s6, s10;
	v52 =	vsel vm1, $0x5, v59;
	vm1 =	vcmask $0x2700;
	_ =	strace $0x80000047;
	[tilespmem:$0x1FFE0] =	vst v62  }
0x41: {  	s9 =	simm.s32 $0x200;
	s10 =	simm.s32 $0x3;
	s8 =	smax.u32 s8, $0x1;
	v55 =	vsel vm1, $0x6, v60;
	[tilespmem:$0x1FFF0] =	vst v63  }
.LBB2_1:
0x42: {  	[tilespmem:s9], [sflag:$0x3] =	stream.linear.gather [hbm4b:s0+s5], $0x1A00, $0x38;
	[tilespmem:$0x11900] =	vst v63  }
0x43: {  	_ =	swait.ge [sflag:s10], $0x1A00  }
0x44: {  	[sflag:s10] =	ssyncset.done $0x0  }
0x45: {  	[sflag:s10] =	ssyncadd.s32 $0xFFFFE600  }
0x46: {  	[tilespmem:s11], [sflag:$0x3] =	stream.linear.gather [hbm4b:s1+s5], $0x1A00, $0x38;
	[tilespmem:$0x11900] =	vst v63  }
0x47: {  	_ =	swait.ge [sflag:s10], $0x1A00  }
0x48: {  	[sflag:s10] =	ssyncset.done $0x0  }
0x49: {  	[sflag:s10] =	ssyncadd.s32 $0xFFFFE600  }
0x4a: {  	[tilespmem:s5], [sflag:$0x3] =	stream.linear.gather [hbm4b:s6+s5], $0x200, $0x38;
	[tilespmem:$0x11900] =	vst v63  }
0x4b: {  	_ =	swait.ge [sflag:s10], $0x200  }
0x4c: {  	s17 =	simm.s32 $0x1;
	s18 =	simm.s32 $0x0;
	[sflag:s10] =	ssyncset.done $0x0  }
0x4d: {  	s19 =	simm.s32 $0x0;
	s20 =	simm.s32 $0x0;
	[sflag:s10] =	ssyncadd.s32 $0xFFFFFE00  }
.LBB2_2:
0x4e: {  	s21 =	smul.u32 $0x19A, s20;
	_ =	sdelay $0x1  }
0x4f: {  	s21 =	sshrl.u32 s21, $0xA  }
0x50: {  	s23 =	sand.u32 $0x3F, s21  }
0x51: {  	s28 =	sshll.u32 s23, $0x7  }
0x52: {  	v0 =	vor.u32 s28, v61  }
0x53: {  	[tilespmem:$0x1FBA0] =	vst v0;
	v0 =	vld [tilespmem:$0x1FCF0];
	_ =	sdelay $0x4  }
0x54: {  	v62 =	vor.u32 s28, v0;
	v0 =	vld [tilespmem:$0x1FD00];
	_ =	sdelay $0x4  }
0x55: {  	v0 =	vor.u32 s28, v0  }
0x56: {  	[tilespmem:$0x1FBB0] =	vst v0;
	v0 =	vld [tilespmem:$0x1FD10];
	_ =	sdelay $0x4  }
0x57: {  	v0 =	vor.u32 s28, v0  }
0x58: {  	[tilespmem:$0x1FBC0] =	vst v0;
	v0 =	vld [tilespmem:$0x1FD20];
	_ =	sdelay $0x4  }
0x59: {  	v57 =	vor.u32 s28, v0;
	v0 =	vld [tilespmem:$0x1FD60];
	_ =	sdelay $0x4  }
0x5a: {  	v58 =	vor.u32 s28, v0;
	v0 =	vld [tilespmem:$0x1FD80];
	_ =	sdelay $0x4  }
0x5b: {  	v53 =	vor.u32 s28, v0;
	v0 =	vld [tilespmem:$0x1FDB0];
	_ =	sdelay $0x4  }
0x5c: {  	v54 =	vor.u32 s28, v0;
	v0 =	vld [tilespmem:$0x1FDC0];
	_ =	sdelay $0x4  }
0x5d: {  	v46 =	vor.u32 s28, v0;
	v0 =	vld [tilespmem:$0x1FDE0];
	_ =	sdelay $0x4  }
0x5e: {  	v47 =	vor.u32 s28, v0;
	v0 =	vld [tilespmem:$0x1FE20];
	_ =	sdelay $0x4  }
0x5f: {  	v44 =	vor.u32 s28, v0;
	v0 =	vld [tilespmem:$0x1FE40];
	_ =	sdelay $0x4  }
0x60: {  	v45 =	vor.u32 s28, v0;
	v0 =	vld [tilespmem:$0x1FE50];
	_ =	sdelay $0x4  }
0x61: {  	v42 =	vor.u32 s28, v0;
	v0 =	vld [tilespmem:$0x1FE60];
	_ =	sdelay $0x4  }
0x62: {  	v43 =	vor.u32 s28, v0;
	v0 =	vld [tilespmem:$0x1FE70];
	_ =	sdelay $0x4  }
0x63: {  	v39 =	vor.u32 s28, v0;
	v0 =	vld [tilespmem:$0x1FE80];
	_ =	sdelay $0x4  }
0x64: {  	v41 =	vor.u32 s28, v0;
	v0 =	vld [tilespmem:$0x1FEB0];
	_ =	sdelay $0x4  }
0x65: {  	v36 =	vor.u32 s28, v0;
	v0 =	vld [tilespmem:$0x1FEA0];
	_ =	sdelay $0x4  }
0x66: {  	v37 =	vor.u32 s28, v0;
	v0 =	vld [tilespmem:$0x1FED0];
	_ =	sdelay $0x4  }
0x67: {  	v33 =	vor.u32 s28, v0;
	v0 =	vld [tilespmem:$0x1FEF0];
	_ =	sdelay $0x4  }
0x68: {  	v34 =	vor.u32 s28, v0;
	v0 =	vld [tilespmem:$0x1FF10];
	_ =	sdelay $0x4  }
0x69: {  	v28 =	vor.u32 s28, v0;
	v0 =	vld [tilespmem:$0x1FF20];
	_ =	sdelay $0x4  }
0x6a: {  	v32 =	vor.u32 s28, v0;
	v0 =	vld [tilespmem:$0x1FF40];
	_ =	sdelay $0x3  }
0x6b: {  	v1 =	vld [tilespmem:$0x1FE00]  }
0x6c: {  	v25 =	vor.u32 s28, v0;
	v0 =	vld [tilespmem:$0x1FDF0];
	_ =	sdelay $0x4  }
0x6d: {  	v1 =	vsel vm0, v1, v0;
	v0 =	vld [tilespmem:$0x1FF60];
	_ =	sdelay $0x2  }
0x6e: {  	v3 =	vld [tilespmem:$0x1FF80]  }
0x6f: {  	v6 =	vld [tilespmem:$0x1FF90]  }
0x70: {  	v5 =	vcombine.low v1, v0;
	v0 =	vld [tilespmem:$0x1FD50];
	_ =	sdelay $0x2  }
0x71: {  	v4 =	vld [tilespmem:$0x1FFA0]  }
0x72: {  	v7 =	vld [tilespmem:$0x1FFB0];
	v1 =	vsel vm0, v6, v3  }
0x73: {  	v10 =	vcombine.low v1, v0;
	v0 =	vld [tilespmem:$0x1FD70];
	_ =	sdelay $0x3  }
0x74: {  	v2 =	vsel vm0, v7, v4  }
0x75: {  	v9 =	vcombine.low v2, v0;
	v0 =	vld [tilespmem:$0x1FF70];
	_ =	sdelay $0x2  }
0x76: {  	v8 =	vld [tilespmem:$0x1FFF0]  }
0x77: {  	v2 =	vld [tilespmem:$0x1FFE0]  }
0x78: {  	v23 =	vor.u32 s28, v0;
	v0 =	vld [tilespmem:$0x1FDA0];
	_ =	sdelay $0x3  }
0x79: {  	v1 =	vsel vm0, v8, v2  }
0x7a: {  	v0 =	vcombine.low v1, v0;
	_ =	sdelay $0x1  }
0x7b: {  	[tilespmem:$0x1FC00] =	vst v0;
	v22 =	vor.u32 s28, v0;
	v0 =	vadd.s32 $0x22, v61  }
0x7c: {  	[tilespmem:$0x1FC20] =	vst v0;
	v18 =	vor.u32 s28, v0;
	v0 =	vld [tilespmem:$0x1FF00];
	_ =	sdelay $0x3  }
0x7d: {  	v1 =	vadd.s32 $0x2, v61  }
0x7e: {  	[tilespmem:$0x1FC10] =	vst v1;
	v14 =	vor.u32 s28, v1;
	v1 =	vsel vm0, v3, v0;
	v0 =	vld [tilespmem:$0x1FDD0];
	_ =	sdelay $0x4  }
0x7f: {  	v3 =	vcombine.low v0, v1;
	v0 =	vld [tilespmem:$0x1FF30];
	_ =	sdelay $0x4  }
0x80: {  	v1 =	vsel vm0, v4, v0;
	v0 =	vld [tilespmem:$0x1FE10];
	_ =	sdelay $0x2  }
0x81: {  	[tilespmem:$0x1FBE0] =	vst v10  }
0x82: {  	[tilespmem:$0x1FBF0] =	vst v9;
	v21 =	vor.u32 s28, v9;
	v9 =	vadd.s32 $0x62, v61  }
0x83: {  	v24 =	vor.u32 s28, v10;
	[tilespmem:$0x1FC40] =	vst v9;
	v10 =	vor.u32 s28, v9;
	v9 =	vcombine.low v0, v1;
	v0 =	vld [tilespmem:$0x1FFC0];
	_ =	sdelay $0x4  }
0x84: {  	v4 =	vor.u32 s28, v0;
	v0 =	vld [tilespmem:$0x1FF50];
	_ =	sdelay $0x4  }
0x85: {  	v1 =	vsel vm0, v2, v0;
	v0 =	vld [tilespmem:$0x1FE30];
	_ =	sdelay $0x1  }
0x86: {  	[tilespmem:$0x1FBD0] =	vst v5;
	v26 =	vor.u32 s28, v5;
	v5 =	vadd.s32 $0x42, v61  }
0x87: {  	[tilespmem:$0x1FC30] =	vst v5  }
0x88: {  	v13 =	vor.u32 s28, v5;
	[tilespmem:$0x1FC50] =	vst v3  }
0x89: {  	v5 =	vor.u32 s28, v3;
	[tilespmem:$0x1FC60] =	vst v9;
	v3 =	vor.u32 s28, v9;
	v9 =	vcombine.low v0, v1;
	v0 =	vld [tilespmem:$0x1FD30];
	_ =	sdelay $0x4  }
0x8a: {  	v1 =	vsel vm0, v0, v6;
	v0 =	vld [tilespmem:$0x1FE90];
	_ =	sdelay $0x4  }
0x8b: {  	v6 =	vcombine.low v1, v0;
	v0 =	vld [tilespmem:$0x1FD40];
	_ =	sdelay $0x4  }
0x8c: {  	v1 =	vsel vm0, v0, v7;
	v0 =	vld [tilespmem:$0x1FD90];
	_ =	sdelay $0x4  }
0x8d: {  	v2 =	vsel vm0, v0, v8;
	v0 =	vld [tilespmem:$0x1FEC0];
	_ =	sdelay $0x4  }
0x8e: {  	v7 =	vcombine.low v1, v0;
	v0 =	vld [tilespmem:$0x1FEE0];
	_ =	sdelay $0x1  }
0x8f: {  	p0 =	seq.s32 s20, $0x0  }
0x90: {  	s22 =	smulhi.u32 $0xCCCCCCCD, s18;
	s26 =	simm.s32 @!p0 $0x1;
	[tilespmem:$0x1FC70] =	vst v9  }
0x91: {  	s31 =	smulhi.u32 $0xCCCCCCCD, s17;
	_ =	swait.ge @!p0 [sflag:s26], $0x7170  }
0x92: {  	s22 =	sshrl.u32 s22, $0x2;
	v2 =	vcombine.low v2, v0;
	v0 =	vld [tilespmem:$0x1FFD0]  }
0x93: {  	s21 =	sshrl.u32 s31, $0x2;
	s22 =	smul.u32 $0x19C8, s22;
	[tilespmem:$0x1FC80] =	vst v6  }
0x94: {  	s21 =	smul.u32 $0x19C8, s21;
	v1 =	vor.u32 s28, v6;
	v6 =	vadd.s32 $0x66, v61;
	[tilespmem:$0x1FC90] =	vst v7  }
0x95: {  	s25 =	smul.u32 $0x5, s23;
	[tilespmem:$0x1FCE0] =	vst v6  }
0x96: {  	s24 =	sshll.u32 s20, $0x1;
	s30 =	simm.s32 $0x36B0;
	s23 =	sadd.s32 s23, s7;
	[tilespmem:$0x1FCA0] =	vst v2;
	v35 =	vor.u32 s28, v2;
	v2 =	vadd.s32 $0x46, v61  }
0x97: {  	s21 =	ssub.s32 s19, s21;
	s29 =	ssub.s32 s24, s25;
	s25 =	ssub.s32 s19, s22;
	v9 =	vor.u32 s28, v9;
	[tilespmem:$0x1FCD0] =	vst v2;
	v40 =	vor.u32 s28, v0;
	v0 =	vadd.s32 $0x6, v61  }
0x98: {  	s22 =	sand.u32 $0xFF, s29;
	s29 =	simm.s32 $0xB0;
	[sflag:s26] =	ssyncset.done @!p0 $0x0;
	v38 =	vor.u32 s28, v7;
	[tilespmem:$0x1FCB0] =	vst v0;
	v30 =	vor.u32 s28, v0;
	v0 =	vadd.s32 $0x26, v61  }
0x99: {  	[sflag:s26] =	ssyncadd.s32 @!p0 $0xFFFF8E90;
	s26 =	smul.u32 $0x528, s22;
	v27 =	vor.u32 s28, v6;
	v29 =	vor.u32 s28, v2;
	[tilespmem:$0x1FCC0] =	vst v0;
	v31 =	vor.u32 s28, v0;
	s28 =	simm.s32 $0xFFFFFFFE  }
.LBB2_3:
0x9a: {  	v0 =	vld [tilespmem:$0x1FBA0]  }
0x9b: {  	v63 =	vmov s25;
	_ =	sdelay $0x3  }
0x9c: {  	v7 =	vld.idx.msk [tilespmem:v62+s5+$0x0], $0xffff  }
0x9d: {  	v2 =	vld.idx.msk [tilespmem:v63+s9+$0x0], $0xffff  }
0x9e: {  	v56 =	vld.idx.msk [tilespmem:v63+s11+$0x0], $0xffff  }
0x9f: {  	v6 =	vld.idx.msk [tilespmem:v0+s5+$0x0], $0xffff  }
0xa0: {  	v0 =	vld [tilespmem:$0x1FBB0];
	_ =	sdelay $0x2  }
0xa1: {  	s31 =	sadd.s32 $0x8, s25  }
0xa2: {  	v56 =	vsub.f32 v56, v7;
	v8 =	vsub.f32 v2, v6;
	v2 =	vmov s31;
	_ =	sdelay $0x1  }
0xa3: {  	v12 =	vmul.f32 v56, v56;
	v11 =	vmul.f32 v8, v8;
	_ =	sdelay $0x1  }
0xa4: {  	v20 =	vld.idx.msk [tilespmem:v0+s5+$0x0], $0xffff;
	v11 =	vadd.f32 v12, v11  }
0xa5: {  	v12 =	vld.idx.msk [tilespmem:v2+s9+$0x0], $0xffff  }
0xa6: {  	v17 =	vld.idx.msk [tilespmem:v2+s11+$0x0], $0xffff;
	v15 =	vshra.s32 v11, $0x1;
	v16 =	vmul.f32 $5.000000000e-01, v11  }
0xa7: {  	v0 =	vld [tilespmem:$0x1FBC0];
	v15 =	vsub.s32 $0x5F3759DF, v15  }
0xa8: {  	v19 =	vmul.f32 v15, v16;
	_ =	sdelay $0x1  }
0xa9: {  	v19 =	vmul.f32 v15, v19  }
0xaa: {  	v6 =	vsub.f32 v12, v6;
	v7 =	vsub.f32 v17, v7  }
0xab: {  	v12 =	vsub.f32 $1.500000000e+00, v19  }
0xac: {  	v17 =	vmul.f32 v6, v6;
	v19 =	vmul.f32 v7, v7  }
0xad: {  	v12 =	vmul.f32 v15, v12  }
0xae: {  	v15 =	vld.idx.msk [tilespmem:v0+s5+$0x0], $0xffff;
	v17 =	vadd.f32 v19, v17  }
0xaf: {  	v16 =	vmul.f32 v12, v16  }
0xb0: {  	v19 =	vshra.s32 v17, $0x1;
	v0 =	vmul.f32 $5.000000000e-01, v17  }
0xb1: {  	v19 =	vsub.s32 $0x5F3759DF, v19;
	v16 =	vmul.f32 v16, v12  }
0xb2: {  	v59 =	vmul.f32 v19, v0  }
0xb3: {  	v8 =	vmul.f32 v20, v8;
	v56 =	vmul.f32 v15, v56;
	v16 =	vsub.f32 $1.500000000e+00, v16  }
0xb4: {  	v59 =	vmul.f32 v19, v59  }
0xb5: {  	v8 =	vadd.f32 v56, v8;
	v12 =	vmul.f32 v16, v12  }
0xb6: {  	v16 =	vsub.f32 $1.500000000e+00, v59  }
0xb7: {  	v8 =	vmul.f32 v12, v8  }
0xb8: {  	v16 =	vmul.f32 v19, v16  }
0xb9: {  	v8 =	vmax.f32 v8, $-9.250000000e+00  }
0xba: {  	v0 =	vmul.f32 v16, v0;
	v8 =	vmin.f32 v8, $9.250000000e+00  }
0xbb: {  	v11 =	vmul.f32 v12, v11;
	v12 =	vmul.f32 $1.379310340e-01, v8  }
0xbc: {  	v0 =	vmul.f32 v0, v16  }
0xbd: {  	v60 =	vmul.f32 $2.758620680e-01, v11;
	v19 =	vmul.f32 v12, v12  }
0xbe: {  	v6 =	vmul.f32 v6, v20;
	v7 =	vmul.f32 v7, v15;
	v0 =	vsub.f32 $1.500000000e+00, v0  }
0xbf: {  	v15 =	vadd.f32 v19, v60  }
0xc0: {  	v6 =	vadd.f32 v7, v6;
	v0 =	vmul.f32 v0, v16  }
0xc1: {  	v7 =	vshra.s32 v15, $0x1;
	v16 =	vmul.f32 $5.000000000e-01, v15  }
0xc2: {  	v6 =	vmul.f32 v0, v6;
	v7 =	vsub.s32 $0x5F3759DF, v7  }
0xc3: {  	v19 =	vmul.f32 v7, v16  }
0xc4: {  	v6 =	vmax.f32 v6, $-9.250000000e+00  }
0xc5: {  	v6 =	vmin.f32 v6, $9.250000000e+00;
	v19 =	vmul.f32 v7, v19  }
0xc6: {  	v0 =	vmul.f32 v0, v17;
	v17 =	vmul.f32 $1.379310340e-01, v6  }
0xc7: {  	v19 =	vsub.f32 $1.500000000e+00, v19  }
0xc8: {  	v60 =	vmul.f32 $2.758620680e-01, v0;
	v20 =	vmul.f32 v17, v17  }
0xc9: {  	v7 =	vmul.f32 v7, v19  }
0xca: {  	v19 =	vadd.f32 v20, v60  }
0xcb: {  	v16 =	vmul.f32 v7, v16  }
0xcc: {  	v20 =	vshra.s32 v19, $0x1;
	v56 =	vmul.f32 $5.000000000e-01, v19  }
0xcd: {  	v8 =	vmul.f32 $5.000000000e-01, v8;
	v20 =	vsub.s32 $0x5F3759DF, v20;
	v16 =	vmul.f32 v16, v7  }
0xce: {  	v59 =	vsub.f32 $1.275862100e+00, v12;
	v60 =	vmul.f32 v20, v56  }
0xcf: {  	v8 =	vadd.f32 $4.625000000e+00, v8;
	v16 =	vsub.f32 $1.500000000e+00, v16  }
0xd0: {  	v60 =	vmul.f32 v20, v60  }
0xd1: {  	v8 =	vmul.f32 v8, v59;
	v7 =	vmul.f32 v16, v7  }
0xd2: {  	v16 =	vsub.f32 $1.500000000e+00, v60  }
0xd3: {  	v7 =	vmul.f32 v7, v15;
	v15 =	vclamp.gez.f32 v8, v11  }
0xd4: {  	v16 =	vmul.f32 v20, v16;
	v15 =	vsub.f32 v11, v15  }
0xd5: {  	vm1 =	vgt.f32 v8, v11;
	v7 =	vsub.f32 v7, v12  }
0xd6: {  	v11 =	vor.u32 s25, v48;
	v12 =	vmul.f32 v16, v56;
	v8 =	vmul.f32 $1.081081110e-01, v15  }
0xd7: {  	v6 =	vmul.f32 $5.000000000e-01, v6;
	v7 =	vsel vm1, v7, v59  }
0xd8: {  	v7 =	vadd.f32 v7, v8;
	v8 =	vmul.f32 v12, v16  }
0xd9: {  	v6 =	vadd.f32 $4.625000000e+00, v6  }
0xda: {  	v12 =	vsub.f32 $1.275862100e+00, v17;
	[tilespmem:s30+$0xFFFFFF50] =	vst v7;
	v7 =	vsub.f32 $1.500000000e+00, v8  }
0xdb: {  	v8 =	vld.idx.msk [tilespmem:v11+s9+$0x0], $0xffff  }
0xdc: {  	v6 =	vmul.f32 v6, v12;
	v11 =	vld.idx.msk [tilespmem:v11+s11+$0x0], $0xffff;
	v7 =	vmul.f32 v7, v16  }
0xdd: {  	v15 =	vld.idx.msk [tilespmem:v57+s5+$0x0], $0xffff  }
0xde: {  	v16 =	vld.idx.msk [tilespmem:v58+s5+$0x0], $0xffff;
	v7 =	vmul.f32 v7, v19;
	v19 =	vclamp.gez.f32 v6, v0  }
0xdf: {  	v19 =	vsub.f32 v0, v19  }
0xe0: {  	v7 =	vsub.f32 v7, v17  }
0xe1: {  	vm1 =	vgt.f32 v6, v0;
	v6 =	vor.u32 s31, v48;
	v0 =	vmul.f32 $1.081081110e-01, v19  }
0xe2: {  	v8 =	vsub.f32 v8, v15;
	v7 =	vsel vm1, v7, v12  }
0xe3: {  	v11 =	vsub.f32 v11, v16;
	v0 =	vadd.f32 v7, v0;
	_ =	sdelay $0x1  }
0xe4: {  	v7 =	vmul.f32 v8, v8;
	v12 =	vmul.f32 v11, v11;
	[tilespmem:s30+$0x0] =	vst v0  }
0xe5: {  	v0 =	vld.idx.msk [tilespmem:v6+s9+$0x0], $0xffff  }
0xe6: {  	v7 =	vadd.f32 v12, v7;
	v6 =	vld.idx.msk [tilespmem:v6+s11+$0x0], $0xffff  }
0xe7: {  	v12 =	vld.idx.msk [tilespmem:v57+s5+$0x0], $0xffff  }
0xe8: {  	v17 =	vld.idx.msk [tilespmem:v58+s5+$0x0], $0xffff;
	v15 =	vshra.s32 v7, $0x1;
	v16 =	vmul.f32 $5.000000000e-01, v7  }
0xe9: {  	v15 =	vsub.s32 $0x5F3759DF, v15  }
0xea: {  	v19 =	vmul.f32 v15, v16;
	_ =	sdelay $0x1  }
0xeb: {  	v19 =	vmul.f32 v15, v19  }
0xec: {  	v0 =	vsub.f32 v0, v12;
	v6 =	vsub.f32 v6, v17  }
0xed: {  	v12 =	vsub.f32 $1.500000000e+00, v19  }
0xee: {  	v17 =	vmul.f32 v0, v0;
	v19 =	vmul.f32 v6, v6  }
0xef: {  	v20 =	vld.idx.msk [tilespmem:v53+s5+$0x0], $0xffff;
	v12 =	vmul.f32 v15, v12  }
0xf0: {  	v15 =	vld.idx.msk [tilespmem:v54+s5+$0x0], $0xffff;
	v17 =	vadd.f32 v19, v17  }
0xf1: {  	v16 =	vmul.f32 v12, v16  }
0xf2: {  	v19 =	vshra.s32 v17, $0x1;
	v56 =	vmul.f32 $5.000000000e-01, v17  }
0xf3: {  	v19 =	vsub.s32 $0x5F3759DF, v19;
	v16 =	vmul.f32 v16, v12  }
0xf4: {  	v60 =	vmul.f32 v19, v56  }
0xf5: {  	v8 =	vmul.f32 v20, v8;
	v11 =	vmul.f32 v15, v11;
	v16 =	vsub.f32 $1.500000000e+00, v16  }
0xf6: {  	v15 =	vmul.f32 v19, v60  }
0xf7: {  	v8 =	vadd.f32 v11, v8;
	v12 =	vmul.f32 v16, v12  }
0xf8: {  	v11 =	vsub.f32 $1.500000000e+00, v15  }
0xf9: {  	v8 =	vmul.f32 v12, v8  }
0xfa: {  	v15 =	vld.idx.msk [tilespmem:v53+s5+$0x0], $0xffff;
	v11 =	vmul.f32 v19, v11  }
0xfb: {  	v16 =	vld.idx.msk [tilespmem:v54+s5+$0x0], $0xffff;
	v8 =	vmax.f32 v8, $-9.250000000e+00  }
0xfc: {  	v19 =	vmul.f32 v11, v56;
	v8 =	vmin.f32 v8, $9.250000000e+00  }
0xfd: {  	v7 =	vmul.f32 v12, v7;
	v12 =	vmul.f32 $1.379310340e-01, v8  }
0xfe: {  	v19 =	vmul.f32 v19, v11  }
0xff: {  	v60 =	vmul.f32 $2.758620680e-01, v7;
	v20 =	vmul.f32 v12, v12  }
0x100: {  	v0 =	vmul.f32 v15, v0;
	v6 =	vmul.f32 v16, v6;
	v19 =	vsub.f32 $1.500000000e+00, v19  }
0x101: {  	v15 =	vadd.f32 v20, v60  }
0x102: {  	v0 =	vadd.f32 v6, v0;
	v11 =	vmul.f32 v19, v11  }
0x103: {  	v6 =	vshra.s32 v15, $0x1;
	v16 =	vmul.f32 $5.000000000e-01, v15  }
0x104: {  	v0 =	vmul.f32 v11, v0;
	v6 =	vsub.s32 $0x5F3759DF, v6  }
0x105: {  	v19 =	vmul.f32 v6, v16  }
0x106: {  	v0 =	vmax.f32 v0, $-9.250000000e+00  }
0x107: {  	v0 =	vmin.f32 v0, $9.250000000e+00;
	v19 =	vmul.f32 v6, v19  }
0x108: {  	v11 =	vmul.f32 v11, v17;
	v17 =	vmul.f32 $1.379310340e-01, v0  }
0x109: {  	v19 =	vsub.f32 $1.500000000e+00, v19  }
0x10a: {  	v60 =	vmul.f32 $2.758620680e-01, v11;
	v20 =	vmul.f32 v17, v17  }
0x10b: {  	v6 =	vmul.f32 v6, v19  }
0x10c: {  	v19 =	vadd.f32 v20, v60  }
0x10d: {  	v16 =	vmul.f32 v6, v16  }
0x10e: {  	v20 =	vshra.s32 v19, $0x1;
	v56 =	vmul.f32 $5.000000000e-01, v19  }
0x10f: {  	v8 =	vmul.f32 $5.000000000e-01, v8;
	v20 =	vsub.s32 $0x5F3759DF, v20;
	v16 =	vmul.f32 v16, v6  }
0x110: {  	v59 =	vsub.f32 $1.275862100e+00, v12;
	v60 =	vmul.f32 v20, v56  }
0x111: {  	v8 =	vadd.f32 $4.625000000e+00, v8;
	v16 =	vsub.f32 $1.500000000e+00, v16  }
0x112: {  	v60 =	vmul.f32 v20, v60  }
0x113: {  	v8 =	vmul.f32 v8, v59;
	v6 =	vmul.f32 v16, v6  }
0x114: {  	v16 =	vsub.f32 $1.500000000e+00, v60  }
0x115: {  	v6 =	vmul.f32 v6, v15;
	v15 =	vclamp.gez.f32 v8, v7  }
0x116: {  	v16 =	vmul.f32 v20, v16;
	v15 =	vsub.f32 v7, v15  }
0x117: {  	vm1 =	vgt.f32 v8, v7;
	v6 =	vsub.f32 v6, v12  }
0x118: {  	v8 =	vor.u32 s25, v49;
	v12 =	vmul.f32 v16, v56;
	v7 =	vmul.f32 $1.081081110e-01, v15  }
0x119: {  	v0 =	vmul.f32 $5.000000000e-01, v0;
	v6 =	vsel vm1, v6, v59  }
0x11a: {  	v6 =	vadd.f32 v6, v7;
	v7 =	vmul.f32 v12, v16  }
0x11b: {  	v0 =	vadd.f32 $4.625000000e+00, v0  }
0x11c: {  	v12 =	vsub.f32 $1.275862100e+00, v17;
	[tilespmem:s30+$0xFFFFFF60] =	vst v6;
	v6 =	vsub.f32 $1.500000000e+00, v7  }
0x11d: {  	v7 =	vld.idx.msk [tilespmem:v8+s9+$0x0], $0xffff  }
0x11e: {  	v0 =	vmul.f32 v0, v12;
	v8 =	vld.idx.msk [tilespmem:v8+s11+$0x0], $0xffff;
	v6 =	vmul.f32 v6, v16  }
0x11f: {  	v15 =	vld.idx.msk [tilespmem:v46+s5+$0x0], $0xffff  }
0x120: {  	v16 =	vld.idx.msk [tilespmem:v47+s5+$0x0], $0xffff;
	v6 =	vmul.f32 v6, v19;
	v19 =	vclamp.gez.f32 v0, v11  }
0x121: {  	v19 =	vsub.f32 v11, v19  }
0x122: {  	v6 =	vsub.f32 v6, v17  }
0x123: {  	vm1 =	vgt.f32 v0, v11;
	v11 =	vor.u32 s31, v49;
	v0 =	vmul.f32 $1.081081110e-01, v19  }
0x124: {  	v7 =	vsub.f32 v7, v15;
	v6 =	vsel vm1, v6, v12  }
0x125: {  	v8 =	vsub.f32 v8, v16;
	v0 =	vadd.f32 v6, v0;
	_ =	sdelay $0x1  }
0x126: {  	v6 =	vmul.f32 v7, v7;
	v12 =	vmul.f32 v8, v8;
	[tilespmem:s30+$0x10] =	vst v0  }
0x127: {  	v0 =	vld.idx.msk [tilespmem:v11+s9+$0x0], $0xffff  }
0x128: {  	v6 =	vadd.f32 v12, v6;
	v11 =	vld.idx.msk [tilespmem:v11+s11+$0x0], $0xffff  }
0x129: {  	v12 =	vld.idx.msk [tilespmem:v46+s5+$0x0], $0xffff  }
0x12a: {  	v17 =	vld.idx.msk [tilespmem:v47+s5+$0x0], $0xffff;
	v15 =	vshra.s32 v6, $0x1;
	v16 =	vmul.f32 $5.000000000e-01, v6  }
0x12b: {  	v15 =	vsub.s32 $0x5F3759DF, v15  }
0x12c: {  	v19 =	vmul.f32 v15, v16;
	_ =	sdelay $0x1  }
0x12d: {  	v19 =	vmul.f32 v15, v19  }
0x12e: {  	v0 =	vsub.f32 v0, v12;
	v11 =	vsub.f32 v11, v17  }
0x12f: {  	v12 =	vsub.f32 $1.500000000e+00, v19  }
0x130: {  	v17 =	vmul.f32 v0, v0;
	v19 =	vmul.f32 v11, v11  }
0x131: {  	v20 =	vld.idx.msk [tilespmem:v44+s5+$0x0], $0xffff;
	v12 =	vmul.f32 v15, v12  }
0x132: {  	v15 =	vld.idx.msk [tilespmem:v45+s5+$0x0], $0xffff;
	v17 =	vadd.f32 v19, v17  }
0x133: {  	v16 =	vmul.f32 v12, v16  }
0x134: {  	v19 =	vshra.s32 v17, $0x1;
	v56 =	vmul.f32 $5.000000000e-01, v17  }
0x135: {  	v19 =	vsub.s32 $0x5F3759DF, v19;
	v16 =	vmul.f32 v16, v12  }
0x136: {  	v60 =	vmul.f32 v19, v56  }
0x137: {  	v7 =	vmul.f32 v20, v7;
	v8 =	vmul.f32 v15, v8;
	v16 =	vsub.f32 $1.500000000e+00, v16  }
0x138: {  	v15 =	vmul.f32 v19, v60  }
0x139: {  	v7 =	vadd.f32 v8, v7;
	v12 =	vmul.f32 v16, v12  }
0x13a: {  	v8 =	vsub.f32 $1.500000000e+00, v15  }
0x13b: {  	v7 =	vmul.f32 v12, v7  }
0x13c: {  	v15 =	vld.idx.msk [tilespmem:v44+s5+$0x0], $0xffff;
	v8 =	vmul.f32 v19, v8  }
0x13d: {  	v16 =	vld.idx.msk [tilespmem:v45+s5+$0x0], $0xffff;
	v7 =	vmax.f32 v7, $-9.250000000e+00  }
0x13e: {  	v19 =	vmul.f32 v8, v56;
	v7 =	vmin.f32 v7, $9.250000000e+00  }
0x13f: {  	v6 =	vmul.f32 v12, v6;
	v12 =	vmul.f32 $1.379310340e-01, v7  }
0x140: {  	v19 =	vmul.f32 v19, v8  }
0x141: {  	v60 =	vmul.f32 $2.758620680e-01, v6;
	v20 =	vmul.f32 v12, v12  }
0x142: {  	v0 =	vmul.f32 v15, v0;
	v11 =	vmul.f32 v16, v11;
	v19 =	vsub.f32 $1.500000000e+00, v19  }
0x143: {  	v15 =	vadd.f32 v20, v60  }
0x144: {  	v0 =	vadd.f32 v11, v0;
	v8 =	vmul.f32 v19, v8  }
0x145: {  	v11 =	vshra.s32 v15, $0x1;
	v16 =	vmul.f32 $5.000000000e-01, v15  }
0x146: {  	v0 =	vmul.f32 v8, v0;
	v11 =	vsub.s32 $0x5F3759DF, v11  }
0x147: {  	v19 =	vmul.f32 v11, v16  }
0x148: {  	v0 =	vmax.f32 v0, $-9.250000000e+00  }
0x149: {  	v0 =	vmin.f32 v0, $9.250000000e+00;
	v19 =	vmul.f32 v11, v19  }
0x14a: {  	v8 =	vmul.f32 v8, v17;
	v17 =	vmul.f32 $1.379310340e-01, v0  }
0x14b: {  	v19 =	vsub.f32 $1.500000000e+00, v19  }
0x14c: {  	v60 =	vmul.f32 $2.758620680e-01, v8;
	v20 =	vmul.f32 v17, v17  }
0x14d: {  	v11 =	vmul.f32 v11, v19  }
0x14e: {  	v19 =	vadd.f32 v20, v60  }
0x14f: {  	v16 =	vmul.f32 v11, v16  }
0x150: {  	v20 =	vshra.s32 v19, $0x1;
	v56 =	vmul.f32 $5.000000000e-01, v19  }
0x151: {  	v7 =	vmul.f32 $5.000000000e-01, v7;
	v20 =	vsub.s32 $0x5F3759DF, v20;
	v16 =	vmul.f32 v16, v11  }
0x152: {  	v59 =	vsub.f32 $1.275862100e+00, v12;
	v60 =	vmul.f32 v20, v56  }
0x153: {  	v7 =	vadd.f32 $4.625000000e+00, v7;
	v16 =	vsub.f32 $1.500000000e+00, v16  }
0x154: {  	v60 =	vmul.f32 v20, v60  }
0x155: {  	v7 =	vmul.f32 v7, v59;
	v11 =	vmul.f32 v16, v11  }
0x156: {  	v16 =	vsub.f32 $1.500000000e+00, v60  }
0x157: {  	v11 =	vmul.f32 v11, v15;
	v15 =	vclamp.gez.f32 v7, v6  }
0x158: {  	v16 =	vmul.f32 v20, v16;
	v15 =	vsub.f32 v6, v15  }
0x159: {  	vm1 =	vgt.f32 v7, v6;
	v11 =	vsub.f32 v11, v12  }
0x15a: {  	v7 =	vor.u32 $0x2, v63;
	v12 =	vmul.f32 v16, v56;
	v6 =	vmul.f32 $1.081081110e-01, v15  }
0x15b: {  	v0 =	vmul.f32 $5.000000000e-01, v0;
	v11 =	vsel vm1, v11, v59  }
0x15c: {  	v6 =	vadd.f32 v11, v6;
	v11 =	vmul.f32 v12, v16  }
0x15d: {  	v0 =	vadd.f32 $4.625000000e+00, v0  }
0x15e: {  	v12 =	vsub.f32 $1.275862100e+00, v17;
	[tilespmem:s30+$0xFFFFFF70] =	vst v6;
	v6 =	vsub.f32 $1.500000000e+00, v11  }
0x15f: {  	v11 =	vld.idx.msk [tilespmem:v7+s9+$0x0], $0xffff  }
0x160: {  	v0 =	vmul.f32 v0, v12;
	v7 =	vld.idx.msk [tilespmem:v7+s11+$0x0], $0xffff;
	v6 =	vmul.f32 v6, v16  }
0x161: {  	v15 =	vld.idx.msk [tilespmem:v42+s5+$0x0], $0xffff  }
0x162: {  	v16 =	vld.idx.msk [tilespmem:v43+s5+$0x0], $0xffff;
	v6 =	vmul.f32 v6, v19;
	v19 =	vclamp.gez.f32 v0, v8  }
0x163: {  	v19 =	vsub.f32 v8, v19  }
0x164: {  	v6 =	vsub.f32 v6, v17  }
0x165: {  	vm1 =	vgt.f32 v0, v8;
	v8 =	vor.u32 $0x2, v2;
	v0 =	vmul.f32 $1.081081110e-01, v19  }
0x166: {  	v11 =	vsub.f32 v11, v15;
	v6 =	vsel vm1, v6, v12  }
0x167: {  	v7 =	vsub.f32 v7, v16;
	v0 =	vadd.f32 v6, v0;
	_ =	sdelay $0x1  }
0x168: {  	v6 =	vmul.f32 v11, v11;
	v12 =	vmul.f32 v7, v7;
	[tilespmem:s30+$0x20] =	vst v0  }
0x169: {  	v0 =	vld.idx.msk [tilespmem:v8+s9+$0x0], $0xffff  }
0x16a: {  	v6 =	vadd.f32 v12, v6;
	v8 =	vld.idx.msk [tilespmem:v8+s11+$0x0], $0xffff  }
0x16b: {  	v12 =	vld.idx.msk [tilespmem:v42+s5+$0x0], $0xffff  }
0x16c: {  	v17 =	vld.idx.msk [tilespmem:v43+s5+$0x0], $0xffff;
	v15 =	vshra.s32 v6, $0x1;
	v16 =	vmul.f32 $5.000000000e-01, v6  }
0x16d: {  	v15 =	vsub.s32 $0x5F3759DF, v15  }
0x16e: {  	v19 =	vmul.f32 v15, v16;
	_ =	sdelay $0x1  }
0x16f: {  	v19 =	vmul.f32 v15, v19  }
0x170: {  	v0 =	vsub.f32 v0, v12;
	v8 =	vsub.f32 v8, v17  }
0x171: {  	v12 =	vsub.f32 $1.500000000e+00, v19  }
0x172: {  	v17 =	vmul.f32 v0, v0;
	v19 =	vmul.f32 v8, v8  }
0x173: {  	v20 =	vld.idx.msk [tilespmem:v39+s5+$0x0], $0xffff;
	v12 =	vmul.f32 v15, v12  }
0x174: {  	v15 =	vld.idx.msk [tilespmem:v41+s5+$0x0], $0xffff;
	v17 =	vadd.f32 v19, v17  }
0x175: {  	v16 =	vmul.f32 v12, v16  }
0x176: {  	v19 =	vshra.s32 v17, $0x1;
	v56 =	vmul.f32 $5.000000000e-01, v17  }
0x177: {  	v19 =	vsub.s32 $0x5F3759DF, v19;
	v16 =	vmul.f32 v16, v12  }
0x178: {  	v60 =	vmul.f32 v19, v56  }
0x179: {  	v11 =	vmul.f32 v20, v11;
	v7 =	vmul.f32 v15, v7;
	v16 =	vsub.f32 $1.500000000e+00, v16  }
0x17a: {  	v15 =	vmul.f32 v19, v60  }
0x17b: {  	v7 =	vadd.f32 v7, v11;
	v12 =	vmul.f32 v16, v12  }
0x17c: {  	v11 =	vsub.f32 $1.500000000e+00, v15  }
0x17d: {  	v7 =	vmul.f32 v12, v7  }
0x17e: {  	v15 =	vld.idx.msk [tilespmem:v39+s5+$0x0], $0xffff;
	v11 =	vmul.f32 v19, v11  }
0x17f: {  	v16 =	vld.idx.msk [tilespmem:v41+s5+$0x0], $0xffff;
	v7 =	vmax.f32 v7, $-9.250000000e+00  }
0x180: {  	v19 =	vmul.f32 v11, v56;
	v7 =	vmin.f32 v7, $9.250000000e+00  }
0x181: {  	v6 =	vmul.f32 v12, v6;
	v12 =	vmul.f32 $1.379310340e-01, v7  }
0x182: {  	v19 =	vmul.f32 v19, v11  }
0x183: {  	v60 =	vmul.f32 $2.758620680e-01, v6;
	v20 =	vmul.f32 v12, v12  }
0x184: {  	v0 =	vmul.f32 v15, v0;
	v8 =	vmul.f32 v16, v8;
	v19 =	vsub.f32 $1.500000000e+00, v19  }
0x185: {  	v15 =	vadd.f32 v20, v60  }
0x186: {  	v0 =	vadd.f32 v8, v0;
	v11 =	vmul.f32 v19, v11  }
0x187: {  	v8 =	vshra.s32 v15, $0x1;
	v16 =	vmul.f32 $5.000000000e-01, v15  }
0x188: {  	v0 =	vmul.f32 v11, v0;
	v8 =	vsub.s32 $0x5F3759DF, v8  }
0x189: {  	v19 =	vmul.f32 v8, v16  }
0x18a: {  	v0 =	vmax.f32 v0, $-9.250000000e+00  }
0x18b: {  	v0 =	vmin.f32 v0, $9.250000000e+00;
	v19 =	vmul.f32 v8, v19  }
0x18c: {  	v11 =	vmul.f32 v11, v17;
	v17 =	vmul.f32 $1.379310340e-01, v0  }
0x18d: {  	v19 =	vsub.f32 $1.500000000e+00, v19  }
0x18e: {  	v60 =	vmul.f32 $2.758620680e-01, v11;
	v20 =	vmul.f32 v17, v17  }
0x18f: {  	v8 =	vmul.f32 v8, v19  }
0x190: {  	v19 =	vadd.f32 v20, v60  }
0x191: {  	v16 =	vmul.f32 v8, v16  }
0x192: {  	v20 =	vshra.s32 v19, $0x1;
	v56 =	vmul.f32 $5.000000000e-01, v19  }
0x193: {  	v20 =	vsub.s32 $0x5F3759DF, v20;
	v16 =	vmul.f32 v16, v8  }
0x194: {  	v7 =	vmul.f32 $5.000000000e-01, v7;
	v59 =	vmul.f32 v20, v56  }
0x195: {  	v16 =	vsub.f32 $1.500000000e+00, v16  }
0x196: {  	v7 =	vadd.f32 $4.625000000e+00, v7;
	v60 =	vsub.f32 $1.275862100e+00, v12;
	v59 =	vmul.f32 v20, v59  }
0x197: {  	v8 =	vmul.f32 v16, v8  }
0x198: {  	v7 =	vmul.f32 v7, v60;
	v16 =	vsub.f32 $1.500000000e+00, v59  }
0x199: {  	v8 =	vmul.f32 v8, v15  }
0x19a: {  	v15 =	vclamp.gez.f32 v7, v6;
	v16 =	vmul.f32 v20, v16  }
0x19b: {  	v8 =	vsub.f32 v8, v12;
	v12 =	vsub.f32 v6, v15  }
0x19c: {  	vm1 =	vgt.f32 v7, v6;
	v6 =	vmul.f32 v16, v56  }
0x19d: {  	v0 =	vmul.f32 $5.000000000e-01, v0;
	v7 =	vsel vm1, v8, v60;
	v8 =	vmul.f32 $1.081081110e-01, v12  }
0x19e: {  	v12 =	vor.u32 s25, v50;
	v6 =	vmul.f32 v6, v16  }
0x19f: {  	v0 =	vadd.f32 $4.625000000e+00, v0;
	v7 =	vadd.f32 v7, v8  }
0x1a0: {  	v8 =	vsub.f32 $1.275862100e+00, v17;
	v6 =	vsub.f32 $1.500000000e+00, v6;
	_ =	sdelay $0x1  }
0x1a1: {  	[tilespmem:s30+$0xFFFFFF80] =	vst v7;
	v0 =	vmul.f32 v0, v8;
	v6 =	vmul.f32 v6, v16  }
0x1a2: {  	v7 =	vld.idx.msk [tilespmem:v12+s9+$0x0], $0xffff  }
0x1a3: {  	v12 =	vld.idx.msk [tilespmem:v12+s11+$0x0], $0xffff;
	v6 =	vmul.f32 v6, v19;
	v15 =	vclamp.gez.f32 v0, v11  }
0x1a4: {  	v16 =	vld.idx.msk [tilespmem:v36+s5+$0x0], $0xffff;
	v15 =	vsub.f32 v11, v15  }
0x1a5: {  	v19 =	vld.idx.msk [tilespmem:v37+s5+$0x0], $0xffff;
	v6 =	vsub.f32 v6, v17  }
0x1a6: {  	vm1 =	vgt.f32 v0, v11;
	v11 =	vor.u32 s31, v50;
	v0 =	vmul.f32 $1.081081110e-01, v15  }
0x1a7: {  	v6 =	vsel vm1, v6, v8  }
0x1a8: {  	v0 =	vadd.f32 v6, v0;
	_ =	sdelay $0x1  }
0x1a9: {  	v6 =	vsub.f32 v7, v16;
	v7 =	vsub.f32 v12, v19;
	[tilespmem:s30+$0x30] =	vst v0  }
0x1aa: {  	v0 =	vld.idx.msk [tilespmem:v11+s9+$0x0], $0xffff  }
0x1ab: {  	v8 =	vmul.f32 v6, v6;
	v12 =	vmul.f32 v7, v7;
	v11 =	vld.idx.msk [tilespmem:v11+s11+$0x0], $0xffff  }
0x1ac: {  	v15 =	vld.idx.msk [tilespmem:v36+s5+$0x0], $0xffff  }
0x1ad: {  	v8 =	vadd.f32 v12, v8;
	v12 =	vld.idx.msk [tilespmem:v37+s5+$0x0], $0xffff;
	_ =	sdelay $0x1  }
0x1ae: {  	v16 =	vshra.s32 v8, $0x1;
	v17 =	vmul.f32 $5.000000000e-01, v8  }
0x1af: {  	v16 =	vsub.s32 $0x5F3759DF, v16  }
0x1b0: {  	v19 =	vmul.f32 v16, v17  }
0x1b1: {  	v0 =	vsub.f32 v0, v15;
	v11 =	vsub.f32 v11, v12  }
0x1b2: {  	v12 =	vmul.f32 v16, v19  }
0x1b3: {  	v15 =	vmul.f32 v0, v0;
	v19 =	vmul.f32 v11, v11;
	_ =	sdelay $0x1  }
0x1b4: {  	v12 =	vsub.f32 $1.500000000e+00, v12;
	v15 =	vadd.f32 v19, v15;
	_ =	sdelay $0x1  }
0x1b5: {  	v19 =	vld.idx.msk [tilespmem:v33+s5+$0x0], $0xffff;
	v12 =	vmul.f32 v16, v12;
	v20 =	vshra.s32 v15, $0x1;
	v56 =	vmul.f32 $5.000000000e-01, v15  }
0x1b6: {  	v16 =	vld.idx.msk [tilespmem:v34+s5+$0x0], $0xffff;
	v20 =	vsub.s32 $0x5F3759DF, v20  }
0x1b7: {  	v17 =	vmul.f32 v12, v17;
	v60 =	vmul.f32 v20, v56;
	_ =	sdelay $0x1  }
0x1b8: {  	v17 =	vmul.f32 v17, v12;
	v59 =	vmul.f32 v20, v60  }
0x1b9: {  	v6 =	vmul.f32 v19, v6  }
0x1ba: {  	v7 =	vmul.f32 v16, v7;
	v17 =	vsub.f32 $1.500000000e+00, v17;
	v16 =	vsub.f32 $1.500000000e+00, v59;
	_ =	sdelay $0x1  }
0x1bb: {  	v6 =	vadd.f32 v7, v6;
	v7 =	vld.idx.msk [tilespmem:v33+s5+$0x0], $0xffff;
	v12 =	vmul.f32 v17, v12;
	v16 =	vmul.f32 v20, v16  }
0x1bc: {  	v17 =	vld.idx.msk [tilespmem:v34+s5+$0x0], $0xffff  }
0x1bd: {  	v6 =	vmul.f32 v12, v6;
	v19 =	vmul.f32 v16, v56;
	_ =	sdelay $0x1  }
0x1be: {  	v6 =	vmax.f32 v6, $-9.250000000e+00;
	v19 =	vmul.f32 v19, v16  }
0x1bf: {  	v8 =	vmul.f32 v12, v8;
	v0 =	vmul.f32 v7, v0;
	v6 =	vmin.f32 v6, $9.250000000e+00  }
0x1c0: {  	v7 =	vmul.f32 v17, v11;
	v12 =	vmul.f32 $1.379310340e-01, v6;
	v19 =	vsub.f32 $1.500000000e+00, v19  }
0x1c1: {  	v17 =	vmul.f32 $2.758620680e-01, v8  }
0x1c2: {  	v0 =	vadd.f32 v7, v0;
	v11 =	vmul.f32 v12, v12;
	v16 =	vmul.f32 v19, v16;
	_ =	sdelay $0x1  }
0x1c3: {  	v7 =	vadd.f32 v11, v17;
	v0 =	vmul.f32 v16, v0;
	_ =	sdelay $0x1  }
0x1c4: {  	v11 =	vshra.s32 v7, $0x1;
	v17 =	vmul.f32 $5.000000000e-01, v7;
	v0 =	vmax.f32 v0, $-9.250000000e+00  }
0x1c5: {  	v15 =	vmul.f32 v16, v15;
	v11 =	vsub.s32 $0x5F3759DF, v11;
	v0 =	vmin.f32 v0, $9.250000000e+00  }
0x1c6: {  	v19 =	vmul.f32 v11, v17;
	v16 =	vmul.f32 $1.379310340e-01, v0  }
0x1c7: {  	v60 =	vmul.f32 $2.758620680e-01, v15  }
0x1c8: {  	v19 =	vmul.f32 v11, v19;
	v20 =	vmul.f32 v16, v16;
	_ =	sdelay $0x1  }
0x1c9: {  	v19 =	vsub.f32 $1.500000000e+00, v19;
	v20 =	vadd.f32 v20, v60;
	_ =	sdelay $0x1  }
0x1ca: {  	v11 =	vmul.f32 v11, v19;
	v19 =	vshra.s32 v20, $0x1;
	v56 =	vmul.f32 $5.000000000e-01, v20  }
0x1cb: {  	v19 =	vsub.s32 $0x5F3759DF, v19  }
0x1cc: {  	v17 =	vmul.f32 v11, v17;
	v60 =	vmul.f32 v19, v56;
	_ =	sdelay $0x1  }
0x1cd: {  	v17 =	vmul.f32 v17, v11;
	v59 =	vmul.f32 v19, v60  }
0x1ce: {  	v6 =	vmul.f32 $5.000000000e-01, v6  }
0x1cf: {  	v17 =	vsub.f32 $1.500000000e+00, v17;
	v59 =	vsub.f32 $1.500000000e+00, v59  }
0x1d0: {  	v6 =	vadd.f32 $4.625000000e+00, v6;
	v60 =	vsub.f32 $1.275862100e+00, v12  }
0x1d1: {  	v11 =	vmul.f32 v17, v11;
	v17 =	vmul.f32 v19, v59  }
0x1d2: {  	v0 =	vmul.f32 $5.000000000e-01, v0;
	v6 =	vmul.f32 v6, v60  }
0x1d3: {  	v7 =	vmul.f32 v11, v7;
	v11 =	vmul.f32 v17, v56;
	_ =	sdelay $0x1  }
0x1d4: {  	v0 =	vadd.f32 $4.625000000e+00, v0;
	v19 =	vclamp.gez.f32 v6, v8;
	v11 =	vmul.f32 v11, v17  }
0x1d5: {  	v7 =	vsub.f32 v7, v12;
	v12 =	vsub.f32 v8, v19  }
0x1d6: {  	v19 =	vsub.f32 $1.275862100e+00, v16;
	v11 =	vsub.f32 $1.500000000e+00, v11  }
0x1d7: {  	v61 =	vshrl.u32 v61, $0x3;
	vm1 =	vgt.f32 v6, v8;
	v6 =	vmul.f32 $1.081081110e-01, v12  }
0x1d8: {  	v56 =	vadd.s32 $0x3, v61;
	v0 =	vmul.f32 v0, v19;
	v11 =	vmul.f32 v11, v17  }
0x1d9: {  	v8 =	vor.u32 s25, v56;
	v7 =	vsel vm1, v7, v60  }
0x1da: {  	v6 =	vadd.f32 v7, v6;
	v7 =	vmul.f32 v11, v20;
	v11 =	vclamp.gez.f32 v0, v15  }
0x1db: {  	v11 =	vsub.f32 v15, v11  }
0x1dc: {  	[tilespmem:s30+$0xFFFFFF90] =	vst v6;
	v6 =	vsub.f32 v7, v16  }
0x1dd: {  	vm1 =	vgt.f32 v0, v15;
	v12 =	vld.idx.msk [tilespmem:v28+s5+$0x0], $0xffff;
	v0 =	vmul.f32 $1.081081110e-01, v11;
	v11 =	vor.u32 s31, v56  }
0x1de: {  	v7 =	vld.idx.msk [tilespmem:v8+s9+$0x0], $0xffff;
	v6 =	vsel vm1, v6, v19  }
0x1df: {  	v8 =	vld.idx.msk [tilespmem:v8+s11+$0x0], $0xffff;
	v0 =	vadd.f32 v6, v0  }
0x1e0: {  	v6 =	vld.idx.msk [tilespmem:v32+s5+$0x0], $0xffff  }
0x1e1: {  	[tilespmem:s30+$0x40] =	vst v0  }
0x1e2: {  	v0 =	vld.idx.msk [tilespmem:v11+s9+$0x0], $0xffff  }
0x1e3: {  	v11 =	vld.idx.msk [tilespmem:v11+s11+$0x0], $0xffff  }
0x1e4: {  	v15 =	vld.idx.msk [tilespmem:v28+s5+$0x0], $0xffff  }
0x1e5: {  	v7 =	vsub.f32 v7, v12;
	v6 =	vsub.f32 v8, v6;
	v8 =	vld.idx.msk [tilespmem:v32+s5+$0x0], $0xffff;
	_ =	sdelay $0x1  }
0x1e6: {  	v12 =	vmul.f32 v7, v7;
	v16 =	vmul.f32 v6, v6;
	_ =	sdelay $0x1  }
0x1e7: {  	v12 =	vadd.f32 v16, v12  }
0x1e8: {  	v0 =	vsub.f32 v0, v15;
	v8 =	vsub.f32 v11, v8  }
0x1e9: {  	v11 =	vshra.s32 v12, $0x1;
	v15 =	vmul.f32 $5.000000000e-01, v12  }
0x1ea: {  	v16 =	vmul.f32 v0, v0;
	v11 =	vsub.s32 $0x5F3759DF, v11;
	v17 =	vmul.f32 v8, v8  }
0x1eb: {  	v19 =	vmul.f32 v11, v15  }
0x1ec: {  	v16 =	vadd.f32 v17, v16  }
0x1ed: {  	v17 =	vmul.f32 v11, v19  }
0x1ee: {  	v19 =	vshra.s32 v16, $0x1;
	v20 =	vmul.f32 $5.000000000e-01, v16  }
0x1ef: {  	v17 =	vsub.f32 $1.500000000e+00, v17;
	v19 =	vsub.s32 $0x5F3759DF, v19  }
0x1f0: {  	v59 =	vmul.f32 v19, v20  }
0x1f1: {  	v60 =	vld.idx.msk [tilespmem:v25+s5+$0x0], $0xffff;
	v11 =	vmul.f32 v11, v17  }
0x1f2: {  	v17 =	vld.idx.msk [tilespmem:v26+s5+$0x0], $0xffff;
	v59 =	vmul.f32 v19, v59  }
0x1f3: {  	v15 =	vmul.f32 v11, v15  }
0x1f4: {  	v59 =	vsub.f32 $1.500000000e+00, v59  }
0x1f5: {  	v15 =	vmul.f32 v15, v11  }
0x1f6: {  	v61 =	vld.idx.msk [tilespmem:v25+s5+$0x0], $0xffff;
	v19 =	vmul.f32 v19, v59  }
0x1f7: {  	v7 =	vmul.f32 v60, v7;
	v6 =	vmul.f32 v17, v6;
	v17 =	vld.idx.msk [tilespmem:v26+s5+$0x0], $0xffff;
	v15 =	vsub.f32 $1.500000000e+00, v15  }
0x1f8: {  	v20 =	vmul.f32 v19, v20  }
0x1f9: {  	v6 =	vadd.f32 v6, v7;
	v11 =	vmul.f32 v15, v11  }
0x1fa: {  	v7 =	vmul.f32 v20, v19  }
0x1fb: {  	v6 =	vmul.f32 v11, v6  }
0x1fc: {  	v0 =	vmul.f32 v61, v0;
	v8 =	vmul.f32 v17, v8;
	v7 =	vsub.f32 $1.500000000e+00, v7  }
0x1fd: {  	v6 =	vmax.f32 v6, $-9.250000000e+00  }
0x1fe: {  	v0 =	vadd.f32 v8, v0;
	v6 =	vmin.f32 v6, $9.250000000e+00;
	v7 =	vmul.f32 v7, v19  }
0x1ff: {  	v8 =	vmul.f32 v11, v12;
	v11 =	vmul.f32 $1.379310340e-01, v6  }
0x200: {  	v0 =	vmul.f32 v7, v0  }
0x201: {  	v15 =	vmul.f32 $2.758620680e-01, v8;
	v12 =	vmul.f32 v11, v11  }
0x202: {  	v0 =	vmax.f32 v0, $-9.250000000e+00  }
0x203: {  	v12 =	vadd.f32 v12, v15;
	v0 =	vmin.f32 v0, $9.250000000e+00  }
0x204: {  	v7 =	vmul.f32 v7, v16;
	v15 =	vmul.f32 $1.379310340e-01, v0  }
0x205: {  	v16 =	vshra.s32 v12, $0x1;
	v17 =	vmul.f32 $5.000000000e-01, v12  }
0x206: {  	v20 =	vmul.f32 $2.758620680e-01, v7;
	v16 =	vsub.s32 $0x5F3759DF, v16;
	v19 =	vmul.f32 v15, v15  }
0x207: {  	v61 =	vmul.f32 v16, v17  }
0x208: {  	v19 =	vadd.f32 v19, v20  }
0x209: {  	v20 =	vmul.f32 v16, v61  }
0x20a: {  	v59 =	vshra.s32 v19, $0x1;
	v60 =	vmul.f32 $5.000000000e-01, v19  }
0x20b: {  	v20 =	vsub.f32 $1.500000000e+00, v20;
	v59 =	vsub.s32 $0x5F3759DF, v59  }
0x20c: {  	v61 =	vmul.f32 v59, v60  }
0x20d: {  	v16 =	vmul.f32 v16, v20  }
0x20e: {  	v20 =	vmul.f32 v59, v61  }
0x20f: {  	v17 =	vmul.f32 v16, v17  }
0x210: {  	v6 =	vmul.f32 $5.000000000e-01, v6;
	v20 =	vsub.f32 $1.500000000e+00, v20  }
0x211: {  	v17 =	vmul.f32 v17, v16  }
0x212: {  	v6 =	vadd.f32 $4.625000000e+00, v6;
	v61 =	vsub.f32 $1.275862100e+00, v11;
	v20 =	vmul.f32 v59, v20  }
0x213: {  	v17 =	vsub.f32 $1.500000000e+00, v17  }
0x214: {  	v6 =	vmul.f32 v6, v61;
	v59 =	vmul.f32 v20, v60  }
0x215: {  	v0 =	vmul.f32 $5.000000000e-01, v0;
	v16 =	vmul.f32 v17, v16  }
0x216: {  	v17 =	vclamp.gez.f32 v6, v8;
	v59 =	vmul.f32 v59, v20  }
0x217: {  	v0 =	vadd.f32 $4.625000000e+00, v0;
	v12 =	vmul.f32 v16, v12;
	v16 =	vsub.f32 v8, v17  }
0x218: {  	v17 =	vsub.f32 $1.275862100e+00, v15;
	v59 =	vsub.f32 $1.500000000e+00, v59  }
0x219: {  	vm1 =	vgt.f32 v6, v8;
	v11 =	vsub.f32 v12, v11;
	v6 =	vmul.f32 $1.081081110e-01, v16  }
0x21a: {  	v8 =	vor.u32 s25, v51;
	v0 =	vmul.f32 v0, v17;
	v12 =	vmul.f32 v59, v20  }
0x21b: {  	v11 =	vsel vm1, v11, v61  }
0x21c: {  	v6 =	vadd.f32 v11, v6;
	v11 =	vmul.f32 v12, v19;
	v12 =	vclamp.gez.f32 v0, v7  }
0x21d: {  	v12 =	vsub.f32 v7, v12  }
0x21e: {  	[tilespmem:s30+$0xFFFFFFA0] =	vst v6;
	v6 =	vsub.f32 v11, v15  }
0x21f: {  	vm1 =	vgt.f32 v0, v7;
	v7 =	vor.u32 s31, v51;
	v11 =	vld.idx.msk [tilespmem:v8+s9+$0x0], $0xffff;
	v0 =	vmul.f32 $1.081081110e-01, v12  }
0x220: {  	v8 =	vld.idx.msk [tilespmem:v8+s11+$0x0], $0xffff;
	v6 =	vsel vm1, v6, v17  }
0x221: {  	v12 =	vld.idx.msk [tilespmem:v23+s5+$0x0], $0xffff;
	v0 =	vadd.f32 v6, v0  }
0x222: {  	v6 =	vld.idx.msk [tilespmem:v24+s5+$0x0], $0xffff  }
0x223: {  	[tilespmem:s30+$0x50] =	vst v0  }
0x224: {  	v0 =	vld.idx.msk [tilespmem:v7+s9+$0x0], $0xffff  }
0x225: {  	v7 =	vld.idx.msk [tilespmem:v7+s11+$0x0], $0xffff  }
0x226: {  	v15 =	vld.idx.msk [tilespmem:v23+s5+$0x0], $0xffff  }
0x227: {  	v11 =	vsub.f32 v11, v12;
	v6 =	vsub.f32 v8, v6;
	v8 =	vld.idx.msk [tilespmem:v24+s5+$0x0], $0xffff;
	_ =	sdelay $0x1  }
0x228: {  	v12 =	vmul.f32 v11, v11;
	v16 =	vmul.f32 v6, v6;
	_ =	sdelay $0x1  }
0x229: {  	v12 =	vadd.f32 v16, v12  }
0x22a: {  	v0 =	vsub.f32 v0, v15;
	v7 =	vsub.f32 v7, v8  }
0x22b: {  	v8 =	vshra.s32 v12, $0x1;
	v15 =	vmul.f32 $5.000000000e-01, v12  }
0x22c: {  	v16 =	vmul.f32 v0, v0;
	v8 =	vsub.s32 $0x5F3759DF, v8;
	v17 =	vmul.f32 v7, v7  }
0x22d: {  	v19 =	vmul.f32 v8, v15  }
0x22e: {  	v16 =	vadd.f32 v17, v16  }
0x22f: {  	v17 =	vmul.f32 v8, v19  }
0x230: {  	v19 =	vshra.s32 v16, $0x1;
	v20 =	vmul.f32 $5.000000000e-01, v16  }
0x231: {  	v17 =	vsub.f32 $1.500000000e+00, v17;
	v19 =	vsub.s32 $0x5F3759DF, v19  }
0x232: {  	v59 =	vmul.f32 v19, v20  }
0x233: {  	v60 =	vld.idx.msk [tilespmem:v21+s5+$0x0], $0xffff;
	v8 =	vmul.f32 v8, v17  }
0x234: {  	v17 =	vld.idx.msk [tilespmem:v22+s5+$0x0], $0xffff;
	v59 =	vmul.f32 v19, v59  }
0x235: {  	v15 =	vmul.f32 v8, v15  }
0x236: {  	v59 =	vsub.f32 $1.500000000e+00, v59  }
0x237: {  	v15 =	vmul.f32 v15, v8  }
0x238: {  	v61 =	vld.idx.msk [tilespmem:v21+s5+$0x0], $0xffff;
	v19 =	vmul.f32 v19, v59  }
0x239: {  	v11 =	vmul.f32 v60, v11;
	v6 =	vmul.f32 v17, v6;
	v17 =	vld.idx.msk [tilespmem:v22+s5+$0x0], $0xffff;
	v15 =	vsub.f32 $1.500000000e+00, v15  }
0x23a: {  	v20 =	vmul.f32 v19, v20  }
0x23b: {  	v6 =	vadd.f32 v6, v11;
	v8 =	vmul.f32 v15, v8  }
0x23c: {  	v11 =	vmul.f32 v20, v19  }
0x23d: {  	v6 =	vmul.f32 v8, v6  }
0x23e: {  	v0 =	vmul.f32 v61, v0;
	v7 =	vmul.f32 v17, v7;
	v11 =	vsub.f32 $1.500000000e+00, v11  }
0x23f: {  	v6 =	vmax.f32 v6, $-9.250000000e+00  }
0x240: {  	v0 =	vadd.f32 v7, v0;
	v6 =	vmin.f32 v6, $9.250000000e+00;
	v11 =	vmul.f32 v11, v19  }
0x241: {  	v7 =	vmul.f32 v8, v12;
	v8 =	vmul.f32 $1.379310340e-01, v6  }
0x242: {  	v0 =	vmul.f32 v11, v0  }
0x243: {  	v15 =	vmul.f32 $2.758620680e-01, v7;
	v12 =	vmul.f32 v8, v8  }
0x244: {  	v0 =	vmax.f32 v0, $-9.250000000e+00  }
0x245: {  	v12 =	vadd.f32 v12, v15;
	v0 =	vmin.f32 v0, $9.250000000e+00  }
0x246: {  	v11 =	vmul.f32 v11, v16;
	v15 =	vmul.f32 $1.379310340e-01, v0  }
0x247: {  	v16 =	vshra.s32 v12, $0x1;
	v17 =	vmul.f32 $5.000000000e-01, v12  }
0x248: {  	v20 =	vmul.f32 $2.758620680e-01, v11;
	v16 =	vsub.s32 $0x5F3759DF, v16;
	v19 =	vmul.f32 v15, v15  }
0x249: {  	v60 =	vmul.f32 v16, v17  }
0x24a: {  	v19 =	vadd.f32 v19, v20  }
0x24b: {  	v20 =	vmul.f32 v16, v60  }
0x24c: {  	v59 =	vshra.s32 v19, $0x1;
	v60 =	vmul.f32 $5.000000000e-01, v19  }
0x24d: {  	v20 =	vsub.f32 $1.500000000e+00, v20;
	v59 =	vsub.s32 $0x5F3759DF, v59  }
0x24e: {  	v61 =	vmul.f32 v59, v60  }
0x24f: {  	v16 =	vmul.f32 v16, v20  }
0x250: {  	v20 =	vmul.f32 v59, v61  }
0x251: {  	v17 =	vmul.f32 v16, v17  }
0x252: {  	v6 =	vmul.f32 $5.000000000e-01, v6;
	v20 =	vsub.f32 $1.500000000e+00, v20  }
0x253: {  	v17 =	vmul.f32 v17, v16  }
0x254: {  	v6 =	vadd.f32 $4.625000000e+00, v6;
	v61 =	vsub.f32 $1.275862100e+00, v8;
	v20 =	vmul.f32 v59, v20  }
0x255: {  	v17 =	vsub.f32 $1.500000000e+00, v17  }
0x256: {  	v6 =	vmul.f32 v6, v61;
	v59 =	vmul.f32 v20, v60  }
0x257: {  	v0 =	vmul.f32 $5.000000000e-01, v0;
	v16 =	vmul.f32 v17, v16  }
0x258: {  	v17 =	vclamp.gez.f32 v6, v7;
	v59 =	vmul.f32 v59, v20  }
0x259: {  	v0 =	vadd.f32 $4.625000000e+00, v0;
	v12 =	vmul.f32 v16, v12;
	v16 =	vsub.f32 v7, v17  }
0x25a: {  	v17 =	vsub.f32 $1.275862100e+00, v15;
	v59 =	vsub.f32 $1.500000000e+00, v59  }
0x25b: {  	vm1 =	vgt.f32 v6, v7;
	v8 =	vsub.f32 v12, v8;
	v6 =	vmul.f32 $1.081081110e-01, v16  }
0x25c: {  	v7 =	vor.u32 $0x5, v63;
	v0 =	vmul.f32 v0, v17;
	v12 =	vmul.f32 v59, v20  }
0x25d: {  	v8 =	vsel vm1, v8, v61  }
0x25e: {  	v6 =	vadd.f32 v8, v6;
	v8 =	vmul.f32 v12, v19;
	v12 =	vclamp.gez.f32 v0, v11  }
0x25f: {  	v12 =	vsub.f32 v11, v12  }
0x260: {  	[tilespmem:s30+$0xFFFFFFB0] =	vst v6;
	v6 =	vsub.f32 v8, v15  }
0x261: {  	vm1 =	vgt.f32 v0, v11;
	v11 =	vor.u32 $0x5, v2;
	v8 =	vld.idx.msk [tilespmem:v7+s9+$0x0], $0xffff;
	v0 =	vmul.f32 $1.081081110e-01, v12  }
0x262: {  	v7 =	vld.idx.msk [tilespmem:v7+s11+$0x0], $0xffff;
	v6 =	vsel vm1, v6, v17  }
0x263: {  	v12 =	vld.idx.msk [tilespmem:v14+s5+$0x0], $0xffff;
	v0 =	vadd.f32 v6, v0  }
0x264: {  	v6 =	vld.idx.msk [tilespmem:v18+s5+$0x0], $0xffff  }
0x265: {  	[tilespmem:s30+$0x60] =	vst v0  }
0x266: {  	v0 =	vld.idx.msk [tilespmem:v11+s9+$0x0], $0xffff  }
0x267: {  	v11 =	vld.idx.msk [tilespmem:v11+s11+$0x0], $0xffff  }
0x268: {  	v15 =	vld.idx.msk [tilespmem:v14+s5+$0x0], $0xffff  }
0x269: {  	v8 =	vsub.f32 v8, v12;
	v6 =	vsub.f32 v7, v6;
	v7 =	vld.idx.msk [tilespmem:v18+s5+$0x0], $0xffff;
	_ =	sdelay $0x1  }
0x26a: {  	v12 =	vmul.f32 v8, v8;
	v16 =	vmul.f32 v6, v6;
	_ =	sdelay $0x1  }
0x26b: {  	v12 =	vadd.f32 v16, v12  }
0x26c: {  	v0 =	vsub.f32 v0, v15;
	v7 =	vsub.f32 v11, v7  }
0x26d: {  	v11 =	vshra.s32 v12, $0x1;
	v15 =	vmul.f32 $5.000000000e-01, v12  }
0x26e: {  	v16 =	vmul.f32 v0, v0;
	v11 =	vsub.s32 $0x5F3759DF, v11;
	v17 =	vmul.f32 v7, v7  }
0x26f: {  	v19 =	vmul.f32 v11, v15  }
0x270: {  	v16 =	vadd.f32 v17, v16  }
0x271: {  	v17 =	vmul.f32 v11, v19  }
0x272: {  	v19 =	vshra.s32 v16, $0x1;
	v20 =	vmul.f32 $5.000000000e-01, v16  }
0x273: {  	v17 =	vsub.f32 $1.500000000e+00, v17;
	v19 =	vsub.s32 $0x5F3759DF, v19  }
0x274: {  	v59 =	vmul.f32 v19, v20  }
0x275: {  	v60 =	vld.idx.msk [tilespmem:v13+s5+$0x0], $0xffff;
	v11 =	vmul.f32 v11, v17  }
0x276: {  	v17 =	vld.idx.msk [tilespmem:v10+s5+$0x0], $0xffff;
	v59 =	vmul.f32 v19, v59  }
0x277: {  	v15 =	vmul.f32 v11, v15  }
0x278: {  	v59 =	vsub.f32 $1.500000000e+00, v59  }
0x279: {  	v15 =	vmul.f32 v15, v11  }
0x27a: {  	v61 =	vld.idx.msk [tilespmem:v13+s5+$0x0], $0xffff;
	v19 =	vmul.f32 v19, v59  }
0x27b: {  	v8 =	vmul.f32 v60, v8;
	v6 =	vmul.f32 v17, v6;
	v17 =	vld.idx.msk [tilespmem:v10+s5+$0x0], $0xffff;
	v15 =	vsub.f32 $1.500000000e+00, v15  }
0x27c: {  	v20 =	vmul.f32 v19, v20  }
0x27d: {  	v6 =	vadd.f32 v6, v8;
	v11 =	vmul.f32 v15, v11  }
0x27e: {  	v8 =	vmul.f32 v20, v19  }
0x27f: {  	v6 =	vmul.f32 v11, v6  }
0x280: {  	v0 =	vmul.f32 v61, v0;
	v7 =	vmul.f32 v17, v7;
	v8 =	vsub.f32 $1.500000000e+00, v8  }
0x281: {  	v6 =	vmax.f32 v6, $-9.250000000e+00  }
0x282: {  	v0 =	vadd.f32 v7, v0;
	v6 =	vmin.f32 v6, $9.250000000e+00;
	v8 =	vmul.f32 v8, v19  }
0x283: {  	v7 =	vmul.f32 v11, v12;
	v11 =	vmul.f32 $1.379310340e-01, v6  }
0x284: {  	v0 =	vmul.f32 v8, v0  }
0x285: {  	v15 =	vmul.f32 $2.758620680e-01, v7;
	v12 =	vmul.f32 v11, v11  }
0x286: {  	v0 =	vmax.f32 v0, $-9.250000000e+00  }
0x287: {  	v12 =	vadd.f32 v12, v15;
	v0 =	vmin.f32 v0, $9.250000000e+00  }
0x288: {  	v8 =	vmul.f32 v8, v16;
	v15 =	vmul.f32 $1.379310340e-01, v0  }
0x289: {  	v16 =	vshra.s32 v12, $0x1;
	v17 =	vmul.f32 $5.000000000e-01, v12  }
0x28a: {  	v20 =	vmul.f32 $2.758620680e-01, v8;
	v16 =	vsub.s32 $0x5F3759DF, v16;
	v19 =	vmul.f32 v15, v15  }
0x28b: {  	v61 =	vmul.f32 v16, v17  }
0x28c: {  	v19 =	vadd.f32 v19, v20  }
0x28d: {  	v20 =	vmul.f32 v16, v61  }
0x28e: {  	v59 =	vshra.s32 v19, $0x1;
	v60 =	vmul.f32 $5.000000000e-01, v19  }
0x28f: {  	v20 =	vsub.f32 $1.500000000e+00, v20;
	v59 =	vsub.s32 $0x5F3759DF, v59  }
0x290: {  	v61 =	vmul.f32 v59, v60  }
0x291: {  	v16 =	vmul.f32 v16, v20  }
0x292: {  	v20 =	vmul.f32 v59, v61  }
0x293: {  	v17 =	vmul.f32 v16, v17  }
0x294: {  	v6 =	vmul.f32 $5.000000000e-01, v6;
	v20 =	vsub.f32 $1.500000000e+00, v20  }
0x295: {  	v17 =	vmul.f32 v17, v16  }
0x296: {  	v6 =	vadd.f32 $4.625000000e+00, v6;
	v61 =	vsub.f32 $1.275862100e+00, v11;
	v20 =	vmul.f32 v59, v20  }
0x297: {  	v17 =	vsub.f32 $1.500000000e+00, v17  }
0x298: {  	v6 =	vmul.f32 v6, v61;
	v59 =	vmul.f32 v20, v60  }
0x299: {  	v0 =	vmul.f32 $5.000000000e-01, v0;
	v16 =	vmul.f32 v17, v16  }
0x29a: {  	v17 =	vclamp.gez.f32 v6, v7;
	v59 =	vmul.f32 v59, v20  }
0x29b: {  	v0 =	vadd.f32 $4.625000000e+00, v0;
	v12 =	vmul.f32 v16, v12;
	v16 =	vsub.f32 v7, v17  }
0x29c: {  	v17 =	vsub.f32 $1.275862100e+00, v15;
	v59 =	vsub.f32 $1.500000000e+00, v59  }
0x29d: {  	vm1 =	vgt.f32 v6, v7;
	v11 =	vsub.f32 v12, v11;
	v6 =	vmul.f32 $1.081081110e-01, v16  }
0x29e: {  	v7 =	vor.u32 s25, v52;
	v0 =	vmul.f32 v0, v17;
	v12 =	vmul.f32 v59, v20  }
0x29f: {  	v11 =	vsel vm1, v11, v61  }
0x2a0: {  	v6 =	vadd.f32 v11, v6;
	v11 =	vmul.f32 v12, v19;
	v12 =	vclamp.gez.f32 v0, v8  }
0x2a1: {  	v12 =	vsub.f32 v8, v12  }
0x2a2: {  	[tilespmem:s30+$0xFFFFFFC0] =	vst v6;
	v6 =	vsub.f32 v11, v15  }
0x2a3: {  	vm1 =	vgt.f32 v0, v8;
	v8 =	vor.u32 s31, v52;
	v11 =	vld.idx.msk [tilespmem:v7+s9+$0x0], $0xffff;
	v0 =	vmul.f32 $1.081081110e-01, v12  }
0x2a4: {  	v7 =	vld.idx.msk [tilespmem:v7+s11+$0x0], $0xffff;
	v6 =	vsel vm1, v6, v17  }
0x2a5: {  	v12 =	vld.idx.msk [tilespmem:v4+s5+$0x0], $0xffff;
	v0 =	vadd.f32 v6, v0  }
0x2a6: {  	v6 =	vld.idx.msk [tilespmem:v5+s5+$0x0], $0xffff  }
0x2a7: {  	[tilespmem:s30+$0x70] =	vst v0  }
0x2a8: {  	v0 =	vld.idx.msk [tilespmem:v8+s9+$0x0], $0xffff  }
0x2a9: {  	v8 =	vld.idx.msk [tilespmem:v8+s11+$0x0], $0xffff  }
0x2aa: {  	v15 =	vld.idx.msk [tilespmem:v4+s5+$0x0], $0xffff  }
0x2ab: {  	v11 =	vsub.f32 v11, v12;
	v6 =	vsub.f32 v7, v6;
	v7 =	vld.idx.msk [tilespmem:v5+s5+$0x0], $0xffff;
	_ =	sdelay $0x1  }
0x2ac: {  	v12 =	vmul.f32 v11, v11;
	v16 =	vmul.f32 v6, v6;
	_ =	sdelay $0x1  }
0x2ad: {  	v12 =	vadd.f32 v16, v12  }
0x2ae: {  	v0 =	vsub.f32 v0, v15;
	v7 =	vsub.f32 v8, v7  }
0x2af: {  	v8 =	vshra.s32 v12, $0x1;
	v15 =	vmul.f32 $5.000000000e-01, v12  }
0x2b0: {  	v16 =	vmul.f32 v0, v0;
	v8 =	vsub.s32 $0x5F3759DF, v8;
	v17 =	vmul.f32 v7, v7  }
0x2b1: {  	v19 =	vmul.f32 v8, v15  }
0x2b2: {  	v16 =	vadd.f32 v17, v16  }
0x2b3: {  	v17 =	vmul.f32 v8, v19  }
0x2b4: {  	v19 =	vshra.s32 v16, $0x1;
	v20 =	vmul.f32 $5.000000000e-01, v16  }
0x2b5: {  	v17 =	vsub.f32 $1.500000000e+00, v17;
	v19 =	vsub.s32 $0x5F3759DF, v19  }
0x2b6: {  	v59 =	vmul.f32 v19, v20  }
0x2b7: {  	v60 =	vld.idx.msk [tilespmem:v3+s5+$0x0], $0xffff;
	v8 =	vmul.f32 v8, v17  }
0x2b8: {  	v17 =	vld.idx.msk [tilespmem:v9+s5+$0x0], $0xffff;
	v59 =	vmul.f32 v19, v59  }
0x2b9: {  	v15 =	vmul.f32 v8, v15  }
0x2ba: {  	v59 =	vsub.f32 $1.500000000e+00, v59  }
0x2bb: {  	v15 =	vmul.f32 v15, v8  }
0x2bc: {  	v61 =	vld.idx.msk [tilespmem:v3+s5+$0x0], $0xffff;
	v19 =	vmul.f32 v19, v59  }
0x2bd: {  	v11 =	vmul.f32 v60, v11;
	v6 =	vmul.f32 v17, v6;
	v17 =	vld.idx.msk [tilespmem:v9+s5+$0x0], $0xffff;
	v15 =	vsub.f32 $1.500000000e+00, v15  }
0x2be: {  	v20 =	vmul.f32 v19, v20  }
0x2bf: {  	v6 =	vadd.f32 v6, v11;
	v8 =	vmul.f32 v15, v8  }
0x2c0: {  	v11 =	vmul.f32 v20, v19  }
0x2c1: {  	v6 =	vmul.f32 v8, v6  }
0x2c2: {  	v0 =	vmul.f32 v61, v0;
	v7 =	vmul.f32 v17, v7;
	v11 =	vsub.f32 $1.500000000e+00, v11  }
0x2c3: {  	v6 =	vmax.f32 v6, $-9.250000000e+00  }
0x2c4: {  	v0 =	vadd.f32 v7, v0;
	v6 =	vmin.f32 v6, $9.250000000e+00;
	v11 =	vmul.f32 v11, v19  }
0x2c5: {  	v7 =	vmul.f32 v8, v12;
	v8 =	vmul.f32 $1.379310340e-01, v6  }
0x2c6: {  	v0 =	vmul.f32 v11, v0  }
0x2c7: {  	v15 =	vmul.f32 $2.758620680e-01, v7;
	v12 =	vmul.f32 v8, v8  }
0x2c8: {  	v0 =	vmax.f32 v0, $-9.250000000e+00  }
0x2c9: {  	v12 =	vadd.f32 v12, v15;
	v0 =	vmin.f32 v0, $9.250000000e+00  }
0x2ca: {  	v11 =	vmul.f32 v11, v16;
	v15 =	vmul.f32 $1.379310340e-01, v0  }
0x2cb: {  	v16 =	vshra.s32 v12, $0x1;
	v17 =	vmul.f32 $5.000000000e-01, v12  }
0x2cc: {  	v20 =	vmul.f32 $2.758620680e-01, v11;
	v16 =	vsub.s32 $0x5F3759DF, v16;
	v19 =	vmul.f32 v15, v15  }
0x2cd: {  	v60 =	vmul.f32 v16, v17  }
0x2ce: {  	v19 =	vadd.f32 v19, v20  }
0x2cf: {  	v20 =	vmul.f32 v16, v60  }
0x2d0: {  	v59 =	vshra.s32 v19, $0x1;
	v60 =	vmul.f32 $5.000000000e-01, v19  }
0x2d1: {  	v20 =	vsub.f32 $1.500000000e+00, v20;
	v59 =	vsub.s32 $0x5F3759DF, v59  }
0x2d2: {  	v61 =	vmul.f32 v59, v60  }
0x2d3: {  	v16 =	vmul.f32 v16, v20  }
0x2d4: {  	v20 =	vmul.f32 v59, v61  }
0x2d5: {  	v17 =	vmul.f32 v16, v17  }
0x2d6: {  	v6 =	vmul.f32 $5.000000000e-01, v6;
	v20 =	vsub.f32 $1.500000000e+00, v20  }
0x2d7: {  	v17 =	vmul.f32 v17, v16  }
0x2d8: {  	v6 =	vadd.f32 $4.625000000e+00, v6;
	v61 =	vsub.f32 $1.275862100e+00, v8;
	v20 =	vmul.f32 v59, v20  }
0x2d9: {  	v17 =	vsub.f32 $1.500000000e+00, v17  }
0x2da: {  	v6 =	vmul.f32 v6, v61;
	v59 =	vmul.f32 v20, v60  }
0x2db: {  	v0 =	vmul.f32 $5.000000000e-01, v0;
	v16 =	vmul.f32 v17, v16  }
0x2dc: {  	v17 =	vclamp.gez.f32 v6, v7;
	v59 =	vmul.f32 v59, v20  }
0x2dd: {  	v0 =	vadd.f32 $4.625000000e+00, v0;
	v12 =	vmul.f32 v16, v12;
	v16 =	vsub.f32 v7, v17  }
0x2de: {  	v17 =	vsub.f32 $1.275862100e+00, v15;
	v59 =	vsub.f32 $1.500000000e+00, v59  }
0x2df: {  	vm1 =	vgt.f32 v6, v7;
	v8 =	vsub.f32 v12, v8;
	v6 =	vmul.f32 $1.081081110e-01, v16  }
0x2e0: {  	v0 =	vmul.f32 v0, v17;
	v12 =	vmul.f32 v59, v20  }
0x2e1: {  	v7 =	vor.u32 s25, v55;
	v8 =	vsel vm1, v8, v61  }
0x2e2: {  	s2 =	sadd.s32 $0xFFFFFF50, s29;
	v6 =	vadd.f32 v8, v6;
	v8 =	vmul.f32 v12, v19;
	v12 =	vclamp.gez.f32 v0, v11  }
0x2e3: {  	s2 =	sand.u32 $0xFFE0, s2;
	v12 =	vsub.f32 v11, v12  }
0x2e4: {  	[tilespmem:s2+$0x3680] =	vst v6;
	v6 =	vsub.f32 v8, v15  }
0x2e5: {  	vm1 =	vgt.f32 v0, v11;
	v11 =	vor.u32 s31, v55;
	v0 =	vmul.f32 $1.081081110e-01, v12  }
0x2e6: {  	v8 =	vld.idx.msk [tilespmem:v7+s9+$0x0], $0xffff;
	v6 =	vsel vm1, v6, v17  }
0x2e7: {  	v7 =	vld.idx.msk [tilespmem:v7+s11+$0x0], $0xffff;
	v0 =	vadd.f32 v6, v0  }
0x2e8: {  	s31 =	sand.u32 $0xFFF0, s29;
	v6 =	vld.idx.msk [tilespmem:v1+s5+$0x0], $0xffff  }
0x2e9: {  	v12 =	vld.idx.msk [tilespmem:v40+s5+$0x0], $0xffff;
	[tilespmem:s31+$0x3680] =	vst v0  }
0x2ea: {  	v0 =	vld.idx.msk [tilespmem:v11+s9+$0x0], $0xffff  }
0x2eb: {  	v11 =	vld.idx.msk [tilespmem:v11+s11+$0x0], $0xffff  }
0x2ec: {  	v15 =	vld.idx.msk [tilespmem:v40+s5+$0x0], $0xffff  }
0x2ed: {  	v6 =	vsub.f32 v7, v6;
	v7 =	vld.idx.msk [tilespmem:v1+s5+$0x0], $0xffff  }
0x2ee: {  	v8 =	vsub.f32 v8, v12;
	_ =	sdelay $0x1  }
0x2ef: {  	v12 =	vmul.f32 v8, v8;
	v16 =	vmul.f32 v6, v6  }
0x2f0: {  	v0 =	vsub.f32 v0, v15  }
0x2f1: {  	v12 =	vadd.f32 v16, v12;
	v7 =	vsub.f32 v11, v7  }
0x2f2: {  	v16 =	vmul.f32 v0, v0  }
0x2f3: {  	v11 =	vshra.s32 v12, $0x1;
	v15 =	vmul.f32 $5.000000000e-01, v12;
	v17 =	vmul.f32 v7, v7  }
0x2f4: {  	v11 =	vsub.s32 $0x5F3759DF, v11  }
0x2f5: {  	v19 =	vmul.f32 v11, v15;
	v16 =	vadd.f32 v17, v16;
	_ =	sdelay $0x1  }
0x2f6: {  	v17 =	vmul.f32 v11, v19;
	v19 =	vshra.s32 v16, $0x1;
	v20 =	vmul.f32 $5.000000000e-01, v16  }
0x2f7: {  	v19 =	vsub.s32 $0x5F3759DF, v19  }
0x2f8: {  	v17 =	vsub.f32 $1.500000000e+00, v17;
	v59 =	vmul.f32 v19, v20;
	_ =	sdelay $0x1  }
0x2f9: {  	v11 =	vmul.f32 v11, v17;
	v17 =	vld.idx.msk [tilespmem:v35+s5+$0x0], $0xffff;
	v59 =	vmul.f32 v19, v59  }
0x2fa: {  	v60 =	vld.idx.msk [tilespmem:v38+s5+$0x0], $0xffff  }
0x2fb: {  	v15 =	vmul.f32 v11, v15;
	v59 =	vsub.f32 $1.500000000e+00, v59;
	_ =	sdelay $0x1  }
0x2fc: {  	v61 =	vld.idx.msk [tilespmem:v38+s5+$0x0], $0xffff;
	v15 =	vmul.f32 v15, v11;
	v19 =	vmul.f32 v19, v59  }
0x2fd: {  	v6 =	vmul.f32 v17, v6;
	v17 =	vld.idx.msk [tilespmem:v35+s5+$0x0], $0xffff  }
0x2fe: {  	v8 =	vmul.f32 v60, v8;
	v15 =	vsub.f32 $1.500000000e+00, v15;
	v20 =	vmul.f32 v19, v20;
	_ =	sdelay $0x1  }
0x2ff: {  	v6 =	vadd.f32 v6, v8;
	v11 =	vmul.f32 v15, v11;
	v8 =	vmul.f32 v20, v19  }
0x300: {  	v0 =	vmul.f32 v61, v0  }
0x301: {  	v6 =	vmul.f32 v11, v6;
	v7 =	vmul.f32 v17, v7;
	v8 =	vsub.f32 $1.500000000e+00, v8;
	_ =	sdelay $0x1  }
0x302: {  	v6 =	vmax.f32 v6, $-9.250000000e+00;
	v0 =	vadd.f32 v7, v0;
	v8 =	vmul.f32 v8, v19  }
0x303: {  	v7 =	vmul.f32 v11, v12;
	v6 =	vmin.f32 v6, $9.250000000e+00  }
0x304: {  	v11 =	vmul.f32 $1.379310340e-01, v6;
	v0 =	vmul.f32 v8, v0;
	_ =	sdelay $0x1  }
0x305: {  	v15 =	vmul.f32 $2.758620680e-01, v7;
	v12 =	vmul.f32 v11, v11;
	v0 =	vmax.f32 v0, $-9.250000000e+00  }
0x306: {  	v8 =	vmul.f32 v8, v16;
	v0 =	vmin.f32 v0, $9.250000000e+00  }
0x307: {  	v12 =	vadd.f32 v12, v15;
	v15 =	vmul.f32 $1.379310340e-01, v0  }
0x308: {  	v20 =	vmul.f32 $2.758620680e-01, v8  }
0x309: {  	v16 =	vshra.s32 v12, $0x1;
	v17 =	vmul.f32 $5.000000000e-01, v12;
	v19 =	vmul.f32 v15, v15  }
0x30a: {  	v16 =	vsub.s32 $0x5F3759DF, v16  }
0x30b: {  	v61 =	vmul.f32 v16, v17;
	v19 =	vadd.f32 v19, v20;
	_ =	sdelay $0x1  }
0x30c: {  	v20 =	vmul.f32 v16, v61;
	v59 =	vshra.s32 v19, $0x1;
	v60 =	vmul.f32 $5.000000000e-01, v19  }
0x30d: {  	v59 =	vsub.s32 $0x5F3759DF, v59  }
0x30e: {  	v20 =	vsub.f32 $1.500000000e+00, v20;
	v61 =	vmul.f32 v59, v60;
	_ =	sdelay $0x1  }
0x30f: {  	v16 =	vmul.f32 v16, v20;
	v20 =	vmul.f32 v59, v61;
	_ =	sdelay $0x1  }
0x310: {  	v17 =	vmul.f32 v16, v17;
	v20 =	vsub.f32 $1.500000000e+00, v20  }
0x311: {  	v6 =	vmul.f32 $5.000000000e-01, v6  }
0x312: {  	v17 =	vmul.f32 v17, v16;
	v20 =	vmul.f32 v59, v20  }
0x313: {  	v6 =	vadd.f32 $4.625000000e+00, v6;
	v59 =	vsub.f32 $1.275862100e+00, v11  }
0x314: {  	v17 =	vsub.f32 $1.500000000e+00, v17;
	v60 =	vmul.f32 v20, v60  }
0x315: {  	v0 =	vmul.f32 $5.000000000e-01, v0;
	v6 =	vmul.f32 v6, v59  }
0x316: {  	v16 =	vmul.f32 v17, v16;
	v17 =	vmul.f32 v60, v20  }
0x317: {  	v0 =	vadd.f32 $4.625000000e+00, v0;
	v60 =	vclamp.gez.f32 v6, v7  }
0x318: {  	v12 =	vmul.f32 v16, v12;
	v16 =	vsub.f32 $1.275862100e+00, v15;
	v17 =	vsub.f32 $1.500000000e+00, v17  }
0x319: {  	v60 =	vsub.f32 v7, v60  }
0x31a: {  	v11 =	vsub.f32 v12, v11;
	v0 =	vmul.f32 v0, v16;
	v12 =	vmul.f32 v17, v20  }
0x31b: {  	vm1 =	vgt.f32 v6, v7;
	v7 =	vor.u32 $0x7, v63;
	v6 =	vmul.f32 $1.081081110e-01, v60  }
0x31c: {  	v11 =	vsel vm1, v11, v59;
	v17 =	vclamp.gez.f32 v0, v8;
	v12 =	vmul.f32 v12, v19  }
0x31d: {  	v6 =	vadd.f32 v11, v6;
	v11 =	vsub.f32 v8, v17  }
0x31e: {  	v12 =	vsub.f32 v12, v15  }
0x31f: {  	v2 =	vor.u32 $0x7, v2;
	vm1 =	vgt.f32 v0, v8;
	[tilespmem:s30+$0xFFFFFFE0] =	vst v6;
	v0 =	vmul.f32 $1.081081110e-01, v11  }
0x320: {  	v6 =	vld.idx.msk [tilespmem:v7+s9+$0x0], $0xffff;
	v8 =	vsel vm1, v12, v16  }
0x321: {  	v7 =	vld.idx.msk [tilespmem:v7+s11+$0x0], $0xffff;
	v0 =	vadd.f32 v8, v0  }
0x322: {  	v11 =	vld.idx.msk [tilespmem:v31+s5+$0x0], $0xffff  }
0x323: {  	v8 =	vld.idx.msk [tilespmem:v30+s5+$0x0], $0xffff;
	[tilespmem:s30+$0x90] =	vst v0  }
0x324: {  	v0 =	vld.idx.msk [tilespmem:v2+s9+$0x0], $0xffff  }
0x325: {  	v2 =	vld.idx.msk [tilespmem:v2+s11+$0x0], $0xffff  }
0x326: {  	v12 =	vld.idx.msk [tilespmem:v30+s5+$0x0], $0xffff  }
0x327: {  	v15 =	vld.idx.msk [tilespmem:v31+s5+$0x0], $0xffff;
	_ =	sdelay $0x3  }
0x328: {  	v7 =	vsub.f32 v7, v11;
	v6 =	vsub.f32 v6, v8  }
0x329: {  	v0 =	vsub.f32 v0, v12;
	v2 =	vsub.f32 v2, v15  }
0x32a: {  	v11 =	vmul.f32 v7, v7;
	v8 =	vmul.f32 v6, v6  }
0x32b: {  	v12 =	vmul.f32 v0, v0;
	v15 =	vmul.f32 v2, v2  }
0x32c: {  	v8 =	vadd.f32 v11, v8  }
0x32d: {  	v11 =	vadd.f32 v15, v12  }
0x32e: {  	v12 =	vshra.s32 v8, $0x1;
	v15 =	vmul.f32 $5.000000000e-01, v8  }
0x32f: {  	v12 =	vsub.s32 $0x5F3759DF, v12;
	v16 =	vshra.s32 v11, $0x1;
	v17 =	vmul.f32 $5.000000000e-01, v11  }
0x330: {  	v19 =	vmul.f32 v12, v15;
	v16 =	vsub.s32 $0x5F3759DF, v16  }
0x331: {  	v20 =	vmul.f32 v16, v17  }
0x332: {  	v19 =	vmul.f32 v12, v19  }
0x333: {  	v20 =	vmul.f32 v16, v20  }
0x334: {  	v19 =	vsub.f32 $1.500000000e+00, v19  }
0x335: {  	v59 =	vld.idx.msk [tilespmem:v29+s5+$0x0], $0xffff;
	v20 =	vsub.f32 $1.500000000e+00, v20  }
0x336: {  	v60 =	vld.idx.msk [tilespmem:v27+s5+$0x0], $0xffff;
	v12 =	vmul.f32 v12, v19  }
0x337: {  	v19 =	vld.idx.msk [tilespmem:v29+s5+$0x0], $0xffff;
	v16 =	vmul.f32 v16, v20  }
0x338: {  	v15 =	vmul.f32 v12, v15;
	v20 =	vld.idx.msk [tilespmem:v27+s5+$0x0], $0xffff  }
0x339: {  	v17 =	vmul.f32 v16, v17  }
0x33a: {  	v15 =	vmul.f32 v15, v12  }
0x33b: {  	v17 =	vmul.f32 v17, v16  }
0x33c: {  	v7 =	vmul.f32 v60, v7;
	v6 =	vmul.f32 v59, v6;
	v15 =	vsub.f32 $1.500000000e+00, v15  }
0x33d: {  	v0 =	vmul.f32 v19, v0;
	v2 =	vmul.f32 v20, v2;
	v17 =	vsub.f32 $1.500000000e+00, v17  }
0x33e: {  	v6 =	vadd.f32 v7, v6;
	v12 =	vmul.f32 v15, v12  }
0x33f: {  	v0 =	vadd.f32 v2, v0;
	v7 =	vmul.f32 v17, v16  }
0x340: {  	v2 =	vmul.f32 v12, v6  }
0x341: {  	v0 =	vmul.f32 v7, v0  }
0x342: {  	v2 =	vmax.f32 v2, $-9.250000000e+00  }
0x343: {  	v2 =	vmin.f32 v2, $9.250000000e+00;
	v0 =	vmax.f32 v0, $-9.250000000e+00  }
0x344: {  	v6 =	vmul.f32 v12, v8;
	v8 =	vmul.f32 $1.379310340e-01, v2;
	v0 =	vmin.f32 v0, $9.250000000e+00  }
0x345: {  	v7 =	vmul.f32 v7, v11;
	v11 =	vmul.f32 $1.379310340e-01, v0  }
0x346: {  	v15 =	vmul.f32 $2.758620680e-01, v6;
	v12 =	vmul.f32 v8, v8  }
0x347: {  	v17 =	vmul.f32 $2.758620680e-01, v7;
	v16 =	vmul.f32 v11, v11  }
0x348: {  	v12 =	vadd.f32 v12, v15  }
0x349: {  	v15 =	vadd.f32 v16, v17  }
0x34a: {  	v16 =	vshra.s32 v12, $0x1;
	v17 =	vmul.f32 $5.000000000e-01, v12  }
0x34b: {  	v16 =	vsub.s32 $0x5F3759DF, v16;
	v19 =	vshra.s32 v15, $0x1;
	v20 =	vmul.f32 $5.000000000e-01, v15  }
0x34c: {  	v59 =	vmul.f32 v16, v17;
	v19 =	vsub.s32 $0x5F3759DF, v19  }
0x34d: {  	v60 =	vmul.f32 v19, v20  }
0x34e: {  	v59 =	vmul.f32 v16, v59  }
0x34f: {  	v60 =	vmul.f32 v19, v60  }
0x350: {  	v59 =	vsub.f32 $1.500000000e+00, v59  }
0x351: {  	v60 =	vsub.f32 $1.500000000e+00, v60  }
0x352: {  	v16 =	vmul.f32 v16, v59  }
0x353: {  	v19 =	vmul.f32 v19, v60  }
0x354: {  	v2 =	vmul.f32 $5.000000000e-01, v2;
	v17 =	vmul.f32 v16, v17  }
0x355: {  	v0 =	vmul.f32 $5.000000000e-01, v0;
	v20 =	vmul.f32 v19, v20  }
0x356: {  	v17 =	vmul.f32 v17, v16  }
0x357: {  	v2 =	vadd.f32 $4.625000000e+00, v2;
	v0 =	vadd.f32 $4.625000000e+00, v0;
	v20 =	vmul.f32 v20, v19  }
0x358: {  	v59 =	vsub.f32 $1.275862100e+00, v8;
	v17 =	vsub.f32 $1.500000000e+00, v17  }
0x359: {  	v60 =	vsub.f32 $1.275862100e+00, v11;
	v20 =	vsub.f32 $1.500000000e+00, v20  }
0x35a: {  	v2 =	vmul.f32 v2, v59;
	v16 =	vmul.f32 v17, v16  }
0x35b: {  	v0 =	vmul.f32 v0, v60;
	v17 =	vmul.f32 v20, v19  }
0x35c: {  	v12 =	vmul.f32 v16, v12;
	v16 =	vclamp.gez.f32 v2, v6  }
0x35d: {  	v16 =	vsub.f32 v6, v16;
	v15 =	vmul.f32 v17, v15;
	v17 =	vclamp.gez.f32 v0, v7  }
0x35e: {  	s28 =	sadd.s32 $0x2, s28;
	v8 =	vsub.f32 v12, v8;
	v12 =	vsub.f32 v7, v17  }
0x35f: {  	p1 =	slt.u32 s28, $0xA2;
	vm1 =	vgt.f32 v2, v6;
	v6 =	vmul.f32 $1.081081110e-01, v16;
	v2 =	vsub.f32 v15, v11  }
.Ltmp0:
0x360: {  	vm2 =	vgt.f32 v0, v7;
	v0 =	vsel vm1, v8, v59;
	v7 =	vmul.f32 $1.081081110e-01, v12;
	(pc) =	sbr.rel @p1 .LBB2_3-.Ltmp0, $4  }
0x361: {  	v0 =	vadd.f32 v0, v6;
	v2 =	vsel vm2, v2, v60  }
0x362: {  	v2 =	vadd.f32 v2, v7  }
0x363: {  	[tilespmem:s30+$0xFFFFFFF0] =	vst v0  }
0x364: {  	s25 =	sadd.s32 $0x10, s25;
	s29 =	sadd.s32 $0x160, s29;
	v61 =	vlaneseq.u32;
	[tilespmem:s30+$0xA0] =	vst v2;
	s30 =	sadd.s32 $0x160, s30  }
0x365: {  	s25 =	sadd.s32 $0x520, s26;
	v6 =	vld [tilespmem:$0x1FBA0]  }
0x366: {  	v2 =	vmov s25;
	_ =	sdelay $0x3  }
0x367: {  	v7 =	vld.idx.msk [tilespmem:v62+s5+$0x0], $0xffff  }
0x368: {  	v0 =	vld.idx.msk [tilespmem:v2+s9+$0x0], $0xffff  }
0x369: {  	v8 =	vld.idx.msk [tilespmem:v2+s11+$0x0], $0xffff  }
0x36a: {  	v6 =	vld.idx.msk [tilespmem:v6+s5+$0x0], $0xffff;
	_ =	sdelay $0x4  }
0x36b: {  	v0 =	vsub.f32 v0, v6;
	v6 =	vsub.f32 v8, v7;
	_ =	sdelay $0x1  }
0x36c: {  	v7 =	vmul.f32 v0, v0;
	v8 =	vmul.f32 v6, v6;
	_ =	sdelay $0x1  }
0x36d: {  	v7 =	vadd.f32 v8, v7;
	_ =	sdelay $0x1  }
0x36e: {  	v8 =	vshra.s32 v7, $0x1;
	v11 =	vmul.f32 $5.000000000e-01, v7  }
0x36f: {  	v8 =	vsub.s32 $0x5F3759DF, v8  }
0x370: {  	v12 =	vmul.f32 v8, v11;
	_ =	sdelay $0x1  }
0x371: {  	v12 =	vmul.f32 v8, v12;
	_ =	sdelay $0x1  }
0x372: {  	v12 =	vsub.f32 $1.500000000e+00, v12  }
0x373: {  	v15 =	vld [tilespmem:$0x1FBC0]  }
0x374: {  	v8 =	vmul.f32 v8, v12;
	v12 =	vld [tilespmem:$0x1FBB0];
	_ =	sdelay $0x6  }
0x375: {  	v15 =	vld.idx.msk [tilespmem:v15+s5+$0x0], $0xffff  }
0x376: {  	v12 =	vld.idx.msk [tilespmem:v12+s5+$0x0], $0xffff  }
0x377: {  	v11 =	vmul.f32 v8, v11;
	_ =	sdelay $0x1  }
0x378: {  	v11 =	vmul.f32 v11, v8;
	_ =	sdelay $0x1  }
0x379: {  	v6 =	vmul.f32 v15, v6;
	v11 =	vsub.f32 $1.500000000e+00, v11;
	v0 =	vmul.f32 v12, v0;
	_ =	sdelay $0x1  }
0x37a: {  	v8 =	vmul.f32 v11, v8;
	v0 =	vadd.f32 v6, v0;
	_ =	sdelay $0x1  }
0x37b: {  	v0 =	vmul.f32 v8, v0;
	_ =	sdelay $0x1  }
0x37c: {  	v0 =	vmax.f32 v0, $-9.250000000e+00  }
0x37d: {  	v0 =	vmin.f32 v0, $9.250000000e+00  }
0x37e: {  	v6 =	vmul.f32 v8, v7;
	v7 =	vmul.f32 $1.379310340e-01, v0;
	_ =	sdelay $0x1  }
0x37f: {  	v11 =	vmul.f32 $2.758620680e-01, v6;
	v8 =	vmul.f32 v7, v7;
	_ =	sdelay $0x1  }
0x380: {  	v8 =	vadd.f32 v8, v11;
	_ =	sdelay $0x1  }
0x381: {  	v11 =	vshra.s32 v8, $0x1;
	v12 =	vmul.f32 $5.000000000e-01, v8  }
0x382: {  	v11 =	vsub.s32 $0x5F3759DF, v11  }
0x383: {  	v15 =	vmul.f32 v11, v12;
	_ =	sdelay $0x1  }
0x384: {  	v15 =	vmul.f32 v11, v15;
	_ =	sdelay $0x1  }
0x385: {  	v15 =	vsub.f32 $1.500000000e+00, v15;
	_ =	sdelay $0x1  }
0x386: {  	v11 =	vmul.f32 v11, v15;
	_ =	sdelay $0x1  }
0x387: {  	v12 =	vmul.f32 v11, v12  }
0x388: {  	v0 =	vmul.f32 $5.000000000e-01, v0  }
0x389: {  	v12 =	vmul.f32 v12, v11  }
0x38a: {  	v0 =	vadd.f32 $4.625000000e+00, v0  }
0x38b: {  	v15 =	vsub.f32 $1.275862100e+00, v7;
	v12 =	vsub.f32 $1.500000000e+00, v12;
	_ =	sdelay $0x1  }
0x38c: {  	v0 =	vmul.f32 v0, v15;
	v11 =	vmul.f32 v12, v11;
	_ =	sdelay $0x1  }
0x38d: {  	v8 =	vmul.f32 v11, v8;
	v11 =	vclamp.gez.f32 v0, v6  }
0x38e: {  	v11 =	vsub.f32 v6, v11  }
0x38f: {  	v7 =	vsub.f32 v8, v7  }
0x390: {  	vm1 =	vgt.f32 v0, v6;
	v6 =	vor.u32 s25, v48;
	v0 =	vmul.f32 $1.081081110e-01, v11  }
0x391: {  	v7 =	vsel vm1, v7, v15  }
0x392: {  	v0 =	vadd.f32 v7, v0;
	_ =	sdelay $0x1  }
0x393: {  	[tilespmem:$0xA6C0] =	vst v0  }
0x394: {  	v0 =	vld.idx.msk [tilespmem:v6+s9+$0x0], $0xffff  }
0x395: {  	v6 =	vld.idx.msk [tilespmem:v6+s11+$0x0], $0xffff  }
0x396: {  	v7 =	vld.idx.msk [tilespmem:v57+s5+$0x0], $0xffff  }
0x397: {  	v8 =	vld.idx.msk [tilespmem:v58+s5+$0x0], $0xffff;
	_ =	sdelay $0x4  }
0x398: {  	v0 =	vsub.f32 v0, v7;
	v6 =	vsub.f32 v6, v8;
	_ =	sdelay $0x1  }
0x399: {  	v7 =	vmul.f32 v0, v0;
	v8 =	vmul.f32 v6, v6;
	_ =	sdelay $0x1  }
0x39a: {  	v7 =	vadd.f32 v8, v7;
	_ =	sdelay $0x1  }
0x39b: {  	v8 =	vshra.s32 v7, $0x1;
	v11 =	vmul.f32 $5.000000000e-01, v7  }
0x39c: {  	v8 =	vsub.s32 $0x5F3759DF, v8  }
0x39d: {  	v12 =	vmul.f32 v8, v11;
	_ =	sdelay $0x1  }
0x39e: {  	v12 =	vmul.f32 v8, v12;
	_ =	sdelay $0x1  }
0x39f: {  	v12 =	vsub.f32 $1.500000000e+00, v12;
	_ =	sdelay $0x1  }
0x3a0: {  	v15 =	vld.idx.msk [tilespmem:v54+s5+$0x0], $0xffff;
	v8 =	vmul.f32 v8, v12  }
0x3a1: {  	v12 =	vld.idx.msk [tilespmem:v53+s5+$0x0], $0xffff  }
0x3a2: {  	v11 =	vmul.f32 v8, v11;
	_ =	sdelay $0x1  }
0x3a3: {  	v11 =	vmul.f32 v11, v8;
	_ =	sdelay $0x1  }
0x3a4: {  	v6 =	vmul.f32 v15, v6;
	v0 =	vmul.f32 v12, v0;
	v11 =	vsub.f32 $1.500000000e+00, v11;
	_ =	sdelay $0x1  }
0x3a5: {  	v0 =	vadd.f32 v6, v0;
	v8 =	vmul.f32 v11, v8;
	_ =	sdelay $0x1  }
0x3a6: {  	v0 =	vmul.f32 v8, v0;
	_ =	sdelay $0x1  }
0x3a7: {  	v0 =	vmax.f32 v0, $-9.250000000e+00  }
0x3a8: {  	v0 =	vmin.f32 v0, $9.250000000e+00  }
0x3a9: {  	v6 =	vmul.f32 v8, v7;
	v7 =	vmul.f32 $1.379310340e-01, v0;
	_ =	sdelay $0x1  }
0x3aa: {  	v11 =	vmul.f32 $2.758620680e-01, v6;
	v8 =	vmul.f32 v7, v7;
	_ =	sdelay $0x1  }
0x3ab: {  	v8 =	vadd.f32 v8, v11;
	_ =	sdelay $0x1  }
0x3ac: {  	v11 =	vshra.s32 v8, $0x1;
	v12 =	vmul.f32 $5.000000000e-01, v8  }
0x3ad: {  	v11 =	vsub.s32 $0x5F3759DF, v11  }
0x3ae: {  	v15 =	vmul.f32 v11, v12;
	_ =	sdelay $0x1  }
0x3af: {  	v15 =	vmul.f32 v11, v15;
	_ =	sdelay $0x1  }
0x3b0: {  	v15 =	vsub.f32 $1.500000000e+00, v15;
	_ =	sdelay $0x1  }
0x3b1: {  	v11 =	vmul.f32 v11, v15;
	_ =	sdelay $0x1  }
0x3b2: {  	v12 =	vmul.f32 v11, v12  }
0x3b3: {  	v0 =	vmul.f32 $5.000000000e-01, v0  }
0x3b4: {  	v12 =	vmul.f32 v12, v11  }
0x3b5: {  	v0 =	vadd.f32 $4.625000000e+00, v0  }
0x3b6: {  	v15 =	vsub.f32 $1.275862100e+00, v7;
	v12 =	vsub.f32 $1.500000000e+00, v12;
	_ =	sdelay $0x1  }
0x3b7: {  	v0 =	vmul.f32 v0, v15;
	v11 =	vmul.f32 v12, v11;
	_ =	sdelay $0x1  }
0x3b8: {  	v8 =	vmul.f32 v11, v8;
	v11 =	vclamp.gez.f32 v0, v6  }
0x3b9: {  	v11 =	vsub.f32 v6, v11  }
0x3ba: {  	v7 =	vsub.f32 v8, v7  }
0x3bb: {  	vm1 =	vgt.f32 v0, v6;
	v6 =	vor.u32 s25, v49;
	v0 =	vmul.f32 $1.081081110e-01, v11  }
0x3bc: {  	v7 =	vsel vm1, v7, v15  }
0x3bd: {  	v0 =	vadd.f32 v7, v0;
	_ =	sdelay $0x1  }
0x3be: {  	[tilespmem:$0xA6D0] =	vst v0  }
0x3bf: {  	v0 =	vld.idx.msk [tilespmem:v6+s9+$0x0], $0xffff  }
0x3c0: {  	v6 =	vld.idx.msk [tilespmem:v6+s11+$0x0], $0xffff  }
0x3c1: {  	v7 =	vld.idx.msk [tilespmem:v46+s5+$0x0], $0xffff  }
0x3c2: {  	v8 =	vld.idx.msk [tilespmem:v47+s5+$0x0], $0xffff;
	_ =	sdelay $0x4  }
0x3c3: {  	v0 =	vsub.f32 v0, v7;
	v6 =	vsub.f32 v6, v8;
	_ =	sdelay $0x1  }
0x3c4: {  	v7 =	vmul.f32 v0, v0;
	v8 =	vmul.f32 v6, v6;
	_ =	sdelay $0x1  }
0x3c5: {  	v7 =	vadd.f32 v8, v7;
	_ =	sdelay $0x1  }
0x3c6: {  	v8 =	vshra.s32 v7, $0x1;
	v11 =	vmul.f32 $5.000000000e-01, v7  }
0x3c7: {  	v8 =	vsub.s32 $0x5F3759DF, v8  }
0x3c8: {  	v12 =	vmul.f32 v8, v11;
	_ =	sdelay $0x1  }
0x3c9: {  	v12 =	vmul.f32 v8, v12;
	_ =	sdelay $0x1  }
0x3ca: {  	v12 =	vsub.f32 $1.500000000e+00, v12;
	_ =	sdelay $0x1  }
0x3cb: {  	v15 =	vld.idx.msk [tilespmem:v45+s5+$0x0], $0xffff;
	v8 =	vmul.f32 v8, v12  }
0x3cc: {  	v12 =	vld.idx.msk [tilespmem:v44+s5+$0x0], $0xffff  }
0x3cd: {  	v11 =	vmul.f32 v8, v11;
	_ =	sdelay $0x1  }
0x3ce: {  	v11 =	vmul.f32 v11, v8;
	_ =	sdelay $0x1  }
0x3cf: {  	v6 =	vmul.f32 v15, v6;
	v0 =	vmul.f32 v12, v0;
	v11 =	vsub.f32 $1.500000000e+00, v11;
	_ =	sdelay $0x1  }
0x3d0: {  	v0 =	vadd.f32 v6, v0;
	v8 =	vmul.f32 v11, v8;
	_ =	sdelay $0x1  }
0x3d1: {  	v0 =	vmul.f32 v8, v0;
	_ =	sdelay $0x1  }
0x3d2: {  	v0 =	vmax.f32 v0, $-9.250000000e+00  }
0x3d3: {  	v0 =	vmin.f32 v0, $9.250000000e+00  }
0x3d4: {  	v6 =	vmul.f32 v8, v7;
	v7 =	vmul.f32 $1.379310340e-01, v0;
	_ =	sdelay $0x1  }
0x3d5: {  	v11 =	vmul.f32 $2.758620680e-01, v6;
	v8 =	vmul.f32 v7, v7;
	_ =	sdelay $0x1  }
0x3d6: {  	v8 =	vadd.f32 v8, v11;
	_ =	sdelay $0x1  }
0x3d7: {  	v11 =	vshra.s32 v8, $0x1;
	v12 =	vmul.f32 $5.000000000e-01, v8  }
0x3d8: {  	v11 =	vsub.s32 $0x5F3759DF, v11  }
0x3d9: {  	v15 =	vmul.f32 v11, v12;
	_ =	sdelay $0x1  }
0x3da: {  	v15 =	vmul.f32 v11, v15;
	_ =	sdelay $0x1  }
0x3db: {  	v15 =	vsub.f32 $1.500000000e+00, v15;
	_ =	sdelay $0x1  }
0x3dc: {  	v11 =	vmul.f32 v11, v15;
	_ =	sdelay $0x1  }
0x3dd: {  	v12 =	vmul.f32 v11, v12  }
0x3de: {  	v0 =	vmul.f32 $5.000000000e-01, v0  }
0x3df: {  	v12 =	vmul.f32 v12, v11  }
0x3e0: {  	v0 =	vadd.f32 $4.625000000e+00, v0  }
0x3e1: {  	v15 =	vsub.f32 $1.275862100e+00, v7;
	v12 =	vsub.f32 $1.500000000e+00, v12;
	_ =	sdelay $0x1  }
0x3e2: {  	v0 =	vmul.f32 v0, v15;
	v11 =	vmul.f32 v12, v11;
	_ =	sdelay $0x1  }
0x3e3: {  	v8 =	vmul.f32 v11, v8;
	v11 =	vclamp.gez.f32 v0, v6  }
0x3e4: {  	v11 =	vsub.f32 v6, v11  }
0x3e5: {  	v7 =	vsub.f32 v8, v7  }
0x3e6: {  	vm1 =	vgt.f32 v0, v6;
	v6 =	vor.u32 $0x2, v2;
	v0 =	vmul.f32 $1.081081110e-01, v11  }
0x3e7: {  	v7 =	vsel vm1, v7, v15  }
0x3e8: {  	v0 =	vadd.f32 v7, v0;
	_ =	sdelay $0x1  }
0x3e9: {  	[tilespmem:$0xA6E0] =	vst v0  }
0x3ea: {  	v0 =	vld.idx.msk [tilespmem:v6+s9+$0x0], $0xffff  }
0x3eb: {  	v6 =	vld.idx.msk [tilespmem:v6+s11+$0x0], $0xffff  }
0x3ec: {  	v7 =	vld.idx.msk [tilespmem:v42+s5+$0x0], $0xffff  }
0x3ed: {  	v8 =	vld.idx.msk [tilespmem:v43+s5+$0x0], $0xffff;
	_ =	sdelay $0x4  }
0x3ee: {  	v0 =	vsub.f32 v0, v7;
	v6 =	vsub.f32 v6, v8;
	_ =	sdelay $0x1  }
0x3ef: {  	v7 =	vmul.f32 v0, v0;
	v8 =	vmul.f32 v6, v6;
	_ =	sdelay $0x1  }
0x3f0: {  	v7 =	vadd.f32 v8, v7;
	_ =	sdelay $0x1  }
0x3f1: {  	v8 =	vshra.s32 v7, $0x1;
	v11 =	vmul.f32 $5.000000000e-01, v7  }
0x3f2: {  	v8 =	vsub.s32 $0x5F3759DF, v8  }
0x3f3: {  	v12 =	vmul.f32 v8, v11;
	_ =	sdelay $0x1  }
0x3f4: {  	v12 =	vmul.f32 v8, v12;
	_ =	sdelay $0x1  }
0x3f5: {  	v12 =	vsub.f32 $1.500000000e+00, v12;
	_ =	sdelay $0x1  }
0x3f6: {  	v15 =	vld.idx.msk [tilespmem:v41+s5+$0x0], $0xffff;
	v8 =	vmul.f32 v8, v12  }
0x3f7: {  	v12 =	vld.idx.msk [tilespmem:v39+s5+$0x0], $0xffff  }
0x3f8: {  	v11 =	vmul.f32 v8, v11;
	_ =	sdelay $0x1  }
0x3f9: {  	v11 =	vmul.f32 v11, v8;
	_ =	sdelay $0x1  }
0x3fa: {  	v6 =	vmul.f32 v15, v6;
	v0 =	vmul.f32 v12, v0;
	v11 =	vsub.f32 $1.500000000e+00, v11;
	_ =	sdelay $0x1  }
0x3fb: {  	v0 =	vadd.f32 v6, v0;
	v8 =	vmul.f32 v11, v8;
	_ =	sdelay $0x1  }
0x3fc: {  	v0 =	vmul.f32 v8, v0;
	_ =	sdelay $0x1  }
0x3fd: {  	v0 =	vmax.f32 v0, $-9.250000000e+00  }
0x3fe: {  	v0 =	vmin.f32 v0, $9.250000000e+00  }
0x3ff: {  	v6 =	vmul.f32 v8, v7;
	v7 =	vmul.f32 $1.379310340e-01, v0;
	_ =	sdelay $0x1  }
0x400: {  	v11 =	vmul.f32 $2.758620680e-01, v6;
	v8 =	vmul.f32 v7, v7;
	_ =	sdelay $0x1  }
0x401: {  	v8 =	vadd.f32 v8, v11;
	_ =	sdelay $0x1  }
0x402: {  	v11 =	vshra.s32 v8, $0x1;
	v12 =	vmul.f32 $5.000000000e-01, v8  }
0x403: {  	v11 =	vsub.s32 $0x5F3759DF, v11  }
0x404: {  	v15 =	vmul.f32 v11, v12;
	_ =	sdelay $0x1  }
0x405: {  	v15 =	vmul.f32 v11, v15;
	_ =	sdelay $0x1  }
0x406: {  	v15 =	vsub.f32 $1.500000000e+00, v15;
	_ =	sdelay $0x1  }
0x407: {  	v11 =	vmul.f32 v11, v15;
	_ =	sdelay $0x1  }
0x408: {  	v12 =	vmul.f32 v11, v12  }
0x409: {  	v0 =	vmul.f32 $5.000000000e-01, v0  }
0x40a: {  	v12 =	vmul.f32 v12, v11  }
0x40b: {  	v0 =	vadd.f32 $4.625000000e+00, v0  }
0x40c: {  	v15 =	vsub.f32 $1.275862100e+00, v7;
	v12 =	vsub.f32 $1.500000000e+00, v12;
	_ =	sdelay $0x1  }
0x40d: {  	v0 =	vmul.f32 v0, v15;
	v11 =	vmul.f32 v12, v11;
	_ =	sdelay $0x1  }
0x40e: {  	v8 =	vmul.f32 v11, v8;
	v11 =	vclamp.gez.f32 v0, v6  }
0x40f: {  	v11 =	vsub.f32 v6, v11  }
0x410: {  	v7 =	vsub.f32 v8, v7  }
0x411: {  	vm1 =	vgt.f32 v0, v6;
	v6 =	vor.u32 s25, v50;
	v0 =	vmul.f32 $1.081081110e-01, v11  }
0x412: {  	v7 =	vsel vm1, v7, v15  }
0x413: {  	v0 =	vadd.f32 v7, v0;
	_ =	sdelay $0x1  }
0x414: {  	[tilespmem:$0xA6F0] =	vst v0  }
0x415: {  	v0 =	vld.idx.msk [tilespmem:v6+s9+$0x0], $0xffff  }
0x416: {  	v6 =	vld.idx.msk [tilespmem:v6+s11+$0x0], $0xffff  }
0x417: {  	v7 =	vld.idx.msk [tilespmem:v36+s5+$0x0], $0xffff  }
0x418: {  	v8 =	vld.idx.msk [tilespmem:v37+s5+$0x0], $0xffff;
	_ =	sdelay $0x4  }
0x419: {  	v0 =	vsub.f32 v0, v7;
	v6 =	vsub.f32 v6, v8;
	_ =	sdelay $0x1  }
0x41a: {  	v7 =	vmul.f32 v0, v0;
	v8 =	vmul.f32 v6, v6;
	_ =	sdelay $0x1  }
0x41b: {  	v7 =	vadd.f32 v8, v7;
	_ =	sdelay $0x1  }
0x41c: {  	v8 =	vshra.s32 v7, $0x1;
	v11 =	vmul.f32 $5.000000000e-01, v7  }
0x41d: {  	v8 =	vsub.s32 $0x5F3759DF, v8  }
0x41e: {  	v12 =	vmul.f32 v8, v11;
	_ =	sdelay $0x1  }
0x41f: {  	v12 =	vmul.f32 v8, v12;
	_ =	sdelay $0x1  }
0x420: {  	v12 =	vsub.f32 $1.500000000e+00, v12;
	_ =	sdelay $0x1  }
0x421: {  	v15 =	vld.idx.msk [tilespmem:v34+s5+$0x0], $0xffff;
	v8 =	vmul.f32 v8, v12  }
0x422: {  	v12 =	vld.idx.msk [tilespmem:v33+s5+$0x0], $0xffff  }
0x423: {  	v11 =	vmul.f32 v8, v11;
	_ =	sdelay $0x1  }
0x424: {  	v11 =	vmul.f32 v11, v8;
	_ =	sdelay $0x1  }
0x425: {  	v6 =	vmul.f32 v15, v6;
	v0 =	vmul.f32 v12, v0;
	v11 =	vsub.f32 $1.500000000e+00, v11;
	_ =	sdelay $0x1  }
0x426: {  	v0 =	vadd.f32 v6, v0;
	v8 =	vmul.f32 v11, v8;
	_ =	sdelay $0x1  }
0x427: {  	v0 =	vmul.f32 v8, v0;
	_ =	sdelay $0x1  }
0x428: {  	v0 =	vmax.f32 v0, $-9.250000000e+00  }
0x429: {  	v0 =	vmin.f32 v0, $9.250000000e+00  }
0x42a: {  	v6 =	vmul.f32 v8, v7;
	v7 =	vmul.f32 $1.379310340e-01, v0;
	_ =	sdelay $0x1  }
0x42b: {  	v11 =	vmul.f32 $2.758620680e-01, v6;
	v8 =	vmul.f32 v7, v7;
	_ =	sdelay $0x1  }
0x42c: {  	v8 =	vadd.f32 v8, v11;
	_ =	sdelay $0x1  }
0x42d: {  	v11 =	vshra.s32 v8, $0x1;
	v12 =	vmul.f32 $5.000000000e-01, v8  }
0x42e: {  	v11 =	vsub.s32 $0x5F3759DF, v11  }
0x42f: {  	v15 =	vmul.f32 v11, v12;
	_ =	sdelay $0x1  }
0x430: {  	v15 =	vmul.f32 v11, v15;
	_ =	sdelay $0x1  }
0x431: {  	v15 =	vsub.f32 $1.500000000e+00, v15;
	_ =	sdelay $0x1  }
0x432: {  	v11 =	vmul.f32 v11, v15;
	_ =	sdelay $0x1  }
0x433: {  	v12 =	vmul.f32 v11, v12  }
0x434: {  	v0 =	vmul.f32 $5.000000000e-01, v0  }
0x435: {  	v12 =	vmul.f32 v12, v11  }
0x436: {  	v0 =	vadd.f32 $4.625000000e+00, v0  }
0x437: {  	v15 =	vsub.f32 $1.275862100e+00, v7;
	v12 =	vsub.f32 $1.500000000e+00, v12;
	_ =	sdelay $0x1  }
0x438: {  	v0 =	vmul.f32 v0, v15;
	v11 =	vmul.f32 v12, v11;
	_ =	sdelay $0x1  }
0x439: {  	v8 =	vmul.f32 v11, v8;
	v11 =	vclamp.gez.f32 v0, v6  }
0x43a: {  	v11 =	vsub.f32 v6, v11  }
0x43b: {  	v7 =	vsub.f32 v8, v7  }
0x43c: {  	vm1 =	vgt.f32 v0, v6;
	v6 =	vor.u32 s25, v56;
	v0 =	vmul.f32 $1.081081110e-01, v11  }
0x43d: {  	v7 =	vsel vm1, v7, v15  }
0x43e: {  	v0 =	vadd.f32 v7, v0;
	_ =	sdelay $0x1  }
0x43f: {  	[tilespmem:$0xA700] =	vst v0  }
0x440: {  	v0 =	vld.idx.msk [tilespmem:v6+s9+$0x0], $0xffff  }
0x441: {  	v6 =	vld.idx.msk [tilespmem:v6+s11+$0x0], $0xffff  }
0x442: {  	v7 =	vld.idx.msk [tilespmem:v28+s5+$0x0], $0xffff  }
0x443: {  	v8 =	vld.idx.msk [tilespmem:v32+s5+$0x0], $0xffff;
	_ =	sdelay $0x4  }
0x444: {  	v0 =	vsub.f32 v0, v7;
	v6 =	vsub.f32 v6, v8;
	_ =	sdelay $0x1  }
0x445: {  	v7 =	vmul.f32 v0, v0;
	v8 =	vmul.f32 v6, v6;
	_ =	sdelay $0x1  }
0x446: {  	v7 =	vadd.f32 v8, v7;
	_ =	sdelay $0x1  }
0x447: {  	v8 =	vshra.s32 v7, $0x1;
	v11 =	vmul.f32 $5.000000000e-01, v7  }
0x448: {  	v8 =	vsub.s32 $0x5F3759DF, v8  }
0x449: {  	v12 =	vmul.f32 v8, v11;
	_ =	sdelay $0x1  }
0x44a: {  	v12 =	vmul.f32 v8, v12;
	_ =	sdelay $0x1  }
0x44b: {  	v12 =	vsub.f32 $1.500000000e+00, v12;
	_ =	sdelay $0x1  }
0x44c: {  	v15 =	vld.idx.msk [tilespmem:v26+s5+$0x0], $0xffff;
	v8 =	vmul.f32 v8, v12  }
0x44d: {  	v12 =	vld.idx.msk [tilespmem:v25+s5+$0x0], $0xffff  }
0x44e: {  	v11 =	vmul.f32 v8, v11;
	_ =	sdelay $0x1  }
0x44f: {  	v11 =	vmul.f32 v11, v8;
	_ =	sdelay $0x1  }
0x450: {  	v6 =	vmul.f32 v15, v6;
	v0 =	vmul.f32 v12, v0;
	v11 =	vsub.f32 $1.500000000e+00, v11;
	_ =	sdelay $0x1  }
0x451: {  	v0 =	vadd.f32 v6, v0;
	v8 =	vmul.f32 v11, v8;
	_ =	sdelay $0x1  }
0x452: {  	v0 =	vmul.f32 v8, v0;
	_ =	sdelay $0x1  }
0x453: {  	v0 =	vmax.f32 v0, $-9.250000000e+00  }
0x454: {  	v0 =	vmin.f32 v0, $9.250000000e+00  }
0x455: {  	v6 =	vmul.f32 v8, v7;
	v7 =	vmul.f32 $1.379310340e-01, v0;
	_ =	sdelay $0x1  }
0x456: {  	v11 =	vmul.f32 $2.758620680e-01, v6;
	v8 =	vmul.f32 v7, v7;
	_ =	sdelay $0x1  }
0x457: {  	v8 =	vadd.f32 v8, v11;
	_ =	sdelay $0x1  }
0x458: {  	v11 =	vshra.s32 v8, $0x1;
	v12 =	vmul.f32 $5.000000000e-01, v8  }
0x459: {  	v11 =	vsub.s32 $0x5F3759DF, v11  }
0x45a: {  	v15 =	vmul.f32 v11, v12;
	_ =	sdelay $0x1  }
0x45b: {  	v15 =	vmul.f32 v11, v15;
	_ =	sdelay $0x1  }
0x45c: {  	v15 =	vsub.f32 $1.500000000e+00, v15;
	_ =	sdelay $0x1  }
0x45d: {  	v11 =	vmul.f32 v11, v15;
	_ =	sdelay $0x1  }
0x45e: {  	v12 =	vmul.f32 v11, v12  }
0x45f: {  	v0 =	vmul.f32 $5.000000000e-01, v0  }
0x460: {  	v12 =	vmul.f32 v12, v11  }
0x461: {  	v0 =	vadd.f32 $4.625000000e+00, v0  }
0x462: {  	v15 =	vsub.f32 $1.275862100e+00, v7;
	v12 =	vsub.f32 $1.500000000e+00, v12;
	_ =	sdelay $0x1  }
0x463: {  	v0 =	vmul.f32 v0, v15;
	v11 =	vmul.f32 v12, v11;
	_ =	sdelay $0x1  }
0x464: {  	v8 =	vmul.f32 v11, v8;
	v11 =	vclamp.gez.f32 v0, v6  }
0x465: {  	v11 =	vsub.f32 v6, v11  }
0x466: {  	v7 =	vsub.f32 v8, v7  }
0x467: {  	vm1 =	vgt.f32 v0, v6;
	v6 =	vor.u32 s25, v51;
	v0 =	vmul.f32 $1.081081110e-01, v11  }
0x468: {  	v7 =	vsel vm1, v7, v15  }
0x469: {  	v0 =	vadd.f32 v7, v0;
	_ =	sdelay $0x1  }
0x46a: {  	[tilespmem:$0xA710] =	vst v0  }
0x46b: {  	v0 =	vld.idx.msk [tilespmem:v6+s9+$0x0], $0xffff  }
0x46c: {  	v6 =	vld.idx.msk [tilespmem:v6+s11+$0x0], $0xffff  }
0x46d: {  	v7 =	vld.idx.msk [tilespmem:v23+s5+$0x0], $0xffff  }
0x46e: {  	v8 =	vld.idx.msk [tilespmem:v24+s5+$0x0], $0xffff;
	_ =	sdelay $0x4  }
0x46f: {  	v0 =	vsub.f32 v0, v7;
	v6 =	vsub.f32 v6, v8;
	_ =	sdelay $0x1  }
0x470: {  	v7 =	vmul.f32 v0, v0;
	v8 =	vmul.f32 v6, v6;
	_ =	sdelay $0x1  }
0x471: {  	v7 =	vadd.f32 v8, v7;
	_ =	sdelay $0x1  }
0x472: {  	v8 =	vshra.s32 v7, $0x1;
	v11 =	vmul.f32 $5.000000000e-01, v7  }
0x473: {  	v8 =	vsub.s32 $0x5F3759DF, v8  }
0x474: {  	v12 =	vmul.f32 v8, v11;
	_ =	sdelay $0x1  }
0x475: {  	v12 =	vmul.f32 v8, v12;
	_ =	sdelay $0x1  }
0x476: {  	v12 =	vsub.f32 $1.500000000e+00, v12;
	_ =	sdelay $0x1  }
0x477: {  	v15 =	vld.idx.msk [tilespmem:v21+s5+$0x0], $0xffff;
	v8 =	vmul.f32 v8, v12  }
0x478: {  	v12 =	vld.idx.msk [tilespmem:v22+s5+$0x0], $0xffff  }
0x479: {  	v11 =	vmul.f32 v8, v11;
	_ =	sdelay $0x1  }
0x47a: {  	v11 =	vmul.f32 v11, v8;
	_ =	sdelay $0x1  }
0x47b: {  	v0 =	vmul.f32 v15, v0;
	v6 =	vmul.f32 v12, v6;
	v11 =	vsub.f32 $1.500000000e+00, v11;
	_ =	sdelay $0x1  }
0x47c: {  	v0 =	vadd.f32 v6, v0;
	v8 =	vmul.f32 v11, v8;
	_ =	sdelay $0x1  }
0x47d: {  	v0 =	vmul.f32 v8, v0;
	_ =	sdelay $0x1  }
0x47e: {  	v0 =	vmax.f32 v0, $-9.250000000e+00  }
0x47f: {  	v0 =	vmin.f32 v0, $9.250000000e+00  }
0x480: {  	v6 =	vmul.f32 v8, v7;
	v7 =	vmul.f32 $1.379310340e-01, v0;
	_ =	sdelay $0x1  }
0x481: {  	v11 =	vmul.f32 $2.758620680e-01, v6;
	v8 =	vmul.f32 v7, v7;
	_ =	sdelay $0x1  }
0x482: {  	v8 =	vadd.f32 v8, v11;
	_ =	sdelay $0x1  }
0x483: {  	v11 =	vshra.s32 v8, $0x1;
	v12 =	vmul.f32 $5.000000000e-01, v8  }
0x484: {  	v11 =	vsub.s32 $0x5F3759DF, v11  }
0x485: {  	v15 =	vmul.f32 v11, v12;
	_ =	sdelay $0x1  }
0x486: {  	v15 =	vmul.f32 v11, v15;
	_ =	sdelay $0x1  }
0x487: {  	v15 =	vsub.f32 $1.500000000e+00, v15;
	_ =	sdelay $0x1  }
0x488: {  	v11 =	vmul.f32 v11, v15;
	_ =	sdelay $0x1  }
0x489: {  	v12 =	vmul.f32 v11, v12  }
0x48a: {  	v0 =	vmul.f32 $5.000000000e-01, v0  }
0x48b: {  	v12 =	vmul.f32 v12, v11  }
0x48c: {  	v0 =	vadd.f32 $4.625000000e+00, v0  }
0x48d: {  	v15 =	vsub.f32 $1.275862100e+00, v7;
	v12 =	vsub.f32 $1.500000000e+00, v12;
	_ =	sdelay $0x1  }
0x48e: {  	v0 =	vmul.f32 v0, v15;
	v11 =	vmul.f32 v12, v11;
	_ =	sdelay $0x1  }
0x48f: {  	v8 =	vmul.f32 v11, v8;
	v11 =	vclamp.gez.f32 v0, v6  }
0x490: {  	v11 =	vsub.f32 v6, v11  }
0x491: {  	v7 =	vsub.f32 v8, v7  }
0x492: {  	vm1 =	vgt.f32 v0, v6;
	v6 =	vor.u32 $0x5, v2;
	v0 =	vmul.f32 $1.081081110e-01, v11  }
0x493: {  	v7 =	vsel vm1, v7, v15  }
0x494: {  	v0 =	vadd.f32 v7, v0;
	_ =	sdelay $0x1  }
0x495: {  	[tilespmem:$0xA720] =	vst v0  }
0x496: {  	v0 =	vld.idx.msk [tilespmem:v6+s9+$0x0], $0xffff  }
0x497: {  	v6 =	vld.idx.msk [tilespmem:v6+s11+$0x0], $0xffff  }
0x498: {  	v7 =	vld.idx.msk [tilespmem:v14+s5+$0x0], $0xffff  }
0x499: {  	v8 =	vld.idx.msk [tilespmem:v18+s5+$0x0], $0xffff;
	_ =	sdelay $0x4  }
0x49a: {  	v0 =	vsub.f32 v0, v7;
	v6 =	vsub.f32 v6, v8;
	_ =	sdelay $0x1  }
0x49b: {  	v7 =	vmul.f32 v0, v0;
	v8 =	vmul.f32 v6, v6;
	_ =	sdelay $0x1  }
0x49c: {  	v7 =	vadd.f32 v8, v7;
	_ =	sdelay $0x1  }
0x49d: {  	v8 =	vshra.s32 v7, $0x1;
	v11 =	vmul.f32 $5.000000000e-01, v7  }
0x49e: {  	v8 =	vsub.s32 $0x5F3759DF, v8  }
0x49f: {  	v12 =	vmul.f32 v8, v11;
	_ =	sdelay $0x1  }
0x4a0: {  	v12 =	vmul.f32 v8, v12;
	_ =	sdelay $0x1  }
0x4a1: {  	v12 =	vsub.f32 $1.500000000e+00, v12;
	_ =	sdelay $0x1  }
0x4a2: {  	v13 =	vld.idx.msk [tilespmem:v13+s5+$0x0], $0xffff;
	v8 =	vmul.f32 v8, v12  }
0x4a3: {  	v10 =	vld.idx.msk [tilespmem:v10+s5+$0x0], $0xffff  }
0x4a4: {  	v11 =	vmul.f32 v8, v11;
	_ =	sdelay $0x1  }
0x4a5: {  	v11 =	vmul.f32 v11, v8;
	_ =	sdelay $0x1  }
0x4a6: {  	v0 =	vmul.f32 v13, v0;
	v6 =	vmul.f32 v10, v6;
	v11 =	vsub.f32 $1.500000000e+00, v11;
	_ =	sdelay $0x1  }
0x4a7: {  	v0 =	vadd.f32 v6, v0;
	v8 =	vmul.f32 v11, v8;
	_ =	sdelay $0x1  }
0x4a8: {  	v0 =	vmul.f32 v8, v0;
	_ =	sdelay $0x1  }
0x4a9: {  	v0 =	vmax.f32 v0, $-9.250000000e+00  }
0x4aa: {  	v0 =	vmin.f32 v0, $9.250000000e+00  }
0x4ab: {  	v6 =	vmul.f32 v8, v7;
	v7 =	vmul.f32 $1.379310340e-01, v0;
	_ =	sdelay $0x1  }
0x4ac: {  	v10 =	vmul.f32 $2.758620680e-01, v6;
	v8 =	vmul.f32 v7, v7;
	_ =	sdelay $0x1  }
0x4ad: {  	v8 =	vadd.f32 v8, v10;
	_ =	sdelay $0x1  }
0x4ae: {  	v10 =	vshra.s32 v8, $0x1;
	v11 =	vmul.f32 $5.000000000e-01, v8  }
0x4af: {  	v10 =	vsub.s32 $0x5F3759DF, v10  }
0x4b0: {  	v12 =	vmul.f32 v10, v11;
	_ =	sdelay $0x1  }
0x4b1: {  	v12 =	vmul.f32 v10, v12;
	_ =	sdelay $0x1  }
0x4b2: {  	v12 =	vsub.f32 $1.500000000e+00, v12;
	_ =	sdelay $0x1  }
0x4b3: {  	v10 =	vmul.f32 v10, v12;
	_ =	sdelay $0x1  }
0x4b4: {  	v11 =	vmul.f32 v10, v11  }
0x4b5: {  	v0 =	vmul.f32 $5.000000000e-01, v0  }
0x4b6: {  	v11 =	vmul.f32 v11, v10  }
0x4b7: {  	v0 =	vadd.f32 $4.625000000e+00, v0  }
0x4b8: {  	v12 =	vsub.f32 $1.275862100e+00, v7;
	v11 =	vsub.f32 $1.500000000e+00, v11;
	_ =	sdelay $0x1  }
0x4b9: {  	v0 =	vmul.f32 v0, v12;
	v10 =	vmul.f32 v11, v10;
	_ =	sdelay $0x1  }
0x4ba: {  	v8 =	vmul.f32 v10, v8;
	v10 =	vclamp.gez.f32 v0, v6  }
0x4bb: {  	v10 =	vsub.f32 v6, v10  }
0x4bc: {  	v7 =	vsub.f32 v8, v7  }
0x4bd: {  	vm1 =	vgt.f32 v0, v6;
	v6 =	vor.u32 s25, v52;
	v0 =	vmul.f32 $1.081081110e-01, v10  }
0x4be: {  	v7 =	vsel vm1, v7, v12  }
0x4bf: {  	v0 =	vadd.f32 v7, v0;
	_ =	sdelay $0x1  }
0x4c0: {  	[tilespmem:$0xA730] =	vst v0  }
0x4c1: {  	v0 =	vld.idx.msk [tilespmem:v6+s9+$0x0], $0xffff  }
0x4c2: {  	v6 =	vld.idx.msk [tilespmem:v6+s11+$0x0], $0xffff  }
0x4c3: {  	v4 =	vld.idx.msk [tilespmem:v4+s5+$0x0], $0xffff  }
0x4c4: {  	v5 =	vld.idx.msk [tilespmem:v5+s5+$0x0], $0xffff;
	_ =	sdelay $0x4  }
0x4c5: {  	v0 =	vsub.f32 v0, v4;
	v4 =	vsub.f32 v6, v5;
	_ =	sdelay $0x1  }
0x4c6: {  	v5 =	vmul.f32 v0, v0;
	v6 =	vmul.f32 v4, v4;
	_ =	sdelay $0x1  }
0x4c7: {  	v5 =	vadd.f32 v6, v5;
	_ =	sdelay $0x1  }
0x4c8: {  	v6 =	vshra.s32 v5, $0x1;
	v7 =	vmul.f32 $5.000000000e-01, v5  }
0x4c9: {  	v6 =	vsub.s32 $0x5F3759DF, v6  }
0x4ca: {  	v8 =	vmul.f32 v6, v7;
	_ =	sdelay $0x1  }
0x4cb: {  	v8 =	vmul.f32 v6, v8;
	_ =	sdelay $0x1  }
0x4cc: {  	v8 =	vsub.f32 $1.500000000e+00, v8;
	_ =	sdelay $0x1  }
0x4cd: {  	v3 =	vld.idx.msk [tilespmem:v3+s5+$0x0], $0xffff;
	v6 =	vmul.f32 v6, v8  }
0x4ce: {  	v8 =	vld.idx.msk [tilespmem:v9+s5+$0x0], $0xffff  }
0x4cf: {  	v7 =	vmul.f32 v6, v7;
	_ =	sdelay $0x1  }
0x4d0: {  	v7 =	vmul.f32 v7, v6;
	_ =	sdelay $0x1  }
0x4d1: {  	v0 =	vmul.f32 v3, v0;
	v3 =	vmul.f32 v8, v4;
	v7 =	vsub.f32 $1.500000000e+00, v7;
	_ =	sdelay $0x1  }
0x4d2: {  	v0 =	vadd.f32 v3, v0;
	v4 =	vmul.f32 v7, v6;
	_ =	sdelay $0x1  }
0x4d3: {  	v0 =	vmul.f32 v4, v0;
	_ =	sdelay $0x1  }
0x4d4: {  	v0 =	vmax.f32 v0, $-9.250000000e+00  }
0x4d5: {  	v0 =	vmin.f32 v0, $9.250000000e+00  }
0x4d6: {  	v3 =	vmul.f32 v4, v5;
	v4 =	vmul.f32 $1.379310340e-01, v0;
	_ =	sdelay $0x1  }
0x4d7: {  	v6 =	vmul.f32 $2.758620680e-01, v3;
	v5 =	vmul.f32 v4, v4;
	_ =	sdelay $0x1  }
0x4d8: {  	v5 =	vadd.f32 v5, v6;
	_ =	sdelay $0x1  }
0x4d9: {  	v6 =	vshra.s32 v5, $0x1;
	v7 =	vmul.f32 $5.000000000e-01, v5  }
0x4da: {  	v6 =	vsub.s32 $0x5F3759DF, v6  }
0x4db: {  	v8 =	vmul.f32 v6, v7;
	_ =	sdelay $0x1  }
0x4dc: {  	v8 =	vmul.f32 v6, v8;
	_ =	sdelay $0x1  }
0x4dd: {  	v8 =	vsub.f32 $1.500000000e+00, v8;
	_ =	sdelay $0x1  }
0x4de: {  	v6 =	vmul.f32 v6, v8;
	_ =	sdelay $0x1  }
0x4df: {  	v7 =	vmul.f32 v6, v7  }
0x4e0: {  	v0 =	vmul.f32 $5.000000000e-01, v0  }
0x4e1: {  	v7 =	vmul.f32 v7, v6  }
0x4e2: {  	v0 =	vadd.f32 $4.625000000e+00, v0  }
0x4e3: {  	v8 =	vsub.f32 $1.275862100e+00, v4;
	v7 =	vsub.f32 $1.500000000e+00, v7;
	_ =	sdelay $0x1  }
0x4e4: {  	v0 =	vmul.f32 v0, v8;
	v6 =	vmul.f32 v7, v6;
	_ =	sdelay $0x1  }
0x4e5: {  	v5 =	vmul.f32 v6, v5;
	v6 =	vclamp.gez.f32 v0, v3  }
0x4e6: {  	v6 =	vsub.f32 v3, v6  }
0x4e7: {  	v4 =	vsub.f32 v5, v4  }
0x4e8: {  	vm1 =	vgt.f32 v0, v3;
	v3 =	vor.u32 s25, v55;
	v0 =	vmul.f32 $1.081081110e-01, v6  }
0x4e9: {  	v4 =	vsel vm1, v4, v8  }
0x4ea: {  	v0 =	vadd.f32 v4, v0;
	_ =	sdelay $0x1  }
0x4eb: {  	[tilespmem:$0xA740] =	vst v0  }
0x4ec: {  	v0 =	vld.idx.msk [tilespmem:v3+s9+$0x0], $0xffff  }
0x4ed: {  	v3 =	vld.idx.msk [tilespmem:v3+s11+$0x0], $0xffff  }
0x4ee: {  	v4 =	vld.idx.msk [tilespmem:v40+s5+$0x0], $0xffff  }
0x4ef: {  	v1 =	vld.idx.msk [tilespmem:v1+s5+$0x0], $0xffff;
	_ =	sdelay $0x4  }
0x4f0: {  	v0 =	vsub.f32 v0, v4;
	v1 =	vsub.f32 v3, v1;
	_ =	sdelay $0x1  }
0x4f1: {  	v3 =	vmul.f32 v0, v0;
	v4 =	vmul.f32 v1, v1;
	_ =	sdelay $0x1  }
0x4f2: {  	v3 =	vadd.f32 v4, v3;
	_ =	sdelay $0x1  }
0x4f3: {  	v4 =	vshra.s32 v3, $0x1;
	v5 =	vmul.f32 $5.000000000e-01, v3  }
0x4f4: {  	v4 =	vsub.s32 $0x5F3759DF, v4  }
0x4f5: {  	v6 =	vmul.f32 v4, v5;
	_ =	sdelay $0x1  }
0x4f6: {  	v6 =	vmul.f32 v4, v6;
	_ =	sdelay $0x1  }
0x4f7: {  	v6 =	vsub.f32 $1.500000000e+00, v6;
	_ =	sdelay $0x1  }
0x4f8: {  	v7 =	vld.idx.msk [tilespmem:v38+s5+$0x0], $0xffff;
	v4 =	vmul.f32 v4, v6  }
0x4f9: {  	v6 =	vld.idx.msk [tilespmem:v35+s5+$0x0], $0xffff  }
0x4fa: {  	v5 =	vmul.f32 v4, v5;
	_ =	sdelay $0x1  }
0x4fb: {  	v5 =	vmul.f32 v5, v4;
	_ =	sdelay $0x1  }
0x4fc: {  	v0 =	vmul.f32 v7, v0;
	v1 =	vmul.f32 v6, v1;
	v5 =	vsub.f32 $1.500000000e+00, v5;
	_ =	sdelay $0x1  }
0x4fd: {  	v0 =	vadd.f32 v1, v0;
	v4 =	vmul.f32 v5, v4;
	_ =	sdelay $0x1  }
0x4fe: {  	v0 =	vmul.f32 v4, v0;
	_ =	sdelay $0x1  }
0x4ff: {  	v0 =	vmax.f32 v0, $-9.250000000e+00  }
0x500: {  	v0 =	vmin.f32 v0, $9.250000000e+00  }
0x501: {  	v1 =	vmul.f32 v4, v3;
	v3 =	vmul.f32 $1.379310340e-01, v0;
	_ =	sdelay $0x1  }
0x502: {  	v5 =	vmul.f32 $2.758620680e-01, v1;
	v4 =	vmul.f32 v3, v3;
	_ =	sdelay $0x1  }
0x503: {  	v4 =	vadd.f32 v4, v5;
	_ =	sdelay $0x1  }
0x504: {  	v5 =	vshra.s32 v4, $0x1;
	v6 =	vmul.f32 $5.000000000e-01, v4  }
0x505: {  	v5 =	vsub.s32 $0x5F3759DF, v5  }
0x506: {  	v7 =	vmul.f32 v5, v6;
	_ =	sdelay $0x1  }
0x507: {  	v7 =	vmul.f32 v5, v7;
	_ =	sdelay $0x1  }
0x508: {  	v7 =	vsub.f32 $1.500000000e+00, v7;
	_ =	sdelay $0x1  }
0x509: {  	v5 =	vmul.f32 v5, v7;
	_ =	sdelay $0x1  }
0x50a: {  	v6 =	vmul.f32 v5, v6  }
0x50b: {  	v0 =	vmul.f32 $5.000000000e-01, v0  }
0x50c: {  	v6 =	vmul.f32 v6, v5  }
0x50d: {  	v0 =	vadd.f32 $4.625000000e+00, v0  }
0x50e: {  	v7 =	vsub.f32 $1.275862100e+00, v3;
	v6 =	vsub.f32 $1.500000000e+00, v6;
	_ =	sdelay $0x1  }
0x50f: {  	v0 =	vmul.f32 v0, v7;
	v5 =	vmul.f32 v6, v5;
	_ =	sdelay $0x1  }
0x510: {  	v4 =	vmul.f32 v5, v4;
	v5 =	vclamp.gez.f32 v0, v1  }
0x511: {  	v5 =	vsub.f32 v1, v5  }
0x512: {  	v3 =	vsub.f32 v4, v3  }
0x513: {  	vm1 =	vgt.f32 v0, v1;
	v1 =	vor.u32 $0x7, v2;
	v0 =	vmul.f32 $1.081081110e-01, v5  }
0x514: {  	v2 =	vsel vm1, v3, v7  }
0x515: {  	v0 =	vadd.f32 v2, v0;
	_ =	sdelay $0x1  }
0x516: {  	[tilespmem:$0xA750] =	vst v0  }
0x517: {  	v0 =	vld.idx.msk [tilespmem:v1+s9+$0x0], $0xffff  }
0x518: {  	v1 =	vld.idx.msk [tilespmem:v1+s11+$0x0], $0xffff  }
0x519: {  	v2 =	vld.idx.msk [tilespmem:v30+s5+$0x0], $0xffff  }
0x51a: {  	v3 =	vld.idx.msk [tilespmem:v31+s5+$0x0], $0xffff;
	_ =	sdelay $0x4  }
0x51b: {  	v0 =	vsub.f32 v0, v2;
	v1 =	vsub.f32 v1, v3;
	_ =	sdelay $0x1  }
0x51c: {  	v2 =	vmul.f32 v0, v0;
	v3 =	vmul.f32 v1, v1;
	_ =	sdelay $0x1  }
0x51d: {  	v2 =	vadd.f32 v3, v2;
	_ =	sdelay $0x1  }
0x51e: {  	v3 =	vshra.s32 v2, $0x1;
	v4 =	vmul.f32 $5.000000000e-01, v2  }
0x51f: {  	v3 =	vsub.s32 $0x5F3759DF, v3  }
0x520: {  	v5 =	vmul.f32 v3, v4;
	_ =	sdelay $0x1  }
0x521: {  	v5 =	vmul.f32 v3, v5;
	_ =	sdelay $0x1  }
0x522: {  	v5 =	vsub.f32 $1.500000000e+00, v5;
	_ =	sdelay $0x1  }
0x523: {  	v6 =	vld.idx.msk [tilespmem:v29+s5+$0x0], $0xffff;
	v3 =	vmul.f32 v3, v5  }
0x524: {  	v5 =	vld.idx.msk [tilespmem:v27+s5+$0x0], $0xffff  }
0x525: {  	v4 =	vmul.f32 v3, v4;
	_ =	sdelay $0x1  }
0x526: {  	v4 =	vmul.f32 v4, v3;
	_ =	sdelay $0x1  }
0x527: {  	v0 =	vmul.f32 v6, v0;
	v1 =	vmul.f32 v5, v1;
	v4 =	vsub.f32 $1.500000000e+00, v4;
	_ =	sdelay $0x1  }
0x528: {  	v0 =	vadd.f32 v1, v0;
	v3 =	vmul.f32 v4, v3;
	_ =	sdelay $0x1  }
0x529: {  	v0 =	vmul.f32 v3, v0;
	_ =	sdelay $0x1  }
0x52a: {  	v0 =	vmax.f32 v0, $-9.250000000e+00  }
0x52b: {  	v0 =	vmin.f32 v0, $9.250000000e+00  }
0x52c: {  	v1 =	vmul.f32 v3, v2;
	v2 =	vmul.f32 $1.379310340e-01, v0;
	_ =	sdelay $0x1  }
0x52d: {  	v4 =	vmul.f32 $2.758620680e-01, v1;
	v3 =	vmul.f32 v2, v2;
	_ =	sdelay $0x1  }
0x52e: {  	v3 =	vadd.f32 v3, v4;
	_ =	sdelay $0x1  }
0x52f: {  	v4 =	vshra.s32 v3, $0x1;
	v5 =	vmul.f32 $5.000000000e-01, v3  }
0x530: {  	v4 =	vsub.s32 $0x5F3759DF, v4  }
0x531: {  	v6 =	vmul.f32 v4, v5;
	_ =	sdelay $0x1  }
0x532: {  	v6 =	vmul.f32 v4, v6;
	_ =	sdelay $0x1  }
0x533: {  	v6 =	vsub.f32 $1.500000000e+00, v6;
	_ =	sdelay $0x1  }
0x534: {  	v4 =	vmul.f32 v4, v6;
	_ =	sdelay $0x1  }
0x535: {  	v5 =	vmul.f32 v4, v5  }
0x536: {  	v0 =	vmul.f32 $5.000000000e-01, v0  }
0x537: {  	v5 =	vmul.f32 v5, v4  }
0x538: {  	v0 =	vadd.f32 $4.625000000e+00, v0  }
0x539: {  	v6 =	vsub.f32 $1.275862100e+00, v2;
	v5 =	vsub.f32 $1.500000000e+00, v5;
	_ =	sdelay $0x1  }
0x53a: {  	v0 =	vmul.f32 v0, v6;
	v4 =	vmul.f32 v5, v4;
	_ =	sdelay $0x1  }
0x53b: {  	s2 =	sor.u32 $0x1, s24;
	v3 =	vmul.f32 v4, v3;
	v4 =	vclamp.gez.f32 v0, v1  }
0x53c: {  	s24 =	smulhi.u32 $0x66666667, s2;
	v4 =	vsub.f32 v1, v4  }
0x53d: {  	v2 =	vsub.f32 v3, v2  }
0x53e: {  	s24 =	sshrl.u32 s24, $0x1;
	vm1 =	vgt.f32 v0, v1;
	v0 =	vmul.f32 $1.081081110e-01, v4  }
0x53f: {  	s30 =	sshll.u32 s24, $0x7;
	v1 =	vsel vm1, v2, v6  }
0x540: {  	v0 =	vadd.f32 v1, v0;
	v1 =	vor.u32 s30, v61  }
0x541: {  	[tilespmem:$0x1FB70] =	vst v1;
	v1 =	vld [tilespmem:$0x1FCF0];
	_ =	sdelay $0x4  }
0x542: {  	v57 =	vor.u32 s30, v1;
	v1 =	vld [tilespmem:$0x1FD00];
	_ =	sdelay $0x4  }
0x543: {  	v1 =	vor.u32 s30, v1  }
0x544: {  	[tilespmem:$0x1FB80] =	vst v1;
	v1 =	vld [tilespmem:$0x1FD10];
	_ =	sdelay $0x4  }
0x545: {  	v1 =	vor.u32 s30, v1  }
0x546: {  	[tilespmem:$0x1FB90] =	vst v1;
	v1 =	vld [tilespmem:$0x1FD20];
	_ =	sdelay $0x4  }
0x547: {  	v45 =	vor.u32 s30, v1;
	v1 =	vld [tilespmem:$0x1FD60];
	_ =	sdelay $0x4  }
0x548: {  	v46 =	vor.u32 s30, v1;
	v1 =	vld [tilespmem:$0x1FD80];
	_ =	sdelay $0x4  }
0x549: {  	v44 =	vor.u32 s30, v1;
	v1 =	vld [tilespmem:$0x1FDB0];
	_ =	sdelay $0x4  }
0x54a: {  	v43 =	vor.u32 s30, v1;
	v1 =	vld [tilespmem:$0x1FDC0];
	_ =	sdelay $0x4  }
0x54b: {  	v41 =	vor.u32 s30, v1;
	v1 =	vld [tilespmem:$0x1FDE0];
	_ =	sdelay $0x4  }
0x54c: {  	v42 =	vor.u32 s30, v1;
	v1 =	vld [tilespmem:$0x1FE20];
	_ =	sdelay $0x4  }
0x54d: {  	v39 =	vor.u32 s30, v1;
	v1 =	vld [tilespmem:$0x1FE40];
	_ =	sdelay $0x4  }
0x54e: {  	v40 =	vor.u32 s30, v1;
	v1 =	vld [tilespmem:$0x1FE50];
	_ =	sdelay $0x4  }
0x54f: {  	v37 =	vor.u32 s30, v1;
	v1 =	vld [tilespmem:$0x1FE60]  }
0x550: {  	[tilespmem:$0xA760] =	vst v0;
	v0 =	vld [tilespmem:$0x1FBD0];
	_ =	sdelay $0x3  }
0x551: {  	v38 =	vor.u32 s30, v1;
	v1 =	vld [tilespmem:$0x1FE70]  }
0x552: {  	v26 =	vor.u32 s30, v0;
	v0 =	vld [tilespmem:$0x1FF70];
	_ =	sdelay $0x3  }
0x553: {  	v36 =	vor.u32 s30, v1;
	v1 =	vld [tilespmem:$0x1FE80]  }
0x554: {  	v23 =	vor.u32 s30, v0;
	v0 =	vld [tilespmem:$0x1FBE0];
	_ =	sdelay $0x3  }
0x555: {  	v35 =	vor.u32 s30, v1;
	v1 =	vld [tilespmem:$0x1FEB0]  }
0x556: {  	v24 =	vor.u32 s30, v0;
	v0 =	vld [tilespmem:$0x1FBF0];
	_ =	sdelay $0x3  }
0x557: {  	v33 =	vor.u32 s30, v1;
	v1 =	vld [tilespmem:$0x1FEA0]  }
0x558: {  	v22 =	vor.u32 s30, v0;
	v0 =	vld [tilespmem:$0x1FC00];
	_ =	sdelay $0x3  }
0x559: {  	v34 =	vor.u32 s30, v1;
	v1 =	vld [tilespmem:$0x1FED0]  }
0x55a: {  	v21 =	vor.u32 s30, v0;
	v0 =	vld [tilespmem:$0x1FC10];
	_ =	sdelay $0x3  }
0x55b: {  	v32 =	vor.u32 s30, v1;
	v1 =	vld [tilespmem:$0x1FEF0]  }
0x55c: {  	v14 =	vor.u32 s30, v0;
	v0 =	vld [tilespmem:$0x1FC20];
	_ =	sdelay $0x3  }
0x55d: {  	v31 =	vor.u32 s30, v1;
	v1 =	vld [tilespmem:$0x1FF10]  }
0x55e: {  	v18 =	vor.u32 s30, v0;
	v0 =	vld [tilespmem:$0x1FC30];
	_ =	sdelay $0x1  }
0x55f: {  	s23 =	smul.u32 $0x23730, s23  }
0x560: {  	s22 =	smul.u32 $0x7170, s22  }
0x561: {  	v28 =	vor.u32 s30, v1;
	v1 =	vld [tilespmem:$0x1FF20]  }
0x562: {  	s22 =	sadd.s32 s22, s23;
	v13 =	vor.u32 s30, v0;
	v0 =	vld [tilespmem:$0x1FC40]  }
0x563: {  	s22 =	sshrl.u32 s22, $0x3  }
0x564: {  	s26 =	simm.s32 @!p0 $0x2;
	s22 =	sadd.s32 s3, s22  }
0x565: {  	[hbm4b:s22+s5] =	stream.linear.scatter [tilespmem:s12], [sflag:$0x1], $0x7170, $0x38;
	[tilespmem:$0x11900] =	vst v63  }
0x566: {  	v30 =	vor.u32 s30, v1;
	v1 =	vld [tilespmem:$0x1FF40];
	_ =	swait.ge @!p0 [sflag:s26], $0x7170  }
0x567: {  	v10 =	vor.u32 s30, v0;
	v0 =	vld [tilespmem:$0x1FFC0];
	_ =	sdelay $0x4  }
0x568: {  	v5 =	vor.u32 s30, v0;
	v0 =	vld [tilespmem:$0x1FC50];
	_ =	sdelay $0x4  }
0x569: {  	v9 =	vor.u32 s30, v0;
	v0 =	vld [tilespmem:$0x1FC60];
	_ =	sdelay $0x4  }
0x56a: {  	v3 =	vor.u32 s30, v0;
	v0 =	vld [tilespmem:$0x1FC70];
	_ =	sdelay $0x4  }
0x56b: {  	v4 =	vor.u32 s30, v0;
	v0 =	vld [tilespmem:$0x1FFD0];
	_ =	sdelay $0x4  }
0x56c: {  	v27 =	vor.u32 s30, v0;
	v0 =	vld [tilespmem:$0x1FC80];
	_ =	sdelay $0x4  }
0x56d: {  	v29 =	vor.u32 s30, v0;
	v0 =	vld [tilespmem:$0x1FC90];
	_ =	sdelay $0x4  }
0x56e: {  	v25 =	vor.u32 s30, v1;
	v1 =	vor.u32 s30, v0;
	v0 =	vld [tilespmem:$0x1FCA0];
	_ =	sdelay $0x4  }
0x56f: {  	v11 =	vor.u32 s30, v0;
	v0 =	vld [tilespmem:$0x1FCB0];
	_ =	sdelay $0x4  }
0x570: {  	v7 =	vor.u32 s30, v0;
	v0 =	vld [tilespmem:$0x1FCC0];
	_ =	sdelay $0x4  }
0x571: {  	v8 =	vor.u32 s30, v0;
	v0 =	vld [tilespmem:$0x1FCD0];
	_ =	sdelay $0x4  }
0x572: {  	v6 =	vor.u32 s30, v0;
	v0 =	vld [tilespmem:$0x1FCE0];
	_ =	sdelay $0x1  }
0x573: {  	s31 =	smul.u32 $0x5, s24  }
0x574: {  	s28 =	simm.s32 $0xA830;
	s23 =	sadd.s32 s7, s24  }
0x575: {  	s25 =	simm.s32 $0xFFFFFFFE;
	s22 =	ssub.s32 s2, s31;
	[sflag:s26] =	ssyncset.done @!p0 $0x0  }
0x576: {  	s24 =	smul.u32 $0x528, s22;
	[sflag:s26] =	ssyncadd.s32 @!p0 $0xFFFF8E90;
	s26 =	simm.s32 $0xB0;
	v2 =	vor.u32 s30, v0  }
.LBB2_5:
0x577: {  	v12 =	vld [tilespmem:$0x1FB70];
	_ =	sdelay $0x3  }
0x578: {  	s30 =	sadd.s32 $0x528, s21  }
0x579: {  	v15 =	vmov s30;
	_ =	sdelay $0x1  }
0x57a: {  	s29 =	sadd.s32 $0x530, s21  }
0x57b: {  	v17 =	vld.idx.msk [tilespmem:v12+s5+$0x0], $0xffff;
	v12 =	vmov s29  }
0x57c: {  	v19 =	vld.idx.msk [tilespmem:v57+s5+$0x0], $0xffff  }
0x57d: {  	v0 =	vld.idx.msk [tilespmem:v15+s9+$0x0], $0xffff  }
0x57e: {  	v16 =	vld.idx.msk [tilespmem:v15+s11+$0x0], $0xffff;
	_ =	sdelay $0x1  }
0x57f: {  	v20 =	vld.idx.msk [tilespmem:v12+s9+$0x0], $0xffff  }
0x580: {  	v58 =	vld.idx.msk [tilespmem:v12+s11+$0x0], $0xffff;
	_ =	sdelay $0x1  }
0x581: {  	v16 =	vsub.f32 v16, v19;
	v0 =	vsub.f32 v0, v17;
	_ =	sdelay $0x1  }
0x582: {  	v60 =	vmul.f32 v16, v16;
	v59 =	vmul.f32 v0, v0  }
0x583: {  	v17 =	vsub.f32 v20, v17;
	v19 =	vsub.f32 v58, v19  }
0x584: {  	v59 =	vadd.f32 v60, v59  }
0x585: {  	v54 =	vmul.f32 v17, v17;
	v61 =	vmul.f32 v19, v19  }
0x586: {  	v20 =	vshra.s32 v59, $0x1;
	v58 =	vmul.f32 $5.000000000e-01, v59  }
0x587: {  	v20 =	vsub.s32 $0x5F3759DF, v20;
	v60 =	vadd.f32 v61, v54  }
0x588: {  	v62 =	vmul.f32 v20, v58  }
0x589: {  	v54 =	vld [tilespmem:$0x1FB90];
	v53 =	vshra.s32 v60, $0x1  }
0x58a: {  	v47 =	vmul.f32 v20, v62;
	v62 =	vsub.s32 $0x5F3759DF, v53;
	v53 =	vld [tilespmem:$0x1FB80];
	_ =	sdelay $0x3  }
0x58b: {  	v63 =	vmul.f32 $5.000000000e-01, v60  }
0x58c: {  	v61 =	vsub.f32 $1.500000000e+00, v47  }
0x58d: {  	v47 =	vmul.f32 v62, v63  }
0x58e: {  	v20 =	vmul.f32 v20, v61;
	v54 =	vld.idx.msk [tilespmem:v54+s5+$0x0], $0xffff  }
0x58f: {  	v47 =	vmul.f32 v62, v47;
	v53 =	vld.idx.msk [tilespmem:v53+s5+$0x0], $0xffff  }
0x590: {  	v58 =	vmul.f32 v20, v58  }
0x591: {  	v47 =	vsub.f32 $1.500000000e+00, v47  }
0x592: {  	v58 =	vmul.f32 v58, v20  }
0x593: {  	v47 =	vmul.f32 v62, v47  }
0x594: {  	v58 =	vsub.f32 $1.500000000e+00, v58;
	v16 =	vmul.f32 v54, v16;
	v0 =	vmul.f32 v53, v0  }
0x595: {  	v62 =	vmul.f32 v47, v63  }
0x596: {  	v20 =	vmul.f32 v58, v20;
	v0 =	vadd.f32 v16, v0  }
0x597: {  	v16 =	vmul.f32 v62, v47  }
0x598: {  	v0 =	vmul.f32 v20, v0  }
0x599: {  	v19 =	vmul.f32 v19, v54;
	v17 =	vmul.f32 v17, v53;
	v16 =	vsub.f32 $1.500000000e+00, v16  }
0x59a: {  	v0 =	vmax.f32 v0, $-9.250000000e+00  }
0x59b: {  	v17 =	vadd.f32 v19, v17;
	v16 =	vmul.f32 v16, v47;
	v0 =	vmin.f32 v0, $9.250000000e+00  }
0x59c: {  	v19 =	vmul.f32 v20, v59;
	v20 =	vmul.f32 $1.379310340e-01, v0  }
0x59d: {  	v17 =	vmul.f32 v16, v17  }
0x59e: {  	v62 =	vmul.f32 $2.758620680e-01, v19;
	v61 =	vmul.f32 v20, v20  }
0x59f: {  	v17 =	vmax.f32 v17, $-9.250000000e+00  }
0x5a0: {  	v17 =	vmin.f32 v17, $9.250000000e+00;
	v47 =	vadd.f32 v61, v62  }
0x5a1: {  	v16 =	vmul.f32 v16, v60;
	v53 =	vmul.f32 $1.379310340e-01, v17  }
0x5a2: {  	v63 =	vshra.s32 v47, $0x1;
	v59 =	vmul.f32 $5.000000000e-01, v47  }
0x5a3: {  	v61 =	vmul.f32 $2.758620680e-01, v16;
	v60 =	vmul.f32 v53, v53;
	v58 =	vsub.s32 $0x5F3759DF, v63  }
0x5a4: {  	v54 =	vmul.f32 v58, v59  }
0x5a5: {  	v60 =	vadd.f32 v60, v61  }
0x5a6: {  	v61 =	vmul.f32 v58, v54  }
0x5a7: {  	v54 =	vshra.s32 v60, $0x1;
	v63 =	vmul.f32 $5.000000000e-01, v60  }
0x5a8: {  	v62 =	vsub.s32 $0x5F3759DF, v54;
	v61 =	vsub.f32 $1.500000000e+00, v61  }
0x5a9: {  	v54 =	vmul.f32 v62, v63  }
0x5aa: {  	v58 =	vmul.f32 v58, v61  }
0x5ab: {  	v54 =	vmul.f32 v62, v54  }
0x5ac: {  	v59 =	vmul.f32 v58, v59  }
0x5ad: {  	v0 =	vmul.f32 $5.000000000e-01, v0;
	v54 =	vsub.f32 $1.500000000e+00, v54  }
0x5ae: {  	v59 =	vmul.f32 v59, v58  }
0x5af: {  	v0 =	vadd.f32 $4.625000000e+00, v0;
	v61 =	vsub.f32 $1.275862100e+00, v20;
	v54 =	vmul.f32 v62, v54  }
0x5b0: {  	v59 =	vsub.f32 $1.500000000e+00, v59  }
0x5b1: {  	v0 =	vmul.f32 v0, v61;
	v62 =	vmul.f32 v54, v63  }
0x5b2: {  	v17 =	vmul.f32 $5.000000000e-01, v17;
	v58 =	vmul.f32 v59, v58  }
0x5b3: {  	v59 =	vclamp.gez.f32 v0, v19;
	v62 =	vmul.f32 v62, v54  }
0x5b4: {  	v17 =	vadd.f32 $4.625000000e+00, v17;
	v47 =	vmul.f32 v58, v47;
	v58 =	vsub.f32 v19, v59  }
0x5b5: {  	v59 =	vsub.f32 $1.275862100e+00, v53;
	v62 =	vsub.f32 $1.500000000e+00, v62  }
0x5b6: {  	vm1 =	vgt.f32 v0, v19;
	v20 =	vsub.f32 v47, v20;
	v0 =	vmul.f32 $1.081081110e-01, v58  }
0x5b7: {  	v19 =	vor.u32 s30, v48;
	v17 =	vmul.f32 v17, v59;
	v63 =	vmul.f32 v62, v54  }
0x5b8: {  	v20 =	vsel vm1, v20, v61  }
0x5b9: {  	v54 =	vclamp.gez.f32 v17, v16;
	v0 =	vadd.f32 v20, v0;
	v20 =	vmul.f32 v63, v60  }
0x5ba: {  	v47 =	vsub.f32 v16, v54  }
0x5bb: {  	[tilespmem:s28+$0xFFFFFF50] =	vst v0;
	v0 =	vsub.f32 v20, v53  }
0x5bc: {  	vm1 =	vgt.f32 v17, v16;
	v17 =	vor.u32 s29, v48;
	v16 =	vmul.f32 $1.081081110e-01, v47;
	v20 =	vld.idx.msk [tilespmem:v19+s9+$0x0], $0xffff  }
0x5bd: {  	v19 =	vld.idx.msk [tilespmem:v19+s11+$0x0], $0xffff;
	v0 =	vsel vm1, v0, v59  }
0x5be: {  	v58 =	vld.idx.msk [tilespmem:v45+s5+$0x0], $0xffff;
	v0 =	vadd.f32 v0, v16  }
0x5bf: {  	v16 =	vld.idx.msk [tilespmem:v46+s5+$0x0], $0xffff  }
0x5c0: {  	[tilespmem:s28+$0x0] =	vst v0  }
0x5c1: {  	v0 =	vld.idx.msk [tilespmem:v17+s9+$0x0], $0xffff  }
0x5c2: {  	v17 =	vld.idx.msk [tilespmem:v17+s11+$0x0], $0xffff  }
0x5c3: {  	v59 =	vld.idx.msk [tilespmem:v45+s5+$0x0], $0xffff  }
0x5c4: {  	v20 =	vsub.f32 v20, v58;
	v16 =	vsub.f32 v19, v16;
	v19 =	vld.idx.msk [tilespmem:v46+s5+$0x0], $0xffff;
	_ =	sdelay $0x1  }
0x5c5: {  	v47 =	vmul.f32 v20, v20;
	v60 =	vmul.f32 v16, v16;
	_ =	sdelay $0x1  }
0x5c6: {  	v47 =	vadd.f32 v60, v47  }
0x5c7: {  	v0 =	vsub.f32 v0, v59;
	v17 =	vsub.f32 v17, v19  }
0x5c8: {  	v19 =	vshra.s32 v47, $0x1;
	v53 =	vmul.f32 $5.000000000e-01, v47  }
0x5c9: {  	v61 =	vmul.f32 v0, v0;
	v19 =	vsub.s32 $0x5F3759DF, v19;
	v62 =	vmul.f32 v17, v17  }
0x5ca: {  	v63 =	vmul.f32 v19, v53  }
0x5cb: {  	v54 =	vadd.f32 v62, v61  }
0x5cc: {  	v58 =	vmul.f32 v19, v63  }
0x5cd: {  	v59 =	vshra.s32 v54, $0x1;
	v60 =	vmul.f32 $5.000000000e-01, v54  }
0x5ce: {  	v58 =	vsub.f32 $1.500000000e+00, v58;
	v59 =	vsub.s32 $0x5F3759DF, v59  }
0x5cf: {  	v61 =	vmul.f32 v59, v60  }
0x5d0: {  	v62 =	vld.idx.msk [tilespmem:v44+s5+$0x0], $0xffff;
	v19 =	vmul.f32 v19, v58  }
0x5d1: {  	v58 =	vld.idx.msk [tilespmem:v43+s5+$0x0], $0xffff;
	v61 =	vmul.f32 v59, v61  }
0x5d2: {  	v53 =	vmul.f32 v19, v53  }
0x5d3: {  	v61 =	vsub.f32 $1.500000000e+00, v61  }
0x5d4: {  	v53 =	vmul.f32 v53, v19  }
0x5d5: {  	v63 =	vld.idx.msk [tilespmem:v44+s5+$0x0], $0xffff;
	v59 =	vmul.f32 v59, v61  }
0x5d6: {  	v20 =	vmul.f32 v62, v20;
	v16 =	vmul.f32 v58, v16;
	v58 =	vld.idx.msk [tilespmem:v43+s5+$0x0], $0xffff;
	v53 =	vsub.f32 $1.500000000e+00, v53  }
0x5d7: {  	v60 =	vmul.f32 v59, v60  }
0x5d8: {  	v16 =	vadd.f32 v16, v20;
	v19 =	vmul.f32 v53, v19  }
0x5d9: {  	v20 =	vmul.f32 v60, v59  }
0x5da: {  	v16 =	vmul.f32 v19, v16  }
0x5db: {  	v0 =	vmul.f32 v63, v0;
	v17 =	vmul.f32 v58, v17;
	v20 =	vsub.f32 $1.500000000e+00, v20  }
0x5dc: {  	v16 =	vmax.f32 v16, $-9.250000000e+00  }
0x5dd: {  	v0 =	vadd.f32 v17, v0;
	v16 =	vmin.f32 v16, $9.250000000e+00;
	v20 =	vmul.f32 v20, v59  }
0x5de: {  	v17 =	vmul.f32 v19, v47;
	v19 =	vmul.f32 $1.379310340e-01, v16  }
0x5df: {  	v0 =	vmul.f32 v20, v0  }
0x5e0: {  	v60 =	vmul.f32 $2.758620680e-01, v17;
	v59 =	vmul.f32 v19, v19  }
0x5e1: {  	v0 =	vmax.f32 v0, $-9.250000000e+00  }
0x5e2: {  	v47 =	vadd.f32 v59, v60;
	v0 =	vmin.f32 v0, $9.250000000e+00  }
0x5e3: {  	v20 =	vmul.f32 v20, v54;
	v53 =	vmul.f32 $1.379310340e-01, v0  }
0x5e4: {  	v61 =	vshra.s32 v47, $0x1;
	v58 =	vmul.f32 $5.000000000e-01, v47  }
0x5e5: {  	v60 =	vmul.f32 $2.758620680e-01, v20;
	v54 =	vsub.s32 $0x5F3759DF, v61;
	v59 =	vmul.f32 v53, v53  }
0x5e6: {  	v61 =	vmul.f32 v54, v58  }
0x5e7: {  	v59 =	vadd.f32 v59, v60  }
0x5e8: {  	v60 =	vmul.f32 v54, v61  }
0x5e9: {  	v61 =	vshra.s32 v59, $0x1;
	v62 =	vmul.f32 $5.000000000e-01, v59  }
0x5ea: {  	v60 =	vsub.f32 $1.500000000e+00, v60;
	v61 =	vsub.s32 $0x5F3759DF, v61  }
0x5eb: {  	v63 =	vmul.f32 v61, v62  }
0x5ec: {  	v54 =	vmul.f32 v54, v60  }
0x5ed: {  	v60 =	vmul.f32 v61, v63  }
0x5ee: {  	v58 =	vmul.f32 v54, v58  }
0x5ef: {  	v16 =	vmul.f32 $5.000000000e-01, v16;
	v60 =	vsub.f32 $1.500000000e+00, v60  }
0x5f0: {  	v58 =	vmul.f32 v58, v54  }
0x5f1: {  	v16 =	vadd.f32 $4.625000000e+00, v16;
	v63 =	vsub.f32 $1.275862100e+00, v19;
	v60 =	vmul.f32 v61, v60  }
0x5f2: {  	v58 =	vsub.f32 $1.500000000e+00, v58  }
0x5f3: {  	v16 =	vmul.f32 v16, v63;
	v61 =	vmul.f32 v60, v62  }
0x5f4: {  	v0 =	vmul.f32 $5.000000000e-01, v0;
	v54 =	vmul.f32 v58, v54  }
0x5f5: {  	v58 =	vclamp.gez.f32 v16, v17;
	v61 =	vmul.f32 v61, v60  }
0x5f6: {  	v0 =	vadd.f32 $4.625000000e+00, v0;
	v47 =	vmul.f32 v54, v47;
	v54 =	vsub.f32 v17, v58  }
0x5f7: {  	v58 =	vsub.f32 $1.275862100e+00, v53;
	v61 =	vsub.f32 $1.500000000e+00, v61  }
0x5f8: {  	vm1 =	vgt.f32 v16, v17;
	v19 =	vsub.f32 v47, v19;
	v16 =	vmul.f32 $1.081081110e-01, v54  }
0x5f9: {  	v17 =	vor.u32 s30, v49;
	v0 =	vmul.f32 v0, v58;
	v62 =	vmul.f32 v61, v60  }
0x5fa: {  	v19 =	vsel vm1, v19, v63  }
0x5fb: {  	v54 =	vclamp.gez.f32 v0, v20;
	v16 =	vadd.f32 v19, v16;
	v19 =	vmul.f32 v62, v59  }
0x5fc: {  	v47 =	vsub.f32 v20, v54  }
0x5fd: {  	[tilespmem:s28+$0xFFFFFF60] =	vst v16;
	v16 =	vsub.f32 v19, v53  }
0x5fe: {  	vm1 =	vgt.f32 v0, v20;
	v20 =	vor.u32 s29, v49;
	v0 =	vmul.f32 $1.081081110e-01, v47;
	v19 =	vld.idx.msk [tilespmem:v17+s9+$0x0], $0xffff  }
0x5ff: {  	v17 =	vld.idx.msk [tilespmem:v17+s11+$0x0], $0xffff;
	v16 =	vsel vm1, v16, v58  }
0x600: {  	v58 =	vld.idx.msk [tilespmem:v41+s5+$0x0], $0xffff;
	v0 =	vadd.f32 v16, v0  }
0x601: {  	v16 =	vld.idx.msk [tilespmem:v42+s5+$0x0], $0xffff  }
0x602: {  	[tilespmem:s28+$0x10] =	vst v0  }
0x603: {  	v0 =	vld.idx.msk [tilespmem:v20+s9+$0x0], $0xffff  }
0x604: {  	v20 =	vld.idx.msk [tilespmem:v20+s11+$0x0], $0xffff  }
0x605: {  	v59 =	vld.idx.msk [tilespmem:v41+s5+$0x0], $0xffff  }
0x606: {  	v19 =	vsub.f32 v19, v58;
	v16 =	vsub.f32 v17, v16;
	v17 =	vld.idx.msk [tilespmem:v42+s5+$0x0], $0xffff;
	_ =	sdelay $0x1  }
0x607: {  	v47 =	vmul.f32 v19, v19;
	v60 =	vmul.f32 v16, v16;
	_ =	sdelay $0x1  }
0x608: {  	v47 =	vadd.f32 v60, v47  }
0x609: {  	v0 =	vsub.f32 v0, v59;
	v17 =	vsub.f32 v20, v17  }
0x60a: {  	v20 =	vshra.s32 v47, $0x1;
	v53 =	vmul.f32 $5.000000000e-01, v47  }
0x60b: {  	v61 =	vmul.f32 v0, v0;
	v20 =	vsub.s32 $0x5F3759DF, v20;
	v62 =	vmul.f32 v17, v17  }
0x60c: {  	v63 =	vmul.f32 v20, v53  }
0x60d: {  	v54 =	vadd.f32 v62, v61  }
0x60e: {  	v58 =	vmul.f32 v20, v63  }
0x60f: {  	v59 =	vshra.s32 v54, $0x1;
	v60 =	vmul.f32 $5.000000000e-01, v54  }
0x610: {  	v58 =	vsub.f32 $1.500000000e+00, v58;
	v59 =	vsub.s32 $0x5F3759DF, v59  }
0x611: {  	v61 =	vmul.f32 v59, v60  }
0x612: {  	v62 =	vld.idx.msk [tilespmem:v39+s5+$0x0], $0xffff;
	v20 =	vmul.f32 v20, v58  }
0x613: {  	v58 =	vld.idx.msk [tilespmem:v40+s5+$0x0], $0xffff;
	v61 =	vmul.f32 v59, v61  }
0x614: {  	v53 =	vmul.f32 v20, v53  }
0x615: {  	v61 =	vsub.f32 $1.500000000e+00, v61  }
0x616: {  	v53 =	vmul.f32 v53, v20  }
0x617: {  	v63 =	vld.idx.msk [tilespmem:v39+s5+$0x0], $0xffff;
	v59 =	vmul.f32 v59, v61  }
0x618: {  	v19 =	vmul.f32 v62, v19;
	v16 =	vmul.f32 v58, v16;
	v58 =	vld.idx.msk [tilespmem:v40+s5+$0x0], $0xffff;
	v53 =	vsub.f32 $1.500000000e+00, v53  }
0x619: {  	v60 =	vmul.f32 v59, v60  }
0x61a: {  	v16 =	vadd.f32 v16, v19;
	v20 =	vmul.f32 v53, v20  }
0x61b: {  	v19 =	vmul.f32 v60, v59  }
0x61c: {  	v16 =	vmul.f32 v20, v16  }
0x61d: {  	v0 =	vmul.f32 v63, v0;
	v17 =	vmul.f32 v58, v17;
	v19 =	vsub.f32 $1.500000000e+00, v19  }
0x61e: {  	v16 =	vmax.f32 v16, $-9.250000000e+00  }
0x61f: {  	v0 =	vadd.f32 v17, v0;
	v16 =	vmin.f32 v16, $9.250000000e+00;
	v19 =	vmul.f32 v19, v59  }
0x620: {  	v17 =	vmul.f32 v20, v47;
	v20 =	vmul.f32 $1.379310340e-01, v16  }
0x621: {  	v0 =	vmul.f32 v19, v0  }
0x622: {  	v60 =	vmul.f32 $2.758620680e-01, v17;
	v59 =	vmul.f32 v20, v20  }
0x623: {  	v0 =	vmax.f32 v0, $-9.250000000e+00  }
0x624: {  	v47 =	vadd.f32 v59, v60;
	v0 =	vmin.f32 v0, $9.250000000e+00  }
0x625: {  	v19 =	vmul.f32 v19, v54;
	v53 =	vmul.f32 $1.379310340e-01, v0  }
0x626: {  	v61 =	vshra.s32 v47, $0x1;
	v58 =	vmul.f32 $5.000000000e-01, v47  }
0x627: {  	v60 =	vmul.f32 $2.758620680e-01, v19;
	v54 =	vsub.s32 $0x5F3759DF, v61;
	v59 =	vmul.f32 v53, v53  }
0x628: {  	v61 =	vmul.f32 v54, v58  }
0x629: {  	v59 =	vadd.f32 v59, v60  }
0x62a: {  	v60 =	vmul.f32 v54, v61  }
0x62b: {  	v61 =	vshra.s32 v59, $0x1;
	v62 =	vmul.f32 $5.000000000e-01, v59  }
0x62c: {  	v60 =	vsub.f32 $1.500000000e+00, v60;
	v61 =	vsub.s32 $0x5F3759DF, v61  }
0x62d: {  	v63 =	vmul.f32 v61, v62  }
0x62e: {  	v54 =	vmul.f32 v54, v60  }
0x62f: {  	v60 =	vmul.f32 v61, v63  }
0x630: {  	v58 =	vmul.f32 v54, v58  }
0x631: {  	v16 =	vmul.f32 $5.000000000e-01, v16;
	v60 =	vsub.f32 $1.500000000e+00, v60  }
0x632: {  	v58 =	vmul.f32 v58, v54  }
0x633: {  	v16 =	vadd.f32 $4.625000000e+00, v16;
	v63 =	vsub.f32 $1.275862100e+00, v20;
	v60 =	vmul.f32 v61, v60  }
0x634: {  	v58 =	vsub.f32 $1.500000000e+00, v58  }
0x635: {  	v16 =	vmul.f32 v16, v63;
	v61 =	vmul.f32 v60, v62  }
0x636: {  	v0 =	vmul.f32 $5.000000000e-01, v0;
	v54 =	vmul.f32 v58, v54  }
0x637: {  	v58 =	vclamp.gez.f32 v16, v17;
	v61 =	vmul.f32 v61, v60  }
0x638: {  	v0 =	vadd.f32 $4.625000000e+00, v0;
	v47 =	vmul.f32 v54, v47;
	v54 =	vsub.f32 v17, v58  }
0x639: {  	v58 =	vsub.f32 $1.275862100e+00, v53;
	v61 =	vsub.f32 $1.500000000e+00, v61  }
0x63a: {  	vm1 =	vgt.f32 v16, v17;
	v20 =	vsub.f32 v47, v20;
	v16 =	vmul.f32 $1.081081110e-01, v54  }
0x63b: {  	v17 =	vor.u32 $0x2, v15;
	v0 =	vmul.f32 v0, v58;
	v62 =	vmul.f32 v61, v60  }
0x63c: {  	v20 =	vsel vm1, v20, v63  }
0x63d: {  	v54 =	vclamp.gez.f32 v0, v19;
	v16 =	vadd.f32 v20, v16;
	v20 =	vmul.f32 v62, v59  }
0x63e: {  	v47 =	vsub.f32 v19, v54  }
0x63f: {  	[tilespmem:s28+$0xFFFFFF70] =	vst v16;
	v16 =	vsub.f32 v20, v53  }
0x640: {  	vm1 =	vgt.f32 v0, v19;
	v19 =	vor.u32 $0x2, v12;
	v0 =	vmul.f32 $1.081081110e-01, v47;
	v20 =	vld.idx.msk [tilespmem:v17+s9+$0x0], $0xffff  }
0x641: {  	v17 =	vld.idx.msk [tilespmem:v17+s11+$0x0], $0xffff;
	v16 =	vsel vm1, v16, v58  }
0x642: {  	v58 =	vld.idx.msk [tilespmem:v37+s5+$0x0], $0xffff;
	v0 =	vadd.f32 v16, v0  }
0x643: {  	v16 =	vld.idx.msk [tilespmem:v38+s5+$0x0], $0xffff  }
0x644: {  	[tilespmem:s28+$0x20] =	vst v0  }
0x645: {  	v0 =	vld.idx.msk [tilespmem:v19+s9+$0x0], $0xffff  }
0x646: {  	v19 =	vld.idx.msk [tilespmem:v19+s11+$0x0], $0xffff  }
0x647: {  	v59 =	vld.idx.msk [tilespmem:v37+s5+$0x0], $0xffff  }
0x648: {  	v20 =	vsub.f32 v20, v58;
	v16 =	vsub.f32 v17, v16;
	v17 =	vld.idx.msk [tilespmem:v38+s5+$0x0], $0xffff;
	_ =	sdelay $0x1  }
0x649: {  	v47 =	vmul.f32 v20, v20;
	v60 =	vmul.f32 v16, v16;
	_ =	sdelay $0x1  }
0x64a: {  	v47 =	vadd.f32 v60, v47  }
0x64b: {  	v0 =	vsub.f32 v0, v59;
	v17 =	vsub.f32 v19, v17  }
0x64c: {  	v19 =	vshra.s32 v47, $0x1;
	v53 =	vmul.f32 $5.000000000e-01, v47  }
0x64d: {  	v61 =	vmul.f32 v0, v0;
	v19 =	vsub.s32 $0x5F3759DF, v19;
	v62 =	vmul.f32 v17, v17  }
0x64e: {  	v63 =	vmul.f32 v19, v53  }
0x64f: {  	v54 =	vadd.f32 v62, v61  }
0x650: {  	v58 =	vmul.f32 v19, v63  }
0x651: {  	v59 =	vshra.s32 v54, $0x1;
	v60 =	vmul.f32 $5.000000000e-01, v54  }
0x652: {  	v58 =	vsub.f32 $1.500000000e+00, v58;
	v59 =	vsub.s32 $0x5F3759DF, v59  }
0x653: {  	v61 =	vmul.f32 v59, v60  }
0x654: {  	v62 =	vld.idx.msk [tilespmem:v36+s5+$0x0], $0xffff;
	v19 =	vmul.f32 v19, v58  }
0x655: {  	v58 =	vld.idx.msk [tilespmem:v35+s5+$0x0], $0xffff;
	v61 =	vmul.f32 v59, v61  }
0x656: {  	v53 =	vmul.f32 v19, v53  }
0x657: {  	v61 =	vsub.f32 $1.500000000e+00, v61  }
0x658: {  	v53 =	vmul.f32 v53, v19  }
0x659: {  	v63 =	vld.idx.msk [tilespmem:v36+s5+$0x0], $0xffff;
	v59 =	vmul.f32 v59, v61  }
0x65a: {  	v20 =	vmul.f32 v62, v20;
	v16 =	vmul.f32 v58, v16;
	v58 =	vld.idx.msk [tilespmem:v35+s5+$0x0], $0xffff;
	v53 =	vsub.f32 $1.500000000e+00, v53  }
0x65b: {  	v60 =	vmul.f32 v59, v60  }
0x65c: {  	v16 =	vadd.f32 v16, v20;
	v19 =	vmul.f32 v53, v19  }
0x65d: {  	v20 =	vmul.f32 v60, v59  }
0x65e: {  	v16 =	vmul.f32 v19, v16  }
0x65f: {  	v0 =	vmul.f32 v63, v0;
	v17 =	vmul.f32 v58, v17;
	v20 =	vsub.f32 $1.500000000e+00, v20  }
0x660: {  	v16 =	vmax.f32 v16, $-9.250000000e+00  }
0x661: {  	v0 =	vadd.f32 v17, v0;
	v16 =	vmin.f32 v16, $9.250000000e+00;
	v20 =	vmul.f32 v20, v59  }
0x662: {  	v17 =	vmul.f32 v19, v47;
	v19 =	vmul.f32 $1.379310340e-01, v16  }
0x663: {  	v0 =	vmul.f32 v20, v0  }
0x664: {  	v60 =	vmul.f32 $2.758620680e-01, v17;
	v59 =	vmul.f32 v19, v19  }
0x665: {  	v0 =	vmax.f32 v0, $-9.250000000e+00  }
0x666: {  	v47 =	vadd.f32 v59, v60;
	v0 =	vmin.f32 v0, $9.250000000e+00  }
0x667: {  	v20 =	vmul.f32 v20, v54;
	v53 =	vmul.f32 $1.379310340e-01, v0  }
0x668: {  	v61 =	vshra.s32 v47, $0x1;
	v58 =	vmul.f32 $5.000000000e-01, v47  }
0x669: {  	v60 =	vmul.f32 $2.758620680e-01, v20;
	v54 =	vsub.s32 $0x5F3759DF, v61;
	v59 =	vmul.f32 v53, v53  }
0x66a: {  	v61 =	vmul.f32 v54, v58  }
0x66b: {  	v59 =	vadd.f32 v59, v60  }
0x66c: {  	v60 =	vmul.f32 v54, v61  }
0x66d: {  	v61 =	vshra.s32 v59, $0x1;
	v62 =	vmul.f32 $5.000000000e-01, v59  }
0x66e: {  	v60 =	vsub.f32 $1.500000000e+00, v60;
	v61 =	vsub.s32 $0x5F3759DF, v61  }
0x66f: {  	v63 =	vmul.f32 v61, v62  }
0x670: {  	v54 =	vmul.f32 v54, v60  }
0x671: {  	v60 =	vmul.f32 v61, v63  }
0x672: {  	v58 =	vmul.f32 v54, v58  }
0x673: {  	v16 =	vmul.f32 $5.000000000e-01, v16;
	v60 =	vsub.f32 $1.500000000e+00, v60  }
0x674: {  	v58 =	vmul.f32 v58, v54  }
0x675: {  	v16 =	vadd.f32 $4.625000000e+00, v16;
	v63 =	vsub.f32 $1.275862100e+00, v19;
	v60 =	vmul.f32 v61, v60  }
0x676: {  	v58 =	vsub.f32 $1.500000000e+00, v58  }
0x677: {  	v16 =	vmul.f32 v16, v63;
	v61 =	vmul.f32 v60, v62  }
0x678: {  	v0 =	vmul.f32 $5.000000000e-01, v0;
	v54 =	vmul.f32 v58, v54  }
0x679: {  	v58 =	vclamp.gez.f32 v16, v17;
	v61 =	vmul.f32 v61, v60  }
0x67a: {  	v0 =	vadd.f32 $4.625000000e+00, v0;
	v47 =	vmul.f32 v54, v47;
	v54 =	vsub.f32 v17, v58  }
0x67b: {  	v58 =	vsub.f32 $1.275862100e+00, v53;
	v61 =	vsub.f32 $1.500000000e+00, v61  }
0x67c: {  	vm1 =	vgt.f32 v16, v17;
	v19 =	vsub.f32 v47, v19;
	v16 =	vmul.f32 $1.081081110e-01, v54  }
0x67d: {  	v17 =	vor.u32 s30, v50;
	v0 =	vmul.f32 v0, v58;
	v62 =	vmul.f32 v61, v60  }
0x67e: {  	v19 =	vsel vm1, v19, v63  }
0x67f: {  	v54 =	vclamp.gez.f32 v0, v20;
	v16 =	vadd.f32 v19, v16;
	v19 =	vmul.f32 v62, v59  }
0x680: {  	v47 =	vsub.f32 v20, v54  }
0x681: {  	[tilespmem:s28+$0xFFFFFF80] =	vst v16;
	v16 =	vsub.f32 v19, v53  }
0x682: {  	vm1 =	vgt.f32 v0, v20;
	v20 =	vor.u32 s29, v50;
	v0 =	vmul.f32 $1.081081110e-01, v47;
	v19 =	vld.idx.msk [tilespmem:v17+s9+$0x0], $0xffff  }
0x683: {  	v17 =	vld.idx.msk [tilespmem:v17+s11+$0x0], $0xffff;
	v16 =	vsel vm1, v16, v58  }
0x684: {  	v58 =	vld.idx.msk [tilespmem:v33+s5+$0x0], $0xffff;
	v0 =	vadd.f32 v16, v0  }
0x685: {  	v16 =	vld.idx.msk [tilespmem:v34+s5+$0x0], $0xffff  }
0x686: {  	[tilespmem:s28+$0x30] =	vst v0  }
0x687: {  	v0 =	vld.idx.msk [tilespmem:v20+s9+$0x0], $0xffff  }
0x688: {  	v20 =	vld.idx.msk [tilespmem:v20+s11+$0x0], $0xffff  }
0x689: {  	v59 =	vld.idx.msk [tilespmem:v33+s5+$0x0], $0xffff  }
0x68a: {  	v19 =	vsub.f32 v19, v58;
	v16 =	vsub.f32 v17, v16;
	v17 =	vld.idx.msk [tilespmem:v34+s5+$0x0], $0xffff;
	_ =	sdelay $0x1  }
0x68b: {  	v47 =	vmul.f32 v19, v19;
	v60 =	vmul.f32 v16, v16;
	_ =	sdelay $0x1  }
0x68c: {  	v47 =	vadd.f32 v60, v47  }
0x68d: {  	v0 =	vsub.f32 v0, v59;
	v17 =	vsub.f32 v20, v17  }
0x68e: {  	v20 =	vshra.s32 v47, $0x1;
	v53 =	vmul.f32 $5.000000000e-01, v47  }
0x68f: {  	v61 =	vmul.f32 v0, v0;
	v20 =	vsub.s32 $0x5F3759DF, v20;
	v62 =	vmul.f32 v17, v17  }
0x690: {  	v63 =	vmul.f32 v20, v53  }
0x691: {  	v54 =	vadd.f32 v62, v61  }
0x692: {  	v58 =	vmul.f32 v20, v63  }
0x693: {  	v59 =	vshra.s32 v54, $0x1;
	v60 =	vmul.f32 $5.000000000e-01, v54  }
0x694: {  	v58 =	vsub.f32 $1.500000000e+00, v58;
	v59 =	vsub.s32 $0x5F3759DF, v59  }
0x695: {  	v61 =	vmul.f32 v59, v60  }
0x696: {  	v62 =	vld.idx.msk [tilespmem:v32+s5+$0x0], $0xffff;
	v20 =	vmul.f32 v20, v58  }
0x697: {  	v58 =	vld.idx.msk [tilespmem:v31+s5+$0x0], $0xffff;
	v61 =	vmul.f32 v59, v61  }
0x698: {  	v53 =	vmul.f32 v20, v53  }
0x699: {  	v61 =	vsub.f32 $1.500000000e+00, v61  }
0x69a: {  	v53 =	vmul.f32 v53, v20  }
0x69b: {  	v63 =	vld.idx.msk [tilespmem:v32+s5+$0x0], $0xffff;
	v59 =	vmul.f32 v59, v61  }
0x69c: {  	v19 =	vmul.f32 v62, v19;
	v16 =	vmul.f32 v58, v16;
	v58 =	vld.idx.msk [tilespmem:v31+s5+$0x0], $0xffff;
	v53 =	vsub.f32 $1.500000000e+00, v53  }
0x69d: {  	v60 =	vmul.f32 v59, v60  }
0x69e: {  	v16 =	vadd.f32 v16, v19;
	v20 =	vmul.f32 v53, v20  }
0x69f: {  	v19 =	vmul.f32 v60, v59  }
0x6a0: {  	v16 =	vmul.f32 v20, v16  }
0x6a1: {  	v0 =	vmul.f32 v63, v0;
	v17 =	vmul.f32 v58, v17;
	v19 =	vsub.f32 $1.500000000e+00, v19  }
0x6a2: {  	v16 =	vmax.f32 v16, $-9.250000000e+00  }
0x6a3: {  	v0 =	vadd.f32 v17, v0;
	v16 =	vmin.f32 v16, $9.250000000e+00;
	v19 =	vmul.f32 v19, v59  }
0x6a4: {  	v17 =	vmul.f32 v20, v47;
	v20 =	vmul.f32 $1.379310340e-01, v16  }
0x6a5: {  	v0 =	vmul.f32 v19, v0  }
0x6a6: {  	v60 =	vmul.f32 $2.758620680e-01, v17;
	v59 =	vmul.f32 v20, v20  }
0x6a7: {  	v0 =	vmax.f32 v0, $-9.250000000e+00  }
0x6a8: {  	v47 =	vadd.f32 v59, v60;
	v0 =	vmin.f32 v0, $9.250000000e+00  }
0x6a9: {  	v19 =	vmul.f32 v19, v54;
	v53 =	vmul.f32 $1.379310340e-01, v0  }
0x6aa: {  	v61 =	vshra.s32 v47, $0x1;
	v58 =	vmul.f32 $5.000000000e-01, v47  }
0x6ab: {  	v60 =	vmul.f32 $2.758620680e-01, v19;
	v54 =	vsub.s32 $0x5F3759DF, v61;
	v59 =	vmul.f32 v53, v53  }
0x6ac: {  	v61 =	vmul.f32 v54, v58  }
0x6ad: {  	v59 =	vadd.f32 v59, v60  }
0x6ae: {  	v60 =	vmul.f32 v54, v61  }
0x6af: {  	v61 =	vshra.s32 v59, $0x1;
	v62 =	vmul.f32 $5.000000000e-01, v59  }
0x6b0: {  	v60 =	vsub.f32 $1.500000000e+00, v60;
	v61 =	vsub.s32 $0x5F3759DF, v61  }
0x6b1: {  	v63 =	vmul.f32 v61, v62  }
0x6b2: {  	v54 =	vmul.f32 v54, v60  }
0x6b3: {  	v60 =	vmul.f32 v61, v63  }
0x6b4: {  	v58 =	vmul.f32 v54, v58  }
0x6b5: {  	v16 =	vmul.f32 $5.000000000e-01, v16;
	v60 =	vsub.f32 $1.500000000e+00, v60  }
0x6b6: {  	v58 =	vmul.f32 v58, v54  }
0x6b7: {  	v16 =	vadd.f32 $4.625000000e+00, v16;
	v63 =	vsub.f32 $1.275862100e+00, v20;
	v60 =	vmul.f32 v61, v60  }
0x6b8: {  	v58 =	vsub.f32 $1.500000000e+00, v58  }
0x6b9: {  	v16 =	vmul.f32 v16, v63;
	v61 =	vmul.f32 v60, v62  }
0x6ba: {  	v0 =	vmul.f32 $5.000000000e-01, v0;
	v54 =	vmul.f32 v58, v54  }
0x6bb: {  	v58 =	vclamp.gez.f32 v16, v17;
	v61 =	vmul.f32 v61, v60  }
0x6bc: {  	v0 =	vadd.f32 $4.625000000e+00, v0;
	v47 =	vmul.f32 v54, v47;
	v54 =	vsub.f32 v17, v58  }
0x6bd: {  	v58 =	vsub.f32 $1.275862100e+00, v53;
	v61 =	vsub.f32 $1.500000000e+00, v61  }
0x6be: {  	vm1 =	vgt.f32 v16, v17;
	v20 =	vsub.f32 v47, v20;
	v16 =	vmul.f32 $1.081081110e-01, v54  }
0x6bf: {  	v17 =	vor.u32 s30, v56;
	v0 =	vmul.f32 v0, v58;
	v62 =	vmul.f32 v61, v60  }
0x6c0: {  	v20 =	vsel vm1, v20, v63  }
0x6c1: {  	v54 =	vclamp.gez.f32 v0, v19;
	v16 =	vadd.f32 v20, v16;
	v20 =	vmul.f32 v62, v59  }
0x6c2: {  	v47 =	vsub.f32 v19, v54  }
0x6c3: {  	[tilespmem:s28+$0xFFFFFF90] =	vst v16;
	v16 =	vsub.f32 v20, v53  }
0x6c4: {  	vm1 =	vgt.f32 v0, v19;
	v19 =	vor.u32 s29, v56;
	v0 =	vmul.f32 $1.081081110e-01, v47;
	v20 =	vld.idx.msk [tilespmem:v17+s9+$0x0], $0xffff  }
0x6c5: {  	v17 =	vld.idx.msk [tilespmem:v17+s11+$0x0], $0xffff;
	v16 =	vsel vm1, v16, v58  }
0x6c6: {  	v58 =	vld.idx.msk [tilespmem:v28+s5+$0x0], $0xffff;
	v0 =	vadd.f32 v16, v0  }
0x6c7: {  	v16 =	vld.idx.msk [tilespmem:v30+s5+$0x0], $0xffff  }
0x6c8: {  	[tilespmem:s28+$0x40] =	vst v0  }
0x6c9: {  	v0 =	vld.idx.msk [tilespmem:v19+s9+$0x0], $0xffff  }
0x6ca: {  	v19 =	vld.idx.msk [tilespmem:v19+s11+$0x0], $0xffff  }
0x6cb: {  	v59 =	vld.idx.msk [tilespmem:v28+s5+$0x0], $0xffff  }
0x6cc: {  	v20 =	vsub.f32 v20, v58;
	v16 =	vsub.f32 v17, v16;
	v17 =	vld.idx.msk [tilespmem:v30+s5+$0x0], $0xffff;
	_ =	sdelay $0x1  }
0x6cd: {  	v47 =	vmul.f32 v20, v20;
	v60 =	vmul.f32 v16, v16;
	_ =	sdelay $0x1  }
0x6ce: {  	v47 =	vadd.f32 v60, v47  }
0x6cf: {  	v0 =	vsub.f32 v0, v59;
	v17 =	vsub.f32 v19, v17  }
0x6d0: {  	v19 =	vshra.s32 v47, $0x1;
	v53 =	vmul.f32 $5.000000000e-01, v47  }
0x6d1: {  	v61 =	vmul.f32 v0, v0;
	v19 =	vsub.s32 $0x5F3759DF, v19;
	v62 =	vmul.f32 v17, v17  }
0x6d2: {  	v63 =	vmul.f32 v19, v53  }
0x6d3: {  	v54 =	vadd.f32 v62, v61  }
0x6d4: {  	v58 =	vmul.f32 v19, v63  }
0x6d5: {  	v59 =	vshra.s32 v54, $0x1;
	v60 =	vmul.f32 $5.000000000e-01, v54  }
0x6d6: {  	v58 =	vsub.f32 $1.500000000e+00, v58;
	v59 =	vsub.s32 $0x5F3759DF, v59  }
0x6d7: {  	v61 =	vmul.f32 v59, v60  }
0x6d8: {  	v62 =	vld.idx.msk [tilespmem:v25+s5+$0x0], $0xffff;
	v19 =	vmul.f32 v19, v58  }
0x6d9: {  	v58 =	vld.idx.msk [tilespmem:v26+s5+$0x0], $0xffff;
	v61 =	vmul.f32 v59, v61  }
0x6da: {  	v53 =	vmul.f32 v19, v53  }
0x6db: {  	v61 =	vsub.f32 $1.500000000e+00, v61  }
0x6dc: {  	v53 =	vmul.f32 v53, v19  }
0x6dd: {  	v63 =	vld.idx.msk [tilespmem:v25+s5+$0x0], $0xffff;
	v59 =	vmul.f32 v59, v61  }
0x6de: {  	v20 =	vmul.f32 v62, v20;
	v16 =	vmul.f32 v58, v16;
	v58 =	vld.idx.msk [tilespmem:v26+s5+$0x0], $0xffff;
	v53 =	vsub.f32 $1.500000000e+00, v53  }
0x6df: {  	v60 =	vmul.f32 v59, v60  }
0x6e0: {  	v16 =	vadd.f32 v16, v20;
	v19 =	vmul.f32 v53, v19  }
0x6e1: {  	v20 =	vmul.f32 v60, v59  }
0x6e2: {  	v16 =	vmul.f32 v19, v16  }
0x6e3: {  	v0 =	vmul.f32 v63, v0;
	v17 =	vmul.f32 v58, v17;
	v20 =	vsub.f32 $1.500000000e+00, v20  }
0x6e4: {  	v16 =	vmax.f32 v16, $-9.250000000e+00  }
0x6e5: {  	v0 =	vadd.f32 v17, v0;
	v16 =	vmin.f32 v16, $9.250000000e+00;
	v20 =	vmul.f32 v20, v59  }
0x6e6: {  	v17 =	vmul.f32 v19, v47;
	v19 =	vmul.f32 $1.379310340e-01, v16  }
0x6e7: {  	v0 =	vmul.f32 v20, v0  }
0x6e8: {  	v60 =	vmul.f32 $2.758620680e-01, v17;
	v59 =	vmul.f32 v19, v19  }
0x6e9: {  	v0 =	vmax.f32 v0, $-9.250000000e+00  }
0x6ea: {  	v47 =	vadd.f32 v59, v60;
	v0 =	vmin.f32 v0, $9.250000000e+00  }
0x6eb: {  	v20 =	vmul.f32 v20, v54;
	v53 =	vmul.f32 $1.379310340e-01, v0  }
0x6ec: {  	v61 =	vshra.s32 v47, $0x1;
	v58 =	vmul.f32 $5.000000000e-01, v47  }
0x6ed: {  	v60 =	vmul.f32 $2.758620680e-01, v20;
	v54 =	vsub.s32 $0x5F3759DF, v61;
	v59 =	vmul.f32 v53, v53  }
0x6ee: {  	v61 =	vmul.f32 v54, v58  }
0x6ef: {  	v59 =	vadd.f32 v59, v60  }
0x6f0: {  	v60 =	vmul.f32 v54, v61  }
0x6f1: {  	v61 =	vshra.s32 v59, $0x1;
	v62 =	vmul.f32 $5.000000000e-01, v59  }
0x6f2: {  	v60 =	vsub.f32 $1.500000000e+00, v60;
	v61 =	vsub.s32 $0x5F3759DF, v61  }
0x6f3: {  	v63 =	vmul.f32 v61, v62  }
0x6f4: {  	v54 =	vmul.f32 v54, v60  }
0x6f5: {  	v60 =	vmul.f32 v61, v63  }
0x6f6: {  	v58 =	vmul.f32 v54, v58  }
0x6f7: {  	v16 =	vmul.f32 $5.000000000e-01, v16;
	v60 =	vsub.f32 $1.500000000e+00, v60  }
0x6f8: {  	v58 =	vmul.f32 v58, v54  }
0x6f9: {  	v16 =	vadd.f32 $4.625000000e+00, v16;
	v63 =	vsub.f32 $1.275862100e+00, v19;
	v60 =	vmul.f32 v61, v60  }
0x6fa: {  	v58 =	vsub.f32 $1.500000000e+00, v58  }
0x6fb: {  	v16 =	vmul.f32 v16, v63;
	v61 =	vmul.f32 v60, v62  }
0x6fc: {  	v0 =	vmul.f32 $5.000000000e-01, v0;
	v54 =	vmul.f32 v58, v54  }
0x6fd: {  	v58 =	vclamp.gez.f32 v16, v17;
	v61 =	vmul.f32 v61, v60  }
0x6fe: {  	v0 =	vadd.f32 $4.625000000e+00, v0;
	v47 =	vmul.f32 v54, v47;
	v54 =	vsub.f32 v17, v58  }
0x6ff: {  	v58 =	vsub.f32 $1.275862100e+00, v53;
	v61 =	vsub.f32 $1.500000000e+00, v61  }
0x700: {  	vm1 =	vgt.f32 v16, v17;
	v19 =	vsub.f32 v47, v19;
	v16 =	vmul.f32 $1.081081110e-01, v54  }
0x701: {  	v17 =	vor.u32 s30, v51;
	v0 =	vmul.f32 v0, v58;
	v62 =	vmul.f32 v61, v60  }
0x702: {  	v19 =	vsel vm1, v19, v63  }
0x703: {  	v54 =	vclamp.gez.f32 v0, v20;
	v16 =	vadd.f32 v19, v16;
	v19 =	vmul.f32 v62, v59  }
0x704: {  	v47 =	vsub.f32 v20, v54  }
0x705: {  	[tilespmem:s28+$0xFFFFFFA0] =	vst v16;
	v16 =	vsub.f32 v19, v53  }
0x706: {  	vm1 =	vgt.f32 v0, v20;
	v20 =	vor.u32 s29, v51;
	v0 =	vmul.f32 $1.081081110e-01, v47;
	v19 =	vld.idx.msk [tilespmem:v17+s9+$0x0], $0xffff  }
0x707: {  	v17 =	vld.idx.msk [tilespmem:v17+s11+$0x0], $0xffff;
	v16 =	vsel vm1, v16, v58  }
0x708: {  	v58 =	vld.idx.msk [tilespmem:v23+s5+$0x0], $0xffff;
	v0 =	vadd.f32 v16, v0  }
0x709: {  	v16 =	vld.idx.msk [tilespmem:v24+s5+$0x0], $0xffff  }
0x70a: {  	[tilespmem:s28+$0x50] =	vst v0  }
0x70b: {  	v0 =	vld.idx.msk [tilespmem:v20+s9+$0x0], $0xffff  }
0x70c: {  	v20 =	vld.idx.msk [tilespmem:v20+s11+$0x0], $0xffff  }
0x70d: {  	v59 =	vld.idx.msk [tilespmem:v23+s5+$0x0], $0xffff  }
0x70e: {  	v19 =	vsub.f32 v19, v58;
	v16 =	vsub.f32 v17, v16;
	v17 =	vld.idx.msk [tilespmem:v24+s5+$0x0], $0xffff;
	_ =	sdelay $0x1  }
0x70f: {  	v47 =	vmul.f32 v19, v19;
	v60 =	vmul.f32 v16, v16;
	_ =	sdelay $0x1  }
0x710: {  	v47 =	vadd.f32 v60, v47  }
0x711: {  	v0 =	vsub.f32 v0, v59;
	v17 =	vsub.f32 v20, v17  }
0x712: {  	v20 =	vshra.s32 v47, $0x1;
	v53 =	vmul.f32 $5.000000000e-01, v47  }
0x713: {  	v61 =	vmul.f32 v0, v0;
	v20 =	vsub.s32 $0x5F3759DF, v20;
	v62 =	vmul.f32 v17, v17  }
0x714: {  	v63 =	vmul.f32 v20, v53  }
0x715: {  	v54 =	vadd.f32 v62, v61  }
0x716: {  	v58 =	vmul.f32 v20, v63  }
0x717: {  	v59 =	vshra.s32 v54, $0x1;
	v60 =	vmul.f32 $5.000000000e-01, v54  }
0x718: {  	v58 =	vsub.f32 $1.500000000e+00, v58;
	v59 =	vsub.s32 $0x5F3759DF, v59  }
0x719: {  	v61 =	vmul.f32 v59, v60  }
0x71a: {  	v62 =	vld.idx.msk [tilespmem:v22+s5+$0x0], $0xffff;
	v20 =	vmul.f32 v20, v58  }
0x71b: {  	v58 =	vld.idx.msk [tilespmem:v21+s5+$0x0], $0xffff;
	v61 =	vmul.f32 v59, v61  }
0x71c: {  	v53 =	vmul.f32 v20, v53  }
0x71d: {  	v61 =	vsub.f32 $1.500000000e+00, v61  }
0x71e: {  	v53 =	vmul.f32 v53, v20  }
0x71f: {  	v63 =	vld.idx.msk [tilespmem:v22+s5+$0x0], $0xffff;
	v59 =	vmul.f32 v59, v61  }
0x720: {  	v19 =	vmul.f32 v62, v19;
	v16 =	vmul.f32 v58, v16;
	v58 =	vld.idx.msk [tilespmem:v21+s5+$0x0], $0xffff;
	v53 =	vsub.f32 $1.500000000e+00, v53  }
0x721: {  	v60 =	vmul.f32 v59, v60  }
0x722: {  	v16 =	vadd.f32 v16, v19;
	v20 =	vmul.f32 v53, v20  }
0x723: {  	v19 =	vmul.f32 v60, v59  }
0x724: {  	v16 =	vmul.f32 v20, v16  }
0x725: {  	v0 =	vmul.f32 v63, v0;
	v17 =	vmul.f32 v58, v17;
	v19 =	vsub.f32 $1.500000000e+00, v19  }
0x726: {  	v16 =	vmax.f32 v16, $-9.250000000e+00  }
0x727: {  	v0 =	vadd.f32 v17, v0;
	v16 =	vmin.f32 v16, $9.250000000e+00;
	v19 =	vmul.f32 v19, v59  }
0x728: {  	v17 =	vmul.f32 v20, v47;
	v20 =	vmul.f32 $1.379310340e-01, v16  }
0x729: {  	v0 =	vmul.f32 v19, v0  }
0x72a: {  	v60 =	vmul.f32 $2.758620680e-01, v17;
	v59 =	vmul.f32 v20, v20  }
0x72b: {  	v0 =	vmax.f32 v0, $-9.250000000e+00  }
0x72c: {  	v47 =	vadd.f32 v59, v60;
	v0 =	vmin.f32 v0, $9.250000000e+00  }
0x72d: {  	v19 =	vmul.f32 v19, v54;
	v53 =	vmul.f32 $1.379310340e-01, v0  }
0x72e: {  	v61 =	vshra.s32 v47, $0x1;
	v58 =	vmul.f32 $5.000000000e-01, v47  }
0x72f: {  	v60 =	vmul.f32 $2.758620680e-01, v19;
	v54 =	vsub.s32 $0x5F3759DF, v61;
	v59 =	vmul.f32 v53, v53  }
0x730: {  	v61 =	vmul.f32 v54, v58  }
0x731: {  	v59 =	vadd.f32 v59, v60  }
0x732: {  	v60 =	vmul.f32 v54, v61  }
0x733: {  	v61 =	vshra.s32 v59, $0x1;
	v62 =	vmul.f32 $5.000000000e-01, v59  }
0x734: {  	v60 =	vsub.f32 $1.500000000e+00, v60;
	v61 =	vsub.s32 $0x5F3759DF, v61  }
0x735: {  	v63 =	vmul.f32 v61, v62  }
0x736: {  	v54 =	vmul.f32 v54, v60  }
0x737: {  	v60 =	vmul.f32 v61, v63  }
0x738: {  	v58 =	vmul.f32 v54, v58  }
0x739: {  	v16 =	vmul.f32 $5.000000000e-01, v16;
	v60 =	vsub.f32 $1.500000000e+00, v60  }
0x73a: {  	v58 =	vmul.f32 v58, v54  }
0x73b: {  	v16 =	vadd.f32 $4.625000000e+00, v16;
	v63 =	vsub.f32 $1.275862100e+00, v20;
	v60 =	vmul.f32 v61, v60  }
0x73c: {  	v58 =	vsub.f32 $1.500000000e+00, v58  }
0x73d: {  	v16 =	vmul.f32 v16, v63;
	v61 =	vmul.f32 v60, v62  }
0x73e: {  	v0 =	vmul.f32 $5.000000000e-01, v0;
	v54 =	vmul.f32 v58, v54  }
0x73f: {  	v58 =	vclamp.gez.f32 v16, v17;
	v61 =	vmul.f32 v61, v60  }
0x740: {  	v0 =	vadd.f32 $4.625000000e+00, v0;
	v47 =	vmul.f32 v54, v47;
	v54 =	vsub.f32 v17, v58  }
0x741: {  	v58 =	vsub.f32 $1.275862100e+00, v53;
	v61 =	vsub.f32 $1.500000000e+00, v61  }
0x742: {  	vm1 =	vgt.f32 v16, v17;
	v20 =	vsub.f32 v47, v20;
	v16 =	vmul.f32 $1.081081110e-01, v54  }
0x743: {  	v17 =	vor.u32 $0x5, v15;
	v0 =	vmul.f32 v0, v58;
	v62 =	vmul.f32 v61, v60  }
0x744: {  	v20 =	vsel vm1, v20, v63  }
0x745: {  	v54 =	vclamp.gez.f32 v0, v19;
	v16 =	vadd.f32 v20, v16;
	v20 =	vmul.f32 v62, v59  }
0x746: {  	v47 =	vsub.f32 v19, v54  }
0x747: {  	[tilespmem:s28+$0xFFFFFFB0] =	vst v16;
	v16 =	vsub.f32 v20, v53  }
0x748: {  	vm1 =	vgt.f32 v0, v19;
	v19 =	vor.u32 $0x5, v12;
	v0 =	vmul.f32 $1.081081110e-01, v47;
	v20 =	vld.idx.msk [tilespmem:v17+s9+$0x0], $0xffff  }
0x749: {  	v17 =	vld.idx.msk [tilespmem:v17+s11+$0x0], $0xffff;
	v16 =	vsel vm1, v16, v58  }
0x74a: {  	v58 =	vld.idx.msk [tilespmem:v14+s5+$0x0], $0xffff;
	v0 =	vadd.f32 v16, v0  }
0x74b: {  	v16 =	vld.idx.msk [tilespmem:v18+s5+$0x0], $0xffff  }
0x74c: {  	[tilespmem:s28+$0x60] =	vst v0  }
0x74d: {  	v0 =	vld.idx.msk [tilespmem:v19+s9+$0x0], $0xffff  }
0x74e: {  	v19 =	vld.idx.msk [tilespmem:v19+s11+$0x0], $0xffff  }
0x74f: {  	v59 =	vld.idx.msk [tilespmem:v14+s5+$0x0], $0xffff  }
0x750: {  	v20 =	vsub.f32 v20, v58;
	v16 =	vsub.f32 v17, v16;
	v17 =	vld.idx.msk [tilespmem:v18+s5+$0x0], $0xffff;
	_ =	sdelay $0x1  }
0x751: {  	v47 =	vmul.f32 v20, v20;
	v60 =	vmul.f32 v16, v16;
	_ =	sdelay $0x1  }
0x752: {  	v47 =	vadd.f32 v60, v47  }
0x753: {  	v0 =	vsub.f32 v0, v59;
	v17 =	vsub.f32 v19, v17  }
0x754: {  	v19 =	vshra.s32 v47, $0x1;
	v53 =	vmul.f32 $5.000000000e-01, v47  }
0x755: {  	v61 =	vmul.f32 v0, v0;
	v19 =	vsub.s32 $0x5F3759DF, v19;
	v62 =	vmul.f32 v17, v17  }
0x756: {  	v63 =	vmul.f32 v19, v53  }
0x757: {  	v54 =	vadd.f32 v62, v61  }
0x758: {  	v58 =	vmul.f32 v19, v63  }
0x759: {  	v59 =	vshra.s32 v54, $0x1;
	v60 =	vmul.f32 $5.000000000e-01, v54  }
0x75a: {  	v58 =	vsub.f32 $1.500000000e+00, v58;
	v59 =	vsub.s32 $0x5F3759DF, v59  }
0x75b: {  	v61 =	vmul.f32 v59, v60  }
0x75c: {  	v62 =	vld.idx.msk [tilespmem:v13+s5+$0x0], $0xffff;
	v19 =	vmul.f32 v19, v58  }
0x75d: {  	v58 =	vld.idx.msk [tilespmem:v10+s5+$0x0], $0xffff;
	v61 =	vmul.f32 v59, v61  }
0x75e: {  	v53 =	vmul.f32 v19, v53  }
0x75f: {  	v61 =	vsub.f32 $1.500000000e+00, v61  }
0x760: {  	v53 =	vmul.f32 v53, v19  }
0x761: {  	v63 =	vld.idx.msk [tilespmem:v13+s5+$0x0], $0xffff;
	v59 =	vmul.f32 v59, v61  }
0x762: {  	v20 =	vmul.f32 v62, v20;
	v16 =	vmul.f32 v58, v16;
	v58 =	vld.idx.msk [tilespmem:v10+s5+$0x0], $0xffff;
	v53 =	vsub.f32 $1.500000000e+00, v53  }
0x763: {  	v60 =	vmul.f32 v59, v60  }
0x764: {  	v16 =	vadd.f32 v16, v20;
	v19 =	vmul.f32 v53, v19  }
0x765: {  	v20 =	vmul.f32 v60, v59  }
0x766: {  	v16 =	vmul.f32 v19, v16  }
0x767: {  	v0 =	vmul.f32 v63, v0;
	v17 =	vmul.f32 v58, v17;
	v20 =	vsub.f32 $1.500000000e+00, v20  }
0x768: {  	v16 =	vmax.f32 v16, $-9.250000000e+00  }
0x769: {  	v0 =	vadd.f32 v17, v0;
	v16 =	vmin.f32 v16, $9.250000000e+00;
	v20 =	vmul.f32 v20, v59  }
0x76a: {  	v17 =	vmul.f32 v19, v47;
	v19 =	vmul.f32 $1.379310340e-01, v16  }
0x76b: {  	v0 =	vmul.f32 v20, v0  }
0x76c: {  	v60 =	vmul.f32 $2.758620680e-01, v17;
	v59 =	vmul.f32 v19, v19  }
0x76d: {  	v0 =	vmax.f32 v0, $-9.250000000e+00  }
0x76e: {  	v47 =	vadd.f32 v59, v60;
	v0 =	vmin.f32 v0, $9.250000000e+00  }
0x76f: {  	v20 =	vmul.f32 v20, v54;
	v53 =	vmul.f32 $1.379310340e-01, v0  }
0x770: {  	v61 =	vshra.s32 v47, $0x1;
	v58 =	vmul.f32 $5.000000000e-01, v47  }
0x771: {  	v60 =	vmul.f32 $2.758620680e-01, v20;
	v54 =	vsub.s32 $0x5F3759DF, v61;
	v59 =	vmul.f32 v53, v53  }
0x772: {  	v61 =	vmul.f32 v54, v58  }
0x773: {  	v59 =	vadd.f32 v59, v60  }
0x774: {  	v60 =	vmul.f32 v54, v61  }
0x775: {  	v61 =	vshra.s32 v59, $0x1;
	v62 =	vmul.f32 $5.000000000e-01, v59  }
0x776: {  	v60 =	vsub.f32 $1.500000000e+00, v60;
	v61 =	vsub.s32 $0x5F3759DF, v61  }
0x777: {  	v63 =	vmul.f32 v61, v62  }
0x778: {  	v54 =	vmul.f32 v54, v60  }
0x779: {  	v60 =	vmul.f32 v61, v63  }
0x77a: {  	v58 =	vmul.f32 v54, v58  }
0x77b: {  	v16 =	vmul.f32 $5.000000000e-01, v16;
	v60 =	vsub.f32 $1.500000000e+00, v60  }
0x77c: {  	v58 =	vmul.f32 v58, v54  }
0x77d: {  	v16 =	vadd.f32 $4.625000000e+00, v16;
	v63 =	vsub.f32 $1.275862100e+00, v19;
	v60 =	vmul.f32 v61, v60  }
0x77e: {  	v58 =	vsub.f32 $1.500000000e+00, v58  }
0x77f: {  	v16 =	vmul.f32 v16, v63;
	v61 =	vmul.f32 v60, v62  }
0x780: {  	v0 =	vmul.f32 $5.000000000e-01, v0;
	v54 =	vmul.f32 v58, v54  }
0x781: {  	v58 =	vclamp.gez.f32 v16, v17;
	v61 =	vmul.f32 v61, v60  }
0x782: {  	v0 =	vadd.f32 $4.625000000e+00, v0;
	v47 =	vmul.f32 v54, v47;
	v54 =	vsub.f32 v17, v58  }
0x783: {  	v58 =	vsub.f32 $1.275862100e+00, v53;
	v61 =	vsub.f32 $1.500000000e+00, v61  }
0x784: {  	vm1 =	vgt.f32 v16, v17;
	v19 =	vsub.f32 v47, v19;
	v16 =	vmul.f32 $1.081081110e-01, v54  }
0x785: {  	v17 =	vor.u32 s30, v52;
	v0 =	vmul.f32 v0, v58;
	v62 =	vmul.f32 v61, v60  }
0x786: {  	v19 =	vsel vm1, v19, v63  }
0x787: {  	v54 =	vclamp.gez.f32 v0, v20;
	v16 =	vadd.f32 v19, v16;
	v19 =	vmul.f32 v62, v59  }
0x788: {  	v47 =	vsub.f32 v20, v54  }
0x789: {  	[tilespmem:s28+$0xFFFFFFC0] =	vst v16;
	v16 =	vsub.f32 v19, v53  }
0x78a: {  	vm1 =	vgt.f32 v0, v20;
	v20 =	vor.u32 s29, v52;
	v0 =	vmul.f32 $1.081081110e-01, v47;
	v19 =	vld.idx.msk [tilespmem:v17+s9+$0x0], $0xffff  }
0x78b: {  	v17 =	vld.idx.msk [tilespmem:v17+s11+$0x0], $0xffff;
	v16 =	vsel vm1, v16, v58  }
0x78c: {  	v58 =	vld.idx.msk [tilespmem:v5+s5+$0x0], $0xffff;
	v0 =	vadd.f32 v16, v0  }
0x78d: {  	v16 =	vld.idx.msk [tilespmem:v9+s5+$0x0], $0xffff  }
0x78e: {  	[tilespmem:s28+$0x70] =	vst v0  }
0x78f: {  	v0 =	vld.idx.msk [tilespmem:v20+s9+$0x0], $0xffff  }
0x790: {  	v20 =	vld.idx.msk [tilespmem:v20+s11+$0x0], $0xffff  }
0x791: {  	v59 =	vld.idx.msk [tilespmem:v5+s5+$0x0], $0xffff  }
0x792: {  	v19 =	vsub.f32 v19, v58;
	v16 =	vsub.f32 v17, v16;
	v17 =	vld.idx.msk [tilespmem:v9+s5+$0x0], $0xffff;
	_ =	sdelay $0x1  }
0x793: {  	v47 =	vmul.f32 v19, v19;
	v60 =	vmul.f32 v16, v16;
	_ =	sdelay $0x1  }
0x794: {  	v47 =	vadd.f32 v60, v47  }
0x795: {  	v0 =	vsub.f32 v0, v59;
	v17 =	vsub.f32 v20, v17  }
0x796: {  	v20 =	vshra.s32 v47, $0x1;
	v53 =	vmul.f32 $5.000000000e-01, v47  }
0x797: {  	v61 =	vmul.f32 v0, v0;
	v20 =	vsub.s32 $0x5F3759DF, v20;
	v62 =	vmul.f32 v17, v17  }
0x798: {  	v63 =	vmul.f32 v20, v53  }
0x799: {  	v54 =	vadd.f32 v62, v61  }
0x79a: {  	v58 =	vmul.f32 v20, v63  }
0x79b: {  	v59 =	vshra.s32 v54, $0x1;
	v60 =	vmul.f32 $5.000000000e-01, v54  }
0x79c: {  	v58 =	vsub.f32 $1.500000000e+00, v58;
	v59 =	vsub.s32 $0x5F3759DF, v59  }
0x79d: {  	v61 =	vmul.f32 v59, v60  }
0x79e: {  	v62 =	vld.idx.msk [tilespmem:v3+s5+$0x0], $0xffff;
	v20 =	vmul.f32 v20, v58  }
0x79f: {  	v58 =	vld.idx.msk [tilespmem:v4+s5+$0x0], $0xffff;
	v61 =	vmul.f32 v59, v61  }
0x7a0: {  	v53 =	vmul.f32 v20, v53  }
0x7a1: {  	v61 =	vsub.f32 $1.500000000e+00, v61  }
0x7a2: {  	v53 =	vmul.f32 v53, v20  }
0x7a3: {  	v63 =	vld.idx.msk [tilespmem:v3+s5+$0x0], $0xffff;
	v59 =	vmul.f32 v59, v61  }
0x7a4: {  	v19 =	vmul.f32 v62, v19;
	v16 =	vmul.f32 v58, v16;
	v58 =	vld.idx.msk [tilespmem:v4+s5+$0x0], $0xffff;
	v53 =	vsub.f32 $1.500000000e+00, v53  }
0x7a5: {  	v60 =	vmul.f32 v59, v60  }
0x7a6: {  	v16 =	vadd.f32 v16, v19;
	v20 =	vmul.f32 v53, v20  }
0x7a7: {  	v19 =	vmul.f32 v60, v59  }
0x7a8: {  	v16 =	vmul.f32 v20, v16  }
0x7a9: {  	v0 =	vmul.f32 v63, v0;
	v17 =	vmul.f32 v58, v17;
	v19 =	vsub.f32 $1.500000000e+00, v19  }
0x7aa: {  	v16 =	vmax.f32 v16, $-9.250000000e+00  }
0x7ab: {  	v0 =	vadd.f32 v17, v0;
	v16 =	vmin.f32 v16, $9.250000000e+00;
	v19 =	vmul.f32 v19, v59  }
0x7ac: {  	v17 =	vmul.f32 v20, v47;
	v20 =	vmul.f32 $1.379310340e-01, v16  }
0x7ad: {  	v0 =	vmul.f32 v19, v0  }
0x7ae: {  	v60 =	vmul.f32 $2.758620680e-01, v17;
	v59 =	vmul.f32 v20, v20  }
0x7af: {  	v0 =	vmax.f32 v0, $-9.250000000e+00  }
0x7b0: {  	v47 =	vadd.f32 v59, v60;
	v0 =	vmin.f32 v0, $9.250000000e+00  }
0x7b1: {  	v19 =	vmul.f32 v19, v54;
	v53 =	vmul.f32 $1.379310340e-01, v0  }
0x7b2: {  	v61 =	vshra.s32 v47, $0x1;
	v58 =	vmul.f32 $5.000000000e-01, v47  }
0x7b3: {  	v60 =	vmul.f32 $2.758620680e-01, v19;
	v54 =	vsub.s32 $0x5F3759DF, v61;
	v59 =	vmul.f32 v53, v53  }
0x7b4: {  	v61 =	vmul.f32 v54, v58  }
0x7b5: {  	v59 =	vadd.f32 v59, v60  }
0x7b6: {  	v60 =	vmul.f32 v54, v61  }
0x7b7: {  	v61 =	vshra.s32 v59, $0x1;
	v62 =	vmul.f32 $5.000000000e-01, v59  }
0x7b8: {  	v60 =	vsub.f32 $1.500000000e+00, v60;
	v61 =	vsub.s32 $0x5F3759DF, v61  }
0x7b9: {  	v63 =	vmul.f32 v61, v62  }
0x7ba: {  	v54 =	vmul.f32 v54, v60  }
0x7bb: {  	v60 =	vmul.f32 v61, v63  }
0x7bc: {  	v58 =	vmul.f32 v54, v58  }
0x7bd: {  	v16 =	vmul.f32 $5.000000000e-01, v16;
	v60 =	vsub.f32 $1.500000000e+00, v60  }
0x7be: {  	v58 =	vmul.f32 v58, v54  }
0x7bf: {  	v16 =	vadd.f32 $4.625000000e+00, v16;
	v63 =	vsub.f32 $1.275862100e+00, v20;
	v60 =	vmul.f32 v61, v60  }
0x7c0: {  	v58 =	vsub.f32 $1.500000000e+00, v58  }
0x7c1: {  	v16 =	vmul.f32 v16, v63;
	v61 =	vmul.f32 v60, v62  }
0x7c2: {  	v0 =	vmul.f32 $5.000000000e-01, v0;
	v54 =	vmul.f32 v58, v54  }
0x7c3: {  	v58 =	vclamp.gez.f32 v16, v17;
	v61 =	vmul.f32 v61, v60  }
0x7c4: {  	v0 =	vadd.f32 $4.625000000e+00, v0;
	v47 =	vmul.f32 v54, v47;
	v54 =	vsub.f32 v17, v58  }
0x7c5: {  	v58 =	vsub.f32 $1.275862100e+00, v53;
	v61 =	vsub.f32 $1.500000000e+00, v61  }
0x7c6: {  	vm1 =	vgt.f32 v16, v17;
	v20 =	vsub.f32 v47, v20;
	v16 =	vmul.f32 $1.081081110e-01, v54  }
0x7c7: {  	v0 =	vmul.f32 v0, v58;
	v62 =	vmul.f32 v61, v60  }
0x7c8: {  	v17 =	vor.u32 s30, v55;
	v20 =	vsel vm1, v20, v63  }
0x7c9: {  	s2 =	sadd.s32 $0xFFFFFF50, s26;
	v54 =	vclamp.gez.f32 v0, v19;
	v16 =	vadd.f32 v20, v16;
	v20 =	vmul.f32 v62, v59  }
0x7ca: {  	s2 =	sand.u32 $0xFFE0, s2;
	v47 =	vsub.f32 v19, v54  }
0x7cb: {  	[tilespmem:s2+$0xA800] =	vst v16;
	v16 =	vsub.f32 v20, v53  }
0x7cc: {  	vm1 =	vgt.f32 v0, v19;
	v19 =	vor.u32 s29, v55;
	v0 =	vmul.f32 $1.081081110e-01, v47  }
0x7cd: {  	v20 =	vld.idx.msk [tilespmem:v17+s9+$0x0], $0xffff;
	v16 =	vsel vm1, v16, v58  }
0x7ce: {  	v17 =	vld.idx.msk [tilespmem:v17+s11+$0x0], $0xffff;
	v0 =	vadd.f32 v16, v0  }
0x7cf: {  	s31 =	sand.u32 $0xFFF0, s26;
	v16 =	vld.idx.msk [tilespmem:v29+s5+$0x0], $0xffff  }
0x7d0: {  	v59 =	vld.idx.msk [tilespmem:v27+s5+$0x0], $0xffff;
	[tilespmem:s31+$0xA800] =	vst v0  }
0x7d1: {  	v0 =	vld.idx.msk [tilespmem:v19+s9+$0x0], $0xffff  }
0x7d2: {  	v19 =	vld.idx.msk [tilespmem:v19+s11+$0x0], $0xffff  }
0x7d3: {  	v60 =	vld.idx.msk [tilespmem:v27+s5+$0x0], $0xffff  }
0x7d4: {  	v16 =	vsub.f32 v17, v16;
	v17 =	vld.idx.msk [tilespmem:v29+s5+$0x0], $0xffff  }
0x7d5: {  	v20 =	vsub.f32 v20, v59;
	_ =	sdelay $0x1  }
0x7d6: {  	v47 =	vmul.f32 v20, v20;
	v61 =	vmul.f32 v16, v16  }
0x7d7: {  	v0 =	vsub.f32 v0, v60  }
0x7d8: {  	v47 =	vadd.f32 v61, v47;
	v17 =	vsub.f32 v19, v17  }
0x7d9: {  	v62 =	vmul.f32 v0, v0  }
0x7da: {  	v19 =	vshra.s32 v47, $0x1;
	v53 =	vmul.f32 $5.000000000e-01, v47;
	v63 =	vmul.f32 v17, v17  }
0x7db: {  	v19 =	vsub.s32 $0x5F3759DF, v19  }
0x7dc: {  	v60 =	vmul.f32 v19, v53;
	v54 =	vadd.f32 v63, v62;
	_ =	sdelay $0x1  }
0x7dd: {  	v58 =	vmul.f32 v19, v60;
	v59 =	vshra.s32 v54, $0x1;
	v60 =	vmul.f32 $5.000000000e-01, v54  }
0x7de: {  	v59 =	vsub.s32 $0x5F3759DF, v59  }
0x7df: {  	v58 =	vsub.f32 $1.500000000e+00, v58;
	v61 =	vmul.f32 v59, v60;
	_ =	sdelay $0x1  }
0x7e0: {  	v19 =	vmul.f32 v19, v58;
	v58 =	vld.idx.msk [tilespmem:v11+s5+$0x0], $0xffff;
	v61 =	vmul.f32 v59, v61  }
0x7e1: {  	v62 =	vld.idx.msk [tilespmem:v1+s5+$0x0], $0xffff  }
0x7e2: {  	v53 =	vmul.f32 v19, v53;
	v61 =	vsub.f32 $1.500000000e+00, v61;
	_ =	sdelay $0x1  }
0x7e3: {  	v63 =	vld.idx.msk [tilespmem:v1+s5+$0x0], $0xffff;
	v53 =	vmul.f32 v53, v19;
	v59 =	vmul.f32 v59, v61  }
0x7e4: {  	v16 =	vmul.f32 v58, v16;
	v58 =	vld.idx.msk [tilespmem:v11+s5+$0x0], $0xffff  }
0x7e5: {  	v20 =	vmul.f32 v62, v20;
	v53 =	vsub.f32 $1.500000000e+00, v53;
	v60 =	vmul.f32 v59, v60;
	_ =	sdelay $0x1  }
0x7e6: {  	v16 =	vadd.f32 v16, v20;
	v19 =	vmul.f32 v53, v19;
	v20 =	vmul.f32 v60, v59  }
0x7e7: {  	v0 =	vmul.f32 v63, v0  }
0x7e8: {  	v16 =	vmul.f32 v19, v16;
	v17 =	vmul.f32 v58, v17;
	v20 =	vsub.f32 $1.500000000e+00, v20;
	_ =	sdelay $0x1  }
0x7e9: {  	v16 =	vmax.f32 v16, $-9.250000000e+00;
	v0 =	vadd.f32 v17, v0;
	v20 =	vmul.f32 v20, v59  }
0x7ea: {  	v17 =	vmul.f32 v19, v47;
	v16 =	vmin.f32 v16, $9.250000000e+00  }
0x7eb: {  	v19 =	vmul.f32 $1.379310340e-01, v16;
	v0 =	vmul.f32 v20, v0;
	_ =	sdelay $0x1  }
0x7ec: {  	v62 =	vmul.f32 $2.758620680e-01, v17;
	v61 =	vmul.f32 v19, v19;
	v0 =	vmax.f32 v0, $-9.250000000e+00  }
0x7ed: {  	v20 =	vmul.f32 v20, v54;
	v0 =	vmin.f32 v0, $9.250000000e+00  }
0x7ee: {  	v47 =	vadd.f32 v61, v62;
	v53 =	vmul.f32 $1.379310340e-01, v0  }
0x7ef: {  	v60 =	vmul.f32 $2.758620680e-01, v20  }
0x7f0: {  	v63 =	vshra.s32 v47, $0x1;
	v58 =	vmul.f32 $5.000000000e-01, v47;
	v59 =	vmul.f32 v53, v53  }
0x7f1: {  	v54 =	vsub.s32 $0x5F3759DF, v63  }
0x7f2: {  	v61 =	vmul.f32 v54, v58;
	v59 =	vadd.f32 v59, v60;
	_ =	sdelay $0x1  }
0x7f3: {  	v60 =	vmul.f32 v54, v61;
	v61 =	vshra.s32 v59, $0x1;
	v62 =	vmul.f32 $5.000000000e-01, v59  }
0x7f4: {  	v61 =	vsub.s32 $0x5F3759DF, v61  }
0x7f5: {  	v60 =	vsub.f32 $1.500000000e+00, v60;
	v63 =	vmul.f32 v61, v62;
	_ =	sdelay $0x1  }
0x7f6: {  	v54 =	vmul.f32 v54, v60;
	v60 =	vmul.f32 v61, v63;
	_ =	sdelay $0x1  }
0x7f7: {  	v58 =	vmul.f32 v54, v58;
	v60 =	vsub.f32 $1.500000000e+00, v60  }
0x7f8: {  	v16 =	vmul.f32 $5.000000000e-01, v16  }
0x7f9: {  	v58 =	vmul.f32 v58, v54;
	v60 =	vmul.f32 v61, v60  }
0x7fa: {  	v16 =	vadd.f32 $4.625000000e+00, v16;
	v61 =	vsub.f32 $1.275862100e+00, v19  }
0x7fb: {  	v58 =	vsub.f32 $1.500000000e+00, v58;
	v62 =	vmul.f32 v60, v62  }
0x7fc: {  	v0 =	vmul.f32 $5.000000000e-01, v0;
	v16 =	vmul.f32 v16, v61  }
0x7fd: {  	v54 =	vmul.f32 v58, v54;
	v58 =	vmul.f32 v62, v60  }
0x7fe: {  	v0 =	vadd.f32 $4.625000000e+00, v0;
	v62 =	vclamp.gez.f32 v16, v17  }
0x7ff: {  	v47 =	vmul.f32 v54, v47;
	v54 =	vsub.f32 $1.275862100e+00, v53;
	v58 =	vsub.f32 $1.500000000e+00, v58  }
0x800: {  	v62 =	vsub.f32 v17, v62  }
0x801: {  	v19 =	vsub.f32 v47, v19;
	v0 =	vmul.f32 v0, v54;
	v60 =	vmul.f32 v58, v60  }
0x802: {  	v15 =	vor.u32 $0x7, v15;
	vm1 =	vgt.f32 v16, v17;
	v16 =	vmul.f32 $1.081081110e-01, v62  }
0x803: {  	v17 =	vsel vm1, v19, v61;
	v61 =	vclamp.gez.f32 v0, v20;
	v19 =	vmul.f32 v60, v59  }
0x804: {  	v16 =	vadd.f32 v17, v16;
	v17 =	vsub.f32 v20, v61  }
0x805: {  	v19 =	vsub.f32 v19, v53  }
0x806: {  	v12 =	vor.u32 $0x7, v12;
	vm1 =	vgt.f32 v0, v20;
	[tilespmem:s28+$0xFFFFFFE0] =	vst v16;
	v0 =	vmul.f32 $1.081081110e-01, v17  }
0x807: {  	v16 =	vld.idx.msk [tilespmem:v15+s9+$0x0], $0xffff;
	v17 =	vsel vm1, v19, v54  }
0x808: {  	v15 =	vld.idx.msk [tilespmem:v15+s11+$0x0], $0xffff;
	v0 =	vadd.f32 v17, v0  }
0x809: {  	v19 =	vld.idx.msk [tilespmem:v8+s5+$0x0], $0xffff  }
0x80a: {  	v17 =	vld.idx.msk [tilespmem:v7+s5+$0x0], $0xffff;
	[tilespmem:s28+$0x90] =	vst v0  }
0x80b: {  	v0 =	vld.idx.msk [tilespmem:v12+s9+$0x0], $0xffff  }
0x80c: {  	v12 =	vld.idx.msk [tilespmem:v12+s11+$0x0], $0xffff  }
0x80d: {  	v20 =	vld.idx.msk [tilespmem:v7+s5+$0x0], $0xffff  }
0x80e: {  	v62 =	vld.idx.msk [tilespmem:v8+s5+$0x0], $0xffff;
	_ =	sdelay $0x3  }
0x80f: {  	v15 =	vsub.f32 v15, v19;
	v16 =	vsub.f32 v16, v17  }
0x810: {  	v0 =	vsub.f32 v0, v20;
	v12 =	vsub.f32 v12, v62  }
0x811: {  	v19 =	vmul.f32 v15, v15;
	v17 =	vmul.f32 v16, v16  }
0x812: {  	v20 =	vmul.f32 v0, v0;
	v47 =	vmul.f32 v12, v12  }
0x813: {  	v17 =	vadd.f32 v19, v17  }
0x814: {  	v19 =	vadd.f32 v47, v20  }
0x815: {  	v20 =	vshra.s32 v17, $0x1;
	v47 =	vmul.f32 $5.000000000e-01, v17  }
0x816: {  	v20 =	vsub.s32 $0x5F3759DF, v20;
	v63 =	vshra.s32 v19, $0x1;
	v54 =	vmul.f32 $5.000000000e-01, v19  }
0x817: {  	v60 =	vmul.f32 v20, v47;
	v53 =	vsub.s32 $0x5F3759DF, v63  }
0x818: {  	v61 =	vmul.f32 v53, v54  }
0x819: {  	v58 =	vmul.f32 v20, v60  }
0x81a: {  	v59 =	vmul.f32 v53, v61  }
0x81b: {  	v58 =	vsub.f32 $1.500000000e+00, v58  }
0x81c: {  	v62 =	vld.idx.msk [tilespmem:v6+s5+$0x0], $0xffff;
	v59 =	vsub.f32 $1.500000000e+00, v59  }
0x81d: {  	v60 =	vld.idx.msk [tilespmem:v6+s5+$0x0], $0xffff;
	v20 =	vmul.f32 v20, v58  }
0x81e: {  	v61 =	vld.idx.msk [tilespmem:v2+s5+$0x0], $0xffff;
	v53 =	vmul.f32 v53, v59  }
0x81f: {  	v63 =	vld.idx.msk [tilespmem:v2+s5+$0x0], $0xffff;
	v47 =	vmul.f32 v20, v47  }
0x820: {  	v54 =	vmul.f32 v53, v54  }
0x821: {  	v47 =	vmul.f32 v47, v20  }
0x822: {  	v54 =	vmul.f32 v54, v53  }
0x823: {  	v16 =	vmul.f32 v60, v16;
	v15 =	vmul.f32 v61, v15;
	v47 =	vsub.f32 $1.500000000e+00, v47  }
0x824: {  	v0 =	vmul.f32 v62, v0;
	v12 =	vmul.f32 v63, v12;
	v54 =	vsub.f32 $1.500000000e+00, v54  }
0x825: {  	v15 =	vadd.f32 v15, v16;
	v20 =	vmul.f32 v47, v20  }
0x826: {  	v0 =	vadd.f32 v12, v0;
	v16 =	vmul.f32 v54, v53  }
0x827: {  	v12 =	vmul.f32 v20, v15  }
0x828: {  	v0 =	vmul.f32 v16, v0  }
0x829: {  	v12 =	vmax.f32 v12, $-9.250000000e+00  }
0x82a: {  	v12 =	vmin.f32 v12, $9.250000000e+00;
	v0 =	vmax.f32 v0, $-9.250000000e+00  }
0x82b: {  	v15 =	vmul.f32 v20, v17;
	v17 =	vmul.f32 $1.379310340e-01, v12;
	v0 =	vmin.f32 v0, $9.250000000e+00  }
0x82c: {  	v16 =	vmul.f32 v16, v19;
	v19 =	vmul.f32 $1.379310340e-01, v0  }
0x82d: {  	v61 =	vmul.f32 $2.758620680e-01, v15;
	v20 =	vmul.f32 v17, v17  }
0x82e: {  	v63 =	vmul.f32 $2.758620680e-01, v16;
	v62 =	vmul.f32 v19, v19  }
0x82f: {  	v20 =	vadd.f32 v20, v61  }
0x830: {  	v47 =	vadd.f32 v62, v63  }
0x831: {  	v58 =	vshra.s32 v20, $0x1;
	v54 =	vmul.f32 $5.000000000e-01, v20  }
0x832: {  	v53 =	vsub.s32 $0x5F3759DF, v58;
	v58 =	vshra.s32 v47, $0x1;
	v59 =	vmul.f32 $5.000000000e-01, v47  }
0x833: {  	v60 =	vmul.f32 v53, v54;
	v58 =	vsub.s32 $0x5F3759DF, v58  }
0x834: {  	v61 =	vmul.f32 v58, v59  }
0x835: {  	v60 =	vmul.f32 v53, v60  }
0x836: {  	v61 =	vmul.f32 v58, v61  }
0x837: {  	v60 =	vsub.f32 $1.500000000e+00, v60  }
0x838: {  	v61 =	vsub.f32 $1.500000000e+00, v61  }
0x839: {  	v53 =	vmul.f32 v53, v60  }
0x83a: {  	v58 =	vmul.f32 v58, v61  }
0x83b: {  	v12 =	vmul.f32 $5.000000000e-01, v12;
	v54 =	vmul.f32 v53, v54  }
0x83c: {  	v0 =	vmul.f32 $5.000000000e-01, v0;
	v59 =	vmul.f32 v58, v59  }
0x83d: {  	v54 =	vmul.f32 v54, v53  }
0x83e: {  	v12 =	vadd.f32 $4.625000000e+00, v12;
	v0 =	vadd.f32 $4.625000000e+00, v0;
	v59 =	vmul.f32 v59, v58  }
0x83f: {  	v60 =	vsub.f32 $1.275862100e+00, v17;
	v54 =	vsub.f32 $1.500000000e+00, v54  }
0x840: {  	v61 =	vsub.f32 $1.275862100e+00, v19;
	v59 =	vsub.f32 $1.500000000e+00, v59  }
0x841: {  	v12 =	vmul.f32 v12, v60;
	v53 =	vmul.f32 v54, v53  }
0x842: {  	v0 =	vmul.f32 v0, v61;
	v59 =	vmul.f32 v59, v58  }
0x843: {  	v62 =	vclamp.gez.f32 v12, v15;
	v20 =	vmul.f32 v53, v20  }
0x844: {  	v63 =	vclamp.gez.f32 v0, v16;
	v53 =	vsub.f32 v15, v62;
	v47 =	vmul.f32 v59, v47  }
0x845: {  	s25 =	sadd.s32 $0x2, s25;
	v17 =	vsub.f32 v20, v17;
	v20 =	vsub.f32 v16, v63  }
0x846: {  	p0 =	slt.u32 s25, $0xA2;
	vm1 =	vgt.f32 v12, v15;
	v12 =	vmul.f32 $1.081081110e-01, v53;
	v15 =	vsub.f32 v47, v19  }
.Ltmp1:
0x847: {  	v17 =	vsel vm1, v17, v60;
	vm1 =	vgt.f32 v0, v16;
	v0 =	vmul.f32 $1.081081110e-01, v20;
	(pc) =	sbr.rel @p0 .LBB2_5-.Ltmp1, $4  }
0x848: {  	v12 =	vadd.f32 v17, v12;
	v15 =	vsel vm1, v15, v61  }
0x849: {  	v0 =	vadd.f32 v15, v0  }
0x84a: {  	[tilespmem:s28+$0xFFFFFFF0] =	vst v12  }
0x84b: {  	s21 =	sadd.s32 $0x10, s21;
	s26 =	sadd.s32 $0x160, s26;
	[tilespmem:s28+$0xA0] =	vst v0;
	s28 =	sadd.s32 $0x160, s28  }
0x84c: {  	s21 =	sadd.s32 $0x520, s24;
	v16 =	vld [tilespmem:$0x1FB70]  }
0x84d: {  	v12 =	vmov s21;
	_ =	sdelay $0x3  }
0x84e: {  	v17 =	vld.idx.msk [tilespmem:v57+s5+$0x0], $0xffff  }
0x84f: {  	v0 =	vld.idx.msk [tilespmem:v12+s9+$0x0], $0xffff  }
0x850: {  	v15 =	vld.idx.msk [tilespmem:v12+s11+$0x0], $0xffff  }
0x851: {  	v16 =	vld.idx.msk [tilespmem:v16+s5+$0x0], $0xffff;
	_ =	sdelay $0x4  }
0x852: {  	v15 =	vsub.f32 v15, v17;
	v0 =	vsub.f32 v0, v16;
	_ =	sdelay $0x1  }
0x853: {  	v17 =	vmul.f32 v15, v15;
	v16 =	vmul.f32 v0, v0;
	_ =	sdelay $0x1  }
0x854: {  	v16 =	vadd.f32 v17, v16;
	_ =	sdelay $0x1  }
0x855: {  	v47 =	vld [tilespmem:$0x1FB80];
	v17 =	vshra.s32 v16, $0x1;
	v19 =	vmul.f32 $5.000000000e-01, v16  }
0x856: {  	v60 =	vld [tilespmem:$0x1FB90];
	v17 =	vsub.s32 $0x5F3759DF, v17  }
0x857: {  	v20 =	vmul.f32 v17, v19;
	_ =	sdelay $0x1  }
0x858: {  	v20 =	vmul.f32 v17, v20;
	_ =	sdelay $0x1  }
0x859: {  	v20 =	vsub.f32 $1.500000000e+00, v20;
	_ =	sdelay $0x1  }
0x85a: {  	v47 =	vld.idx.msk [tilespmem:v47+s5+$0x0], $0xffff;
	v17 =	vmul.f32 v17, v20  }
0x85b: {  	v20 =	vld.idx.msk [tilespmem:v60+s5+$0x0], $0xffff  }
0x85c: {  	v19 =	vmul.f32 v17, v19;
	_ =	sdelay $0x1  }
0x85d: {  	v19 =	vmul.f32 v19, v17;
	_ =	sdelay $0x1  }
0x85e: {  	v0 =	vmul.f32 v47, v0;
	v15 =	vmul.f32 v20, v15;
	v19 =	vsub.f32 $1.500000000e+00, v19;
	_ =	sdelay $0x1  }
0x85f: {  	v0 =	vadd.f32 v15, v0;
	v17 =	vmul.f32 v19, v17;
	_ =	sdelay $0x1  }
0x860: {  	v0 =	vmul.f32 v17, v0;
	_ =	sdelay $0x1  }
0x861: {  	v0 =	vmax.f32 v0, $-9.250000000e+00  }
0x862: {  	v0 =	vmin.f32 v0, $9.250000000e+00  }
0x863: {  	v61 =	vmul.f32 v17, v16;
	v62 =	vmul.f32 $1.379310340e-01, v0;
	_ =	sdelay $0x1  }
0x864: {  	v47 =	vmul.f32 $2.758620680e-01, v61;
	v63 =	vmul.f32 v62, v62;
	_ =	sdelay $0x1  }
0x865: {  	v17 =	vadd.f32 v63, v47;
	_ =	sdelay $0x1  }
0x866: {  	v19 =	vshra.s32 v17, $0x1;
	v53 =	vmul.f32 $5.000000000e-01, v17  }
0x867: {  	v19 =	vsub.s32 $0x5F3759DF, v19  }
0x868: {  	v54 =	vmul.f32 v19, v53;
	_ =	sdelay $0x1  }
0x869: {  	v47 =	vmul.f32 v19, v54;
	_ =	sdelay $0x1  }
0x86a: {  	v47 =	vsub.f32 $1.500000000e+00, v47;
	_ =	sdelay $0x1  }
0x86b: {  	v19 =	vmul.f32 v19, v47;
	_ =	sdelay $0x1  }
0x86c: {  	v20 =	vmul.f32 v19, v53;
	_ =	sdelay $0x1  }
0x86d: {  	v0 =	vmul.f32 $5.000000000e-01, v0;
	v20 =	vmul.f32 v20, v19  }
0x86e: {  	v57 =	vsub.f32 $1.275862100e+00, v62  }
0x86f: {  	v0 =	vadd.f32 $4.625000000e+00, v0;
	v20 =	vsub.f32 $1.500000000e+00, v20;
	_ =	sdelay $0x1  }
0x870: {  	v0 =	vmul.f32 v0, v57;
	v19 =	vmul.f32 v20, v19;
	_ =	sdelay $0x1  }
0x871: {  	v58 =	vclamp.gez.f32 v0, v61;
	v17 =	vmul.f32 v19, v17  }
0x872: {  	v19 =	vsub.f32 v61, v58  }
0x873: {  	v16 =	vsub.f32 v17, v62  }
0x874: {  	v60 =	vor.u32 s21, v48;
	vm1 =	vgt.f32 v0, v61;
	v59 =	vmul.f32 $1.081081110e-01, v19  }
0x875: {  	v16 =	vsel vm1, v16, v57  }
0x876: {  	v0 =	vadd.f32 v16, v59;
	_ =	sdelay $0x1  }
0x877: {  	[tilespmem:$0x11840] =	vst v0  }
0x878: {  	v0 =	vld.idx.msk [tilespmem:v60+s9+$0x0], $0xffff  }
0x879: {  	v15 =	vld.idx.msk [tilespmem:v60+s11+$0x0], $0xffff  }
0x87a: {  	v61 =	vld.idx.msk [tilespmem:v45+s5+$0x0], $0xffff  }
0x87b: {  	v62 =	vld.idx.msk [tilespmem:v46+s5+$0x0], $0xffff;
	_ =	sdelay $0x4  }
0x87c: {  	v0 =	vsub.f32 v0, v61;
	v15 =	vsub.f32 v15, v62;
	_ =	sdelay $0x1  }
0x87d: {  	v16 =	vmul.f32 v0, v0;
	v17 =	vmul.f32 v15, v15;
	_ =	sdelay $0x1  }
0x87e: {  	v16 =	vadd.f32 v17, v16;
	_ =	sdelay $0x1  }
0x87f: {  	v17 =	vshra.s32 v16, $0x1;
	v63 =	vmul.f32 $5.000000000e-01, v16  }
0x880: {  	v17 =	vsub.s32 $0x5F3759DF, v17  }
0x881: {  	v46 =	vmul.f32 v17, v63;
	_ =	sdelay $0x1  }
0x882: {  	v20 =	vmul.f32 v17, v46;
	_ =	sdelay $0x1  }
0x883: {  	v20 =	vsub.f32 $1.500000000e+00, v20;
	_ =	sdelay $0x1  }
0x884: {  	v44 =	vld.idx.msk [tilespmem:v44+s5+$0x0], $0xffff;
	v17 =	vmul.f32 v17, v20  }
0x885: {  	v47 =	vld.idx.msk [tilespmem:v43+s5+$0x0], $0xffff  }
0x886: {  	v19 =	vmul.f32 v17, v63;
	_ =	sdelay $0x1  }
0x887: {  	v19 =	vmul.f32 v19, v17;
	_ =	sdelay $0x1  }
0x888: {  	v0 =	vmul.f32 v44, v0;
	v15 =	vmul.f32 v47, v15;
	v19 =	vsub.f32 $1.500000000e+00, v19;
	_ =	sdelay $0x1  }
0x889: {  	v0 =	vadd.f32 v15, v0;
	v17 =	vmul.f32 v19, v17;
	_ =	sdelay $0x1  }
0x88a: {  	v0 =	vmul.f32 v17, v0;
	_ =	sdelay $0x1  }
0x88b: {  	v0 =	vmax.f32 v0, $-9.250000000e+00  }
0x88c: {  	v0 =	vmin.f32 v0, $9.250000000e+00  }
0x88d: {  	v53 =	vmul.f32 v17, v16;
	v54 =	vmul.f32 $1.379310340e-01, v0;
	_ =	sdelay $0x1  }
0x88e: {  	v58 =	vmul.f32 $2.758620680e-01, v53;
	v57 =	vmul.f32 v54, v54;
	_ =	sdelay $0x1  }
0x88f: {  	v17 =	vadd.f32 v57, v58;
	_ =	sdelay $0x1  }
0x890: {  	v19 =	vshra.s32 v17, $0x1;
	v59 =	vmul.f32 $5.000000000e-01, v17  }
0x891: {  	v19 =	vsub.s32 $0x5F3759DF, v19  }
0x892: {  	v60 =	vmul.f32 v19, v59;
	_ =	sdelay $0x1  }
0x893: {  	v43 =	vmul.f32 v19, v60;
	_ =	sdelay $0x1  }
0x894: {  	v43 =	vsub.f32 $1.500000000e+00, v43;
	_ =	sdelay $0x1  }
0x895: {  	v19 =	vmul.f32 v19, v43;
	_ =	sdelay $0x1  }
0x896: {  	v20 =	vmul.f32 v19, v59;
	_ =	sdelay $0x1  }
0x897: {  	v0 =	vmul.f32 $5.000000000e-01, v0;
	v20 =	vmul.f32 v20, v19  }
0x898: {  	v61 =	vsub.f32 $1.275862100e+00, v54  }
0x899: {  	v0 =	vadd.f32 $4.625000000e+00, v0;
	v20 =	vsub.f32 $1.500000000e+00, v20;
	_ =	sdelay $0x1  }
0x89a: {  	v0 =	vmul.f32 v0, v61;
	v19 =	vmul.f32 v20, v19;
	_ =	sdelay $0x1  }
0x89b: {  	v62 =	vclamp.gez.f32 v0, v53;
	v17 =	vmul.f32 v19, v17  }
0x89c: {  	v19 =	vsub.f32 v53, v62  }
0x89d: {  	v16 =	vsub.f32 v17, v54  }
0x89e: {  	vm1 =	vgt.f32 v0, v53;
	v20 =	vor.u32 s21, v49;
	v63 =	vmul.f32 $1.081081110e-01, v19  }
0x89f: {  	v16 =	vsel vm1, v16, v61  }
0x8a0: {  	v0 =	vadd.f32 v16, v63;
	_ =	sdelay $0x1  }
0x8a1: {  	[tilespmem:$0x11850] =	vst v0  }
0x8a2: {  	v0 =	vld.idx.msk [tilespmem:v20+s9+$0x0], $0xffff  }
0x8a3: {  	v15 =	vld.idx.msk [tilespmem:v20+s11+$0x0], $0xffff  }
0x8a4: {  	v43 =	vld.idx.msk [tilespmem:v41+s5+$0x0], $0xffff  }
0x8a5: {  	v44 =	vld.idx.msk [tilespmem:v42+s5+$0x0], $0xffff;
	_ =	sdelay $0x4  }
0x8a6: {  	v0 =	vsub.f32 v0, v43;
	v15 =	vsub.f32 v15, v44;
	_ =	sdelay $0x1  }
0x8a7: {  	v16 =	vmul.f32 v0, v0;
	v17 =	vmul.f32 v15, v15;
	_ =	sdelay $0x1  }
0x8a8: {  	v16 =	vadd.f32 v17, v16;
	_ =	sdelay $0x1  }
0x8a9: {  	v17 =	vshra.s32 v16, $0x1;
	v45 =	vmul.f32 $5.000000000e-01, v16  }
0x8aa: {  	v17 =	vsub.s32 $0x5F3759DF, v17  }
0x8ab: {  	v46 =	vmul.f32 v17, v45;
	_ =	sdelay $0x1  }
0x8ac: {  	v20 =	vmul.f32 v17, v46;
	_ =	sdelay $0x1  }
0x8ad: {  	v20 =	vsub.f32 $1.500000000e+00, v20;
	_ =	sdelay $0x1  }
0x8ae: {  	v39 =	vld.idx.msk [tilespmem:v39+s5+$0x0], $0xffff;
	v17 =	vmul.f32 v17, v20  }
0x8af: {  	v47 =	vld.idx.msk [tilespmem:v40+s5+$0x0], $0xffff  }
0x8b0: {  	v19 =	vmul.f32 v17, v45;
	_ =	sdelay $0x1  }
0x8b1: {  	v19 =	vmul.f32 v19, v17;
	_ =	sdelay $0x1  }
0x8b2: {  	v0 =	vmul.f32 v39, v0;
	v15 =	vmul.f32 v47, v15;
	v19 =	vsub.f32 $1.500000000e+00, v19;
	_ =	sdelay $0x1  }
0x8b3: {  	v0 =	vadd.f32 v15, v0;
	v17 =	vmul.f32 v19, v17;
	_ =	sdelay $0x1  }
0x8b4: {  	v0 =	vmul.f32 v17, v0;
	_ =	sdelay $0x1  }
0x8b5: {  	v0 =	vmax.f32 v0, $-9.250000000e+00  }
0x8b6: {  	v0 =	vmin.f32 v0, $9.250000000e+00  }
0x8b7: {  	v53 =	vmul.f32 v17, v16;
	v54 =	vmul.f32 $1.379310340e-01, v0;
	_ =	sdelay $0x1  }
0x8b8: {  	v58 =	vmul.f32 $2.758620680e-01, v53;
	v57 =	vmul.f32 v54, v54;
	_ =	sdelay $0x1  }
0x8b9: {  	v17 =	vadd.f32 v57, v58;
	_ =	sdelay $0x1  }
0x8ba: {  	v19 =	vshra.s32 v17, $0x1;
	v59 =	vmul.f32 $5.000000000e-01, v17  }
0x8bb: {  	v19 =	vsub.s32 $0x5F3759DF, v19  }
0x8bc: {  	v60 =	vmul.f32 v19, v59;
	_ =	sdelay $0x1  }
0x8bd: {  	v39 =	vmul.f32 v19, v60;
	_ =	sdelay $0x1  }
0x8be: {  	v39 =	vsub.f32 $1.500000000e+00, v39;
	_ =	sdelay $0x1  }
0x8bf: {  	v19 =	vmul.f32 v19, v39;
	_ =	sdelay $0x1  }
0x8c0: {  	v20 =	vmul.f32 v19, v59;
	_ =	sdelay $0x1  }
0x8c1: {  	v0 =	vmul.f32 $5.000000000e-01, v0;
	v20 =	vmul.f32 v20, v19  }
0x8c2: {  	v61 =	vsub.f32 $1.275862100e+00, v54  }
0x8c3: {  	v0 =	vadd.f32 $4.625000000e+00, v0;
	v20 =	vsub.f32 $1.500000000e+00, v20;
	_ =	sdelay $0x1  }
0x8c4: {  	v0 =	vmul.f32 v0, v61;
	v19 =	vmul.f32 v20, v19;
	_ =	sdelay $0x1  }
0x8c5: {  	v62 =	vclamp.gez.f32 v0, v53;
	v17 =	vmul.f32 v19, v17  }
0x8c6: {  	v19 =	vsub.f32 v53, v62  }
0x8c7: {  	v16 =	vsub.f32 v17, v54  }
0x8c8: {  	vm1 =	vgt.f32 v0, v53;
	v20 =	vor.u32 $0x2, v12;
	v63 =	vmul.f32 $1.081081110e-01, v19  }
0x8c9: {  	v16 =	vsel vm1, v16, v61  }
0x8ca: {  	v0 =	vadd.f32 v16, v63;
	_ =	sdelay $0x1  }
0x8cb: {  	[tilespmem:$0x11860] =	vst v0  }
0x8cc: {  	v0 =	vld.idx.msk [tilespmem:v20+s9+$0x0], $0xffff  }
0x8cd: {  	v15 =	vld.idx.msk [tilespmem:v20+s11+$0x0], $0xffff  }
0x8ce: {  	v37 =	vld.idx.msk [tilespmem:v37+s5+$0x0], $0xffff  }
0x8cf: {  	v39 =	vld.idx.msk [tilespmem:v38+s5+$0x0], $0xffff;
	_ =	sdelay $0x4  }
0x8d0: {  	v0 =	vsub.f32 v0, v37;
	v15 =	vsub.f32 v15, v39;
	_ =	sdelay $0x1  }
0x8d1: {  	v16 =	vmul.f32 v0, v0;
	v17 =	vmul.f32 v15, v15;
	_ =	sdelay $0x1  }
0x8d2: {  	v16 =	vadd.f32 v17, v16;
	_ =	sdelay $0x1  }
0x8d3: {  	v17 =	vshra.s32 v16, $0x1;
	v40 =	vmul.f32 $5.000000000e-01, v16  }
0x8d4: {  	v17 =	vsub.s32 $0x5F3759DF, v17  }
0x8d5: {  	v41 =	vmul.f32 v17, v40;
	_ =	sdelay $0x1  }
0x8d6: {  	v20 =	vmul.f32 v17, v41;
	_ =	sdelay $0x1  }
0x8d7: {  	v20 =	vsub.f32 $1.500000000e+00, v20;
	_ =	sdelay $0x1  }
0x8d8: {  	v36 =	vld.idx.msk [tilespmem:v36+s5+$0x0], $0xffff;
	v17 =	vmul.f32 v17, v20  }
0x8d9: {  	v42 =	vld.idx.msk [tilespmem:v35+s5+$0x0], $0xffff  }
0x8da: {  	v19 =	vmul.f32 v17, v40;
	_ =	sdelay $0x1  }
0x8db: {  	v19 =	vmul.f32 v19, v17;
	_ =	sdelay $0x1  }
0x8dc: {  	v0 =	vmul.f32 v36, v0;
	v15 =	vmul.f32 v42, v15;
	v19 =	vsub.f32 $1.500000000e+00, v19;
	_ =	sdelay $0x1  }
0x8dd: {  	v0 =	vadd.f32 v15, v0;
	v17 =	vmul.f32 v19, v17;
	_ =	sdelay $0x1  }
0x8de: {  	v0 =	vmul.f32 v17, v0;
	_ =	sdelay $0x1  }
0x8df: {  	v0 =	vmax.f32 v0, $-9.250000000e+00  }
0x8e0: {  	v0 =	vmin.f32 v0, $9.250000000e+00  }
0x8e1: {  	v43 =	vmul.f32 v17, v16;
	v44 =	vmul.f32 $1.379310340e-01, v0;
	_ =	sdelay $0x1  }
0x8e2: {  	v46 =	vmul.f32 $2.758620680e-01, v43;
	v45 =	vmul.f32 v44, v44;
	_ =	sdelay $0x1  }
0x8e3: {  	v17 =	vadd.f32 v45, v46;
	_ =	sdelay $0x1  }
0x8e4: {  	v19 =	vshra.s32 v17, $0x1;
	v47 =	vmul.f32 $5.000000000e-01, v17  }
0x8e5: {  	v19 =	vsub.s32 $0x5F3759DF, v19  }
0x8e6: {  	v53 =	vmul.f32 v19, v47;
	_ =	sdelay $0x1  }
0x8e7: {  	v35 =	vmul.f32 v19, v53;
	_ =	sdelay $0x1  }
0x8e8: {  	v35 =	vsub.f32 $1.500000000e+00, v35;
	_ =	sdelay $0x1  }
0x8e9: {  	v19 =	vmul.f32 v19, v35;
	_ =	sdelay $0x1  }
0x8ea: {  	v20 =	vmul.f32 v19, v47;
	_ =	sdelay $0x1  }
0x8eb: {  	v0 =	vmul.f32 $5.000000000e-01, v0;
	v20 =	vmul.f32 v20, v19  }
0x8ec: {  	v54 =	vsub.f32 $1.275862100e+00, v44  }
0x8ed: {  	v0 =	vadd.f32 $4.625000000e+00, v0;
	v20 =	vsub.f32 $1.500000000e+00, v20;
	_ =	sdelay $0x1  }
0x8ee: {  	v0 =	vmul.f32 v0, v54;
	v19 =	vmul.f32 v20, v19;
	_ =	sdelay $0x1  }
0x8ef: {  	v57 =	vclamp.gez.f32 v0, v43;
	v17 =	vmul.f32 v19, v17  }
0x8f0: {  	v19 =	vsub.f32 v43, v57  }
0x8f1: {  	v16 =	vsub.f32 v17, v44  }
0x8f2: {  	v59 =	vor.u32 s21, v50;
	vm1 =	vgt.f32 v0, v43;
	v58 =	vmul.f32 $1.081081110e-01, v19  }
0x8f3: {  	v16 =	vsel vm1, v16, v54  }
0x8f4: {  	v0 =	vadd.f32 v16, v58;
	_ =	sdelay $0x1  }
0x8f5: {  	[tilespmem:$0x11870] =	vst v0  }
0x8f6: {  	v0 =	vld.idx.msk [tilespmem:v59+s9+$0x0], $0xffff  }
0x8f7: {  	v15 =	vld.idx.msk [tilespmem:v59+s11+$0x0], $0xffff  }
0x8f8: {  	v60 =	vld.idx.msk [tilespmem:v33+s5+$0x0], $0xffff  }
0x8f9: {  	v61 =	vld.idx.msk [tilespmem:v34+s5+$0x0], $0xffff;
	_ =	sdelay $0x4  }
0x8fa: {  	v0 =	vsub.f32 v0, v60;
	v15 =	vsub.f32 v15, v61;
	_ =	sdelay $0x1  }
0x8fb: {  	v16 =	vmul.f32 v0, v0;
	v17 =	vmul.f32 v15, v15;
	_ =	sdelay $0x1  }
0x8fc: {  	v16 =	vadd.f32 v17, v16;
	_ =	sdelay $0x1  }
0x8fd: {  	v17 =	vshra.s32 v16, $0x1;
	v62 =	vmul.f32 $5.000000000e-01, v16  }
0x8fe: {  	v17 =	vsub.s32 $0x5F3759DF, v17  }
0x8ff: {  	v63 =	vmul.f32 v17, v62;
	_ =	sdelay $0x1  }
0x900: {  	v20 =	vmul.f32 v17, v63;
	_ =	sdelay $0x1  }
0x901: {  	v20 =	vsub.f32 $1.500000000e+00, v20;
	_ =	sdelay $0x1  }
0x902: {  	v32 =	vld.idx.msk [tilespmem:v32+s5+$0x0], $0xffff;
	v17 =	vmul.f32 v17, v20  }
0x903: {  	v31 =	vld.idx.msk [tilespmem:v31+s5+$0x0], $0xffff  }
0x904: {  	v19 =	vmul.f32 v17, v62;
	_ =	sdelay $0x1  }
0x905: {  	v19 =	vmul.f32 v19, v17;
	_ =	sdelay $0x1  }
0x906: {  	v0 =	vmul.f32 v32, v0;
	v15 =	vmul.f32 v31, v15;
	v19 =	vsub.f32 $1.500000000e+00, v19;
	_ =	sdelay $0x1  }
0x907: {  	v0 =	vadd.f32 v15, v0;
	v17 =	vmul.f32 v19, v17;
	_ =	sdelay $0x1  }
0x908: {  	v0 =	vmul.f32 v17, v0;
	_ =	sdelay $0x1  }
0x909: {  	v0 =	vmax.f32 v0, $-9.250000000e+00  }
0x90a: {  	v0 =	vmin.f32 v0, $9.250000000e+00  }
0x90b: {  	v33 =	vmul.f32 v17, v16;
	v34 =	vmul.f32 $1.379310340e-01, v0;
	_ =	sdelay $0x1  }
0x90c: {  	v36 =	vmul.f32 $2.758620680e-01, v33;
	v35 =	vmul.f32 v34, v34;
	_ =	sdelay $0x1  }
0x90d: {  	v17 =	vadd.f32 v35, v36;
	_ =	sdelay $0x1  }
0x90e: {  	v19 =	vshra.s32 v17, $0x1;
	v37 =	vmul.f32 $5.000000000e-01, v17  }
0x90f: {  	v19 =	vsub.s32 $0x5F3759DF, v19  }
0x910: {  	v38 =	vmul.f32 v19, v37;
	_ =	sdelay $0x1  }
0x911: {  	v31 =	vmul.f32 v19, v38;
	_ =	sdelay $0x1  }
0x912: {  	v31 =	vsub.f32 $1.500000000e+00, v31;
	_ =	sdelay $0x1  }
0x913: {  	v19 =	vmul.f32 v19, v31;
	_ =	sdelay $0x1  }
0x914: {  	v20 =	vmul.f32 v19, v37;
	_ =	sdelay $0x1  }
0x915: {  	v0 =	vmul.f32 $5.000000000e-01, v0;
	v20 =	vmul.f32 v20, v19  }
0x916: {  	v39 =	vsub.f32 $1.275862100e+00, v34  }
0x917: {  	v0 =	vadd.f32 $4.625000000e+00, v0;
	v20 =	vsub.f32 $1.500000000e+00, v20;
	_ =	sdelay $0x1  }
0x918: {  	v0 =	vmul.f32 v0, v39;
	v19 =	vmul.f32 v20, v19;
	_ =	sdelay $0x1  }
0x919: {  	v40 =	vclamp.gez.f32 v0, v33;
	v17 =	vmul.f32 v19, v17  }
0x91a: {  	v19 =	vsub.f32 v33, v40  }
0x91b: {  	v16 =	vsub.f32 v17, v34  }
0x91c: {  	v42 =	vor.u32 s21, v56;
	vm1 =	vgt.f32 v0, v33;
	v41 =	vmul.f32 $1.081081110e-01, v19  }
0x91d: {  	v16 =	vsel vm1, v16, v39  }
0x91e: {  	v0 =	vadd.f32 v16, v41;
	_ =	sdelay $0x1  }
0x91f: {  	[tilespmem:$0x11880] =	vst v0  }
0x920: {  	v0 =	vld.idx.msk [tilespmem:v42+s9+$0x0], $0xffff  }
0x921: {  	v15 =	vld.idx.msk [tilespmem:v42+s11+$0x0], $0xffff  }
0x922: {  	v43 =	vld.idx.msk [tilespmem:v28+s5+$0x0], $0xffff  }
0x923: {  	v44 =	vld.idx.msk [tilespmem:v30+s5+$0x0], $0xffff;
	_ =	sdelay $0x4  }
0x924: {  	v0 =	vsub.f32 v0, v43;
	v15 =	vsub.f32 v15, v44;
	_ =	sdelay $0x1  }
0x925: {  	v16 =	vmul.f32 v0, v0;
	v17 =	vmul.f32 v15, v15;
	_ =	sdelay $0x1  }
0x926: {  	v16 =	vadd.f32 v17, v16;
	_ =	sdelay $0x1  }
0x927: {  	v17 =	vshra.s32 v16, $0x1;
	v45 =	vmul.f32 $5.000000000e-01, v16  }
0x928: {  	v17 =	vsub.s32 $0x5F3759DF, v17  }
0x929: {  	v46 =	vmul.f32 v17, v45;
	_ =	sdelay $0x1  }
0x92a: {  	v20 =	vmul.f32 v17, v46;
	_ =	sdelay $0x1  }
0x92b: {  	v20 =	vsub.f32 $1.500000000e+00, v20;
	_ =	sdelay $0x1  }
0x92c: {  	v25 =	vld.idx.msk [tilespmem:v25+s5+$0x0], $0xffff;
	v17 =	vmul.f32 v17, v20  }
0x92d: {  	v47 =	vld.idx.msk [tilespmem:v26+s5+$0x0], $0xffff  }
0x92e: {  	v19 =	vmul.f32 v17, v45;
	_ =	sdelay $0x1  }
0x92f: {  	v19 =	vmul.f32 v19, v17;
	_ =	sdelay $0x1  }
0x930: {  	v0 =	vmul.f32 v25, v0;
	v15 =	vmul.f32 v47, v15;
	v19 =	vsub.f32 $1.500000000e+00, v19;
	_ =	sdelay $0x1  }
0x931: {  	v0 =	vadd.f32 v15, v0;
	v17 =	vmul.f32 v19, v17;
	_ =	sdelay $0x1  }
0x932: {  	v0 =	vmul.f32 v17, v0;
	_ =	sdelay $0x1  }
0x933: {  	v0 =	vmax.f32 v0, $-9.250000000e+00  }
0x934: {  	v0 =	vmin.f32 v0, $9.250000000e+00  }
0x935: {  	v53 =	vmul.f32 v17, v16;
	v54 =	vmul.f32 $1.379310340e-01, v0;
	_ =	sdelay $0x1  }
0x936: {  	v57 =	vmul.f32 $2.758620680e-01, v53;
	v56 =	vmul.f32 v54, v54;
	_ =	sdelay $0x1  }
0x937: {  	v17 =	vadd.f32 v56, v57;
	_ =	sdelay $0x1  }
0x938: {  	v19 =	vshra.s32 v17, $0x1;
	v58 =	vmul.f32 $5.000000000e-01, v17  }
0x939: {  	v19 =	vsub.s32 $0x5F3759DF, v19  }
0x93a: {  	v59 =	vmul.f32 v19, v58;
	_ =	sdelay $0x1  }
0x93b: {  	v25 =	vmul.f32 v19, v59;
	_ =	sdelay $0x1  }
0x93c: {  	v25 =	vsub.f32 $1.500000000e+00, v25;
	_ =	sdelay $0x1  }
0x93d: {  	v19 =	vmul.f32 v19, v25;
	_ =	sdelay $0x1  }
0x93e: {  	v20 =	vmul.f32 v19, v58;
	_ =	sdelay $0x1  }
0x93f: {  	v0 =	vmul.f32 $5.000000000e-01, v0;
	v20 =	vmul.f32 v20, v19  }
0x940: {  	v60 =	vsub.f32 $1.275862100e+00, v54  }
0x941: {  	v0 =	vadd.f32 $4.625000000e+00, v0;
	v20 =	vsub.f32 $1.500000000e+00, v20;
	_ =	sdelay $0x1  }
0x942: {  	v0 =	vmul.f32 v0, v60;
	v19 =	vmul.f32 v20, v19;
	_ =	sdelay $0x1  }
0x943: {  	v61 =	vclamp.gez.f32 v0, v53;
	v17 =	vmul.f32 v19, v17  }
0x944: {  	v19 =	vsub.f32 v53, v61  }
0x945: {  	v16 =	vsub.f32 v17, v54  }
0x946: {  	v63 =	vor.u32 s21, v51;
	vm1 =	vgt.f32 v0, v53;
	v62 =	vmul.f32 $1.081081110e-01, v19  }
0x947: {  	v16 =	vsel vm1, v16, v60  }
0x948: {  	v0 =	vadd.f32 v16, v62;
	_ =	sdelay $0x1  }
0x949: {  	[tilespmem:$0x11890] =	vst v0  }
0x94a: {  	v0 =	vld.idx.msk [tilespmem:v63+s9+$0x0], $0xffff  }
0x94b: {  	v15 =	vld.idx.msk [tilespmem:v63+s11+$0x0], $0xffff  }
0x94c: {  	v20 =	vld.idx.msk [tilespmem:v23+s5+$0x0], $0xffff  }
0x94d: {  	v23 =	vld.idx.msk [tilespmem:v24+s5+$0x0], $0xffff;
	_ =	sdelay $0x4  }
0x94e: {  	v0 =	vsub.f32 v0, v20;
	v15 =	vsub.f32 v15, v23;
	_ =	sdelay $0x1  }
0x94f: {  	v16 =	vmul.f32 v0, v0;
	v17 =	vmul.f32 v15, v15;
	_ =	sdelay $0x1  }
0x950: {  	v16 =	vadd.f32 v17, v16;
	_ =	sdelay $0x1  }
0x951: {  	v17 =	vshra.s32 v16, $0x1;
	v24 =	vmul.f32 $5.000000000e-01, v16  }
0x952: {  	v17 =	vsub.s32 $0x5F3759DF, v17  }
0x953: {  	v25 =	vmul.f32 v17, v24;
	_ =	sdelay $0x1  }
0x954: {  	v20 =	vmul.f32 v17, v25;
	_ =	sdelay $0x1  }
0x955: {  	v20 =	vsub.f32 $1.500000000e+00, v20;
	_ =	sdelay $0x1  }
0x956: {  	v22 =	vld.idx.msk [tilespmem:v22+s5+$0x0], $0xffff;
	v17 =	vmul.f32 v17, v20  }
0x957: {  	v26 =	vld.idx.msk [tilespmem:v21+s5+$0x0], $0xffff  }
0x958: {  	v19 =	vmul.f32 v17, v24;
	_ =	sdelay $0x1  }
0x959: {  	v19 =	vmul.f32 v19, v17;
	_ =	sdelay $0x1  }
0x95a: {  	v0 =	vmul.f32 v22, v0;
	v15 =	vmul.f32 v26, v15;
	v19 =	vsub.f32 $1.500000000e+00, v19;
	_ =	sdelay $0x1  }
0x95b: {  	v0 =	vadd.f32 v15, v0;
	v17 =	vmul.f32 v19, v17;
	_ =	sdelay $0x1  }
0x95c: {  	v0 =	vmul.f32 v17, v0;
	_ =	sdelay $0x1  }
0x95d: {  	v0 =	vmax.f32 v0, $-9.250000000e+00  }
0x95e: {  	v0 =	vmin.f32 v0, $9.250000000e+00  }
0x95f: {  	v28 =	vmul.f32 v17, v16;
	v30 =	vmul.f32 $1.379310340e-01, v0;
	_ =	sdelay $0x1  }
0x960: {  	v32 =	vmul.f32 $2.758620680e-01, v28;
	v31 =	vmul.f32 v30, v30;
	_ =	sdelay $0x1  }
0x961: {  	v17 =	vadd.f32 v31, v32;
	_ =	sdelay $0x1  }
0x962: {  	v19 =	vshra.s32 v17, $0x1;
	v33 =	vmul.f32 $5.000000000e-01, v17  }
0x963: {  	v19 =	vsub.s32 $0x5F3759DF, v19  }
0x964: {  	v34 =	vmul.f32 v19, v33;
	_ =	sdelay $0x1  }
0x965: {  	v21 =	vmul.f32 v19, v34;
	_ =	sdelay $0x1  }
0x966: {  	v21 =	vsub.f32 $1.500000000e+00, v21;
	_ =	sdelay $0x1  }
0x967: {  	v19 =	vmul.f32 v19, v21;
	_ =	sdelay $0x1  }
0x968: {  	v20 =	vmul.f32 v19, v33;
	_ =	sdelay $0x1  }
0x969: {  	v0 =	vmul.f32 $5.000000000e-01, v0;
	v20 =	vmul.f32 v20, v19  }
0x96a: {  	v35 =	vsub.f32 $1.275862100e+00, v30  }
0x96b: {  	v0 =	vadd.f32 $4.625000000e+00, v0;
	v20 =	vsub.f32 $1.500000000e+00, v20;
	_ =	sdelay $0x1  }
0x96c: {  	v0 =	vmul.f32 v0, v35;
	v19 =	vmul.f32 v20, v19;
	_ =	sdelay $0x1  }
0x96d: {  	v36 =	vclamp.gez.f32 v0, v28;
	v17 =	vmul.f32 v19, v17  }
0x96e: {  	v19 =	vsub.f32 v28, v36  }
0x96f: {  	v16 =	vsub.f32 v17, v30  }
0x970: {  	v38 =	vor.u32 $0x5, v12;
	vm1 =	vgt.f32 v0, v28;
	v37 =	vmul.f32 $1.081081110e-01, v19  }
0x971: {  	v16 =	vsel vm1, v16, v35  }
0x972: {  	v0 =	vadd.f32 v16, v37;
	_ =	sdelay $0x1  }
0x973: {  	[tilespmem:$0x118A0] =	vst v0  }
0x974: {  	v0 =	vld.idx.msk [tilespmem:v38+s9+$0x0], $0xffff  }
0x975: {  	v15 =	vld.idx.msk [tilespmem:v38+s11+$0x0], $0xffff  }
0x976: {  	v14 =	vld.idx.msk [tilespmem:v14+s5+$0x0], $0xffff  }
0x977: {  	v39 =	vld.idx.msk [tilespmem:v18+s5+$0x0], $0xffff;
	_ =	sdelay $0x4  }
0x978: {  	v0 =	vsub.f32 v0, v14;
	v40 =	vsub.f32 v15, v39;
	_ =	sdelay $0x1  }
0x979: {  	v41 =	vmul.f32 v0, v0;
	v16 =	vmul.f32 v40, v40;
	_ =	sdelay $0x1  }
0x97a: {  	v15 =	vadd.f32 v16, v41;
	_ =	sdelay $0x1  }
0x97b: {  	v16 =	vshra.s32 v15, $0x1;
	v42 =	vmul.f32 $5.000000000e-01, v15  }
0x97c: {  	v16 =	vsub.s32 $0x5F3759DF, v16  }
0x97d: {  	v43 =	vmul.f32 v16, v42;
	_ =	sdelay $0x1  }
0x97e: {  	v18 =	vmul.f32 v16, v43;
	_ =	sdelay $0x1  }
0x97f: {  	v18 =	vsub.f32 $1.500000000e+00, v18;
	_ =	sdelay $0x1  }
0x980: {  	v13 =	vld.idx.msk [tilespmem:v13+s5+$0x0], $0xffff;
	v16 =	vmul.f32 v16, v18  }
0x981: {  	v10 =	vld.idx.msk [tilespmem:v10+s5+$0x0], $0xffff  }
0x982: {  	v17 =	vmul.f32 v16, v42;
	_ =	sdelay $0x1  }
0x983: {  	v17 =	vmul.f32 v17, v16;
	_ =	sdelay $0x1  }
0x984: {  	v0 =	vmul.f32 v13, v0;
	v10 =	vmul.f32 v10, v40;
	v17 =	vsub.f32 $1.500000000e+00, v17;
	_ =	sdelay $0x1  }
0x985: {  	v0 =	vadd.f32 v10, v0;
	v44 =	vmul.f32 v17, v16;
	_ =	sdelay $0x1  }
0x986: {  	v0 =	vmul.f32 v44, v0;
	_ =	sdelay $0x1  }
0x987: {  	v0 =	vmax.f32 v0, $-9.250000000e+00  }
0x988: {  	v0 =	vmin.f32 v0, $9.250000000e+00  }
0x989: {  	v45 =	vmul.f32 v44, v15;
	v46 =	vmul.f32 $1.379310340e-01, v0;
	_ =	sdelay $0x1  }
0x98a: {  	v15 =	vmul.f32 $2.758620680e-01, v45;
	v47 =	vmul.f32 v46, v46;
	_ =	sdelay $0x1  }
0x98b: {  	v14 =	vadd.f32 v47, v15;
	_ =	sdelay $0x1  }
0x98c: {  	v15 =	vshra.s32 v14, $0x1;
	v53 =	vmul.f32 $5.000000000e-01, v14  }
0x98d: {  	v15 =	vsub.s32 $0x5F3759DF, v15  }
0x98e: {  	v54 =	vmul.f32 v15, v53;
	_ =	sdelay $0x1  }
0x98f: {  	v17 =	vmul.f32 v15, v54;
	_ =	sdelay $0x1  }
0x990: {  	v17 =	vsub.f32 $1.500000000e+00, v17;
	_ =	sdelay $0x1  }
0x991: {  	v15 =	vmul.f32 v15, v17;
	_ =	sdelay $0x1  }
0x992: {  	v16 =	vmul.f32 v15, v53;
	_ =	sdelay $0x1  }
0x993: {  	v0 =	vmul.f32 $5.000000000e-01, v0;
	v16 =	vmul.f32 v16, v15  }
0x994: {  	v56 =	vsub.f32 $1.275862100e+00, v46  }
0x995: {  	v0 =	vadd.f32 $4.625000000e+00, v0;
	v16 =	vsub.f32 $1.500000000e+00, v16;
	_ =	sdelay $0x1  }
0x996: {  	v0 =	vmul.f32 v0, v56;
	v15 =	vmul.f32 v16, v15;
	_ =	sdelay $0x1  }
0x997: {  	v57 =	vclamp.gez.f32 v0, v45;
	v14 =	vmul.f32 v15, v14  }
0x998: {  	v15 =	vsub.f32 v45, v57  }
0x999: {  	v13 =	vsub.f32 v14, v46  }
0x99a: {  	v59 =	vor.u32 s21, v52;
	vm1 =	vgt.f32 v0, v45;
	v58 =	vmul.f32 $1.081081110e-01, v15  }
0x99b: {  	v13 =	vsel vm1, v13, v56  }
0x99c: {  	v0 =	vadd.f32 v13, v58;
	_ =	sdelay $0x1  }
0x99d: {  	[tilespmem:$0x118B0] =	vst v0  }
0x99e: {  	v0 =	vld.idx.msk [tilespmem:v59+s9+$0x0], $0xffff  }
0x99f: {  	v10 =	vld.idx.msk [tilespmem:v59+s11+$0x0], $0xffff  }
0x9a0: {  	v5 =	vld.idx.msk [tilespmem:v5+s5+$0x0], $0xffff  }
0x9a1: {  	v9 =	vld.idx.msk [tilespmem:v9+s5+$0x0], $0xffff;
	_ =	sdelay $0x4  }
0x9a2: {  	v0 =	vsub.f32 v0, v5;
	v60 =	vsub.f32 v10, v9;
	_ =	sdelay $0x1  }
0x9a3: {  	v61 =	vmul.f32 v0, v0;
	v10 =	vmul.f32 v60, v60;
	_ =	sdelay $0x1  }
0x9a4: {  	v9 =	vadd.f32 v10, v61;
	_ =	sdelay $0x1  }
0x9a5: {  	v10 =	vshra.s32 v9, $0x1;
	v62 =	vmul.f32 $5.000000000e-01, v9  }
0x9a6: {  	v10 =	vsub.s32 $0x5F3759DF, v10  }
0x9a7: {  	v63 =	vmul.f32 v10, v62;
	_ =	sdelay $0x1  }
0x9a8: {  	v14 =	vmul.f32 v10, v63;
	_ =	sdelay $0x1  }
0x9a9: {  	v14 =	vsub.f32 $1.500000000e+00, v14;
	_ =	sdelay $0x1  }
0x9aa: {  	v3 =	vld.idx.msk [tilespmem:v3+s5+$0x0], $0xffff;
	v10 =	vmul.f32 v10, v14  }
0x9ab: {  	v4 =	vld.idx.msk [tilespmem:v4+s5+$0x0], $0xffff  }
0x9ac: {  	v13 =	vmul.f32 v10, v62;
	_ =	sdelay $0x1  }
0x9ad: {  	v13 =	vmul.f32 v13, v10;
	_ =	sdelay $0x1  }
0x9ae: {  	v0 =	vmul.f32 v3, v0;
	v16 =	vmul.f32 v4, v60;
	v13 =	vsub.f32 $1.500000000e+00, v13;
	_ =	sdelay $0x1  }
0x9af: {  	v0 =	vadd.f32 v16, v0;
	v17 =	vmul.f32 v13, v10;
	_ =	sdelay $0x1  }
0x9b0: {  	v0 =	vmul.f32 v17, v0;
	_ =	sdelay $0x1  }
0x9b1: {  	v0 =	vmax.f32 v0, $-9.250000000e+00  }
0x9b2: {  	v0 =	vmin.f32 v0, $9.250000000e+00  }
0x9b3: {  	v18 =	vmul.f32 v17, v9;
	v19 =	vmul.f32 $1.379310340e-01, v0;
	_ =	sdelay $0x1  }
0x9b4: {  	v9 =	vmul.f32 $2.758620680e-01, v18;
	v20 =	vmul.f32 v19, v19;
	_ =	sdelay $0x1  }
0x9b5: {  	v5 =	vadd.f32 v20, v9;
	_ =	sdelay $0x1  }
0x9b6: {  	v9 =	vshra.s32 v5, $0x1;
	v21 =	vmul.f32 $5.000000000e-01, v5  }
0x9b7: {  	v9 =	vsub.s32 $0x5F3759DF, v9  }
0x9b8: {  	v22 =	vmul.f32 v9, v21;
	_ =	sdelay $0x1  }
0x9b9: {  	v13 =	vmul.f32 v9, v22;
	_ =	sdelay $0x1  }
0x9ba: {  	v13 =	vsub.f32 $1.500000000e+00, v13;
	_ =	sdelay $0x1  }
0x9bb: {  	v9 =	vmul.f32 v9, v13;
	_ =	sdelay $0x1  }
0x9bc: {  	v10 =	vmul.f32 v9, v21;
	_ =	sdelay $0x1  }
0x9bd: {  	v0 =	vmul.f32 $5.000000000e-01, v0;
	v10 =	vmul.f32 v10, v9  }
0x9be: {  	v23 =	vsub.f32 $1.275862100e+00, v19  }
0x9bf: {  	v0 =	vadd.f32 $4.625000000e+00, v0;
	v10 =	vsub.f32 $1.500000000e+00, v10;
	_ =	sdelay $0x1  }
0x9c0: {  	v0 =	vmul.f32 v0, v23;
	v9 =	vmul.f32 v10, v9;
	_ =	sdelay $0x1  }
0x9c1: {  	v24 =	vclamp.gez.f32 v0, v18;
	v5 =	vmul.f32 v9, v5  }
0x9c2: {  	v9 =	vsub.f32 v18, v24  }
0x9c3: {  	v4 =	vsub.f32 v5, v19  }
0x9c4: {  	v26 =	vor.u32 s21, v55;
	vm1 =	vgt.f32 v0, v18;
	v25 =	vmul.f32 $1.081081110e-01, v9  }
0x9c5: {  	v4 =	vsel vm1, v4, v23  }
0x9c6: {  	v0 =	vadd.f32 v4, v25;
	_ =	sdelay $0x1  }
0x9c7: {  	[tilespmem:$0x118C0] =	vst v0  }
0x9c8: {  	v0 =	vld.idx.msk [tilespmem:v26+s9+$0x0], $0xffff  }
0x9c9: {  	v3 =	vld.idx.msk [tilespmem:v26+s11+$0x0], $0xffff  }
0x9ca: {  	v27 =	vld.idx.msk [tilespmem:v27+s5+$0x0], $0xffff  }
0x9cb: {  	v28 =	vld.idx.msk [tilespmem:v29+s5+$0x0], $0xffff;
	_ =	sdelay $0x4  }
0x9cc: {  	v0 =	vsub.f32 v0, v27;
	v3 =	vsub.f32 v3, v28;
	_ =	sdelay $0x1  }
0x9cd: {  	v4 =	vmul.f32 v0, v0;
	v5 =	vmul.f32 v3, v3;
	_ =	sdelay $0x1  }
0x9ce: {  	v4 =	vadd.f32 v5, v4;
	_ =	sdelay $0x1  }
0x9cf: {  	v5 =	vshra.s32 v4, $0x1;
	v29 =	vmul.f32 $5.000000000e-01, v4  }
0x9d0: {  	v5 =	vsub.s32 $0x5F3759DF, v5  }
0x9d1: {  	v30 =	vmul.f32 v5, v29;
	_ =	sdelay $0x1  }
0x9d2: {  	v10 =	vmul.f32 v5, v30;
	_ =	sdelay $0x1  }
0x9d3: {  	v10 =	vsub.f32 $1.500000000e+00, v10;
	_ =	sdelay $0x1  }
0x9d4: {  	v1 =	vld.idx.msk [tilespmem:v1+s5+$0x0], $0xffff;
	v5 =	vmul.f32 v5, v10  }
0x9d5: {  	v31 =	vld.idx.msk [tilespmem:v11+s5+$0x0], $0xffff  }
0x9d6: {  	v9 =	vmul.f32 v5, v29;
	_ =	sdelay $0x1  }
0x9d7: {  	v9 =	vmul.f32 v9, v5;
	_ =	sdelay $0x1  }
0x9d8: {  	v0 =	vmul.f32 v1, v0;
	v32 =	vmul.f32 v31, v3;
	v9 =	vsub.f32 $1.500000000e+00, v9;
	_ =	sdelay $0x1  }
0x9d9: {  	v0 =	vadd.f32 v32, v0;
	v33 =	vmul.f32 v9, v5;
	_ =	sdelay $0x1  }
0x9da: {  	v0 =	vmul.f32 v33, v0;
	_ =	sdelay $0x1  }
0x9db: {  	v0 =	vmax.f32 v0, $-9.250000000e+00  }
0x9dc: {  	v0 =	vmin.f32 v0, $9.250000000e+00  }
0x9dd: {  	v34 =	vmul.f32 v33, v4;
	v35 =	vmul.f32 $1.379310340e-01, v0;
	_ =	sdelay $0x1  }
0x9de: {  	v37 =	vmul.f32 $2.758620680e-01, v34;
	v36 =	vmul.f32 v35, v35;
	_ =	sdelay $0x1  }
0x9df: {  	v4 =	vadd.f32 v36, v37;
	_ =	sdelay $0x1  }
0x9e0: {  	v5 =	vshra.s32 v4, $0x1;
	v38 =	vmul.f32 $5.000000000e-01, v4  }
0x9e1: {  	v5 =	vsub.s32 $0x5F3759DF, v5  }
0x9e2: {  	v39 =	vmul.f32 v5, v38;
	_ =	sdelay $0x1  }
0x9e3: {  	v10 =	vmul.f32 v5, v39;
	_ =	sdelay $0x1  }
0x9e4: {  	v10 =	vsub.f32 $1.500000000e+00, v10;
	_ =	sdelay $0x1  }
0x9e5: {  	v5 =	vmul.f32 v5, v10;
	_ =	sdelay $0x1  }
0x9e6: {  	v9 =	vmul.f32 v5, v38;
	_ =	sdelay $0x1  }
0x9e7: {  	v0 =	vmul.f32 $5.000000000e-01, v0;
	v9 =	vmul.f32 v9, v5  }
0x9e8: {  	v40 =	vsub.f32 $1.275862100e+00, v35  }
0x9e9: {  	v0 =	vadd.f32 $4.625000000e+00, v0;
	v9 =	vsub.f32 $1.500000000e+00, v9;
	_ =	sdelay $0x1  }
0x9ea: {  	v0 =	vmul.f32 v0, v40;
	v5 =	vmul.f32 v9, v5;
	_ =	sdelay $0x1  }
0x9eb: {  	v41 =	vclamp.gez.f32 v0, v34;
	v4 =	vmul.f32 v5, v4  }
0x9ec: {  	v5 =	vsub.f32 v34, v41  }
0x9ed: {  	v3 =	vsub.f32 v4, v35  }
0x9ee: {  	v43 =	vor.u32 $0x7, v12;
	vm1 =	vgt.f32 v0, v34;
	v42 =	vmul.f32 $1.081081110e-01, v5  }
0x9ef: {  	v3 =	vsel vm1, v3, v40  }
0x9f0: {  	v0 =	vadd.f32 v3, v42;
	_ =	sdelay $0x1  }
0x9f1: {  	[tilespmem:$0x118D0] =	vst v0  }
0x9f2: {  	v0 =	vld.idx.msk [tilespmem:v43+s9+$0x0], $0xffff  }
0x9f3: {  	v1 =	vld.idx.msk [tilespmem:v43+s11+$0x0], $0xffff  }
0x9f4: {  	v44 =	vld.idx.msk [tilespmem:v7+s5+$0x0], $0xffff  }
0x9f5: {  	v45 =	vld.idx.msk [tilespmem:v8+s5+$0x0], $0xffff;
	_ =	sdelay $0x4  }
0x9f6: {  	v0 =	vsub.f32 v0, v44;
	v1 =	vsub.f32 v1, v45;
	_ =	sdelay $0x1  }
0x9f7: {  	v3 =	vmul.f32 v0, v0;
	v4 =	vmul.f32 v1, v1;
	_ =	sdelay $0x1  }
0x9f8: {  	v3 =	vadd.f32 v4, v3;
	_ =	sdelay $0x1  }
0x9f9: {  	v4 =	vshra.s32 v3, $0x1;
	v46 =	vmul.f32 $5.000000000e-01, v3  }
0x9fa: {  	v4 =	vsub.s32 $0x5F3759DF, v4  }
0x9fb: {  	v47 =	vmul.f32 v4, v46;
	_ =	sdelay $0x1  }
0x9fc: {  	v7 =	vmul.f32 v4, v47;
	_ =	sdelay $0x1  }
0x9fd: {  	v7 =	vsub.f32 $1.500000000e+00, v7;
	_ =	sdelay $0x1  }
0x9fe: {  	v6 =	vld.idx.msk [tilespmem:v6+s5+$0x0], $0xffff;
	v4 =	vmul.f32 v4, v7  }
0x9ff: {  	v2 =	vld.idx.msk [tilespmem:v2+s5+$0x0], $0xffff  }
0xa00: {  	v5 =	vmul.f32 v4, v46;
	_ =	sdelay $0x1  }
0xa01: {  	v5 =	vmul.f32 v5, v4;
	_ =	sdelay $0x1  }
0xa02: {  	v0 =	vmul.f32 v6, v0;
	v1 =	vmul.f32 v2, v1;
	v5 =	vsub.f32 $1.500000000e+00, v5;
	_ =	sdelay $0x1  }
0xa03: {  	v0 =	vadd.f32 v1, v0;
	v53 =	vmul.f32 v5, v4;
	_ =	sdelay $0x1  }
0xa04: {  	v0 =	vmul.f32 v53, v0;
	_ =	sdelay $0x1  }
0xa05: {  	v0 =	vmax.f32 v0, $-9.250000000e+00  }
0xa06: {  	v0 =	vmin.f32 v0, $9.250000000e+00  }
0xa07: {  	v54 =	vmul.f32 v53, v3;
	v56 =	vmul.f32 $1.379310340e-01, v0;
	_ =	sdelay $0x1  }
0xa08: {  	v58 =	vmul.f32 $2.758620680e-01, v54;
	v57 =	vmul.f32 v56, v56;
	_ =	sdelay $0x1  }
0xa09: {  	v3 =	vadd.f32 v57, v58;
	_ =	sdelay $0x1  }
0xa0a: {  	v4 =	vshra.s32 v3, $0x1;
	v59 =	vmul.f32 $5.000000000e-01, v3  }
0xa0b: {  	v4 =	vsub.s32 $0x5F3759DF, v4  }
0xa0c: {  	v60 =	vmul.f32 v4, v59;
	_ =	sdelay $0x1  }
0xa0d: {  	v6 =	vmul.f32 v4, v60;
	_ =	sdelay $0x1  }
0xa0e: {  	v6 =	vsub.f32 $1.500000000e+00, v6;
	_ =	sdelay $0x1  }
0xa0f: {  	v4 =	vmul.f32 v4, v6;
	_ =	sdelay $0x1  }
0xa10: {  	v5 =	vmul.f32 v4, v59;
	_ =	sdelay $0x1  }
0xa11: {  	v0 =	vmul.f32 $5.000000000e-01, v0;
	v5 =	vmul.f32 v5, v4  }
0xa12: {  	v61 =	vsub.f32 $1.275862100e+00, v56  }
0xa13: {  	v0 =	vadd.f32 $4.625000000e+00, v0;
	v5 =	vsub.f32 $1.500000000e+00, v5;
	_ =	sdelay $0x1  }
0xa14: {  	v0 =	vmul.f32 v0, v61;
	v4 =	vmul.f32 v5, v4;
	_ =	sdelay $0x1  }
0xa15: {  	v62 =	vclamp.gez.f32 v0, v54;
	v3 =	vmul.f32 v4, v3  }
0xa16: {  	v4 =	vsub.f32 v54, v62  }
0xa17: {  	s2 =	smul.u32 $0x23730, s23;
	s20 =	sadd.s32 $0x1, s20;
	v2 =	vsub.f32 v3, v56  }
0xa18: {  	s31 =	smul.u32 $0x7170, s22;
	p0 =	sne.s32 s20, $0xA;
	vm1 =	vgt.f32 v0, v54;
	v63 =	vmul.f32 $1.081081110e-01, v4  }
.Ltmp2:
0xa19: {  	v1 =	vsel vm1, v2, v61;
	(pc) =	sbr.rel @p0 .LBB2_2-.Ltmp2, $4  }
0xa1a: {  	s2 =	sadd.s32 s31, s2;
	v0 =	vadd.f32 v1, v63  }
0xa1b: {  	s19 =	sadd.s32 $0xA50, s19;
	s2 =	sshrl.u32 s2, $0x3  }
0xa1c: {  	s18 =	sadd.s32 $0x2, s18;
	s17 =	sadd.s32 $0x2, s17;
	s2 =	sadd.s32 s3, s2;
	[tilespmem:$0x118E0] =	vst v0  }
0xa1d: {  	v61 =	vlaneseq.u32;
	[hbm4b:s2+s5] =	stream.linear.scatter [tilespmem:s13], [sflag:$0x2], $0x7170, $0x38;
	[tilespmem:$0x11900] =	vst v63  }
0xa1e: {  	s16 =	sadd.s32 $0x1, s16  }
0xa1f: {  	_ =	swait.ge [sflag:s14], $0x7170;
	p0 =	sne.s32 s16, s8  }
.Ltmp3:
0xa20: {  	[sflag:s14] =	ssyncset.done $0x0;
	(pc) =	sbr.rel @p0 .LBB2_1-.Ltmp3, $4  }
0xa21: {  	[sflag:s14] =	ssyncadd.s32 $0xFFFF8E90  }
0xa22: {  	_ =	swait.ge [sflag:s15], $0x7170  }
0xa23: {  	[sflag:s15] =	ssyncset.done $0x0  }
0xa24: {  	[sflag:s15] =	ssyncadd.s32 $0xFFFF8E90  }
0xa25: {  	_ =	sfence.sel $0x180000  }
0xa26: {  	[bflag:$0x0] =	sbarrier.arrive $0xFFFF  }
0xa27: {  	_ =	strace $0x90000047  }
0xa28: {  	[bflag:$0x2] =	sbarrier.arrive $0xFFFF  }
0xa29: {  	p0 =	sne.s32 s4, $0x0;
	s0 =	rddreg [dreg:$0x4]  }
0xa2a: {  	s0 =	sadd.s32 @!p0 $0x100000, s0  }
0xa2b: {  	[sflag:s0] =	ssyncadd.tile.s32 @!p0 $0x1;
	_ =	shalt  }
.Lfunc_end2:
_tile_overlayer_lowered:
.L_overlay_start_2:
0xa2c: {  	(tag) =	ssettag $0x2  }
0xa2d: {  	s0 =	rddreg [dreg:$0x0];
	s2 =	stileid.u32  }
0xa2e: {  	s1 =	rddreg [dreg:$0x1];
	p0 =	sne.s32 s2, $0x0  }
0xa2f: {  	s3 =	rddreg [dreg:$0x2];
	[bflag:$0x3] =	sbarrier.arrive $0xFFFF;
	s2 =	simm.s32 @!p0 $0x1C03  }
0xa30: {  	[timem:s3], [sflag:s2] =	dma.local @!p0 [hbm:s0], s1  }
0xa31: {  	s0 =	simm.s32 @!p0 $0x3  }
0xa32: {  	_ =	swait.ge @!p0 [sflag:s0], s1  }
0xa33: {  	s1 =	ssub.s32 @!p0 $0x0, s1;
	[sflag:s0] =	ssyncset.done @!p0 $0x0  }
0xa34: {  	[sflag:s0] =	ssyncadd.s32 @!p0 s1  }
0xa35: {  	[bflag:$0x3] =	sbarrier.arrive $0xFFFF  }
0xa36: {  	_ =	shalt  }

</sc_bundles>
